<compile_context>
chip_gen: v7x
topology: tpu7x:2x2x1
jax: 0.10.2.dev20260603
libtpu: 0.0.44.dev20260713+nightly
codegen_flags: <defaults>
</compile_context>

<pallas_src>
import dataclasses
import functools

import jax
import jax.numpy as jnp
from jax import lax
from jax.experimental import pallas as pl
from jax.experimental.pallas import tpu as pltpu
from jax.experimental.pallas import tpu_sc as plsc

N_CORES = 2
N_SUBCORES = 16
NW = N_CORES * N_SUBCORES
LANES = 16

_mesh = plsc.VectorSubcoreMesh(
    core_axis_name="c", subcore_axis_name="s",
    num_cores=N_CORES, num_subcores=N_SUBCORES)

_sc_params = pltpu.CompilerParams()
if "needs_layout_passes" in pltpu.CompilerParams.__dataclass_fields__:
    _sc_params = dataclasses.replace(_sc_params, needs_layout_passes=False)


def _lin_body(h_ref, w_ref, b_ref, a_ref, wh_ref, s_ref):
    wh = lax.dot_general(h_ref[...], w_ref[...], (((1,), (1,)), ((), ())),
                         preferred_element_type=jnp.float32)
    wh = wh + b_ref[...]
    wh_ref[...] = wh
    s_ref[...] = jnp.dot(wh, a_ref[...], preferred_element_type=jnp.float32)


def _linear(h, W_w, b2d, A, blk):
    n, in_dim = h.shape
    out_dim = W_w.shape[0]
    grid = n // blk
    return pl.pallas_call(
        _lin_body,
        grid=(grid,),
        in_specs=[
            pl.BlockSpec((blk, in_dim), lambda i: (i, 0)),
            pl.BlockSpec((out_dim, in_dim), lambda i: (0, 0)),
            pl.BlockSpec((1, out_dim), lambda i: (0, 0)),
            pl.BlockSpec((out_dim, 2), lambda i: (0, 0)),
        ],
        out_specs=[
            pl.BlockSpec((blk, out_dim), lambda i: (i, 0)),
            pl.BlockSpec((blk, 2), lambda i: (i, 0)),
        ],
        out_shape=[
            jax.ShapeDtypeStruct((n, out_dim), jnp.float32),
            jax.ShapeDtypeStruct((n, 2), jnp.float32),
        ],
    )(h, W_w, b2d, A)


def _make_logits_kernel(n_nodes, n_edges):
    epw = n_edges // NW

    @functools.partial(
        pl.kernel,
        out_type=jax.ShapeDtypeStruct((n_edges,), jnp.float32),
        mesh=_mesh,
        scratch_types=[
            pltpu.VMEM((n_nodes,), jnp.float32),
            pltpu.VMEM((n_nodes,), jnp.float32),
            pltpu.VMEM((epw,), jnp.int32),
            pltpu.VMEM((epw,), jnp.int32),
            pltpu.VMEM((epw,), jnp.float32),
            pltpu.SemaphoreType.DMA,
        ],
        compiler_params=_sc_params,
    )
    def logits_kernel(s1_hbm, s2_hbm, src_hbm, tgt_hbm, out_hbm,
                      s1_v, s2_v, src_v, tgt_v, o_v, sem):
        wid = lax.axis_index("s") * N_CORES + lax.axis_index("c")
        base = wid * epw
        pltpu.async_copy(s1_hbm, s1_v, sem)
        pltpu.async_copy(s2_hbm, s2_v, sem)
        pltpu.async_copy(src_hbm.at[pl.ds(base, epw)], src_v, sem)
        pltpu.async_copy(tgt_hbm.at[pl.ds(base, epw)], tgt_v, sem)
        pltpu.make_async_copy(s1_hbm, s1_v, sem).wait()
        pltpu.make_async_copy(s2_hbm, s2_v, sem).wait()
        pltpu.make_async_copy(src_hbm.at[pl.ds(base, epw)], src_v, sem).wait()
        pltpu.make_async_copy(tgt_hbm.at[pl.ds(base, epw)], tgt_v, sem).wait()

        @pl.loop(0, epw, step=LANES)
        def _(i):
            v1 = plsc.load_gather(s1_v, [src_v[pl.ds(i, LANES)]])
            v2 = plsc.load_gather(s2_v, [tgt_v[pl.ds(i, LANES)]])
            o_v[pl.ds(i, LANES)] = v1 + v2

        pltpu.sync_copy(o_v, out_hbm.at[pl.ds(base, epw)])

    return logits_kernel


def _softmax_body(x_ref, ab_ref, o_ref):
    x = x_ref[...] + ab_ref[...]
    z = jnp.where(x > 0, x, 0.2 * x)
    m = jnp.max(z)
    e = jnp.exp(z - m)
    o_ref[...] = e / jnp.sum(e)


def _softmax(logits2d, ab2d):
    return pl.pallas_call(
        _softmax_body,
        out_shape=jax.ShapeDtypeStruct(logits2d.shape, jnp.float32),
    )(logits2d, ab2d)


def _make_message_kernel(n_nodes, n_pad, out_dim, n_edges, blk, nbuf, pf,
                         seg_blocks):
    epw = n_edges // NW
    nblk = epw // blk
    nseg = nblk // seg_blocks
    seg = seg_blocks * blk
    assert nblk == nseg * seg_blocks
    assert blk % 8 == 0 and blk <= 128 and seg % 8 == 0 and pf < nbuf
    rows_per_tile = n_pad // N_SUBCORES

    @functools.partial(
        pl.kernel,
        out_type=jax.ShapeDtypeStruct((N_CORES, n_pad, out_dim),
                                      jnp.float32),
        mesh=_mesh,
        scratch_types=(
            [pltpu.VMEM_SHARED((n_pad, out_dim), jnp.float32),
             pltpu.VMEM((seg,), jnp.int32),
             pltpu.VMEM((seg_blocks, blk), jnp.int32),
             pltpu.VMEM((seg,), jnp.float32)]
            + [pltpu.VMEM((blk, out_dim), jnp.float32)] * nbuf
            + [pltpu.SemaphoreType.DMA] * (2 * nbuf)
        ),
        compiler_params=_sc_params,
    )
    def message_kernel(wh_hbm, src_hbm, tgt_hbm, attn_hbm, out_hbm,
                       acc_sh, src_v, tgt_v, attn_v, *rest):
        bufs = rest[:nbuf]
        gsems = rest[nbuf:2 * nbuf]
        ssems = rest[2 * nbuf:3 * nbuf]
        cid = lax.axis_index("c")
        sid = lax.axis_index("s")
        wid = sid * N_CORES + cid
        base = wid * epw

        for b in range(nbuf):
            @pl.loop(0, blk)
            def _(r, b=b):
                for c in range(0, out_dim, LANES):
                    bufs[b][r, pl.ds(c, LANES)] = jnp.zeros(
                        (LANES,), jnp.float32)
        for k in range(rows_per_tile // blk):
            pltpu.async_copy(
                bufs[k % nbuf],
                acc_sh.at[pl.ds(sid * rows_per_tile + k * blk, blk)],
                ssems[k % nbuf])
        for k in range(rows_per_tile // blk):
            pltpu.make_async_copy(
                bufs[k % nbuf],
                acc_sh.at[pl.ds(sid * rows_per_tile + k * blk, blk)],
                ssems[k % nbuf]).wait()
        plsc.subcore_barrier()

        def issue_gather(j, b):
            pltpu.async_copy(
                wh_hbm.at[src_v.at[pl.ds(j * blk, blk)]], bufs[b], gsems[b])

        def wait_gather(b):
            pltpu.make_async_copy(
                wh_hbm.at[src_v.at[pl.ds(0, blk)]], bufs[b], gsems[b]).wait()

        def issue_scatter(j, b):
            pltpu.async_copy(
                bufs[b], acc_sh.at[tgt_v.at[j]], ssems[b], add=True)

        def wait_scatter(b):
            pltpu.make_async_copy(
                bufs[b], acc_sh.at[tgt_v.at[0]], ssems[b]).wait()

        def process_block(j, b):
            wait_gather(b)

            @pl.loop(0, blk, step=4)
            def _(r0):
                for dr in range(4):
                    r = r0 + dr
                    w = plsc.load_gather(
                        attn_v,
                        [jnp.full((LANES,), j * blk + r, jnp.int32)])
                    for c in range(0, out_dim, LANES):
                        bufs[b][r, pl.ds(c, LANES)] = (
                            bufs[b][r, pl.ds(c, LANES)] * w)

            issue_scatter(j, b)
            j2 = j + pf
            b2 = (b + pf) % nbuf

            @pl.when(j2 < seg_blocks)
            def _():
                @pl.when(j2 >= nbuf)
                def _():
                    wait_scatter(b2)
                issue_gather(j2, b2)

        @pl.loop(0, nseg)
        def _(sg):
            base2 = base + sg * seg
            pltpu.sync_copy(src_hbm.at[pl.ds(base2, seg)], src_v)
            for j in range(pf):
                issue_gather(j, j % nbuf)
            pltpu.sync_copy(attn_hbm.at[pl.ds(base2, seg)], attn_v)
            pltpu.sync_copy(tgt_hbm.at[wid].at[sg], tgt_v)

            @pl.loop(0, seg_blocks // nbuf)
            def _(i):
                for b in range(nbuf):
                    process_block(i * nbuf + b, b)

            for k in range(seg_blocks % nbuf):
                jt = (seg_blocks // nbuf) * nbuf + k
                process_block(jt, jt % nbuf)

            for b in range(nbuf):
                wait_scatter(b)

        plsc.subcore_barrier()
        pltpu.sync_copy(
            acc_sh.at[pl.ds(sid * rows_per_tile, rows_per_tile)],
            out_hbm.at[cid].at[pl.ds(sid * rows_per_tile, rows_per_tile)])

    return message_kernel


def _final_body(p_ref, o_ref):
    s = p_ref[0] + p_ref[1]
    o_ref[...] = jnp.where(s > 0, s, 0.2 * s)


def _final(parts, n, blk):
    _, _, d = parts.shape
    return pl.pallas_call(
        _final_body,
        grid=(n // blk,),
        in_specs=[pl.BlockSpec((2, blk, d), lambda i: (0, i, 0))],
        out_specs=pl.BlockSpec((blk, d), lambda i: (i, 0)),
        out_shape=jax.ShapeDtypeStruct((n, d), jnp.float32),
    )(parts)


def kernel(h, edge_index, W_w, W_b, a_w, a_b):
    n_nodes, in_dim = h.shape
    out_dim = W_w.shape[0]
    n_edges = edge_index.shape[0]

    ei = edge_index.astype(jnp.int32)
    src = jnp.asarray(ei[:, 0])
    tgt = jnp.asarray(ei[:, 1])

    A = a_w[0].reshape(2, out_dim).T
    b2d = W_b.reshape(1, out_dim)
    ab2d = a_b.reshape(1, 1)

    Wh, s12 = _linear(h, W_w, b2d, A, blk=2000)
    s1 = jnp.asarray(s12[:, 0])
    s2 = jnp.asarray(s12[:, 1])

    logits = _make_logits_kernel(n_nodes, n_edges)(s1, s2, src, tgt)

    attn2d = _softmax(logits.reshape(-1, 128), ab2d)
    attn = attn2d.reshape(n_edges)

    n_pad = ((n_nodes + 2047) // 2048) * 2048
    blk, nbuf, pf, seg_blocks = 80, 4, 3, 25
    epw = n_edges // NW
    tgt2 = tgt.reshape(NW, (epw // blk) // seg_blocks, seg_blocks, blk)
    parts = _make_message_kernel(
        n_nodes, n_pad, out_dim, n_edges,
        blk=blk, nbuf=nbuf, pf=pf, seg_blocks=seg_blocks)(
        Wh, src, tgt2, attn)

    return _final(parts, n_nodes, blk=2000)

# --- scband reference (transcript-rebuilt; emitter-appended) ---
"""Pipeline reference for scband-gatlayer-56788057588239 (READ-ONLY COPY).

The authoritative reference and input builder live on the scoring server;
editing this copy changes nothing except your own understanding.
"""

import jax, jax.numpy as jnp
import numpy as np

N_NODES = 10000
N_EDGES = 320000
IN_DIM = 128
OUT_DIM = 128


def setup_inputs(seed: int = 0) -> dict:
    key = jax.random.key(seed)
    k_h, k_ei, k_Ww, k_aw, _ = jax.random.split(key, 5)
    h = jax.random.normal(k_h, (N_NODES, IN_DIM), dtype=jnp.float32)
    edge_index = jax.random.randint(k_ei, (N_EDGES, 2), 0, N_NODES, dtype=jnp.int64)
    # nn.Linear(in_dim, out_dim): weight [out, in], xavier_uniform
    limW = float(np.sqrt(6.0 / (IN_DIM + OUT_DIM)))
    W_w = jax.random.uniform(k_Ww, (OUT_DIM, IN_DIM), dtype=jnp.float32, minval=-limW, maxval=limW)
    W_b = jnp.zeros((OUT_DIM,), dtype=jnp.float32)
    # nn.Linear(2*out_dim, 1): weight [1, 2*out], xavier_uniform
    lima = float(np.sqrt(6.0 / (2 * OUT_DIM + 1)))
    a_w = jax.random.uniform(k_aw, (1, 2 * OUT_DIM), dtype=jnp.float32, minval=-lima, maxval=lima)
    a_b = jnp.zeros((1,), dtype=jnp.float32)
    return {"h": h, "edge_index": edge_index, "W_w": W_w, "W_b": W_b, "a_w": a_w, "a_b": a_b}


def reference(h, edge_index, W_w, W_b, a_w, a_b):
    ei = edge_index.T  # [2, E]
    Wh = h @ W_w.T + W_b  # [N, out_dim]
    src = ei[0]
    tgt = ei[1]
    e_src = jnp.take(Wh, src, axis=0)  # [E, out_dim]
    e_tgt = jnp.take(Wh, tgt, axis=0)  # [E, out_dim]
    e_concat = jnp.concatenate([e_src, e_tgt], axis=1)  # [E, 2*out_dim]
    attn = jax.nn.leaky_relu(e_concat @ a_w.T + a_b, negative_slope=0.2)
    attn = jnp.squeeze(attn)  # [E]
    attn = jax.nn.softmax(attn, axis=0)  # global softmax over edges (faithful to torch)
    # dropout=0.0 (eval-equivalent): identity
    messages = jnp.zeros_like(Wh).at[tgt].add(attn[:, None] * e_src)
    return jax.nn.leaky_relu(messages, negative_slope=0.2)

if __name__ == "__main__":
    import jax
    _d = setup_inputs()
    print(jax.jit(kernel)(*tuple(_d.values())))

</pallas_src>

<mosaic_0001>
#map = affine_map<(d0, d1) -> (0, 0)>
#map1 = affine_map<(d0, d1) -> (0)>
#map2 = affine_map<(d0, d1) -> (0, 0, 0, 0)>
#map3 = affine_map<(d0, d1) -> (0, 0, 0)>
module attributes {stable_mosaic.version = 14 : i64} {
  func.func @message_kernel(%arg0: i32, %arg1: i32, %arg2: memref<10000x128xf32, #tpu.memory_space<hbm>>, %arg3: memref<320000xi32, #tpu.memory_space<hbm>>, %arg4: memref<32x5x25x80xi32, #tpu.memory_space<hbm>>, %arg5: memref<320000xf32, #tpu.memory_space<hbm>>, %arg6: memref<2x10240x128xf32, #tpu.memory_space<hbm>>, %arg7: memref<10240x128xf32, #tpu.memory_space<vmem_shared>>, %arg8: memref<2000xi32, #tpu.memory_space<vmem>>, %arg9: memref<25x80xi32, #tpu.memory_space<vmem>>, %arg10: memref<2000xf32, #tpu.memory_space<vmem>>, %arg11: memref<80x128xf32, #tpu.memory_space<vmem>>, %arg12: memref<80x128xf32, #tpu.memory_space<vmem>>, %arg13: memref<80x128xf32, #tpu.memory_space<vmem>>, %arg14: memref<80x128xf32, #tpu.memory_space<vmem>>, %arg15: memref<!tpu.dma_semaphore, #tpu.memory_space<semaphore_mem>>, %arg16: memref<!tpu.dma_semaphore, #tpu.memory_space<semaphore_mem>>, %arg17: memref<!tpu.dma_semaphore, #tpu.memory_space<semaphore_mem>>, %arg18: memref<!tpu.dma_semaphore, #tpu.memory_space<semaphore_mem>>, %arg19: memref<!tpu.dma_semaphore, #tpu.memory_space<semaphore_mem>>, %arg20: memref<!tpu.dma_semaphore, #tpu.memory_space<semaphore_mem>>, %arg21: memref<!tpu.dma_semaphore, #tpu.memory_space<semaphore_mem>>, %arg22: memref<!tpu.dma_semaphore, #tpu.memory_space<semaphore_mem>>) attributes {dimension_semantics = [#tpu.dimension_semantics<core_parallel>, #tpu.dimension_semantics<subcore_parallel>], iteration_bounds = array<i64: 2, 16>, scalar_prefetch = 0 : i64, scratch_operands = 16 : i64, tpu.core_type = #tpu.core_type<sc_vector_subcore>, window_params = [{transform_indices = #map}, {transform_indices = #map1}, {transform_indices = #map2}, {transform_indices = #map1}, {transform_indices = #map3}]} {
    %mul3A = arith.constant 2 : i32
    %mul3A_0 = arith.muli %arg1, %mul3A : i32
    %add3A = arith.addi %mul3A_0, %arg0 : i32
    %mul3A_1 = arith.constant 10000 : i32
    %mul3A_2 = arith.muli %add3A, %mul3A_1 : i32
    %scan3A = arith.constant 0 : i32
    %scan3A_3 = arith.constant 80 : i32
    %scan3A_4 = arith.addi %scan3A, %scan3A_3 : i32
    %scan3A_5 = arith.constant 1 : i32
    scf.for %scan3A_158 = %scan3A to %scan3A_4 step %scan3A_5  : i32 {
      %mul3A_159 = arith.constant 1 : i32
      %mul3A_160 = arith.muli %scan3A_158, %mul3A_159 : i32
      %add3A_161 = arith.constant 0 : i32
      %add3A_162 = arith.addi %add3A_161, %mul3A_160 : i32
      %broadcast_in_dim3A = arith.constant 0.000000e+00 : f32
      %broadcast_in_dim3A_163 = vector.broadcast %broadcast_in_dim3A : f32 to vector<16xf32>
      %swap3A = arith.index_cast %add3A_162 : i32 to index
      %swap3A_164 = arith.constant 0 : index
      %swap3A_165 = tpu.vector_load %arg11[%swap3A, %swap3A_164] {strides = array<i32>} : memref<80x128xf32, #tpu.memory_space<vmem>>, vector<16xf32>,
      tpu.vector_store %arg11[%swap3A, %swap3A_164], %broadcast_in_dim3A_163 {strides = array<i32>} : memref<80x128xf32, #tpu.memory_space<vmem>>, vector<16xf32>,
      %broadcast_in_dim3A_166 = arith.constant 0.000000e+00 : f32
      %broadcast_in_dim3A_167 = vector.broadcast %broadcast_in_dim3A_166 : f32 to vector<16xf32>
      %swap3A_168 = arith.index_cast %add3A_162 : i32 to index
      %swap3A_169 = arith.constant 16 : index
      %swap3A_170 = tpu.vector_load %arg11[%swap3A_168, %swap3A_169] {strides = array<i32>} : memref<80x128xf32, #tpu.memory_space<vmem>>, vector<16xf32>,
      tpu.vector_store %arg11[%swap3A_168, %swap3A_169], %broadcast_in_dim3A_167 {strides = array<i32>} : memref<80x128xf32, #tpu.memory_space<vmem>>, vector<16xf32>,
      %broadcast_in_dim3A_171 = arith.constant 0.000000e+00 : f32
      %broadcast_in_dim3A_172 = vector.broadcast %broadcast_in_dim3A_171 : f32 to vector<16xf32>
      %swap3A_173 = arith.index_cast %add3A_162 : i32 to index
      %swap3A_174 = arith.constant 32 : index
      %swap3A_175 = tpu.vector_load %arg11[%swap3A_173, %swap3A_174] {strides = array<i32>} : memref<80x128xf32, #tpu.memory_space<vmem>>, vector<16xf32>,
      tpu.vector_store %arg11[%swap3A_173, %swap3A_174], %broadcast_in_dim3A_172 {strides = array<i32>} : memref<80x128xf32, #tpu.memory_space<vmem>>, vector<16xf32>,
      %broadcast_in_dim3A_176 = arith.constant 0.000000e+00 : f32
      %broadcast_in_dim3A_177 = vector.broadcast %broadcast_in_dim3A_176 : f32 to vector<16xf32>
      %swap3A_178 = arith.index_cast %add3A_162 : i32 to index
      %swap3A_179 = arith.constant 48 : index
      %swap3A_180 = tpu.vector_load %arg11[%swap3A_178, %swap3A_179] {strides = array<i32>} : memref<80x128xf32, #tpu.memory_space<vmem>>, vector<16xf32>,
      tpu.vector_store %arg11[%swap3A_178, %swap3A_179], %broadcast_in_dim3A_177 {strides = array<i32>} : memref<80x128xf32, #tpu.memory_space<vmem>>, vector<16xf32>,
      %broadcast_in_dim3A_181 = arith.constant 0.000000e+00 : f32
      %broadcast_in_dim3A_182 = vector.broadcast %broadcast_in_dim3A_181 : f32 to vector<16xf32>
      %swap3A_183 = arith.index_cast %add3A_162 : i32 to index
      %swap3A_184 = arith.constant 64 : index
      %swap3A_185 = tpu.vector_load %arg11[%swap3A_183, %swap3A_184] {strides = array<i32>} : memref<80x128xf32, #tpu.memory_space<vmem>>, vector<16xf32>,
      tpu.vector_store %arg11[%swap3A_183, %swap3A_184], %broadcast_in_dim3A_182 {strides = array<i32>} : memref<80x128xf32, #tpu.memory_space<vmem>>, vector<16xf32>,
      %broadcast_in_dim3A_186 = arith.constant 0.000000e+00 : f32
      %broadcast_in_dim3A_187 = vector.broadcast %broadcast_in_dim3A_186 : f32 to vector<16xf32>
      %swap3A_188 = arith.index_cast %add3A_162 : i32 to index
      %swap3A_189 = arith.constant 80 : index
      %swap3A_190 = tpu.vector_load %arg11[%swap3A_188, %swap3A_189] {strides = array<i32>} : memref<80x128xf32, #tpu.memory_space<vmem>>, vector<16xf32>,
      tpu.vector_store %arg11[%swap3A_188, %swap3A_189], %broadcast_in_dim3A_187 {strides = array<i32>} : memref<80x128xf32, #tpu.memory_space<vmem>>, vector<16xf32>,
      %broadcast_in_dim3A_191 = arith.constant 0.000000e+00 : f32
      %broadcast_in_dim3A_192 = vector.broadcast %broadcast_in_dim3A_191 : f32 to vector<16xf32>
      %swap3A_193 = arith.index_cast %add3A_162 : i32 to index
      %swap3A_194 = arith.constant 96 : index
      %swap3A_195 = tpu.vector_load %arg11[%swap3A_193, %swap3A_194] {strides = array<i32>} : memref<80x128xf32, #tpu.memory_space<vmem>>, vector<16xf32>,
      tpu.vector_store %arg11[%swap3A_193, %swap3A_194], %broadcast_in_dim3A_192 {strides = array<i32>} : memref<80x128xf32, #tpu.memory_space<vmem>>, vector<16xf32>,
      %broadcast_in_dim3A_196 = arith.constant 0.000000e+00 : f32
      %broadcast_in_dim3A_197 = vector.broadcast %broadcast_in_dim3A_196 : f32 to vector<16xf32>
      %swap3A_198 = arith.index_cast %add3A_162 : i32 to index
      %swap3A_199 = arith.constant 112 : index
      %swap3A_200 = tpu.vector_load %arg11[%swap3A_198, %swap3A_199] {strides = array<i32>} : memref<80x128xf32, #tpu.memory_space<vmem>>, vector<16xf32>,
      tpu.vector_store %arg11[%swap3A_198, %swap3A_199], %broadcast_in_dim3A_197 {strides = array<i32>} : memref<80x128xf32, #tpu.memory_space<vmem>>, vector<16xf32>,
    }
    %scan3A_6 = arith.constant 80 : i32
    %scan3A_7 = arith.constant 0 : i32
    %scan3A_8 = arith.constant 80 : i32
    %scan3A_9 = arith.addi %scan3A_7, %scan3A_8 : i32
    %scan3A_10 = arith.constant 1 : i32
    scf.for %scan3A_158 = %scan3A_7 to %scan3A_9 step %scan3A_10  : i32 {
      %mul3A_159 = arith.constant 1 : i32
      %mul3A_160 = arith.muli %scan3A_158, %mul3A_159 : i32
      %add3A_161 = arith.constant 0 : i32
      %add3A_162 = arith.addi %add3A_161, %mul3A_160 : i32
      %broadcast_in_dim3A = arith.constant 0.000000e+00 : f32
      %broadcast_in_dim3A_163 = vector.broadcast %broadcast_in_dim3A : f32 to vector<16xf32>
      %swap3A = arith.index_cast %add3A_162 : i32 to index
      %swap3A_164 = arith.constant 0 : index
      %swap3A_165 = tpu.vector_load %arg12[%swap3A, %swap3A_164] {strides = array<i32>} : memref<80x128xf32, #tpu.memory_space<vmem>>, vector<16xf32>,
      tpu.vector_store %arg12[%swap3A, %swap3A_164], %broadcast_in_dim3A_163 {strides = array<i32>} : memref<80x128xf32, #tpu.memory_space<vmem>>, vector<16xf32>,
      %broadcast_in_dim3A_166 = arith.constant 0.000000e+00 : f32
      %broadcast_in_dim3A_167 = vector.broadcast %broadcast_in_dim3A_166 : f32 to vector<16xf32>
      %swap3A_168 = arith.index_cast %add3A_162 : i32 to index
      %swap3A_169 = arith.constant 16 : index
      %swap3A_170 = tpu.vector_load %arg12[%swap3A_168, %swap3A_169] {strides = array<i32>} : memref<80x128xf32, #tpu.memory_space<vmem>>, vector<16xf32>,
      tpu.vector_store %arg12[%swap3A_168, %swap3A_169], %broadcast_in_dim3A_167 {strides = array<i32>} : memref<80x128xf32, #tpu.memory_space<vmem>>, vector<16xf32>,
      %broadcast_in_dim3A_171 = arith.constant 0.000000e+00 : f32
      %broadcast_in_dim3A_172 = vector.broadcast %broadcast_in_dim3A_171 : f32 to vector<16xf32>
      %swap3A_173 = arith.index_cast %add3A_162 : i32 to index
      %swap3A_174 = arith.constant 32 : index
      %swap3A_175 = tpu.vector_load %arg12[%swap3A_173, %swap3A_174] {strides = array<i32>} : memref<80x128xf32, #tpu.memory_space<vmem>>, vector<16xf32>,
      tpu.vector_store %arg12[%swap3A_173, %swap3A_174], %broadcast_in_dim3A_172 {strides = array<i32>} : memref<80x128xf32, #tpu.memory_space<vmem>>, vector<16xf32>,
      %broadcast_in_dim3A_176 = arith.constant 0.000000e+00 : f32
      %broadcast_in_dim3A_177 = vector.broadcast %broadcast_in_dim3A_176 : f32 to vector<16xf32>
      %swap3A_178 = arith.index_cast %add3A_162 : i32 to index
      %swap3A_179 = arith.constant 48 : index
      %swap3A_180 = tpu.vector_load %arg12[%swap3A_178, %swap3A_179] {strides = array<i32>} : memref<80x128xf32, #tpu.memory_space<vmem>>, vector<16xf32>,
      tpu.vector_store %arg12[%swap3A_178, %swap3A_179], %broadcast_in_dim3A_177 {strides = array<i32>} : memref<80x128xf32, #tpu.memory_space<vmem>>, vector<16xf32>,
      %broadcast_in_dim3A_181 = arith.constant 0.000000e+00 : f32
      %broadcast_in_dim3A_182 = vector.broadcast %broadcast_in_dim3A_181 : f32 to vector<16xf32>
      %swap3A_183 = arith.index_cast %add3A_162 : i32 to index
      %swap3A_184 = arith.constant 64 : index
      %swap3A_185 = tpu.vector_load %arg12[%swap3A_183, %swap3A_184] {strides = array<i32>} : memref<80x128xf32, #tpu.memory_space<vmem>>, vector<16xf32>,
      tpu.vector_store %arg12[%swap3A_183, %swap3A_184], %broadcast_in_dim3A_182 {strides = array<i32>} : memref<80x128xf32, #tpu.memory_space<vmem>>, vector<16xf32>,
      %broadcast_in_dim3A_186 = arith.constant 0.000000e+00 : f32
      %broadcast_in_dim3A_187 = vector.broadcast %broadcast_in_dim3A_186 : f32 to vector<16xf32>
      %swap3A_188 = arith.index_cast %add3A_162 : i32 to index
      %swap3A_189 = arith.constant 80 : index
      %swap3A_190 = tpu.vector_load %arg12[%swap3A_188, %swap3A_189] {strides = array<i32>} : memref<80x128xf32, #tpu.memory_space<vmem>>, vector<16xf32>,
      tpu.vector_store %arg12[%swap3A_188, %swap3A_189], %broadcast_in_dim3A_187 {strides = array<i32>} : memref<80x128xf32, #tpu.memory_space<vmem>>, vector<16xf32>,
      %broadcast_in_dim3A_191 = arith.constant 0.000000e+00 : f32
      %broadcast_in_dim3A_192 = vector.broadcast %broadcast_in_dim3A_191 : f32 to vector<16xf32>
      %swap3A_193 = arith.index_cast %add3A_162 : i32 to index
      %swap3A_194 = arith.constant 96 : index
      %swap3A_195 = tpu.vector_load %arg12[%swap3A_193, %swap3A_194] {strides = array<i32>} : memref<80x128xf32, #tpu.memory_space<vmem>>, vector<16xf32>,
      tpu.vector_store %arg12[%swap3A_193, %swap3A_194], %broadcast_in_dim3A_192 {strides = array<i32>} : memref<80x128xf32, #tpu.memory_space<vmem>>, vector<16xf32>,
      %broadcast_in_dim3A_196 = arith.constant 0.000000e+00 : f32
      %broadcast_in_dim3A_197 = vector.broadcast %broadcast_in_dim3A_196 : f32 to vector<16xf32>
      %swap3A_198 = arith.index_cast %add3A_162 : i32 to index
      %swap3A_199 = arith.constant 112 : index
      %swap3A_200 = tpu.vector_load %arg12[%swap3A_198, %swap3A_199] {strides = array<i32>} : memref<80x128xf32, #tpu.memory_space<vmem>>, vector<16xf32>,
      tpu.vector_store %arg12[%swap3A_198, %swap3A_199], %broadcast_in_dim3A_197 {strides = array<i32>} : memref<80x128xf32, #tpu.memory_space<vmem>>, vector<16xf32>,
    }
    %scan3A_11 = arith.constant 80 : i32
    %scan3A_12 = arith.constant 0 : i32
    %scan3A_13 = arith.constant 80 : i32
    %scan3A_14 = arith.addi %scan3A_12, %scan3A_13 : i32
    %scan3A_15 = arith.constant 1 : i32
    scf.for %scan3A_158 = %scan3A_12 to %scan3A_14 step %scan3A_15  : i32 {
      %mul3A_159 = arith.constant 1 : i32
      %mul3A_160 = arith.muli %scan3A_158, %mul3A_159 : i32
      %add3A_161 = arith.constant 0 : i32
      %add3A_162 = arith.addi %add3A_161, %mul3A_160 : i32
      %broadcast_in_dim3A = arith.constant 0.000000e+00 : f32
      %broadcast_in_dim3A_163 = vector.broadcast %broadcast_in_dim3A : f32 to vector<16xf32>
      %swap3A = arith.index_cast %add3A_162 : i32 to index
      %swap3A_164 = arith.constant 0 : index
      %swap3A_165 = tpu.vector_load %arg13[%swap3A, %swap3A_164] {strides = array<i32>} : memref<80x128xf32, #tpu.memory_space<vmem>>, vector<16xf32>,
      tpu.vector_store %arg13[%swap3A, %swap3A_164], %broadcast_in_dim3A_163 {strides = array<i32>} : memref<80x128xf32, #tpu.memory_space<vmem>>, vector<16xf32>,
      %broadcast_in_dim3A_166 = arith.constant 0.000000e+00 : f32
      %broadcast_in_dim3A_167 = vector.broadcast %broadcast_in_dim3A_166 : f32 to vector<16xf32>
      %swap3A_168 = arith.index_cast %add3A_162 : i32 to index
      %swap3A_169 = arith.constant 16 : index
      %swap3A_170 = tpu.vector_load %arg13[%swap3A_168, %swap3A_169] {strides = array<i32>} : memref<80x128xf32, #tpu.memory_space<vmem>>, vector<16xf32>,
      tpu.vector_store %arg13[%swap3A_168, %swap3A_169], %broadcast_in_dim3A_167 {strides = array<i32>} : memref<80x128xf32, #tpu.memory_space<vmem>>, vector<16xf32>,
      %broadcast_in_dim3A_171 = arith.constant 0.000000e+00 : f32
      %broadcast_in_dim3A_172 = vector.broadcast %broadcast_in_dim3A_171 : f32 to vector<16xf32>
      %swap3A_173 = arith.index_cast %add3A_162 : i32 to index
      %swap3A_174 = arith.constant 32 : index
      %swap3A_175 = tpu.vector_load %arg13[%swap3A_173, %swap3A_174] {strides = array<i32>} : memref<80x128xf32, #tpu.memory_space<vmem>>, vector<16xf32>,
      tpu.vector_store %arg13[%swap3A_173, %swap3A_174], %broadcast_in_dim3A_172 {strides = array<i32>} : memref<80x128xf32, #tpu.memory_space<vmem>>, vector<16xf32>,
      %broadcast_in_dim3A_176 = arith.constant 0.000000e+00 : f32
      %broadcast_in_dim3A_177 = vector.broadcast %broadcast_in_dim3A_176 : f32 to vector<16xf32>
      %swap3A_178 = arith.index_cast %add3A_162 : i32 to index
      %swap3A_179 = arith.constant 48 : index
      %swap3A_180 = tpu.vector_load %arg13[%swap3A_178, %swap3A_179] {strides = array<i32>} : memref<80x128xf32, #tpu.memory_space<vmem>>, vector<16xf32>,
      tpu.vector_store %arg13[%swap3A_178, %swap3A_179], %broadcast_in_dim3A_177 {strides = array<i32>} : memref<80x128xf32, #tpu.memory_space<vmem>>, vector<16xf32>,
      %broadcast_in_dim3A_181 = arith.constant 0.000000e+00 : f32
      %broadcast_in_dim3A_182 = vector.broadcast %broadcast_in_dim3A_181 : f32 to vector<16xf32>
      %swap3A_183 = arith.index_cast %add3A_162 : i32 to index
      %swap3A_184 = arith.constant 64 : index
      %swap3A_185 = tpu.vector_load %arg13[%swap3A_183, %swap3A_184] {strides = array<i32>} : memref<80x128xf32, #tpu.memory_space<vmem>>, vector<16xf32>,
      tpu.vector_store %arg13[%swap3A_183, %swap3A_184], %broadcast_in_dim3A_182 {strides = array<i32>} : memref<80x128xf32, #tpu.memory_space<vmem>>, vector<16xf32>,
      %broadcast_in_dim3A_186 = arith.constant 0.000000e+00 : f32
      %broadcast_in_dim3A_187 = vector.broadcast %broadcast_in_dim3A_186 : f32 to vector<16xf32>
      %swap3A_188 = arith.index_cast %add3A_162 : i32 to index
      %swap3A_189 = arith.constant 80 : index
      %swap3A_190 = tpu.vector_load %arg13[%swap3A_188, %swap3A_189] {strides = array<i32>} : memref<80x128xf32, #tpu.memory_space<vmem>>, vector<16xf32>,
      tpu.vector_store %arg13[%swap3A_188, %swap3A_189], %broadcast_in_dim3A_187 {strides = array<i32>} : memref<80x128xf32, #tpu.memory_space<vmem>>, vector<16xf32>,
      %broadcast_in_dim3A_191 = arith.constant 0.000000e+00 : f32
      %broadcast_in_dim3A_192 = vector.broadcast %broadcast_in_dim3A_191 : f32 to vector<16xf32>
      %swap3A_193 = arith.index_cast %add3A_162 : i32 to index
      %swap3A_194 = arith.constant 96 : index
      %swap3A_195 = tpu.vector_load %arg13[%swap3A_193, %swap3A_194] {strides = array<i32>} : memref<80x128xf32, #tpu.memory_space<vmem>>, vector<16xf32>,
      tpu.vector_store %arg13[%swap3A_193, %swap3A_194], %broadcast_in_dim3A_192 {strides = array<i32>} : memref<80x128xf32, #tpu.memory_space<vmem>>, vector<16xf32>,
      %broadcast_in_dim3A_196 = arith.constant 0.000000e+00 : f32
      %broadcast_in_dim3A_197 = vector.broadcast %broadcast_in_dim3A_196 : f32 to vector<16xf32>
      %swap3A_198 = arith.index_cast %add3A_162 : i32 to index
      %swap3A_199 = arith.constant 112 : index
      %swap3A_200 = tpu.vector_load %arg13[%swap3A_198, %swap3A_199] {strides = array<i32>} : memref<80x128xf32, #tpu.memory_space<vmem>>, vector<16xf32>,
      tpu.vector_store %arg13[%swap3A_198, %swap3A_199], %broadcast_in_dim3A_197 {strides = array<i32>} : memref<80x128xf32, #tpu.memory_space<vmem>>, vector<16xf32>,
    }
    %scan3A_16 = arith.constant 80 : i32
    %scan3A_17 = arith.constant 0 : i32
    %scan3A_18 = arith.constant 80 : i32
    %scan3A_19 = arith.addi %scan3A_17, %scan3A_18 : i32
    %scan3A_20 = arith.constant 1 : i32
    scf.for %scan3A_158 = %scan3A_17 to %scan3A_19 step %scan3A_20  : i32 {
      %mul3A_159 = arith.constant 1 : i32
      %mul3A_160 = arith.muli %scan3A_158, %mul3A_159 : i32
      %add3A_161 = arith.constant 0 : i32
      %add3A_162 = arith.addi %add3A_161, %mul3A_160 : i32
      %broadcast_in_dim3A = arith.constant 0.000000e+00 : f32
      %broadcast_in_dim3A_163 = vector.broadcast %broadcast_in_dim3A : f32 to vector<16xf32>
      %swap3A = arith.index_cast %add3A_162 : i32 to index
      %swap3A_164 = arith.constant 0 : index
      %swap3A_165 = tpu.vector_load %arg14[%swap3A, %swap3A_164] {strides = array<i32>} : memref<80x128xf32, #tpu.memory_space<vmem>>, vector<16xf32>,
      tpu.vector_store %arg14[%swap3A, %swap3A_164], %broadcast_in_dim3A_163 {strides = array<i32>} : memref<80x128xf32, #tpu.memory_space<vmem>>, vector<16xf32>,
      %broadcast_in_dim3A_166 = arith.constant 0.000000e+00 : f32
      %broadcast_in_dim3A_167 = vector.broadcast %broadcast_in_dim3A_166 : f32 to vector<16xf32>
      %swap3A_168 = arith.index_cast %add3A_162 : i32 to index
      %swap3A_169 = arith.constant 16 : index
      %swap3A_170 = tpu.vector_load %arg14[%swap3A_168, %swap3A_169] {strides = array<i32>} : memref<80x128xf32, #tpu.memory_space<vmem>>, vector<16xf32>,
      tpu.vector_store %arg14[%swap3A_168, %swap3A_169], %broadcast_in_dim3A_167 {strides = array<i32>} : memref<80x128xf32, #tpu.memory_space<vmem>>, vector<16xf32>,
      %broadcast_in_dim3A_171 = arith.constant 0.000000e+00 : f32
      %broadcast_in_dim3A_172 = vector.broadcast %broadcast_in_dim3A_171 : f32 to vector<16xf32>
      %swap3A_173 = arith.index_cast %add3A_162 : i32 to index
      %swap3A_174 = arith.constant 32 : index
      %swap3A_175 = tpu.vector_load %arg14[%swap3A_173, %swap3A_174] {strides = array<i32>} : memref<80x128xf32, #tpu.memory_space<vmem>>, vector<16xf32>,
      tpu.vector_store %arg14[%swap3A_173, %swap3A_174], %broadcast_in_dim3A_172 {strides = array<i32>} : memref<80x128xf32, #tpu.memory_space<vmem>>, vector<16xf32>,
      %broadcast_in_dim3A_176 = arith.constant 0.000000e+00 : f32
      %broadcast_in_dim3A_177 = vector.broadcast %broadcast_in_dim3A_176 : f32 to vector<16xf32>
      %swap3A_178 = arith.index_cast %add3A_162 : i32 to index
      %swap3A_179 = arith.constant 48 : index
      %swap3A_180 = tpu.vector_load %arg14[%swap3A_178, %swap3A_179] {strides = array<i32>} : memref<80x128xf32, #tpu.memory_space<vmem>>, vector<16xf32>,
      tpu.vector_store %arg14[%swap3A_178, %swap3A_179], %broadcast_in_dim3A_177 {strides = array<i32>} : memref<80x128xf32, #tpu.memory_space<vmem>>, vector<16xf32>,
      %broadcast_in_dim3A_181 = arith.constant 0.000000e+00 : f32
      %broadcast_in_dim3A_182 = vector.broadcast %broadcast_in_dim3A_181 : f32 to vector<16xf32>
      %swap3A_183 = arith.index_cast %add3A_162 : i32 to index
      %swap3A_184 = arith.constant 64 : index
      %swap3A_185 = tpu.vector_load %arg14[%swap3A_183, %swap3A_184] {strides = array<i32>} : memref<80x128xf32, #tpu.memory_space<vmem>>, vector<16xf32>,
      tpu.vector_store %arg14[%swap3A_183, %swap3A_184], %broadcast_in_dim3A_182 {strides = array<i32>} : memref<80x128xf32, #tpu.memory_space<vmem>>, vector<16xf32>,
      %broadcast_in_dim3A_186 = arith.constant 0.000000e+00 : f32
      %broadcast_in_dim3A_187 = vector.broadcast %broadcast_in_dim3A_186 : f32 to vector<16xf32>
      %swap3A_188 = arith.index_cast %add3A_162 : i32 to index
      %swap3A_189 = arith.constant 80 : index
      %swap3A_190 = tpu.vector_load %arg14[%swap3A_188, %swap3A_189] {strides = array<i32>} : memref<80x128xf32, #tpu.memory_space<vmem>>, vector<16xf32>,
      tpu.vector_store %arg14[%swap3A_188, %swap3A_189], %broadcast_in_dim3A_187 {strides = array<i32>} : memref<80x128xf32, #tpu.memory_space<vmem>>, vector<16xf32>,
      %broadcast_in_dim3A_191 = arith.constant 0.000000e+00 : f32
      %broadcast_in_dim3A_192 = vector.broadcast %broadcast_in_dim3A_191 : f32 to vector<16xf32>
      %swap3A_193 = arith.index_cast %add3A_162 : i32 to index
      %swap3A_194 = arith.constant 96 : index
      %swap3A_195 = tpu.vector_load %arg14[%swap3A_193, %swap3A_194] {strides = array<i32>} : memref<80x128xf32, #tpu.memory_space<vmem>>, vector<16xf32>,
      tpu.vector_store %arg14[%swap3A_193, %swap3A_194], %broadcast_in_dim3A_192 {strides = array<i32>} : memref<80x128xf32, #tpu.memory_space<vmem>>, vector<16xf32>,
      %broadcast_in_dim3A_196 = arith.constant 0.000000e+00 : f32
      %broadcast_in_dim3A_197 = vector.broadcast %broadcast_in_dim3A_196 : f32 to vector<16xf32>
      %swap3A_198 = arith.index_cast %add3A_162 : i32 to index
      %swap3A_199 = arith.constant 112 : index
      %swap3A_200 = tpu.vector_load %arg14[%swap3A_198, %swap3A_199] {strides = array<i32>} : memref<80x128xf32, #tpu.memory_space<vmem>>, vector<16xf32>,
      tpu.vector_store %arg14[%swap3A_198, %swap3A_199], %broadcast_in_dim3A_197 {strides = array<i32>} : memref<80x128xf32, #tpu.memory_space<vmem>>, vector<16xf32>,
    }
    %scan3A_21 = arith.constant 80 : i32
    %mul3A_22 = arith.constant 640 : i32
    %mul3A_23 = arith.muli %arg1, %mul3A_22 : i32
    %add3A_24 = arith.constant 0 : i32
    %add3A_25 = arith.addi %mul3A_23, %add3A_24 : i32
    %dma_start3A = arith.constant 0 : i32
    %dma_start3A_26 = tpu.memref_slice %arg7[%add3A_25, %dma_start3A] : memref<10240x128xf32, #tpu.memory_space<vmem_shared>> -> memref<80x128xf32, #tpu.memory_space<vmem_shared>>
    %dma_start3A_27 = arith.constant 0 : i32
    %dma_start3A_28 = tpu.memref_slice %arg7[%add3A_25, %dma_start3A_27] : memref<10240x128xf32, #tpu.memory_space<vmem_shared>> -> memref<80x128xf32, #tpu.memory_space<vmem_shared>>
    tpu.enqueue_dma source(%arg11 : memref<80x128xf32, #tpu.memory_space<vmem>>) target(%dma_start3A_28 : memref<80x128xf32, #tpu.memory_space<vmem_shared>>) target_semaphore(%arg19 : memref<!tpu.dma_semaphore, #tpu.memory_space<semaphore_mem>>)
    %mul3A_29 = arith.constant 640 : i32
    %mul3A_30 = arith.muli %arg1, %mul3A_29 : i32
    %add3A_31 = arith.constant 80 : i32
    %add3A_32 = arith.addi %mul3A_30, %add3A_31 : i32
    %dma_start3A_33 = arith.constant 0 : i32
    %dma_start3A_34 = tpu.memref_slice %arg7[%add3A_32, %dma_start3A_33] : memref<10240x128xf32, #tpu.memory_space<vmem_shared>> -> memref<80x128xf32, #tpu.memory_space<vmem_shared>>
    %dma_start3A_35 = arith.constant 0 : i32
    %dma_start3A_36 = tpu.memref_slice %arg7[%add3A_32, %dma_start3A_35] : memref<10240x128xf32, #tpu.memory_space<vmem_shared>> -> memref<80x128xf32, #tpu.memory_space<vmem_shared>>
    tpu.enqueue_dma source(%arg12 : memref<80x128xf32, #tpu.memory_space<vmem>>) target(%dma_start3A_36 : memref<80x128xf32, #tpu.memory_space<vmem_shared>>) target_semaphore(%arg20 : memref<!tpu.dma_semaphore, #tpu.memory_space<semaphore_mem>>)
    %mul3A_37 = arith.constant 640 : i32
    %mul3A_38 = arith.muli %arg1, %mul3A_37 : i32
    %add3A_39 = arith.constant 160 : i32
    %add3A_40 = arith.addi %mul3A_38, %add3A_39 : i32
    %dma_start3A_41 = arith.constant 0 : i32
    %dma_start3A_42 = tpu.memref_slice %arg7[%add3A_40, %dma_start3A_41] : memref<10240x128xf32, #tpu.memory_space<vmem_shared>> -> memref<80x128xf32, #tpu.memory_space<vmem_shared>>
    %dma_start3A_43 = arith.constant 0 : i32
    %dma_start3A_44 = tpu.memref_slice %arg7[%add3A_40, %dma_start3A_43] : memref<10240x128xf32, #tpu.memory_space<vmem_shared>> -> memref<80x128xf32, #tpu.memory_space<vmem_shared>>
    tpu.enqueue_dma source(%arg13 : memref<80x128xf32, #tpu.memory_space<vmem>>) target(%dma_start3A_44 : memref<80x128xf32, #tpu.memory_space<vmem_shared>>) target_semaphore(%arg21 : memref<!tpu.dma_semaphore, #tpu.memory_space<semaphore_mem>>)
    %mul3A_45 = arith.constant 640 : i32
    %mul3A_46 = arith.muli %arg1, %mul3A_45 : i32
    %add3A_47 = arith.constant 240 : i32
    %add3A_48 = arith.addi %mul3A_46, %add3A_47 : i32
    %dma_start3A_49 = arith.constant 0 : i32
    %dma_start3A_50 = tpu.memref_slice %arg7[%add3A_48, %dma_start3A_49] : memref<10240x128xf32, #tpu.memory_space<vmem_shared>> -> memref<80x128xf32, #tpu.memory_space<vmem_shared>>
    %dma_start3A_51 = arith.constant 0 : i32
    %dma_start3A_52 = tpu.memref_slice %arg7[%add3A_48, %dma_start3A_51] : memref<10240x128xf32, #tpu.memory_space<vmem_shared>> -> memref<80x128xf32, #tpu.memory_space<vmem_shared>>
    tpu.enqueue_dma source(%arg14 : memref<80x128xf32, #tpu.memory_space<vmem>>) target(%dma_start3A_52 : memref<80x128xf32, #tpu.memory_space<vmem_shared>>) target_semaphore(%arg22 : memref<!tpu.dma_semaphore, #tpu.memory_space<semaphore_mem>>)
    %mul3A_53 = arith.constant 640 : i32
    %mul3A_54 = arith.muli %arg1, %mul3A_53 : i32
    %add3A_55 = arith.constant 320 : i32
    %add3A_56 = arith.addi %mul3A_54, %add3A_55 : i32
    %dma_start3A_57 = arith.constant 0 : i32
    %dma_start3A_58 = tpu.memref_slice %arg7[%add3A_56, %dma_start3A_57] : memref<10240x128xf32, #tpu.memory_space<vmem_shared>> -> memref<80x128xf32, #tpu.memory_space<vmem_shared>>
    %dma_start3A_59 = arith.constant 0 : i32
    %dma_start3A_60 = tpu.memref_slice %arg7[%add3A_56, %dma_start3A_59] : memref<10240x128xf32, #tpu.memory_space<vmem_shared>> -> memref<80x128xf32, #tpu.memory_space<vmem_shared>>
    tpu.enqueue_dma source(%arg11 : memref<80x128xf32, #tpu.memory_space<vmem>>) target(%dma_start3A_60 : memref<80x128xf32, #tpu.memory_space<vmem_shared>>) target_semaphore(%arg19 : memref<!tpu.dma_semaphore, #tpu.memory_space<semaphore_mem>>)
    %mul3A_61 = arith.constant 640 : i32
    %mul3A_62 = arith.muli %arg1, %mul3A_61 : i32
    %add3A_63 = arith.constant 400 : i32
    %add3A_64 = arith.addi %mul3A_62, %add3A_63 : i32
    %dma_start3A_65 = arith.constant 0 : i32
    %dma_start3A_66 = tpu.memref_slice %arg7[%add3A_64, %dma_start3A_65] : memref<10240x128xf32, #tpu.memory_space<vmem_shared>> -> memref<80x128xf32, #tpu.memory_space<vmem_shared>>
    %dma_start3A_67 = arith.constant 0 : i32
    %dma_start3A_68 = tpu.memref_slice %arg7[%add3A_64, %dma_start3A_67] : memref<10240x128xf32, #tpu.memory_space<vmem_shared>> -> memref<80x128xf32, #tpu.memory_space<vmem_shared>>
    tpu.enqueue_dma source(%arg12 : memref<80x128xf32, #tpu.memory_space<vmem>>) target(%dma_start3A_68 : memref<80x128xf32, #tpu.memory_space<vmem_shared>>) target_semaphore(%arg20 : memref<!tpu.dma_semaphore, #tpu.memory_space<semaphore_mem>>)
    %mul3A_69 = arith.constant 640 : i32
    %mul3A_70 = arith.muli %arg1, %mul3A_69 : i32
    %add3A_71 = arith.constant 480 : i32
    %add3A_72 = arith.addi %mul3A_70, %add3A_71 : i32
    %dma_start3A_73 = arith.constant 0 : i32
    %dma_start3A_74 = tpu.memref_slice %arg7[%add3A_72, %dma_start3A_73] : memref<10240x128xf32, #tpu.memory_space<vmem_shared>> -> memref<80x128xf32, #tpu.memory_space<vmem_shared>>
    %dma_start3A_75 = arith.constant 0 : i32
    %dma_start3A_76 = tpu.memref_slice %arg7[%add3A_72, %dma_start3A_75] : memref<10240x128xf32, #tpu.memory_space<vmem_shared>> -> memref<80x128xf32, #tpu.memory_space<vmem_shared>>
    tpu.enqueue_dma source(%arg13 : memref<80x128xf32, #tpu.memory_space<vmem>>) target(%dma_start3A_76 : memref<80x128xf32, #tpu.memory_space<vmem_shared>>) target_semaphore(%arg21 : memref<!tpu.dma_semaphore, #tpu.memory_space<semaphore_mem>>)
    %mul3A_77 = arith.constant 640 : i32
    %mul3A_78 = arith.muli %arg1, %mul3A_77 : i32
    %add3A_79 = arith.constant 560 : i32
    %add3A_80 = arith.addi %mul3A_78, %add3A_79 : i32
    %dma_start3A_81 = arith.constant 0 : i32
    %dma_start3A_82 = tpu.memref_slice %arg7[%add3A_80, %dma_start3A_81] : memref<10240x128xf32, #tpu.memory_space<vmem_shared>> -> memref<80x128xf32, #tpu.memory_space<vmem_shared>>
    %dma_start3A_83 = arith.constant 0 : i32
    %dma_start3A_84 = tpu.memref_slice %arg7[%add3A_80, %dma_start3A_83] : memref<10240x128xf32, #tpu.memory_space<vmem_shared>> -> memref<80x128xf32, #tpu.memory_space<vmem_shared>>
    tpu.enqueue_dma source(%arg14 : memref<80x128xf32, #tpu.memory_space<vmem>>) target(%dma_start3A_84 : memref<80x128xf32, #tpu.memory_space<vmem_shared>>) target_semaphore(%arg22 : memref<!tpu.dma_semaphore, #tpu.memory_space<semaphore_mem>>)
    %mul3A_85 = arith.constant 640 : i32
    %mul3A_86 = arith.muli %arg1, %mul3A_85 : i32
    %add3A_87 = arith.constant 0 : i32
    %add3A_88 = arith.addi %mul3A_86, %add3A_87 : i32
    %dma_wait3A = arith.constant 0 : i32
    %dma_wait3A_89 = tpu.memref_slice %arg7[%add3A_88, %dma_wait3A] : memref<10240x128xf32, #tpu.memory_space<vmem_shared>> -> memref<80x128xf32, #tpu.memory_space<vmem_shared>>
    %dma_wait3A_90 = arith.constant 0 : i32
    %dma_wait3A_91 = tpu.memref_slice %arg7[%add3A_88, %dma_wait3A_90] : memref<10240x128xf32, #tpu.memory_space<vmem_shared>> -> memref<80x128xf32, #tpu.memory_space<vmem_shared>>
    tpu.wait_dma2 semaphore(%arg19 : memref<!tpu.dma_semaphore, #tpu.memory_space<semaphore_mem>>) src(%arg11 : memref<80x128xf32, #tpu.memory_space<vmem>>) dst(%dma_wait3A_91 : memref<80x128xf32, #tpu.memory_space<vmem_shared>>)
    %mul3A_92 = arith.constant 640 : i32
    %mul3A_93 = arith.muli %arg1, %mul3A_92 : i32
    %add3A_94 = arith.constant 80 : i32
    %add3A_95 = arith.addi %mul3A_93, %add3A_94 : i32
    %dma_wait3A_96 = arith.constant 0 : i32
    %dma_wait3A_97 = tpu.memref_slice %arg7[%add3A_95, %dma_wait3A_96] : memref<10240x128xf32, #tpu.memory_space<vmem_shared>> -> memref<80x128xf32, #tpu.memory_space<vmem_shared>>
    %dma_wait3A_98 = arith.constant 0 : i32
    %dma_wait3A_99 = tpu.memref_slice %arg7[%add3A_95, %dma_wait3A_98] : memref<10240x128xf32, #tpu.memory_space<vmem_shared>> -> memref<80x128xf32, #tpu.memory_space<vmem_shared>>
    tpu.wait_dma2 semaphore(%arg20 : memref<!tpu.dma_semaphore, #tpu.memory_space<semaphore_mem>>) src(%arg12 : memref<80x128xf32, #tpu.memory_space<vmem>>) dst(%dma_wait3A_99 : memref<80x128xf32, #tpu.memory_space<vmem_shared>>)
    %mul3A_100 = arith.constant 640 : i32
    %mul3A_101 = arith.muli %arg1, %mul3A_100 : i32
    %add3A_102 = arith.constant 160 : i32
    %add3A_103 = arith.addi %mul3A_101, %add3A_102 : i32
    %dma_wait3A_104 = arith.constant 0 : i32
    %dma_wait3A_105 = tpu.memref_slice %arg7[%add3A_103, %dma_wait3A_104] : memref<10240x128xf32, #tpu.memory_space<vmem_shared>> -> memref<80x128xf32, #tpu.memory_space<vmem_shared>>
    %dma_wait3A_106 = arith.constant 0 : i32
    %dma_wait3A_107 = tpu.memref_slice %arg7[%add3A_103, %dma_wait3A_106] : memref<10240x128xf32, #tpu.memory_space<vmem_shared>> -> memref<80x128xf32, #tpu.memory_space<vmem_shared>>
    tpu.wait_dma2 semaphore(%arg21 : memref<!tpu.dma_semaphore, #tpu.memory_space<semaphore_mem>>) src(%arg13 : memref<80x128xf32, #tpu.memory_space<vmem>>) dst(%dma_wait3A_107 : memref<80x128xf32, #tpu.memory_space<vmem_shared>>)
    %mul3A_108 = arith.constant 640 : i32
    %mul3A_109 = arith.muli %arg1, %mul3A_108 : i32
    %add3A_110 = arith.constant 240 : i32
    %add3A_111 = arith.addi %mul3A_109, %add3A_110 : i32
    %dma_wait3A_112 = arith.constant 0 : i32
    %dma_wait3A_113 = tpu.memref_slice %arg7[%add3A_111, %dma_wait3A_112] : memref<10240x128xf32, #tpu.memory_space<vmem_shared>> -> memref<80x128xf32, #tpu.memory_space<vmem_shared>>
    %dma_wait3A_114 = arith.constant 0 : i32
    %dma_wait3A_115 = tpu.memref_slice %arg7[%add3A_111, %dma_wait3A_114] : memref<10240x128xf32, #tpu.memory_space<vmem_shared>> -> memref<80x128xf32, #tpu.memory_space<vmem_shared>>
    tpu.wait_dma2 semaphore(%arg22 : memref<!tpu.dma_semaphore, #tpu.memory_space<semaphore_mem>>) src(%arg14 : memref<80x128xf32, #tpu.memory_space<vmem>>) dst(%dma_wait3A_115 : memref<80x128xf32, #tpu.memory_space<vmem_shared>>)
    %mul3A_116 = arith.constant 640 : i32
    %mul3A_117 = arith.muli %arg1, %mul3A_116 : i32
    %add3A_118 = arith.constant 320 : i32
    %add3A_119 = arith.addi %mul3A_117, %add3A_118 : i32
    %dma_wait3A_120 = arith.constant 0 : i32
    %dma_wait3A_121 = tpu.memref_slice %arg7[%add3A_119, %dma_wait3A_120] : memref<10240x128xf32, #tpu.memory_space<vmem_shared>> -> memref<80x128xf32, #tpu.memory_space<vmem_shared>>
    %dma_wait3A_122 = arith.constant 0 : i32
    %dma_wait3A_123 = tpu.memref_slice %arg7[%add3A_119, %dma_wait3A_122] : memref<10240x128xf32, #tpu.memory_space<vmem_shared>> -> memref<80x128xf32, #tpu.memory_space<vmem_shared>>
    tpu.wait_dma2 semaphore(%arg19 : memref<!tpu.dma_semaphore, #tpu.memory_space<semaphore_mem>>) src(%arg11 : memref<80x128xf32, #tpu.memory_space<vmem>>) dst(%dma_wait3A_123 : memref<80x128xf32, #tpu.memory_space<vmem_shared>>)
    %mul3A_124 = arith.constant 640 : i32
    %mul3A_125 = arith.muli %arg1, %mul3A_124 : i32
    %add3A_126 = arith.constant 400 : i32
    %add3A_127 = arith.addi %mul3A_125, %add3A_126 : i32
    %dma_wait3A_128 = arith.constant 0 : i32
    %dma_wait3A_129 = tpu.memref_slice %arg7[%add3A_127, %dma_wait3A_128] : memref<10240x128xf32, #tpu.memory_space<vmem_shared>> -> memref<80x128xf32, #tpu.memory_space<vmem_shared>>
    %dma_wait3A_130 = arith.constant 0 : i32
    %dma_wait3A_131 = tpu.memref_slice %arg7[%add3A_127, %dma_wait3A_130] : memref<10240x128xf32, #tpu.memory_space<vmem_shared>> -> memref<80x128xf32, #tpu.memory_space<vmem_shared>>
    tpu.wait_dma2 semaphore(%arg20 : memref<!tpu.dma_semaphore, #tpu.memory_space<semaphore_mem>>) src(%arg12 : memref<80x128xf32, #tpu.memory_space<vmem>>) dst(%dma_wait3A_131 : memref<80x128xf32, #tpu.memory_space<vmem_shared>>)
    %mul3A_132 = arith.constant 640 : i32
    %mul3A_133 = arith.muli %arg1, %mul3A_132 : i32
    %add3A_134 = arith.constant 480 : i32
    %add3A_135 = arith.addi %mul3A_133, %add3A_134 : i32
    %dma_wait3A_136 = arith.constant 0 : i32
    %dma_wait3A_137 = tpu.memref_slice %arg7[%add3A_135, %dma_wait3A_136] : memref<10240x128xf32, #tpu.memory_space<vmem_shared>> -> memref<80x128xf32, #tpu.memory_space<vmem_shared>>
    %dma_wait3A_138 = arith.constant 0 : i32
    %dma_wait3A_139 = tpu.memref_slice %arg7[%add3A_135, %dma_wait3A_138] : memref<10240x128xf32, #tpu.memory_space<vmem_shared>> -> memref<80x128xf32, #tpu.memory_space<vmem_shared>>
    tpu.wait_dma2 semaphore(%arg21 : memref<!tpu.dma_semaphore, #tpu.memory_space<semaphore_mem>>) src(%arg13 : memref<80x128xf32, #tpu.memory_space<vmem>>) dst(%dma_wait3A_139 : memref<80x128xf32, #tpu.memory_space<vmem_shared>>)
    %mul3A_140 = arith.constant 640 : i32
    %mul3A_141 = arith.muli %arg1, %mul3A_140 : i32
    %add3A_142 = arith.constant 560 : i32
    %add3A_143 = arith.addi %mul3A_141, %add3A_142 : i32
    %dma_wait3A_144 = arith.constant 0 : i32
    %dma_wait3A_145 = tpu.memref_slice %arg7[%add3A_143, %dma_wait3A_144] : memref<10240x128xf32, #tpu.memory_space<vmem_shared>> -> memref<80x128xf32, #tpu.memory_space<vmem_shared>>
    %dma_wait3A_146 = arith.constant 0 : i32
    %dma_wait3A_147 = tpu.memref_slice %arg7[%add3A_143, %dma_wait3A_146] : memref<10240x128xf32, #tpu.memory_space<vmem_shared>> -> memref<80x128xf32, #tpu.memory_space<vmem_shared>>
    tpu.wait_dma2 semaphore(%arg22 : memref<!tpu.dma_semaphore, #tpu.memory_space<semaphore_mem>>) src(%arg14 : memref<80x128xf32, #tpu.memory_space<vmem>>) dst(%dma_wait3A_147 : memref<80x128xf32, #tpu.memory_space<vmem_shared>>)
    %barrier3A = arith.constant 0 : index
    tpu.barrier barrier_id(%barrier3A)
    %scan3A_148 = arith.constant 0 : i32
    %scan3A_149 = arith.constant 5 : i32
    %scan3A_150 = arith.addi %scan3A_148, %scan3A_149 : i32
    %scan3A_151 = arith.constant 1 : i32
    scf.for %scan3A_158 = %scan3A_148 to %scan3A_150 step %scan3A_151  : i32 {
      %mul3A_159 = arith.constant 1 : i32
      %mul3A_160 = arith.muli %scan3A_158, %mul3A_159 : i32
      %add3A_161 = arith.constant 0 : i32
      %add3A_162 = arith.addi %add3A_161, %mul3A_160 : i32
      %mul3A_163 = arith.constant 2000 : i32
      %mul3A_164 = arith.muli %add3A_162, %mul3A_163 : i32
      %add3A_165 = arith.addi %mul3A_2, %mul3A_164 : i32
      "tpu.region"() ({
        %run_scoped3A = tpu.sem_alloc : memref<!tpu.dma_semaphore, #tpu.memory_space<semaphore_mem>>
        %dma_start3A_231 = tpu.memref_slice %arg3[%add3A_165] : memref<320000xi32, #tpu.memory_space<hbm>> -> memref<2000xi32, #tpu.memory_space<hbm>>
        %dma_start3A_232 = tpu.memref_slice %arg3[%add3A_165] : memref<320000xi32, #tpu.memory_space<hbm>> -> memref<2000xi32, #tpu.memory_space<hbm>>
        tpu.enqueue_dma source(%dma_start3A_232 : memref<2000xi32, #tpu.memory_space<hbm>>) target(%arg8 : memref<2000xi32, #tpu.memory_space<vmem>>) target_semaphore(%run_scoped3A : memref<!tpu.dma_semaphore, #tpu.memory_space<semaphore_mem>>)
        %dma_wait3A_233 = tpu.memref_slice %arg3[%add3A_165] : memref<320000xi32, #tpu.memory_space<hbm>> -> memref<2000xi32, #tpu.memory_space<hbm>>
        %dma_wait3A_234 = tpu.memref_slice %arg3[%add3A_165] : memref<320000xi32, #tpu.memory_space<hbm>> -> memref<2000xi32, #tpu.memory_space<hbm>>
        tpu.wait_dma2 semaphore(%run_scoped3A : memref<!tpu.dma_semaphore, #tpu.memory_space<semaphore_mem>>) src(%dma_wait3A_234 : memref<2000xi32, #tpu.memory_space<hbm>>) dst(%arg8 : memref<2000xi32, #tpu.memory_space<vmem>>)
        tpu.yield
      }) : () -> ()
      %dma_start3A_166 = arith.constant 0 : i32
      %dma_start3A_167 = tpu.memref_slice %arg8[%dma_start3A_166] : memref<2000xi32, #tpu.memory_space<vmem>> -> memref<80xi32, #tpu.memory_space<vmem>>
      %dma_start3A_168 = arith.constant 0 : i32
      %dma_start3A_169 = arith.constant 0 : i32
      %dma_start3A_170 = tpu.memref_slice %arg2[%dma_start3A_168, %dma_start3A_169] : memref<10000x128xf32, #tpu.memory_space<hbm>> -> memref<10000x128xf32, #tpu.memory_space<hbm>>
      tpu.enqueue_indirect_dma source(%dma_start3A_170 : memref<10000x128xf32, #tpu.memory_space<hbm>>) target(%arg11 : memref<80x128xf32, #tpu.memory_space<vmem>>) offsets(%dma_start3A_167 : memref<80xi32, #tpu.memory_space<vmem>>) semaphore(%arg15 : memref<!tpu.dma_semaphore, #tpu.memory_space<semaphore_mem>>)
      %dma_start3A_171 = arith.constant 80 : i32
      %dma_start3A_172 = tpu.memref_slice %arg8[%dma_start3A_171] : memref<2000xi32, #tpu.memory_space<vmem>> -> memref<80xi32, #tpu.memory_space<vmem>>
      %dma_start3A_173 = arith.constant 0 : i32
      %dma_start3A_174 = arith.constant 0 : i32
      %dma_start3A_175 = tpu.memref_slice %arg2[%dma_start3A_173, %dma_start3A_174] : memref<10000x128xf32, #tpu.memory_space<hbm>> -> memref<10000x128xf32, #tpu.memory_space<hbm>>
      tpu.enqueue_indirect_dma source(%dma_start3A_175 : memref<10000x128xf32, #tpu.memory_space<hbm>>) target(%arg12 : memref<80x128xf32, #tpu.memory_space<vmem>>) offsets(%dma_start3A_172 : memref<80xi32, #tpu.memory_space<vmem>>) semaphore(%arg16 : memref<!tpu.dma_semaphore, #tpu.memory_space<semaphore_mem>>)
      %dma_start3A_176 = arith.constant 160 : i32
      %dma_start3A_177 = tpu.memref_slice %arg8[%dma_start3A_176] : memref<2000xi32, #tpu.memory_space<vmem>> -> memref<80xi32, #tpu.memory_space<vmem>>
      %dma_start3A_178 = arith.constant 0 : i32
      %dma_start3A_179 = arith.constant 0 : i32
      %dma_start3A_180 = tpu.memref_slice %arg2[%dma_start3A_178, %dma_start3A_179] : memref<10000x128xf32, #tpu.memory_space<hbm>> -> memref<10000x128xf32, #tpu.memory_space<hbm>>
      tpu.enqueue_indirect_dma source(%dma_start3A_180 : memref<10000x128xf32, #tpu.memory_space<hbm>>) target(%arg13 : memref<80x128xf32, #tpu.memory_space<vmem>>) offsets(%dma_start3A_177 : memref<80xi32, #tpu.memory_space<vmem>>) semaphore(%arg17 : memref<!tpu.dma_semaphore, #tpu.memory_space<semaphore_mem>>)
      "tpu.region"() ({
        %run_scoped3A = tpu.sem_alloc : memref<!tpu.dma_semaphore, #tpu.memory_space<semaphore_mem>>
        %dma_start3A_231 = tpu.memref_slice %arg5[%add3A_165] : memref<320000xf32, #tpu.memory_space<hbm>> -> memref<2000xf32, #tpu.memory_space<hbm>>
        %dma_start3A_232 = tpu.memref_slice %arg5[%add3A_165] : memref<320000xf32, #tpu.memory_space<hbm>> -> memref<2000xf32, #tpu.memory_space<hbm>>
        tpu.enqueue_dma source(%dma_start3A_232 : memref<2000xf32, #tpu.memory_space<hbm>>) target(%arg10 : memref<2000xf32, #tpu.memory_space<vmem>>) target_semaphore(%run_scoped3A : memref<!tpu.dma_semaphore, #tpu.memory_space<semaphore_mem>>)
        %dma_wait3A_233 = tpu.memref_slice %arg5[%add3A_165] : memref<320000xf32, #tpu.memory_space<hbm>> -> memref<2000xf32, #tpu.memory_space<hbm>>
        %dma_wait3A_234 = tpu.memref_slice %arg5[%add3A_165] : memref<320000xf32, #tpu.memory_space<hbm>> -> memref<2000xf32, #tpu.memory_space<hbm>>
        tpu.wait_dma2 semaphore(%run_scoped3A : memref<!tpu.dma_semaphore, #tpu.memory_space<semaphore_mem>>) src(%dma_wait3A_234 : memref<2000xf32, #tpu.memory_space<hbm>>) dst(%arg10 : memref<2000xf32, #tpu.memory_space<vmem>>)
        tpu.yield
      }) : () -> ()
      "tpu.region"() ({
        %run_scoped3A = tpu.sem_alloc : memref<!tpu.dma_semaphore, #tpu.memory_space<semaphore_mem>>
        %dma_start3A_231 = arith.constant 0 : i32
        %dma_start3A_232 = arith.constant 0 : i32
        %dma_start3A_233 = arith.constant 0 : i32
        %dma_start3A_234 = tpu.memref_slice %arg4[%add3A, %dma_start3A_231, %dma_start3A_232, %dma_start3A_233] : memref<32x5x25x80xi32, #tpu.memory_space<hbm>> -> memref<1x5x25x80xi32, #tpu.memory_space<hbm>>
        %dma_start3A_235 = tpu.memref_squeeze %dma_start3A_234 : memref<1x5x25x80xi32, #tpu.memory_space<hbm>> -> memref<5x25x80xi32, #tpu.memory_space<hbm>>
        %dma_start3A_236 = arith.constant 0 : i32
        %dma_start3A_237 = arith.constant 0 : i32
        %dma_start3A_238 = tpu.memref_slice %dma_start3A_235[%add3A_162, %dma_start3A_236, %dma_start3A_237] : memref<5x25x80xi32, #tpu.memory_space<hbm>> -> memref<1x25x80xi32, #tpu.memory_space<hbm>>
        %dma_start3A_239 = tpu.memref_squeeze %dma_start3A_238 : memref<1x25x80xi32, #tpu.memory_space<hbm>> -> memref<25x80xi32, #tpu.memory_space<hbm>>
        %dma_start3A_240 = arith.constant 0 : i32
        %dma_start3A_241 = arith.constant 0 : i32
        %dma_start3A_242 = arith.constant 0 : i32
        %dma_start3A_243 = tpu.memref_slice %arg4[%add3A, %dma_start3A_240, %dma_start3A_241, %dma_start3A_242] : memref<32x5x25x80xi32, #tpu.memory_space<hbm>> -> memref<1x5x25x80xi32, #tpu.memory_space<hbm>>
        %dma_start3A_244 = tpu.memref_squeeze %dma_start3A_243 : memref<1x5x25x80xi32, #tpu.memory_space<hbm>> -> memref<5x25x80xi32, #tpu.memory_space<hbm>>
        %dma_start3A_245 = arith.constant 0 : i32
        %dma_start3A_246 = arith.constant 0 : i32
        %dma_start3A_247 = tpu.memref_slice %dma_start3A_244[%add3A_162, %dma_start3A_245, %dma_start3A_246] : memref<5x25x80xi32, #tpu.memory_space<hbm>> -> memref<1x25x80xi32, #tpu.memory_space<hbm>>
        %dma_start3A_248 = tpu.memref_squeeze %dma_start3A_247 : memref<1x25x80xi32, #tpu.memory_space<hbm>> -> memref<25x80xi32, #tpu.memory_space<hbm>>
        tpu.enqueue_dma source(%dma_start3A_248 : memref<25x80xi32, #tpu.memory_space<hbm>>) target(%arg9 : memref<25x80xi32, #tpu.memory_space<vmem>>) target_semaphore(%run_scoped3A : memref<!tpu.dma_semaphore, #tpu.memory_space<semaphore_mem>>)
        %dma_wait3A_249 = arith.constant 0 : i32
        %dma_wait3A_250 = arith.constant 0 : i32
        %dma_wait3A_251 = arith.constant 0 : i32
        %dma_wait3A_252 = tpu.memref_slice %arg4[%add3A, %dma_wait3A_249, %dma_wait3A_250, %dma_wait3A_251] : memref<32x5x25x80xi32, #tpu.memory_space<hbm>> -> memref<1x5x25x80xi32, #tpu.memory_space<hbm>>
        %dma_wait3A_253 = tpu.memref_squeeze %dma_wait3A_252 : memref<1x5x25x80xi32, #tpu.memory_space<hbm>> -> memref<5x25x80xi32, #tpu.memory_space<hbm>>
        %dma_wait3A_254 = arith.constant 0 : i32
        %dma_wait3A_255 = arith.constant 0 : i32
        %dma_wait3A_256 = tpu.memref_slice %dma_wait3A_253[%add3A_162, %dma_wait3A_254, %dma_wait3A_255] : memref<5x25x80xi32, #tpu.memory_space<hbm>> -> memref<1x25x80xi32, #tpu.memory_space<hbm>>
        %dma_wait3A_257 = tpu.memref_squeeze %dma_wait3A_256 : memref<1x25x80xi32, #tpu.memory_space<hbm>> -> memref<25x80xi32, #tpu.memory_space<hbm>>
        %dma_wait3A_258 = arith.constant 0 : i32
        %dma_wait3A_259 = arith.constant 0 : i32
        %dma_wait3A_260 = arith.constant 0 : i32
        %dma_wait3A_261 = tpu.memref_slice %arg4[%add3A, %dma_wait3A_258, %dma_wait3A_259, %dma_wait3A_260] : memref<32x5x25x80xi32, #tpu.memory_space<hbm>> -> memref<1x5x25x80xi32, #tpu.memory_space<hbm>>
        %dma_wait3A_262 = tpu.memref_squeeze %dma_wait3A_261 : memref<1x5x25x80xi32, #tpu.memory_space<hbm>> -> memref<5x25x80xi32, #tpu.memory_space<hbm>>
        %dma_wait3A_263 = arith.constant 0 : i32
        %dma_wait3A_264 = arith.constant 0 : i32
        %dma_wait3A_265 = tpu.memref_slice %dma_wait3A_262[%add3A_162, %dma_wait3A_263, %dma_wait3A_264] : memref<5x25x80xi32, #tpu.memory_space<hbm>> -> memref<1x25x80xi32, #tpu.memory_space<hbm>>
        %dma_wait3A_266 = tpu.memref_squeeze %dma_wait3A_265 : memref<1x25x80xi32, #tpu.memory_space<hbm>> -> memref<25x80xi32, #tpu.memory_space<hbm>>
        tpu.wait_dma2 semaphore(%run_scoped3A : memref<!tpu.dma_semaphore, #tpu.memory_space<semaphore_mem>>) src(%dma_wait3A_266 : memref<25x80xi32, #tpu.memory_space<hbm>>) dst(%arg9 : memref<25x80xi32, #tpu.memory_space<vmem>>)
        tpu.yield
      }) : () -> ()
      %scan3A_181 = arith.constant 0 : i32
      %scan3A_182 = arith.constant 6 : i32
      %scan3A_183 = arith.addi %scan3A_181, %scan3A_182 : i32
      %scan3A_184 = arith.constant 1 : i32
      scf.for %scan3A_231 = %scan3A_181 to %scan3A_183 step %scan3A_184  : i32 {
        %mul3A_232 = arith.constant 1 : i32
        %mul3A_233 = arith.muli %scan3A_231, %mul3A_232 : i32
        %add3A_234 = arith.constant 0 : i32
        %add3A_235 = arith.addi %add3A_234, %mul3A_233 : i32
        %mul3A_236 = arith.constant 4 : i32
        %mul3A_237 = arith.muli %add3A_235, %mul3A_236 : i32
        %add3A_238 = arith.constant 0 : i32
        %add3A_239 = arith.addi %mul3A_237, %add3A_238 : i32
        %dma_wait3A_240 = arith.constant 0 : i32
        %dma_wait3A_241 = tpu.memref_slice %arg8[%dma_wait3A_240] : memref<2000xi32, #tpu.memory_space<vmem>> -> memref<80xi32, #tpu.memory_space<vmem>>
        %dma_wait3A_242 = arith.constant 0 : i32
        %dma_wait3A_243 = arith.constant 0 : i32
        %dma_wait3A_244 = tpu.memref_slice %arg2[%dma_wait3A_242, %dma_wait3A_243] : memref<10000x128xf32, #tpu.memory_space<hbm>> -> memref<10000x128xf32, #tpu.memory_space<hbm>>
        tpu.wait_indirect_dma semaphore(%arg15 : memref<!tpu.dma_semaphore, #tpu.memory_space<semaphore_mem>>) src(%dma_wait3A_244 : memref<10000x128xf32, #tpu.memory_space<hbm>>) dst(%arg11 : memref<80x128xf32, #tpu.memory_space<vmem>>)
        %scan3A_245 = arith.constant 0 : i32
        %scan3A_246 = arith.constant 20 : i32
        %scan3A_247 = arith.addi %scan3A_245, %scan3A_246 : i32
        %scan3A_248 = arith.constant 1 : i32
        scf.for %scan3A_341 = %scan3A_245 to %scan3A_247 step %scan3A_248  : i32 {
          %mul3A_342 = arith.constant 4 : i32
          %mul3A_343 = arith.muli %scan3A_341, %mul3A_342 : i32
          %add3A_344 = arith.constant 0 : i32
          %add3A_345 = arith.addi %add3A_344, %mul3A_343 : i32
          %add3A_346 = arith.constant 0 : i32
          %add3A_347 = arith.addi %add3A_345, %add3A_346 : i32
          %mul3A_348 = arith.constant 80 : i32
          %mul3A_349 = arith.muli %add3A_239, %mul3A_348 : i32
          %add3A_350 = arith.addi %mul3A_349, %add3A_347 : i32
          %broadcast_in_dim3A = vector.broadcast %add3A_350 : i32 to vector<16xi32>
          %gather3A = tpu.vector_load_idx %arg10[%broadcast_in_dim3A] : memref<2000xf32, #tpu.memory_space<vmem>>[vector<16xi32>], vector<16xf32>,
          %get3A = arith.index_cast %add3A_347 : i32 to index
          %get3A_351 = arith.constant 0 : index
          %get3A_352 = tpu.vector_load %arg11[%get3A, %get3A_351] {strides = array<i32>} : memref<80x128xf32, #tpu.memory_space<vmem>>, vector<16xf32>,
          %mul3A_353 = arith.mulf %get3A_352, %gather3A : vector<16xf32>
          %swap3A = arith.index_cast %add3A_347 : i32 to index
          %swap3A_354 = arith.constant 0 : index
          %swap3A_355 = tpu.vector_load %arg11[%swap3A, %swap3A_354] {strides = array<i32>} : memref<80x128xf32, #tpu.memory_space<vmem>>, vector<16xf32>,
          tpu.vector_store %arg11[%swap3A, %swap3A_354], %mul3A_353 {strides = array<i32>} : memref<80x128xf32, #tpu.memory_space<vmem>>, vector<16xf32>,
          %get3A_356 = arith.index_cast %add3A_347 : i32 to index
          %get3A_357 = arith.constant 16 : index
          %get3A_358 = tpu.vector_load %arg11[%get3A_356, %get3A_357] {strides = array<i32>} : memref<80x128xf32, #tpu.memory_space<vmem>>, vector<16xf32>,
          %mul3A_359 = arith.mulf %get3A_358, %gather3A : vector<16xf32>
          %swap3A_360 = arith.index_cast %add3A_347 : i32 to index
          %swap3A_361 = arith.constant 16 : index
          %swap3A_362 = tpu.vector_load %arg11[%swap3A_360, %swap3A_361] {strides = array<i32>} : memref<80x128xf32, #tpu.memory_space<vmem>>, vector<16xf32>,
          tpu.vector_store %arg11[%swap3A_360, %swap3A_361], %mul3A_359 {strides = array<i32>} : memref<80x128xf32, #tpu.memory_space<vmem>>, vector<16xf32>,
          %get3A_363 = arith.index_cast %add3A_347 : i32 to index
          %get3A_364 = arith.constant 32 : index
          %get3A_365 = tpu.vector_load %arg11[%get3A_363, %get3A_364] {strides = array<i32>} : memref<80x128xf32, #tpu.memory_space<vmem>>, vector<16xf32>,
          %mul3A_366 = arith.mulf %get3A_365, %gather3A : vector<16xf32>
          %swap3A_367 = arith.index_cast %add3A_347 : i32 to index
          %swap3A_368 = arith.constant 32 : index
          %swap3A_369 = tpu.vector_load %arg11[%swap3A_367, %swap3A_368] {strides = array<i32>} : memref<80x128xf32, #tpu.memory_space<vmem>>, vector<16xf32>,
          tpu.vector_store %arg11[%swap3A_367, %swap3A_368], %mul3A_366 {strides = array<i32>} : memref<80x128xf32, #tpu.memory_space<vmem>>, vector<16xf32>,
          %get3A_370 = arith.index_cast %add3A_347 : i32 to index
          %get3A_371 = arith.constant 48 : index
          %get3A_372 = tpu.vector_load %arg11[%get3A_370, %get3A_371] {strides = array<i32>} : memref<80x128xf32, #tpu.memory_space<vmem>>, vector<16xf32>,
          %mul3A_373 = arith.mulf %get3A_372, %gather3A : vector<16xf32>
          %swap3A_374 = arith.index_cast %add3A_347 : i32 to index
          %swap3A_375 = arith.constant 48 : index
          %swap3A_376 = tpu.vector_load %arg11[%swap3A_374, %swap3A_375] {strides = array<i32>} : memref<80x128xf32, #tpu.memory_space<vmem>>, vector<16xf32>,
          tpu.vector_store %arg11[%swap3A_374, %swap3A_375], %mul3A_373 {strides = array<i32>} : memref<80x128xf32, #tpu.memory_space<vmem>>, vector<16xf32>,
          %get3A_377 = arith.index_cast %add3A_347 : i32 to index
          %get3A_378 = arith.constant 64 : index
          %get3A_379 = tpu.vector_load %arg11[%get3A_377, %get3A_378] {strides = array<i32>} : memref<80x128xf32, #tpu.memory_space<vmem>>, vector<16xf32>,
          %mul3A_380 = arith.mulf %get3A_379, %gather3A : vector<16xf32>
          %swap3A_381 = arith.index_cast %add3A_347 : i32 to index
          %swap3A_382 = arith.constant 64 : index
          %swap3A_383 = tpu.vector_load %arg11[%swap3A_381, %swap3A_382] {strides = array<i32>} : memref<80x128xf32, #tpu.memory_space<vmem>>, vector<16xf32>,
          tpu.vector_store %arg11[%swap3A_381, %swap3A_382], %mul3A_380 {strides = array<i32>} : memref<80x128xf32, #tpu.memory_space<vmem>>, vector<16xf32>,
          %get3A_384 = arith.index_cast %add3A_347 : i32 to index
          %get3A_385 = arith.constant 80 : index
          %get3A_386 = tpu.vector_load %arg11[%get3A_384, %get3A_385] {strides = array<i32>} : memref<80x128xf32, #tpu.memory_space<vmem>>, vector<16xf32>,
          %mul3A_387 = arith.mulf %get3A_386, %gather3A : vector<16xf32>
          %swap3A_388 = arith.index_cast %add3A_347 : i32 to index
          %swap3A_389 = arith.constant 80 : index
          %swap3A_390 = tpu.vector_load %arg11[%swap3A_388, %swap3A_389] {strides = array<i32>} : memref<80x128xf32, #tpu.memory_space<vmem>>, vector<16xf32>,
          tpu.vector_store %arg11[%swap3A_388, %swap3A_389], %mul3A_387 {strides = array<i32>} : memref<80x128xf32, #tpu.memory_space<vmem>>, vector<16xf32>,
          %get3A_391 = arith.index_cast %add3A_347 : i32 to index
          %get3A_392 = arith.constant 96 : index
          %get3A_393 = tpu.vector_load %arg11[%get3A_391, %get3A_392] {strides = array<i32>} : memref<80x128xf32, #tpu.memory_space<vmem>>, vector<16xf32>,
          %mul3A_394 = arith.mulf %get3A_393, %gather3A : vector<16xf32>
          %swap3A_395 = arith.index_cast %add3A_347 : i32 to index
          %swap3A_396 = arith.constant 96 : index
          %swap3A_397 = tpu.vector_load %arg11[%swap3A_395, %swap3A_396] {strides = array<i32>} : memref<80x128xf32, #tpu.memory_space<vmem>>, vector<16xf32>,
          tpu.vector_store %arg11[%swap3A_395, %swap3A_396], %mul3A_394 {strides = array<i32>} : memref<80x128xf32, #tpu.memory_space<vmem>>, vector<16xf32>,
          %get3A_398 = arith.index_cast %add3A_347 : i32 to index
          %get3A_399 = arith.constant 112 : index
          %get3A_400 = tpu.vector_load %arg11[%get3A_398, %get3A_399] {strides = array<i32>} : memref<80x128xf32, #tpu.memory_space<vmem>>, vector<16xf32>,
          %mul3A_401 = arith.mulf %get3A_400, %gather3A : vector<16xf32>
          %swap3A_402 = arith.index_cast %add3A_347 : i32 to index
          %swap3A_403 = arith.constant 112 : index
          %swap3A_404 = tpu.vector_load %arg11[%swap3A_402, %swap3A_403] {strides = array<i32>} : memref<80x128xf32, #tpu.memory_space<vmem>>, vector<16xf32>,
          tpu.vector_store %arg11[%swap3A_402, %swap3A_403], %mul3A_401 {strides = array<i32>} : memref<80x128xf32, #tpu.memory_space<vmem>>, vector<16xf32>,
          %add3A_405 = arith.constant 1 : i32
          %add3A_406 = arith.addi %add3A_345, %add3A_405 : i32
          %mul3A_407 = arith.constant 80 : i32
          %mul3A_408 = arith.muli %add3A_239, %mul3A_407 : i32
          %add3A_409 = arith.addi %mul3A_408, %add3A_406 : i32
          %broadcast_in_dim3A_410 = vector.broadcast %add3A_409 : i32 to vector<16xi32>
          %gather3A_411 = tpu.vector_load_idx %arg10[%broadcast_in_dim3A_410] : memref<2000xf32, #tpu.memory_space<vmem>>[vector<16xi32>], vector<16xf32>,
          %get3A_412 = arith.index_cast %add3A_406 : i32 to index
          %get3A_413 = arith.constant 0 : index
          %get3A_414 = tpu.vector_load %arg11[%get3A_412, %get3A_413] {strides = array<i32>} : memref<80x128xf32, #tpu.memory_space<vmem>>, vector<16xf32>,
          %mul3A_415 = arith.mulf %get3A_414, %gather3A_411 : vector<16xf32>
          %swap3A_416 = arith.index_cast %add3A_406 : i32 to index
          %swap3A_417 = arith.constant 0 : index
          %swap3A_418 = tpu.vector_load %arg11[%swap3A_416, %swap3A_417] {strides = array<i32>} : memref<80x128xf32, #tpu.memory_space<vmem>>, vector<16xf32>,
          tpu.vector_store %arg11[%swap3A_416, %swap3A_417], %mul3A_415 {strides = array<i32>} : memref<80x128xf32, #tpu.memory_space<vmem>>, vector<16xf32>,
          %get3A_419 = arith.index_cast %add3A_406 : i32 to index
          %get3A_420 = arith.constant 16 : index
          %get3A_421 = tpu.vector_load %arg11[%get3A_419, %get3A_420] {strides = array<i32>} : memref<80x128xf32, #tpu.memory_space<vmem>>, vector<16xf32>,
          %mul3A_422 = arith.mulf %get3A_421, %gather3A_411 : vector<16xf32>
          %swap3A_423 = arith.index_cast %add3A_406 : i32 to index
          %swap3A_424 = arith.constant 16 : index
          %swap3A_425 = tpu.vector_load %arg11[%swap3A_423, %swap3A_424] {strides = array<i32>} : memref<80x128xf32, #tpu.memory_space<vmem>>, vector<16xf32>,
          tpu.vector_store %arg11[%swap3A_423, %swap3A_424], %mul3A_422 {strides = array<i32>} : memref<80x128xf32, #tpu.memory_space<vmem>>, vector<16xf32>,
          %get3A_426 = arith.index_cast %add3A_406 : i32 to index
          %get3A_427 = arith.constant 32 : index
          %get3A_428 = tpu.vector_load %arg11[%get3A_426, %get3A_427] {strides = array<i32>} : memref<80x128xf32, #tpu.memory_space<vmem>>, vector<16xf32>,
          %mul3A_429 = arith.mulf %get3A_428, %gather3A_411 : vector<16xf32>
          %swap3A_430 = arith.index_cast %add3A_406 : i32 to index
          %swap3A_431 = arith.constant 32 : index
          %swap3A_432 = tpu.vector_load %arg11[%swap3A_430, %swap3A_431] {strides = array<i32>} : memref<80x128xf32, #tpu.memory_space<vmem>>, vector<16xf32>,
          tpu.vector_store %arg11[%swap3A_430, %swap3A_431], %mul3A_429 {strides = array<i32>} : memref<80x128xf32, #tpu.memory_space<vmem>>, vector<16xf32>,
          %get3A_433 = arith.index_cast %add3A_406 : i32 to index
          %get3A_434 = arith.constant 48 : index
          %get3A_435 = tpu.vector_load %arg11[%get3A_433, %get3A_434] {strides = array<i32>} : memref<80x128xf32, #tpu.memory_space<vmem>>, vector<16xf32>,
          %mul3A_436 = arith.mulf %get3A_435, %gather3A_411 : vector<16xf32>
          %swap3A_437 = arith.index_cast %add3A_406 : i32 to index
          %swap3A_438 = arith.constant 48 : index
          %swap3A_439 = tpu.vector_load %arg11[%swap3A_437, %swap3A_438] {strides = array<i32>} : memref<80x128xf32, #tpu.memory_space<vmem>>, vector<16xf32>,
          tpu.vector_store %arg11[%swap3A_437, %swap3A_438], %mul3A_436 {strides = array<i32>} : memref<80x128xf32, #tpu.memory_space<vmem>>, vector<16xf32>,
          %get3A_440 = arith.index_cast %add3A_406 : i32 to index
          %get3A_441 = arith.constant 64 : index
          %get3A_442 = tpu.vector_load %arg11[%get3A_440, %get3A_441] {strides = array<i32>} : memref<80x128xf32, #tpu.memory_space<vmem>>, vector<16xf32>,
          %mul3A_443 = arith.mulf %get3A_442, %gather3A_411 : vector<16xf32>
          %swap3A_444 = arith.index_cast %add3A_406 : i32 to index
          %swap3A_445 = arith.constant 64 : index
          %swap3A_446 = tpu.vector_load %arg11[%swap3A_444, %swap3A_445] {strides = array<i32>} : memref<80x128xf32, #tpu.memory_space<vmem>>, vector<16xf32>,
          tpu.vector_store %arg11[%swap3A_444, %swap3A_445], %mul3A_443 {strides = array<i32>} : memref<80x128xf32, #tpu.memory_space<vmem>>, vector<16xf32>,
          %get3A_447 = arith.index_cast %add3A_406 : i32 to index
          %get3A_448 = arith.constant 80 : index
          %get3A_449 = tpu.vector_load %arg11[%get3A_447, %get3A_448] {strides = array<i32>} : memref<80x128xf32, #tpu.memory_space<vmem>>, vector<16xf32>,
          %mul3A_450 = arith.mulf %get3A_449, %gather3A_411 : vector<16xf32>
          %swap3A_451 = arith.index_cast %add3A_406 : i32 to index
          %swap3A_452 = arith.constant 80 : index
          %swap3A_453 = tpu.vector_load %arg11[%swap3A_451, %swap3A_452] {strides = array<i32>} : memref<80x128xf32, #tpu.memory_space<vmem>>, vector<16xf32>,
          tpu.vector_store %arg11[%swap3A_451, %swap3A_452], %mul3A_450 {strides = array<i32>} : memref<80x128xf32, #tpu.memory_space<vmem>>, vector<16xf32>,
          %get3A_454 = arith.index_cast %add3A_406 : i32 to index
          %get3A_455 = arith.constant 96 : index
          %get3A_456 = tpu.vector_load %arg11[%get3A_454, %get3A_455] {strides = array<i32>} : memref<80x128xf32, #tpu.memory_space<vmem>>, vector<16xf32>,
          %mul3A_457 = arith.mulf %get3A_456, %gather3A_411 : vector<16xf32>
          %swap3A_458 = arith.index_cast %add3A_406 : i32 to index
          %swap3A_459 = arith.constant 96 : index
          %swap3A_460 = tpu.vector_load %arg11[%swap3A_458, %swap3A_459] {strides = array<i32>} : memref<80x128xf32, #tpu.memory_space<vmem>>, vector<16xf32>,
          tpu.vector_store %arg11[%swap3A_458, %swap3A_459], %mul3A_457 {strides = array<i32>} : memref<80x128xf32, #tpu.memory_space<vmem>>, vector<16xf32>,
          %get3A_461 = arith.index_cast %add3A_406 : i32 to index
          %get3A_462 = arith.constant 112 : index
          %get3A_463 = tpu.vector_load %arg11[%get3A_461, %get3A_462] {strides = array<i32>} : memref<80x128xf32, #tpu.memory_space<vmem>>, vector<16xf32>,
          %mul3A_464 = arith.mulf %get3A_463, %gather3A_411 : vector<16xf32>
          %swap3A_465 = arith.index_cast %add3A_406 : i32 to index
          %swap3A_466 = arith.constant 112 : index
          %swap3A_467 = tpu.vector_load %arg11[%swap3A_465, %swap3A_466] {strides = array<i32>} : memref<80x128xf32, #tpu.memory_space<vmem>>, vector<16xf32>,
          tpu.vector_store %arg11[%swap3A_465, %swap3A_466], %mul3A_464 {strides = array<i32>} : memref<80x128xf32, #tpu.memory_space<vmem>>, vector<16xf32>,
          %add3A_468 = arith.constant 2 : i32
          %add3A_469 = arith.addi %add3A_345, %add3A_468 : i32
          %mul3A_470 = arith.constant 80 : i32
          %mul3A_471 = arith.muli %add3A_239, %mul3A_470 : i32
          %add3A_472 = arith.addi %mul3A_471, %add3A_469 : i32
          %broadcast_in_dim3A_473 = vector.broadcast %add3A_472 : i32 to vector<16xi32>
          %gather3A_474 = tpu.vector_load_idx %arg10[%broadcast_in_dim3A_473] : memref<2000xf32, #tpu.memory_space<vmem>>[vector<16xi32>], vector<16xf32>,
          %get3A_475 = arith.index_cast %add3A_469 : i32 to index
          %get3A_476 = arith.constant 0 : index
          %get3A_477 = tpu.vector_load %arg11[%get3A_475, %get3A_476] {strides = array<i32>} : memref<80x128xf32, #tpu.memory_space<vmem>>, vector<16xf32>,
          %mul3A_478 = arith.mulf %get3A_477, %gather3A_474 : vector<16xf32>
          %swap3A_479 = arith.index_cast %add3A_469 : i32 to index
          %swap3A_480 = arith.constant 0 : index
          %swap3A_481 = tpu.vector_load %arg11[%swap3A_479, %swap3A_480] {strides = array<i32>} : memref<80x128xf32, #tpu.memory_space<vmem>>, vector<16xf32>,
          tpu.vector_store %arg11[%swap3A_479, %swap3A_480], %mul3A_478 {strides = array<i32>} : memref<80x128xf32, #tpu.memory_space<vmem>>, vector<16xf32>,
          %get3A_482 = arith.index_cast %add3A_469 : i32 to index
          %get3A_483 = arith.constant 16 : index
          %get3A_484 = tpu.vector_load %arg11[%get3A_482, %get3A_483] {strides = array<i32>} : memref<80x128xf32, #tpu.memory_space<vmem>>, vector<16xf32>,
          %mul3A_485 = arith.mulf %get3A_484, %gather3A_474 : vector<16xf32>
          %swap3A_486 = arith.index_cast %add3A_469 : i32 to index
          %swap3A_487 = arith.constant 16 : index
          %swap3A_488 = tpu.vector_load %arg11[%swap3A_486, %swap3A_487] {strides = array<i32>} : memref<80x128xf32, #tpu.memory_space<vmem>>, vector<16xf32>,
          tpu.vector_store %arg11[%swap3A_486, %swap3A_487], %mul3A_485 {strides = array<i32>} : memref<80x128xf32, #tpu.memory_space<vmem>>, vector<16xf32>,
          %get3A_489 = arith.index_cast %add3A_469 : i32 to index
          %get3A_490 = arith.constant 32 : index
          %get3A_491 = tpu.vector_load %arg11[%get3A_489, %get3A_490] {strides = array<i32>} : memref<80x128xf32, #tpu.memory_space<vmem>>, vector<16xf32>,
          %mul3A_492 = arith.mulf %get3A_491, %gather3A_474 : vector<16xf32>
          %swap3A_493 = arith.index_cast %add3A_469 : i32 to index
          %swap3A_494 = arith.constant 32 : index
          %swap3A_495 = tpu.vector_load %arg11[%swap3A_493, %swap3A_494] {strides = array<i32>} : memref<80x128xf32, #tpu.memory_space<vmem>>, vector<16xf32>,
          tpu.vector_store %arg11[%swap3A_493, %swap3A_494], %mul3A_492 {strides = array<i32>} : memref<80x128xf32, #tpu.memory_space<vmem>>, vector<16xf32>,
          %get3A_496 = arith.index_cast %add3A_469 : i32 to index
          %get3A_497 = arith.constant 48 : index
          %get3A_498 = tpu.vector_load %arg11[%get3A_496, %get3A_497] {strides = array<i32>} : memref<80x128xf32, #tpu.memory_space<vmem>>, vector<16xf32>,
          %mul3A_499 = arith.mulf %get3A_498, %gather3A_474 : vector<16xf32>
          %swap3A_500 = arith.index_cast %add3A_469 : i32 to index
          %swap3A_501 = arith.constant 48 : index
          %swap3A_502 = tpu.vector_load %arg11[%swap3A_500, %swap3A_501] {strides = array<i32>} : memref<80x128xf32, #tpu.memory_space<vmem>>, vector<16xf32>,
          tpu.vector_store %arg11[%swap3A_500, %swap3A_501], %mul3A_499 {strides = array<i32>} : memref<80x128xf32, #tpu.memory_space<vmem>>, vector<16xf32>,
          %get3A_503 = arith.index_cast %add3A_469 : i32 to index
          %get3A_504 = arith.constant 64 : index
          %get3A_505 = tpu.vector_load %arg11[%get3A_503, %get3A_504] {strides = array<i32>} : memref<80x128xf32, #tpu.memory_space<vmem>>, vector<16xf32>,
          %mul3A_506 = arith.mulf %get3A_505, %gather3A_474 : vector<16xf32>
          %swap3A_507 = arith.index_cast %add3A_469 : i32 to index
          %swap3A_508 = arith.constant 64 : index
          %swap3A_509 = tpu.vector_load %arg11[%swap3A_507, %swap3A_508] {strides = array<i32>} : memref<80x128xf32, #tpu.memory_space<vmem>>, vector<16xf32>,
          tpu.vector_store %arg11[%swap3A_507, %swap3A_508], %mul3A_506 {strides = array<i32>} : memref<80x128xf32, #tpu.memory_space<vmem>>, vector<16xf32>,
          %get3A_510 = arith.index_cast %add3A_469 : i32 to index
          %get3A_511 = arith.constant 80 : index
          %get3A_512 = tpu.vector_load %arg11[%get3A_510, %get3A_511] {strides = array<i32>} : memref<80x128xf32, #tpu.memory_space<vmem>>, vector<16xf32>,
          %mul3A_513 = arith.mulf %get3A_512, %gather3A_474 : vector<16xf32>
          %swap3A_514 = arith.index_cast %add3A_469 : i32 to index
          %swap3A_515 = arith.constant 80 : index
          %swap3A_516 = tpu.vector_load %arg11[%swap3A_514, %swap3A_515] {strides = array<i32>} : memref<80x128xf32, #tpu.memory_space<vmem>>, vector<16xf32>,
          tpu.vector_store %arg11[%swap3A_514, %swap3A_515], %mul3A_513 {strides = array<i32>} : memref<80x128xf32, #tpu.memory_space<vmem>>, vector<16xf32>,
          %get3A_517 = arith.index_cast %add3A_469 : i32 to index
          %get3A_518 = arith.constant 96 : index
          %get3A_519 = tpu.vector_load %arg11[%get3A_517, %get3A_518] {strides = array<i32>} : memref<80x128xf32, #tpu.memory_space<vmem>>, vector<16xf32>,
          %mul3A_520 = arith.mulf %get3A_519, %gather3A_474 : vector<16xf32>
          %swap3A_521 = arith.index_cast %add3A_469 : i32 to index
          %swap3A_522 = arith.constant 96 : index
          %swap3A_523 = tpu.vector_load %arg11[%swap3A_521, %swap3A_522] {strides = array<i32>} : memref<80x128xf32, #tpu.memory_space<vmem>>, vector<16xf32>,
          tpu.vector_store %arg11[%swap3A_521, %swap3A_522], %mul3A_520 {strides = array<i32>} : memref<80x128xf32, #tpu.memory_space<vmem>>, vector<16xf32>,
          %get3A_524 = arith.index_cast %add3A_469 : i32 to index
          %get3A_525 = arith.constant 112 : index
          %get3A_526 = tpu.vector_load %arg11[%get3A_524, %get3A_525] {strides = array<i32>} : memref<80x128xf32, #tpu.memory_space<vmem>>, vector<16xf32>,
          %mul3A_527 = arith.mulf %get3A_526, %gather3A_474 : vector<16xf32>
          %swap3A_528 = arith.index_cast %add3A_469 : i32 to index
          %swap3A_529 = arith.constant 112 : index
          %swap3A_530 = tpu.vector_load %arg11[%swap3A_528, %swap3A_529] {strides = array<i32>} : memref<80x128xf32, #tpu.memory_space<vmem>>, vector<16xf32>,
          tpu.vector_store %arg11[%swap3A_528, %swap3A_529], %mul3A_527 {strides = array<i32>} : memref<80x128xf32, #tpu.memory_space<vmem>>, vector<16xf32>,
          %add3A_531 = arith.constant 3 : i32
          %add3A_532 = arith.addi %add3A_345, %add3A_531 : i32
          %mul3A_533 = arith.constant 80 : i32
          %mul3A_534 = arith.muli %add3A_239, %mul3A_533 : i32
          %add3A_535 = arith.addi %mul3A_534, %add3A_532 : i32
          %broadcast_in_dim3A_536 = vector.broadcast %add3A_535 : i32 to vector<16xi32>
          %gather3A_537 = tpu.vector_load_idx %arg10[%broadcast_in_dim3A_536] : memref<2000xf32, #tpu.memory_space<vmem>>[vector<16xi32>], vector<16xf32>,
          %get3A_538 = arith.index_cast %add3A_532 : i32 to index
          %get3A_539 = arith.constant 0 : index
          %get3A_540 = tpu.vector_load %arg11[%get3A_538, %get3A_539] {strides = array<i32>} : memref<80x128xf32, #tpu.memory_space<vmem>>, vector<16xf32>,
          %mul3A_541 = arith.mulf %get3A_540, %gather3A_537 : vector<16xf32>
          %swap3A_542 = arith.index_cast %add3A_532 : i32 to index
          %swap3A_543 = arith.constant 0 : index
          %swap3A_544 = tpu.vector_load %arg11[%swap3A_542, %swap3A_543] {strides = array<i32>} : memref<80x128xf32, #tpu.memory_space<vmem>>, vector<16xf32>,
          tpu.vector_store %arg11[%swap3A_542, %swap3A_543], %mul3A_541 {strides = array<i32>} : memref<80x128xf32, #tpu.memory_space<vmem>>, vector<16xf32>,
          %get3A_545 = arith.index_cast %add3A_532 : i32 to index
          %get3A_546 = arith.constant 16 : index
          %get3A_547 = tpu.vector_load %arg11[%get3A_545, %get3A_546] {strides = array<i32>} : memref<80x128xf32, #tpu.memory_space<vmem>>, vector<16xf32>,
          %mul3A_548 = arith.mulf %get3A_547, %gather3A_537 : vector<16xf32>
          %swap3A_549 = arith.index_cast %add3A_532 : i32 to index
          %swap3A_550 = arith.constant 16 : index
          %swap3A_551 = tpu.vector_load %arg11[%swap3A_549, %swap3A_550] {strides = array<i32>} : memref<80x128xf32, #tpu.memory_space<vmem>>, vector<16xf32>,
          tpu.vector_store %arg11[%swap3A_549, %swap3A_550], %mul3A_548 {strides = array<i32>} : memref<80x128xf32, #tpu.memory_space<vmem>>, vector<16xf32>,
          %get3A_552 = arith.index_cast %add3A_532 : i32 to index
          %get3A_553 = arith.constant 32 : index
          %get3A_554 = tpu.vector_load %arg11[%get3A_552, %get3A_553] {strides = array<i32>} : memref<80x128xf32, #tpu.memory_space<vmem>>, vector<16xf32>,
          %mul3A_555 = arith.mulf %get3A_554, %gather3A_537 : vector<16xf32>
          %swap3A_556 = arith.index_cast %add3A_532 : i32 to index
          %swap3A_557 = arith.constant 32 : index
          %swap3A_558 = tpu.vector_load %arg11[%swap3A_556, %swap3A_557] {strides = array<i32>} : memref<80x128xf32, #tpu.memory_space<vmem>>, vector<16xf32>,
          tpu.vector_store %arg11[%swap3A_556, %swap3A_557], %mul3A_555 {strides = array<i32>} : memref<80x128xf32, #tpu.memory_space<vmem>>, vector<16xf32>,
          %get3A_559 = arith.index_cast %add3A_532 : i32 to index
          %get3A_560 = arith.constant 48 : index
          %get3A_561 = tpu.vector_load %arg11[%get3A_559, %get3A_560] {strides = array<i32>} : memref<80x128xf32, #tpu.memory_space<vmem>>, vector<16xf32>,
          %mul3A_562 = arith.mulf %get3A_561, %gather3A_537 : vector<16xf32>
          %swap3A_563 = arith.index_cast %add3A_532 : i32 to index
          %swap3A_564 = arith.constant 48 : index
          %swap3A_565 = tpu.vector_load %arg11[%swap3A_563, %swap3A_564] {strides = array<i32>} : memref<80x128xf32, #tpu.memory_space<vmem>>, vector<16xf32>,
          tpu.vector_store %arg11[%swap3A_563, %swap3A_564], %mul3A_562 {strides = array<i32>} : memref<80x128xf32, #tpu.memory_space<vmem>>, vector<16xf32>,
          %get3A_566 = arith.index_cast %add3A_532 : i32 to index
          %get3A_567 = arith.constant 64 : index
          %get3A_568 = tpu.vector_load %arg11[%get3A_566, %get3A_567] {strides = array<i32>} : memref<80x128xf32, #tpu.memory_space<vmem>>, vector<16xf32>,
          %mul3A_569 = arith.mulf %get3A_568, %gather3A_537 : vector<16xf32>
          %swap3A_570 = arith.index_cast %add3A_532 : i32 to index
          %swap3A_571 = arith.constant 64 : index
          %swap3A_572 = tpu.vector_load %arg11[%swap3A_570, %swap3A_571] {strides = array<i32>} : memref<80x128xf32, #tpu.memory_space<vmem>>, vector<16xf32>,
          tpu.vector_store %arg11[%swap3A_570, %swap3A_571], %mul3A_569 {strides = array<i32>} : memref<80x128xf32, #tpu.memory_space<vmem>>, vector<16xf32>,
          %get3A_573 = arith.index_cast %add3A_532 : i32 to index
          %get3A_574 = arith.constant 80 : index
          %get3A_575 = tpu.vector_load %arg11[%get3A_573, %get3A_574] {strides = array<i32>} : memref<80x128xf32, #tpu.memory_space<vmem>>, vector<16xf32>,
          %mul3A_576 = arith.mulf %get3A_575, %gather3A_537 : vector<16xf32>
          %swap3A_577 = arith.index_cast %add3A_532 : i32 to index
          %swap3A_578 = arith.constant 80 : index
          %swap3A_579 = tpu.vector_load %arg11[%swap3A_577, %swap3A_578] {strides = array<i32>} : memref<80x128xf32, #tpu.memory_space<vmem>>, vector<16xf32>,
          tpu.vector_store %arg11[%swap3A_577, %swap3A_578], %mul3A_576 {strides = array<i32>} : memref<80x128xf32, #tpu.memory_space<vmem>>, vector<16xf32>,
          %get3A_580 = arith.index_cast %add3A_532 : i32 to index
          %get3A_581 = arith.constant 96 : index
          %get3A_582 = tpu.vector_load %arg11[%get3A_580, %get3A_581] {strides = array<i32>} : memref<80x128xf32, #tpu.memory_space<vmem>>, vector<16xf32>,
          %mul3A_583 = arith.mulf %get3A_582, %gather3A_537 : vector<16xf32>
          %swap3A_584 = arith.index_cast %add3A_532 : i32 to index
          %swap3A_585 = arith.constant 96 : index
          %swap3A_586 = tpu.vector_load %arg11[%swap3A_584, %swap3A_585] {strides = array<i32>} : memref<80x128xf32, #tpu.memory_space<vmem>>, vector<16xf32>,
          tpu.vector_store %arg11[%swap3A_584, %swap3A_585], %mul3A_583 {strides = array<i32>} : memref<80x128xf32, #tpu.memory_space<vmem>>, vector<16xf32>,
          %get3A_587 = arith.index_cast %add3A_532 : i32 to index
          %get3A_588 = arith.constant 112 : index
          %get3A_589 = tpu.vector_load %arg11[%get3A_587, %get3A_588] {strides = array<i32>} : memref<80x128xf32, #tpu.memory_space<vmem>>, vector<16xf32>,
          %mul3A_590 = arith.mulf %get3A_589, %gather3A_537 : vector<16xf32>
          %swap3A_591 = arith.index_cast %add3A_532 : i32 to index
          %swap3A_592 = arith.constant 112 : index
          %swap3A_593 = tpu.vector_load %arg11[%swap3A_591, %swap3A_592] {strides = array<i32>} : memref<80x128xf32, #tpu.memory_space<vmem>>, vector<16xf32>,
          tpu.vector_store %arg11[%swap3A_591, %swap3A_592], %mul3A_590 {strides = array<i32>} : memref<80x128xf32, #tpu.memory_space<vmem>>, vector<16xf32>,
        }
        %scan3A_249 = arith.constant 20 : i32
        %dma_start3A_250 = arith.constant 0 : i32
        %dma_start3A_251 = tpu.memref_slice %arg9[%add3A_239, %dma_start3A_250] : memref<25x80xi32, #tpu.memory_space<vmem>> -> memref<1x80xi32, #tpu.memory_space<vmem>>
        %dma_start3A_252 = tpu.memref_squeeze %dma_start3A_251 : memref<1x80xi32, #tpu.memory_space<vmem>> -> memref<80xi32, #tpu.memory_space<vmem>>
        %dma_start3A_253 = arith.constant 0 : i32
        %dma_start3A_254 = arith.constant 0 : i32
        %dma_start3A_255 = tpu.memref_slice %arg7[%dma_start3A_253, %dma_start3A_254] : memref<10240x128xf32, #tpu.memory_space<vmem_shared>> -> memref<10240x128xf32, #tpu.memory_space<vmem_shared>>
        tpu.enqueue_indirect_dma source(%arg11 : memref<80x128xf32, #tpu.memory_space<vmem>>) target(%dma_start3A_255 : memref<10240x128xf32, #tpu.memory_space<vmem_shared>>) offsets(%dma_start3A_252 : memref<80xi32, #tpu.memory_space<vmem>>) semaphore(%arg19 : memref<!tpu.dma_semaphore, #tpu.memory_space<semaphore_mem>>) {add = true}
        %add3A_256 = arith.constant 3 : i32
        %add3A_257 = arith.addi %add3A_239, %add3A_256 : i32
        %lt3A = arith.constant 25 : i32
        %lt3A_258 = arith.cmpi slt, %add3A_257, %lt3A : i32
        %convert_element_type3A = arith.extui %lt3A_258 : i1 to i32
        %cond3A = arith.constant 0 : i32
        %cond3A_259 = arith.cmpi ne, %convert_element_type3A, %cond3A : i32
        scf.if %cond3A_259 {
          %ge3A = arith.constant 4 : i32
          %ge3A_341 = arith.cmpi sge, %add3A_257, %ge3A : i32
          %convert_element_type3A_342 = arith.extui %ge3A_341 : i1 to i32
          %cond3A_343 = arith.constant 0 : i32
          %cond3A_344 = arith.cmpi ne, %convert_element_type3A_342, %cond3A_343 : i32
          scf.if %cond3A_344 {
            %dma_wait3A_351 = arith.constant 0 : i32
            %dma_wait3A_352 = arith.constant 0 : i32
            %dma_wait3A_353 = tpu.memref_slice %arg9[%dma_wait3A_351, %dma_wait3A_352] : memref<25x80xi32, #tpu.memory_space<vmem>> -> memref<1x80xi32, #tpu.memory_space<vmem>>
            %dma_wait3A_354 = tpu.memref_squeeze %dma_wait3A_353 : memref<1x80xi32, #tpu.memory_space<vmem>> -> memref<80xi32, #tpu.memory_space<vmem>>
            %dma_wait3A_355 = arith.constant 0 : i32
            %dma_wait3A_356 = arith.constant 0 : i32
            %dma_wait3A_357 = tpu.memref_slice %arg7[%dma_wait3A_355, %dma_wait3A_356] : memref<10240x128xf32, #tpu.memory_space<vmem_shared>> -> memref<10240x128xf32, #tpu.memory_space<vmem_shared>>
            tpu.wait_indirect_dma semaphore(%arg22 : memref<!tpu.dma_semaphore, #tpu.memory_space<semaphore_mem>>) src(%arg14 : memref<80x128xf32, #tpu.memory_space<vmem>>) dst(%dma_wait3A_357 : memref<10240x128xf32, #tpu.memory_space<vmem_shared>>)
          } else {
          }
          %mul3A_345 = arith.constant 80 : i32
          %mul3A_346 = arith.muli %add3A_257, %mul3A_345 : i32
          %dma_start3A_347 = tpu.memref_slice %arg8[%mul3A_346] : memref<2000xi32, #tpu.memory_space<vmem>> -> memref<80xi32, #tpu.memory_space<vmem>>
          %dma_start3A_348 = arith.constant 0 : i32
          %dma_start3A_349 = arith.constant 0 : i32
          %dma_start3A_350 = tpu.memref_slice %arg2[%dma_start3A_348, %dma_start3A_349] : memref<10000x128xf32, #tpu.memory_space<hbm>> -> memref<10000x128xf32, #tpu.memory_space<hbm>>
          tpu.enqueue_indirect_dma source(%dma_start3A_350 : memref<10000x128xf32, #tpu.memory_space<hbm>>) target(%arg14 : memref<80x128xf32, #tpu.memory_space<vmem>>) offsets(%dma_start3A_347 : memref<80xi32, #tpu.memory_space<vmem>>) semaphore(%arg18 : memref<!tpu.dma_semaphore, #tpu.memory_space<semaphore_mem>>)
        } else {
        }
        %mul3A_260 = arith.constant 4 : i32
        %mul3A_261 = arith.muli %add3A_235, %mul3A_260 : i32
        %add3A_262 = arith.constant 1 : i32
        %add3A_263 = arith.addi %mul3A_261, %add3A_262 : i32
        %dma_wait3A_264 = arith.constant 0 : i32
        %dma_wait3A_265 = tpu.memref_slice %arg8[%dma_wait3A_264] : memref<2000xi32, #tpu.memory_space<vmem>> -> memref<80xi32, #tpu.memory_space<vmem>>
        %dma_wait3A_266 = arith.constant 0 : i32
        %dma_wait3A_267 = arith.constant 0 : i32
        %dma_wait3A_268 = tpu.memref_slice %arg2[%dma_wait3A_266, %dma_wait3A_267] : memref<10000x128xf32, #tpu.memory_space<hbm>> -> memref<10000x128xf32, #tpu.memory_space<hbm>>
        tpu.wait_indirect_dma semaphore(%arg16 : memref<!tpu.dma_semaphore, #tpu.memory_space<semaphore_mem>>) src(%dma_wait3A_268 : memref<10000x128xf32, #tpu.memory_space<hbm>>) dst(%arg12 : memref<80x128xf32, #tpu.memory_space<vmem>>)
        %scan3A_269 = arith.constant 0 : i32
        %scan3A_270 = arith.constant 20 : i32
        %scan3A_271 = arith.addi %scan3A_269, %scan3A_270 : i32
        %scan3A_272 = arith.constant 1 : i32
        scf.for %scan3A_341 = %scan3A_269 to %scan3A_271 step %scan3A_272  : i32 {
          %mul3A_342 = arith.constant 4 : i32
          %mul3A_343 = arith.muli %scan3A_341, %mul3A_342 : i32
          %add3A_344 = arith.constant 0 : i32
          %add3A_345 = arith.addi %add3A_344, %mul3A_343 : i32
          %add3A_346 = arith.constant 0 : i32
          %add3A_347 = arith.addi %add3A_345, %add3A_346 : i32
          %mul3A_348 = arith.constant 80 : i32
          %mul3A_349 = arith.muli %add3A_263, %mul3A_348 : i32
          %add3A_350 = arith.addi %mul3A_349, %add3A_347 : i32
          %broadcast_in_dim3A = vector.broadcast %add3A_350 : i32 to vector<16xi32>
          %gather3A = tpu.vector_load_idx %arg10[%broadcast_in_dim3A] : memref<2000xf32, #tpu.memory_space<vmem>>[vector<16xi32>], vector<16xf32>,
          %get3A = arith.index_cast %add3A_347 : i32 to index
          %get3A_351 = arith.constant 0 : index
          %get3A_352 = tpu.vector_load %arg12[%get3A, %get3A_351] {strides = array<i32>} : memref<80x128xf32, #tpu.memory_space<vmem>>, vector<16xf32>,
          %mul3A_353 = arith.mulf %get3A_352, %gather3A : vector<16xf32>
          %swap3A = arith.index_cast %add3A_347 : i32 to index
          %swap3A_354 = arith.constant 0 : index
          %swap3A_355 = tpu.vector_load %arg12[%swap3A, %swap3A_354] {strides = array<i32>} : memref<80x128xf32, #tpu.memory_space<vmem>>, vector<16xf32>,
          tpu.vector_store %arg12[%swap3A, %swap3A_354], %mul3A_353 {strides = array<i32>} : memref<80x128xf32, #tpu.memory_space<vmem>>, vector<16xf32>,
          %get3A_356 = arith.index_cast %add3A_347 : i32 to index
          %get3A_357 = arith.constant 16 : index
          %get3A_358 = tpu.vector_load %arg12[%get3A_356, %get3A_357] {strides = array<i32>} : memref<80x128xf32, #tpu.memory_space<vmem>>, vector<16xf32>,
          %mul3A_359 = arith.mulf %get3A_358, %gather3A : vector<16xf32>
          %swap3A_360 = arith.index_cast %add3A_347 : i32 to index
          %swap3A_361 = arith.constant 16 : index
          %swap3A_362 = tpu.vector_load %arg12[%swap3A_360, %swap3A_361] {strides = array<i32>} : memref<80x128xf32, #tpu.memory_space<vmem>>, vector<16xf32>,
          tpu.vector_store %arg12[%swap3A_360, %swap3A_361], %mul3A_359 {strides = array<i32>} : memref<80x128xf32, #tpu.memory_space<vmem>>, vector<16xf32>,
          %get3A_363 = arith.index_cast %add3A_347 : i32 to index
          %get3A_364 = arith.constant 32 : index
          %get3A_365 = tpu.vector_load %arg12[%get3A_363, %get3A_364] {strides = array<i32>} : memref<80x128xf32, #tpu.memory_space<vmem>>, vector<16xf32>,
          %mul3A_366 = arith.mulf %get3A_365, %gather3A : vector<16xf32>
          %swap3A_367 = arith.index_cast %add3A_347 : i32 to index
          %swap3A_368 = arith.constant 32 : index
          %swap3A_369 = tpu.vector_load %arg12[%swap3A_367, %swap3A_368] {strides = array<i32>} : memref<80x128xf32, #tpu.memory_space<vmem>>, vector<16xf32>,
          tpu.vector_store %arg12[%swap3A_367, %swap3A_368], %mul3A_366 {strides = array<i32>} : memref<80x128xf32, #tpu.memory_space<vmem>>, vector<16xf32>,
          %get3A_370 = arith.index_cast %add3A_347 : i32 to index
          %get3A_371 = arith.constant 48 : index
          %get3A_372 = tpu.vector_load %arg12[%get3A_370, %get3A_371] {strides = array<i32>} : memref<80x128xf32, #tpu.memory_space<vmem>>, vector<16xf32>,
          %mul3A_373 = arith.mulf %get3A_372, %gather3A : vector<16xf32>
          %swap3A_374 = arith.index_cast %add3A_347 : i32 to index
          %swap3A_375 = arith.constant 48 : index
          %swap3A_376 = tpu.vector_load %arg12[%swap3A_374, %swap3A_375] {strides = array<i32>} : memref<80x128xf32, #tpu.memory_space<vmem>>, vector<16xf32>,
          tpu.vector_store %arg12[%swap3A_374, %swap3A_375], %mul3A_373 {strides = array<i32>} : memref<80x128xf32, #tpu.memory_space<vmem>>, vector<16xf32>,
          %get3A_377 = arith.index_cast %add3A_347 : i32 to index
          %get3A_378 = arith.constant 64 : index
          %get3A_379 = tpu.vector_load %arg12[%get3A_377, %get3A_378] {strides = array<i32>} : memref<80x128xf32, #tpu.memory_space<vmem>>, vector<16xf32>,
          %mul3A_380 = arith.mulf %get3A_379, %gather3A : vector<16xf32>
          %swap3A_381 = arith.index_cast %add3A_347 : i32 to index
          %swap3A_382 = arith.constant 64 : index
          %swap3A_383 = tpu.vector_load %arg12[%swap3A_381, %swap3A_382] {strides = array<i32>} : memref<80x128xf32, #tpu.memory_space<vmem>>, vector<16xf32>,
          tpu.vector_store %arg12[%swap3A_381, %swap3A_382], %mul3A_380 {strides = array<i32>} : memref<80x128xf32, #tpu.memory_space<vmem>>, vector<16xf32>,
          %get3A_384 = arith.index_cast %add3A_347 : i32 to index
          %get3A_385 = arith.constant 80 : index
          %get3A_386 = tpu.vector_load %arg12[%get3A_384, %get3A_385] {strides = array<i32>} : memref<80x128xf32, #tpu.memory_space<vmem>>, vector<16xf32>,
          %mul3A_387 = arith.mulf %get3A_386, %gather3A : vector<16xf32>
          %swap3A_388 = arith.index_cast %add3A_347 : i32 to index
          %swap3A_389 = arith.constant 80 : index
          %swap3A_390 = tpu.vector_load %arg12[%swap3A_388, %swap3A_389] {strides = array<i32>} : memref<80x128xf32, #tpu.memory_space<vmem>>, vector<16xf32>,
          tpu.vector_store %arg12[%swap3A_388, %swap3A_389], %mul3A_387 {strides = array<i32>} : memref<80x128xf32, #tpu.memory_space<vmem>>, vector<16xf32>,
          %get3A_391 = arith.index_cast %add3A_347 : i32 to index
          %get3A_392 = arith.constant 96 : index
          %get3A_393 = tpu.vector_load %arg12[%get3A_391, %get3A_392] {strides = array<i32>} : memref<80x128xf32, #tpu.memory_space<vmem>>, vector<16xf32>,
          %mul3A_394 = arith.mulf %get3A_393, %gather3A : vector<16xf32>
          %swap3A_395 = arith.index_cast %add3A_347 : i32 to index
          %swap3A_396 = arith.constant 96 : index
          %swap3A_397 = tpu.vector_load %arg12[%swap3A_395, %swap3A_396] {strides = array<i32>} : memref<80x128xf32, #tpu.memory_space<vmem>>, vector<16xf32>,
          tpu.vector_store %arg12[%swap3A_395, %swap3A_396], %mul3A_394 {strides = array<i32>} : memref<80x128xf32, #tpu.memory_space<vmem>>, vector<16xf32>,
          %get3A_398 = arith.index_cast %add3A_347 : i32 to index
          %get3A_399 = arith.constant 112 : index
          %get3A_400 = tpu.vector_load %arg12[%get3A_398, %get3A_399] {strides = array<i32>} : memref<80x128xf32, #tpu.memory_space<vmem>>, vector<16xf32>,
          %mul3A_401 = arith.mulf %get3A_400, %gather3A : vector<16xf32>
          %swap3A_402 = arith.index_cast %add3A_347 : i32 to index
          %swap3A_403 = arith.constant 112 : index
          %swap3A_404 = tpu.vector_load %arg12[%swap3A_402, %swap3A_403] {strides = array<i32>} : memref<80x128xf32, #tpu.memory_space<vmem>>, vector<16xf32>,
          tpu.vector_store %arg12[%swap3A_402, %swap3A_403], %mul3A_401 {strides = array<i32>} : memref<80x128xf32, #tpu.memory_space<vmem>>, vector<16xf32>,
          %add3A_405 = arith.constant 1 : i32
          %add3A_406 = arith.addi %add3A_345, %add3A_405 : i32
          %mul3A_407 = arith.constant 80 : i32
          %mul3A_408 = arith.muli %add3A_263, %mul3A_407 : i32
          %add3A_409 = arith.addi %mul3A_408, %add3A_406 : i32
          %broadcast_in_dim3A_410 = vector.broadcast %add3A_409 : i32 to vector<16xi32>
          %gather3A_411 = tpu.vector_load_idx %arg10[%broadcast_in_dim3A_410] : memref<2000xf32, #tpu.memory_space<vmem>>[vector<16xi32>], vector<16xf32>,
          %get3A_412 = arith.index_cast %add3A_406 : i32 to index
          %get3A_413 = arith.constant 0 : index
          %get3A_414 = tpu.vector_load %arg12[%get3A_412, %get3A_413] {strides = array<i32>} : memref<80x128xf32, #tpu.memory_space<vmem>>, vector<16xf32>,
          %mul3A_415 = arith.mulf %get3A_414, %gather3A_411 : vector<16xf32>
          %swap3A_416 = arith.index_cast %add3A_406 : i32 to index
          %swap3A_417 = arith.constant 0 : index
          %swap3A_418 = tpu.vector_load %arg12[%swap3A_416, %swap3A_417] {strides = array<i32>} : memref<80x128xf32, #tpu.memory_space<vmem>>, vector<16xf32>,
          tpu.vector_store %arg12[%swap3A_416, %swap3A_417], %mul3A_415 {strides = array<i32>} : memref<80x128xf32, #tpu.memory_space<vmem>>, vector<16xf32>,
          %get3A_419 = arith.index_cast %add3A_406 : i32 to index
          %get3A_420 = arith.constant 16 : index
          %get3A_421 = tpu.vector_load %arg12[%get3A_419, %get3A_420] {strides = array<i32>} : memref<80x128xf32, #tpu.memory_space<vmem>>, vector<16xf32>,
          %mul3A_422 = arith.mulf %get3A_421, %gather3A_411 : vector<16xf32>
          %swap3A_423 = arith.index_cast %add3A_406 : i32 to index
          %swap3A_424 = arith.constant 16 : index
          %swap3A_425 = tpu.vector_load %arg12[%swap3A_423, %swap3A_424] {strides = array<i32>} : memref<80x128xf32, #tpu.memory_space<vmem>>, vector<16xf32>,
          tpu.vector_store %arg12[%swap3A_423, %swap3A_424], %mul3A_422 {strides = array<i32>} : memref<80x128xf32, #tpu.memory_space<vmem>>, vector<16xf32>,
          %get3A_426 = arith.index_cast %add3A_406 : i32 to index
          %get3A_427 = arith.constant 32 : index
          %get3A_428 = tpu.vector_load %arg12[%get3A_426, %get3A_427] {strides = array<i32>} : memref<80x128xf32, #tpu.memory_space<vmem>>, vector<16xf32>,
          %mul3A_429 = arith.mulf %get3A_428, %gather3A_411 : vector<16xf32>
          %swap3A_430 = arith.index_cast %add3A_406 : i32 to index
          %swap3A_431 = arith.constant 32 : index
          %swap3A_432 = tpu.vector_load %arg12[%swap3A_430, %swap3A_431] {strides = array<i32>} : memref<80x128xf32, #tpu.memory_space<vmem>>, vector<16xf32>,
          tpu.vector_store %arg12[%swap3A_430, %swap3A_431], %mul3A_429 {strides = array<i32>} : memref<80x128xf32, #tpu.memory_space<vmem>>, vector<16xf32>,
          %get3A_433 = arith.index_cast %add3A_406 : i32 to index
          %get3A_434 = arith.constant 48 : index
          %get3A_435 = tpu.vector_load %arg12[%get3A_433, %get3A_434] {strides = array<i32>} : memref<80x128xf32, #tpu.memory_space<vmem>>, vector<16xf32>,
          %mul3A_436 = arith.mulf %get3A_435, %gather3A_411 : vector<16xf32>
          %swap3A_437 = arith.index_cast %add3A_406 : i32 to index
          %swap3A_438 = arith.constant 48 : index
          %swap3A_439 = tpu.vector_load %arg12[%swap3A_437, %swap3A_438] {strides = array<i32>} : memref<80x128xf32, #tpu.memory_space<vmem>>, vector<16xf32>,
          tpu.vector_store %arg12[%swap3A_437, %swap3A_438], %mul3A_436 {strides = array<i32>} : memref<80x128xf32, #tpu.memory_space<vmem>>, vector<16xf32>,
          %get3A_440 = arith.index_cast %add3A_406 : i32 to index
          %get3A_441 = arith.constant 64 : index
          %get3A_442 = tpu.vector_load %arg12[%get3A_440, %get3A_441] {strides = array<i32>} : memref<80x128xf32, #tpu.memory_space<vmem>>, vector<16xf32>,
          %mul3A_443 = arith.mulf %get3A_442, %gather3A_411 : vector<16xf32>
          %swap3A_444 = arith.index_cast %add3A_406 : i32 to index
          %swap3A_445 = arith.constant 64 : index
          %swap3A_446 = tpu.vector_load %arg12[%swap3A_444, %swap3A_445] {strides = array<i32>} : memref<80x128xf32, #tpu.memory_space<vmem>>, vector<16xf32>,
          tpu.vector_store %arg12[%swap3A_444, %swap3A_445], %mul3A_443 {strides = array<i32>} : memref<80x128xf32, #tpu.memory_space<vmem>>, vector<16xf32>,
          %get3A_447 = arith.index_cast %add3A_406 : i32 to index
          %get3A_448 = arith.constant 80 : index
          %get3A_449 = tpu.vector_load %arg12[%get3A_447, %get3A_448] {strides = array<i32>} : memref<80x128xf32, #tpu.memory_space<vmem>>, vector<16xf32>,
          %mul3A_450 = arith.mulf %get3A_449, %gather3A_411 : vector<16xf32>
          %swap3A_451 = arith.index_cast %add3A_406 : i32 to index
          %swap3A_452 = arith.constant 80 : index
          %swap3A_453 = tpu.vector_load %arg12[%swap3A_451, %swap3A_452] {strides = array<i32>} : memref<80x128xf32, #tpu.memory_space<vmem>>, vector<16xf32>,
          tpu.vector_store %arg12[%swap3A_451, %swap3A_452], %mul3A_450 {strides = array<i32>} : memref<80x128xf32, #tpu.memory_space<vmem>>, vector<16xf32>,
          %get3A_454 = arith.index_cast %add3A_406 : i32 to index
          %get3A_455 = arith.constant 96 : index
          %get3A_456 = tpu.vector_load %arg12[%get3A_454, %get3A_455] {strides = array<i32>} : memref<80x128xf32, #tpu.memory_space<vmem>>, vector<16xf32>,
          %mul3A_457 = arith.mulf %get3A_456, %gather3A_411 : vector<16xf32>
          %swap3A_458 = arith.index_cast %add3A_406 : i32 to index
          %swap3A_459 = arith.constant 96 : index
          %swap3A_460 = tpu.vector_load %arg12[%swap3A_458, %swap3A_459] {strides = array<i32>} : memref<80x128xf32, #tpu.memory_space<vmem>>, vector<16xf32>,
          tpu.vector_store %arg12[%swap3A_458, %swap3A_459], %mul3A_457 {strides = array<i32>} : memref<80x128xf32, #tpu.memory_space<vmem>>, vector<16xf32>,
          %get3A_461 = arith.index_cast %add3A_406 : i32 to index
          %get3A_462 = arith.constant 112 : index
          %get3A_463 = tpu.vector_load %arg12[%get3A_461, %get3A_462] {strides = array<i32>} : memref<80x128xf32, #tpu.memory_space<vmem>>, vector<16xf32>,
          %mul3A_464 = arith.mulf %get3A_463, %gather3A_411 : vector<16xf32>
          %swap3A_465 = arith.index_cast %add3A_406 : i32 to index
          %swap3A_466 = arith.constant 112 : index
          %swap3A_467 = tpu.vector_load %arg12[%swap3A_465, %swap3A_466] {strides = array<i32>} : memref<80x128xf32, #tpu.memory_space<vmem>>, vector<16xf32>,
          tpu.vector_store %arg12[%swap3A_465, %swap3A_466], %mul3A_464 {strides = array<i32>} : memref<80x128xf32, #tpu.memory_space<vmem>>, vector<16xf32>,
          %add3A_468 = arith.constant 2 : i32
          %add3A_469 = arith.addi %add3A_345, %add3A_468 : i32
          %mul3A_470 = arith.constant 80 : i32
          %mul3A_471 = arith.muli %add3A_263, %mul3A_470 : i32
          %add3A_472 = arith.addi %mul3A_471, %add3A_469 : i32
          %broadcast_in_dim3A_473 = vector.broadcast %add3A_472 : i32 to vector<16xi32>
          %gather3A_474 = tpu.vector_load_idx %arg10[%broadcast_in_dim3A_473] : memref<2000xf32, #tpu.memory_space<vmem>>[vector<16xi32>], vector<16xf32>,
          %get3A_475 = arith.index_cast %add3A_469 : i32 to index
          %get3A_476 = arith.constant 0 : index
          %get3A_477 = tpu.vector_load %arg12[%get3A_475, %get3A_476] {strides = array<i32>} : memref<80x128xf32, #tpu.memory_space<vmem>>, vector<16xf32>,
          %mul3A_478 = arith.mulf %get3A_477, %gather3A_474 : vector<16xf32>
          %swap3A_479 = arith.index_cast %add3A_469 : i32 to index
          %swap3A_480 = arith.constant 0 : index
          %swap3A_481 = tpu.vector_load %arg12[%swap3A_479, %swap3A_480] {strides = array<i32>} : memref<80x128xf32, #tpu.memory_space<vmem>>, vector<16xf32>,
          tpu.vector_store %arg12[%swap3A_479, %swap3A_480], %mul3A_478 {strides = array<i32>} : memref<80x128xf32, #tpu.memory_space<vmem>>, vector<16xf32>,
          %get3A_482 = arith.index_cast %add3A_469 : i32 to index
          %get3A_483 = arith.constant 16 : index
          %get3A_484 = tpu.vector_load %arg12[%get3A_482, %get3A_483] {strides = array<i32>} : memref<80x128xf32, #tpu.memory_space<vmem>>, vector<16xf32>,
          %mul3A_485 = arith.mulf %get3A_484, %gather3A_474 : vector<16xf32>
          %swap3A_486 = arith.index_cast %add3A_469 : i32 to index
          %swap3A_487 = arith.constant 16 : index
          %swap3A_488 = tpu.vector_load %arg12[%swap3A_486, %swap3A_487] {strides = array<i32>} : memref<80x128xf32, #tpu.memory_space<vmem>>, vector<16xf32>,
          tpu.vector_store %arg12[%swap3A_486, %swap3A_487], %mul3A_485 {strides = array<i32>} : memref<80x128xf32, #tpu.memory_space<vmem>>, vector<16xf32>,
          %get3A_489 = arith.index_cast %add3A_469 : i32 to index
          %get3A_490 = arith.constant 32 : index
          %get3A_491 = tpu.vector_load %arg12[%get3A_489, %get3A_490] {strides = array<i32>} : memref<80x128xf32, #tpu.memory_space<vmem>>, vector<16xf32>,
          %mul3A_492 = arith.mulf %get3A_491, %gather3A_474 : vector<16xf32>
          %swap3A_493 = arith.index_cast %add3A_469 : i32 to index
          %swap3A_494 = arith.constant 32 : index
          %swap3A_495 = tpu.vector_load %arg12[%swap3A_493, %swap3A_494] {strides = array<i32>} : memref<80x128xf32, #tpu.memory_space<vmem>>, vector<16xf32>,
          tpu.vector_store %arg12[%swap3A_493, %swap3A_494], %mul3A_492 {strides = array<i32>} : memref<80x128xf32, #tpu.memory_space<vmem>>, vector<16xf32>,
          %get3A_496 = arith.index_cast %add3A_469 : i32 to index
          %get3A_497 = arith.constant 48 : index
          %get3A_498 = tpu.vector_load %arg12[%get3A_496, %get3A_497] {strides = array<i32>} : memref<80x128xf32, #tpu.memory_space<vmem>>, vector<16xf32>,
          %mul3A_499 = arith.mulf %get3A_498, %gather3A_474 : vector<16xf32>
          %swap3A_500 = arith.index_cast %add3A_469 : i32 to index
          %swap3A_501 = arith.constant 48 : index
          %swap3A_502 = tpu.vector_load %arg12[%swap3A_500, %swap3A_501] {strides = array<i32>} : memref<80x128xf32, #tpu.memory_space<vmem>>, vector<16xf32>,
          tpu.vector_store %arg12[%swap3A_500, %swap3A_501], %mul3A_499 {strides = array<i32>} : memref<80x128xf32, #tpu.memory_space<vmem>>, vector<16xf32>,
          %get3A_503 = arith.index_cast %add3A_469 : i32 to index
          %get3A_504 = arith.constant 64 : index
          %get3A_505 = tpu.vector_load %arg12[%get3A_503, %get3A_504] {strides = array<i32>} : memref<80x128xf32, #tpu.memory_space<vmem>>, vector<16xf32>,
          %mul3A_506 = arith.mulf %get3A_505, %gather3A_474 : vector<16xf32>
          %swap3A_507 = arith.index_cast %add3A_469 : i32 to index
          %swap3A_508 = arith.constant 64 : index
          %swap3A_509 = tpu.vector_load %arg12[%swap3A_507, %swap3A_508] {strides = array<i32>} : memref<80x128xf32, #tpu.memory_space<vmem>>, vector<16xf32>,
          tpu.vector_store %arg12[%swap3A_507, %swap3A_508], %mul3A_506 {strides = array<i32>} : memref<80x128xf32, #tpu.memory_space<vmem>>, vector<16xf32>,
          %get3A_510 = arith.index_cast %add3A_469 : i32 to index
          %get3A_511 = arith.constant 80 : index
          %get3A_512 = tpu.vector_load %arg12[%get3A_510, %get3A_511] {strides = array<i32>} : memref<80x128xf32, #tpu.memory_space<vmem>>, vector<16xf32>,
          %mul3A_513 = arith.mulf %get3A_512, %gather3A_474 : vector<16xf32>
          %swap3A_514 = arith.index_cast %add3A_469 : i32 to index
          %swap3A_515 = arith.constant 80 : index
          %swap3A_516 = tpu.vector_load %arg12[%swap3A_514, %swap3A_515] {strides = array<i32>} : memref<80x128xf32, #tpu.memory_space<vmem>>, vector<16xf32>,
          tpu.vector_store %arg12[%swap3A_514, %swap3A_515], %mul3A_513 {strides = array<i32>} : memref<80x128xf32, #tpu.memory_space<vmem>>, vector<16xf32>,
          %get3A_517 = arith.index_cast %add3A_469 : i32 to index
          %get3A_518 = arith.constant 96 : index
          %get3A_519 = tpu.vector_load %arg12[%get3A_517, %get3A_518] {strides = array<i32>} : memref<80x128xf32, #tpu.memory_space<vmem>>, vector<16xf32>,
          %mul3A_520 = arith.mulf %get3A_519, %gather3A_474 : vector<16xf32>
          %swap3A_521 = arith.index_cast %add3A_469 : i32 to index
          %swap3A_522 = arith.constant 96 : index
          %swap3A_523 = tpu.vector_load %arg12[%swap3A_521, %swap3A_522] {strides = array<i32>} : memref<80x128xf32, #tpu.memory_space<vmem>>, vector<16xf32>,
          tpu.vector_store %arg12[%swap3A_521, %swap3A_522], %mul3A_520 {strides = array<i32>} : memref<80x128xf32, #tpu.memory_space<vmem>>, vector<16xf32>,
          %get3A_524 = arith.index_cast %add3A_469 : i32 to index
          %get3A_525 = arith.constant 112 : index
          %get3A_526 = tpu.vector_load %arg12[%get3A_524, %get3A_525] {strides = array<i32>} : memref<80x128xf32, #tpu.memory_space<vmem>>, vector<16xf32>,
          %mul3A_527 = arith.mulf %get3A_526, %gather3A_474 : vector<16xf32>
          %swap3A_528 = arith.index_cast %add3A_469 : i32 to index
          %swap3A_529 = arith.constant 112 : index
          %swap3A_530 = tpu.vector_load %arg12[%swap3A_528, %swap3A_529] {strides = array<i32>} : memref<80x128xf32, #tpu.memory_space<vmem>>, vector<16xf32>,
          tpu.vector_store %arg12[%swap3A_528, %swap3A_529], %mul3A_527 {strides = array<i32>} : memref<80x128xf32, #tpu.memory_space<vmem>>, vector<16xf32>,
          %add3A_531 = arith.constant 3 : i32
          %add3A_532 = arith.addi %add3A_345, %add3A_531 : i32
          %mul3A_533 = arith.constant 80 : i32
          %mul3A_534 = arith.muli %add3A_263, %mul3A_533 : i32
          %add3A_535 = arith.addi %mul3A_534, %add3A_532 : i32
          %broadcast_in_dim3A_536 = vector.broadcast %add3A_535 : i32 to vector<16xi32>
          %gather3A_537 = tpu.vector_load_idx %arg10[%broadcast_in_dim3A_536] : memref<2000xf32, #tpu.memory_space<vmem>>[vector<16xi32>], vector<16xf32>,
          %get3A_538 = arith.index_cast %add3A_532 : i32 to index
          %get3A_539 = arith.constant 0 : index
          %get3A_540 = tpu.vector_load %arg12[%get3A_538, %get3A_539] {strides = array<i32>} : memref<80x128xf32, #tpu.memory_space<vmem>>, vector<16xf32>,
          %mul3A_541 = arith.mulf %get3A_540, %gather3A_537 : vector<16xf32>
          %swap3A_542 = arith.index_cast %add3A_532 : i32 to index
          %swap3A_543 = arith.constant 0 : index
          %swap3A_544 = tpu.vector_load %arg12[%swap3A_542, %swap3A_543] {strides = array<i32>} : memref<80x128xf32, #tpu.memory_space<vmem>>, vector<16xf32>,
          tpu.vector_store %arg12[%swap3A_542, %swap3A_543], %mul3A_541 {strides = array<i32>} : memref<80x128xf32, #tpu.memory_space<vmem>>, vector<16xf32>,
          %get3A_545 = arith.index_cast %add3A_532 : i32 to index
          %get3A_546 = arith.constant 16 : index
          %get3A_547 = tpu.vector_load %arg12[%get3A_545, %get3A_546] {strides = array<i32>} : memref<80x128xf32, #tpu.memory_space<vmem>>, vector<16xf32>,
          %mul3A_548 = arith.mulf %get3A_547, %gather3A_537 : vector<16xf32>
          %swap3A_549 = arith.index_cast %add3A_532 : i32 to index
          %swap3A_550 = arith.constant 16 : index
          %swap3A_551 = tpu.vector_load %arg12[%swap3A_549, %swap3A_550] {strides = array<i32>} : memref<80x128xf32, #tpu.memory_space<vmem>>, vector<16xf32>,
          tpu.vector_store %arg12[%swap3A_549, %swap3A_550], %mul3A_548 {strides = array<i32>} : memref<80x128xf32, #tpu.memory_space<vmem>>, vector<16xf32>,
          %get3A_552 = arith.index_cast %add3A_532 : i32 to index
          %get3A_553 = arith.constant 32 : index
          %get3A_554 = tpu.vector_load %arg12[%get3A_552, %get3A_553] {strides = array<i32>} : memref<80x128xf32, #tpu.memory_space<vmem>>, vector<16xf32>,
          %mul3A_555 = arith.mulf %get3A_554, %gather3A_537 : vector<16xf32>
          %swap3A_556 = arith.index_cast %add3A_532 : i32 to index
          %swap3A_557 = arith.constant 32 : index
          %swap3A_558 = tpu.vector_load %arg12[%swap3A_556, %swap3A_557] {strides = array<i32>} : memref<80x128xf32, #tpu.memory_space<vmem>>, vector<16xf32>,
          tpu.vector_store %arg12[%swap3A_556, %swap3A_557], %mul3A_555 {strides = array<i32>} : memref<80x128xf32, #tpu.memory_space<vmem>>, vector<16xf32>,
          %get3A_559 = arith.index_cast %add3A_532 : i32 to index
          %get3A_560 = arith.constant 48 : index
          %get3A_561 = tpu.vector_load %arg12[%get3A_559, %get3A_560] {strides = array<i32>} : memref<80x128xf32, #tpu.memory_space<vmem>>, vector<16xf32>,
          %mul3A_562 = arith.mulf %get3A_561, %gather3A_537 : vector<16xf32>
          %swap3A_563 = arith.index_cast %add3A_532 : i32 to index
          %swap3A_564 = arith.constant 48 : index
          %swap3A_565 = tpu.vector_load %arg12[%swap3A_563, %swap3A_564] {strides = array<i32>} : memref<80x128xf32, #tpu.memory_space<vmem>>, vector<16xf32>,
          tpu.vector_store %arg12[%swap3A_563, %swap3A_564], %mul3A_562 {strides = array<i32>} : memref<80x128xf32, #tpu.memory_space<vmem>>, vector<16xf32>,
          %get3A_566 = arith.index_cast %add3A_532 : i32 to index
          %get3A_567 = arith.constant 64 : index
          %get3A_568 = tpu.vector_load %arg12[%get3A_566, %get3A_567] {strides = array<i32>} : memref<80x128xf32, #tpu.memory_space<vmem>>, vector<16xf32>,
          %mul3A_569 = arith.mulf %get3A_568, %gather3A_537 : vector<16xf32>
          %swap3A_570 = arith.index_cast %add3A_532 : i32 to index
          %swap3A_571 = arith.constant 64 : index
          %swap3A_572 = tpu.vector_load %arg12[%swap3A_570, %swap3A_571] {strides = array<i32>} : memref<80x128xf32, #tpu.memory_space<vmem>>, vector<16xf32>,
          tpu.vector_store %arg12[%swap3A_570, %swap3A_571], %mul3A_569 {strides = array<i32>} : memref<80x128xf32, #tpu.memory_space<vmem>>, vector<16xf32>,
          %get3A_573 = arith.index_cast %add3A_532 : i32 to index
          %get3A_574 = arith.constant 80 : index
          %get3A_575 = tpu.vector_load %arg12[%get3A_573, %get3A_574] {strides = array<i32>} : memref<80x128xf32, #tpu.memory_space<vmem>>, vector<16xf32>,
          %mul3A_576 = arith.mulf %get3A_575, %gather3A_537 : vector<16xf32>
          %swap3A_577 = arith.index_cast %add3A_532 : i32 to index
          %swap3A_578 = arith.constant 80 : index
          %swap3A_579 = tpu.vector_load %arg12[%swap3A_577, %swap3A_578] {strides = array<i32>} : memref<80x128xf32, #tpu.memory_space<vmem>>, vector<16xf32>,
          tpu.vector_store %arg12[%swap3A_577, %swap3A_578], %mul3A_576 {strides = array<i32>} : memref<80x128xf32, #tpu.memory_space<vmem>>, vector<16xf32>,
          %get3A_580 = arith.index_cast %add3A_532 : i32 to index
          %get3A_581 = arith.constant 96 : index
          %get3A_582 = tpu.vector_load %arg12[%get3A_580, %get3A_581] {strides = array<i32>} : memref<80x128xf32, #tpu.memory_space<vmem>>, vector<16xf32>,
          %mul3A_583 = arith.mulf %get3A_582, %gather3A_537 : vector<16xf32>
          %swap3A_584 = arith.index_cast %add3A_532 : i32 to index
          %swap3A_585 = arith.constant 96 : index
          %swap3A_586 = tpu.vector_load %arg12[%swap3A_584, %swap3A_585] {strides = array<i32>} : memref<80x128xf32, #tpu.memory_space<vmem>>, vector<16xf32>,
          tpu.vector_store %arg12[%swap3A_584, %swap3A_585], %mul3A_583 {strides = array<i32>} : memref<80x128xf32, #tpu.memory_space<vmem>>, vector<16xf32>,
          %get3A_587 = arith.index_cast %add3A_532 : i32 to index
          %get3A_588 = arith.constant 112 : index
          %get3A_589 = tpu.vector_load %arg12[%get3A_587, %get3A_588] {strides = array<i32>} : memref<80x128xf32, #tpu.memory_space<vmem>>, vector<16xf32>,
          %mul3A_590 = arith.mulf %get3A_589, %gather3A_537 : vector<16xf32>
          %swap3A_591 = arith.index_cast %add3A_532 : i32 to index
          %swap3A_592 = arith.constant 112 : index
          %swap3A_593 = tpu.vector_load %arg12[%swap3A_591, %swap3A_592] {strides = array<i32>} : memref<80x128xf32, #tpu.memory_space<vmem>>, vector<16xf32>,
          tpu.vector_store %arg12[%swap3A_591, %swap3A_592], %mul3A_590 {strides = array<i32>} : memref<80x128xf32, #tpu.memory_space<vmem>>, vector<16xf32>,
        }
        %scan3A_273 = arith.constant 20 : i32
        %dma_start3A_274 = arith.constant 0 : i32
        %dma_start3A_275 = tpu.memref_slice %arg9[%add3A_263, %dma_start3A_274] : memref<25x80xi32, #tpu.memory_space<vmem>> -> memref<1x80xi32, #tpu.memory_space<vmem>>
        %dma_start3A_276 = tpu.memref_squeeze %dma_start3A_275 : memref<1x80xi32, #tpu.memory_space<vmem>> -> memref<80xi32, #tpu.memory_space<vmem>>
        %dma_start3A_277 = arith.constant 0 : i32
        %dma_start3A_278 = arith.constant 0 : i32
        %dma_start3A_279 = tpu.memref_slice %arg7[%dma_start3A_277, %dma_start3A_278] : memref<10240x128xf32, #tpu.memory_space<vmem_shared>> -> memref<10240x128xf32, #tpu.memory_space<vmem_shared>>
        tpu.enqueue_indirect_dma source(%arg12 : memref<80x128xf32, #tpu.memory_space<vmem>>) target(%dma_start3A_279 : memref<10240x128xf32, #tpu.memory_space<vmem_shared>>) offsets(%dma_start3A_276 : memref<80xi32, #tpu.memory_space<vmem>>) semaphore(%arg20 : memref<!tpu.dma_semaphore, #tpu.memory_space<semaphore_mem>>) {add = true}
        %add3A_280 = arith.constant 3 : i32
        %add3A_281 = arith.addi %add3A_263, %add3A_280 : i32
        %lt3A_282 = arith.constant 25 : i32
        %lt3A_283 = arith.cmpi slt, %add3A_281, %lt3A_282 : i32
        %convert_element_type3A_284 = arith.extui %lt3A_283 : i1 to i32
        %cond3A_285 = arith.constant 0 : i32
        %cond3A_286 = arith.cmpi ne, %convert_element_type3A_284, %cond3A_285 : i32
        scf.if %cond3A_286 {
          %ge3A = arith.constant 4 : i32
          %ge3A_341 = arith.cmpi sge, %add3A_281, %ge3A : i32
          %convert_element_type3A_342 = arith.extui %ge3A_341 : i1 to i32
          %cond3A_343 = arith.constant 0 : i32
          %cond3A_344 = arith.cmpi ne, %convert_element_type3A_342, %cond3A_343 : i32
          scf.if %cond3A_344 {
            %dma_wait3A_351 = arith.constant 0 : i32
            %dma_wait3A_352 = arith.constant 0 : i32
            %dma_wait3A_353 = tpu.memref_slice %arg9[%dma_wait3A_351, %dma_wait3A_352] : memref<25x80xi32, #tpu.memory_space<vmem>> -> memref<1x80xi32, #tpu.memory_space<vmem>>
            %dma_wait3A_354 = tpu.memref_squeeze %dma_wait3A_353 : memref<1x80xi32, #tpu.memory_space<vmem>> -> memref<80xi32, #tpu.memory_space<vmem>>
            %dma_wait3A_355 = arith.constant 0 : i32
            %dma_wait3A_356 = arith.constant 0 : i32
            %dma_wait3A_357 = tpu.memref_slice %arg7[%dma_wait3A_355, %dma_wait3A_356] : memref<10240x128xf32, #tpu.memory_space<vmem_shared>> -> memref<10240x128xf32, #tpu.memory_space<vmem_shared>>
            tpu.wait_indirect_dma semaphore(%arg19 : memref<!tpu.dma_semaphore, #tpu.memory_space<semaphore_mem>>) src(%arg11 : memref<80x128xf32, #tpu.memory_space<vmem>>) dst(%dma_wait3A_357 : memref<10240x128xf32, #tpu.memory_space<vmem_shared>>)
          } else {
          }
          %mul3A_345 = arith.constant 80 : i32
          %mul3A_346 = arith.muli %add3A_281, %mul3A_345 : i32
          %dma_start3A_347 = tpu.memref_slice %arg8[%mul3A_346] : memref<2000xi32, #tpu.memory_space<vmem>> -> memref<80xi32, #tpu.memory_space<vmem>>
          %dma_start3A_348 = arith.constant 0 : i32
          %dma_start3A_349 = arith.constant 0 : i32
          %dma_start3A_350 = tpu.memref_slice %arg2[%dma_start3A_348, %dma_start3A_349] : memref<10000x128xf32, #tpu.memory_space<hbm>> -> memref<10000x128xf32, #tpu.memory_space<hbm>>
          tpu.enqueue_indirect_dma source(%dma_start3A_350 : memref<10000x128xf32, #tpu.memory_space<hbm>>) target(%arg11 : memref<80x128xf32, #tpu.memory_space<vmem>>) offsets(%dma_start3A_347 : memref<80xi32, #tpu.memory_space<vmem>>) semaphore(%arg15 : memref<!tpu.dma_semaphore, #tpu.memory_space<semaphore_mem>>)
        } else {
        }
        %mul3A_287 = arith.constant 4 : i32
        %mul3A_288 = arith.muli %add3A_235, %mul3A_287 : i32
        %add3A_289 = arith.constant 2 : i32
        %add3A_290 = arith.addi %mul3A_288, %add3A_289 : i32
        %dma_wait3A_291 = arith.constant 0 : i32
        %dma_wait3A_292 = tpu.memref_slice %arg8[%dma_wait3A_291] : memref<2000xi32, #tpu.memory_space<vmem>> -> memref<80xi32, #tpu.memory_space<vmem>>
        %dma_wait3A_293 = arith.constant 0 : i32
        %dma_wait3A_294 = arith.constant 0 : i32
        %dma_wait3A_295 = tpu.memref_slice %arg2[%dma_wait3A_293, %dma_wait3A_294] : memref<10000x128xf32, #tpu.memory_space<hbm>> -> memref<10000x128xf32, #tpu.memory_space<hbm>>
        tpu.wait_indirect_dma semaphore(%arg17 : memref<!tpu.dma_semaphore, #tpu.memory_space<semaphore_mem>>) src(%dma_wait3A_295 : memref<10000x128xf32, #tpu.memory_space<hbm>>) dst(%arg13 : memref<80x128xf32, #tpu.memory_space<vmem>>)
        %scan3A_296 = arith.constant 0 : i32
        %scan3A_297 = arith.constant 20 : i32
        %scan3A_298 = arith.addi %scan3A_296, %scan3A_297 : i32
        %scan3A_299 = arith.constant 1 : i32
        scf.for %scan3A_341 = %scan3A_296 to %scan3A_298 step %scan3A_299  : i32 {
          %mul3A_342 = arith.constant 4 : i32
          %mul3A_343 = arith.muli %scan3A_341, %mul3A_342 : i32
          %add3A_344 = arith.constant 0 : i32
          %add3A_345 = arith.addi %add3A_344, %mul3A_343 : i32
          %add3A_346 = arith.constant 0 : i32
          %add3A_347 = arith.addi %add3A_345, %add3A_346 : i32
          %mul3A_348 = arith.constant 80 : i32
          %mul3A_349 = arith.muli %add3A_290, %mul3A_348 : i32
          %add3A_350 = arith.addi %mul3A_349, %add3A_347 : i32
          %broadcast_in_dim3A = vector.broadcast %add3A_350 : i32 to vector<16xi32>
          %gather3A = tpu.vector_load_idx %arg10[%broadcast_in_dim3A] : memref<2000xf32, #tpu.memory_space<vmem>>[vector<16xi32>], vector<16xf32>,
          %get3A = arith.index_cast %add3A_347 : i32 to index
          %get3A_351 = arith.constant 0 : index
          %get3A_352 = tpu.vector_load %arg13[%get3A, %get3A_351] {strides = array<i32>} : memref<80x128xf32, #tpu.memory_space<vmem>>, vector<16xf32>,
          %mul3A_353 = arith.mulf %get3A_352, %gather3A : vector<16xf32>
          %swap3A = arith.index_cast %add3A_347 : i32 to index
          %swap3A_354 = arith.constant 0 : index
          %swap3A_355 = tpu.vector_load %arg13[%swap3A, %swap3A_354] {strides = array<i32>} : memref<80x128xf32, #tpu.memory_space<vmem>>, vector<16xf32>,
          tpu.vector_store %arg13[%swap3A, %swap3A_354], %mul3A_353 {strides = array<i32>} : memref<80x128xf32, #tpu.memory_space<vmem>>, vector<16xf32>,
          %get3A_356 = arith.index_cast %add3A_347 : i32 to index
          %get3A_357 = arith.constant 16 : index
          %get3A_358 = tpu.vector_load %arg13[%get3A_356, %get3A_357] {strides = array<i32>} : memref<80x128xf32, #tpu.memory_space<vmem>>, vector<16xf32>,
          %mul3A_359 = arith.mulf %get3A_358, %gather3A : vector<16xf32>
          %swap3A_360 = arith.index_cast %add3A_347 : i32 to index
          %swap3A_361 = arith.constant 16 : index
          %swap3A_362 = tpu.vector_load %arg13[%swap3A_360, %swap3A_361] {strides = array<i32>} : memref<80x128xf32, #tpu.memory_space<vmem>>, vector<16xf32>,
          tpu.vector_store %arg13[%swap3A_360, %swap3A_361], %mul3A_359 {strides = array<i32>} : memref<80x128xf32, #tpu.memory_space<vmem>>, vector<16xf32>,
          %get3A_363 = arith.index_cast %add3A_347 : i32 to index
          %get3A_364 = arith.constant 32 : index
          %get3A_365 = tpu.vector_load %arg13[%get3A_363, %get3A_364] {strides = array<i32>} : memref<80x128xf32, #tpu.memory_space<vmem>>, vector<16xf32>,
          %mul3A_366 = arith.mulf %get3A_365, %gather3A : vector<16xf32>
          %swap3A_367 = arith.index_cast %add3A_347 : i32 to index
          %swap3A_368 = arith.constant 32 : index
          %swap3A_369 = tpu.vector_load %arg13[%swap3A_367, %swap3A_368] {strides = array<i32>} : memref<80x128xf32, #tpu.memory_space<vmem>>, vector<16xf32>,
          tpu.vector_store %arg13[%swap3A_367, %swap3A_368], %mul3A_366 {strides = array<i32>} : memref<80x128xf32, #tpu.memory_space<vmem>>, vector<16xf32>,
          %get3A_370 = arith.index_cast %add3A_347 : i32 to index
          %get3A_371 = arith.constant 48 : index
          %get3A_372 = tpu.vector_load %arg13[%get3A_370, %get3A_371] {strides = array<i32>} : memref<80x128xf32, #tpu.memory_space<vmem>>, vector<16xf32>,
          %mul3A_373 = arith.mulf %get3A_372, %gather3A : vector<16xf32>
          %swap3A_374 = arith.index_cast %add3A_347 : i32 to index
          %swap3A_375 = arith.constant 48 : index
          %swap3A_376 = tpu.vector_load %arg13[%swap3A_374, %swap3A_375] {strides = array<i32>} : memref<80x128xf32, #tpu.memory_space<vmem>>, vector<16xf32>,
          tpu.vector_store %arg13[%swap3A_374, %swap3A_375], %mul3A_373 {strides = array<i32>} : memref<80x128xf32, #tpu.memory_space<vmem>>, vector<16xf32>,
          %get3A_377 = arith.index_cast %add3A_347 : i32 to index
          %get3A_378 = arith.constant 64 : index
          %get3A_379 = tpu.vector_load %arg13[%get3A_377, %get3A_378] {strides = array<i32>} : memref<80x128xf32, #tpu.memory_space<vmem>>, vector<16xf32>,
          %mul3A_380 = arith.mulf %get3A_379, %gather3A : vector<16xf32>
          %swap3A_381 = arith.index_cast %add3A_347 : i32 to index
          %swap3A_382 = arith.constant 64 : index
          %swap3A_383 = tpu.vector_load %arg13[%swap3A_381, %swap3A_382] {strides = array<i32>} : memref<80x128xf32, #tpu.memory_space<vmem>>, vector<16xf32>,
          tpu.vector_store %arg13[%swap3A_381, %swap3A_382], %mul3A_380 {strides = array<i32>} : memref<80x128xf32, #tpu.memory_space<vmem>>, vector<16xf32>,
          %get3A_384 = arith.index_cast %add3A_347 : i32 to index
          %get3A_385 = arith.constant 80 : index
          %get3A_386 = tpu.vector_load %arg13[%get3A_384, %get3A_385] {strides = array<i32>} : memref<80x128xf32, #tpu.memory_space<vmem>>, vector<16xf32>,
          %mul3A_387 = arith.mulf %get3A_386, %gather3A : vector<16xf32>
          %swap3A_388 = arith.index_cast %add3A_347 : i32 to index
          %swap3A_389 = arith.constant 80 : index
          %swap3A_390 = tpu.vector_load %arg13[%swap3A_388, %swap3A_389] {strides = array<i32>} : memref<80x128xf32, #tpu.memory_space<vmem>>, vector<16xf32>,
          tpu.vector_store %arg13[%swap3A_388, %swap3A_389], %mul3A_387 {strides = array<i32>} : memref<80x128xf32, #tpu.memory_space<vmem>>, vector<16xf32>,
          %get3A_391 = arith.index_cast %add3A_347 : i32 to index
          %get3A_392 = arith.constant 96 : index
          %get3A_393 = tpu.vector_load %arg13[%get3A_391, %get3A_392] {strides = array<i32>} : memref<80x128xf32, #tpu.memory_space<vmem>>, vector<16xf32>,
          %mul3A_394 = arith.mulf %get3A_393, %gather3A : vector<16xf32>
          %swap3A_395 = arith.index_cast %add3A_347 : i32 to index
          %swap3A_396 = arith.constant 96 : index
          %swap3A_397 = tpu.vector_load %arg13[%swap3A_395, %swap3A_396] {strides = array<i32>} : memref<80x128xf32, #tpu.memory_space<vmem>>, vector<16xf32>,
          tpu.vector_store %arg13[%swap3A_395, %swap3A_396], %mul3A_394 {strides = array<i32>} : memref<80x128xf32, #tpu.memory_space<vmem>>, vector<16xf32>,
          %get3A_398 = arith.index_cast %add3A_347 : i32 to index
          %get3A_399 = arith.constant 112 : index
          %get3A_400 = tpu.vector_load %arg13[%get3A_398, %get3A_399] {strides = array<i32>} : memref<80x128xf32, #tpu.memory_space<vmem>>, vector<16xf32>,
          %mul3A_401 = arith.mulf %get3A_400, %gather3A : vector<16xf32>
          %swap3A_402 = arith.index_cast %add3A_347 : i32 to index
          %swap3A_403 = arith.constant 112 : index
          %swap3A_404 = tpu.vector_load %arg13[%swap3A_402, %swap3A_403] {strides = array<i32>} : memref<80x128xf32, #tpu.memory_space<vmem>>, vector<16xf32>,
          tpu.vector_store %arg13[%swap3A_402, %swap3A_403], %mul3A_401 {strides = array<i32>} : memref<80x128xf32, #tpu.memory_space<vmem>>, vector<16xf32>,
          %add3A_405 = arith.constant 1 : i32
          %add3A_406 = arith.addi %add3A_345, %add3A_405 : i32
          %mul3A_407 = arith.constant 80 : i32
          %mul3A_408 = arith.muli %add3A_290, %mul3A_407 : i32
          %add3A_409 = arith.addi %mul3A_408, %add3A_406 : i32
          %broadcast_in_dim3A_410 = vector.broadcast %add3A_409 : i32 to vector<16xi32>
          %gather3A_411 = tpu.vector_load_idx %arg10[%broadcast_in_dim3A_410] : memref<2000xf32, #tpu.memory_space<vmem>>[vector<16xi32>], vector<16xf32>,
          %get3A_412 = arith.index_cast %add3A_406 : i32 to index
          %get3A_413 = arith.constant 0 : index
          %get3A_414 = tpu.vector_load %arg13[%get3A_412, %get3A_413] {strides = array<i32>} : memref<80x128xf32, #tpu.memory_space<vmem>>, vector<16xf32>,
          %mul3A_415 = arith.mulf %get3A_414, %gather3A_411 : vector<16xf32>
          %swap3A_416 = arith.index_cast %add3A_406 : i32 to index
          %swap3A_417 = arith.constant 0 : index
          %swap3A_418 = tpu.vector_load %arg13[%swap3A_416, %swap3A_417] {strides = array<i32>} : memref<80x128xf32, #tpu.memory_space<vmem>>, vector<16xf32>,
          tpu.vector_store %arg13[%swap3A_416, %swap3A_417], %mul3A_415 {strides = array<i32>} : memref<80x128xf32, #tpu.memory_space<vmem>>, vector<16xf32>,
          %get3A_419 = arith.index_cast %add3A_406 : i32 to index
          %get3A_420 = arith.constant 16 : index
          %get3A_421 = tpu.vector_load %arg13[%get3A_419, %get3A_420] {strides = array<i32>} : memref<80x128xf32, #tpu.memory_space<vmem>>, vector<16xf32>,
          %mul3A_422 = arith.mulf %get3A_421, %gather3A_411 : vector<16xf32>
          %swap3A_423 = arith.index_cast %add3A_406 : i32 to index
          %swap3A_424 = arith.constant 16 : index
          %swap3A_425 = tpu.vector_load %arg13[%swap3A_423, %swap3A_424] {strides = array<i32>} : memref<80x128xf32, #tpu.memory_space<vmem>>, vector<16xf32>,
          tpu.vector_store %arg13[%swap3A_423, %swap3A_424], %mul3A_422 {strides = array<i32>} : memref<80x128xf32, #tpu.memory_space<vmem>>, vector<16xf32>,
          %get3A_426 = arith.index_cast %add3A_406 : i32 to index
          %get3A_427 = arith.constant 32 : index
          %get3A_428 = tpu.vector_load %arg13[%get3A_426, %get3A_427] {strides = array<i32>} : memref<80x128xf32, #tpu.memory_space<vmem>>, vector<16xf32>,
          %mul3A_429 = arith.mulf %get3A_428, %gather3A_411 : vector<16xf32>
          %swap3A_430 = arith.index_cast %add3A_406 : i32 to index
          %swap3A_431 = arith.constant 32 : index
          %swap3A_432 = tpu.vector_load %arg13[%swap3A_430, %swap3A_431] {strides = array<i32>} : memref<80x128xf32, #tpu.memory_space<vmem>>, vector<16xf32>,
          tpu.vector_store %arg13[%swap3A_430, %swap3A_431], %mul3A_429 {strides = array<i32>} : memref<80x128xf32, #tpu.memory_space<vmem>>, vector<16xf32>,
          %get3A_433 = arith.index_cast %add3A_406 : i32 to index
          %get3A_434 = arith.constant 48 : index
          %get3A_435 = tpu.vector_load %arg13[%get3A_433, %get3A_434] {strides = array<i32>} : memref<80x128xf32, #tpu.memory_space<vmem>>, vector<16xf32>,
          %mul3A_436 = arith.mulf %get3A_435, %gather3A_411 : vector<16xf32>
          %swap3A_437 = arith.index_cast %add3A_406 : i32 to index
          %swap3A_438 = arith.constant 48 : index
          %swap3A_439 = tpu.vector_load %arg13[%swap3A_437, %swap3A_438] {strides = array<i32>} : memref<80x128xf32, #tpu.memory_space<vmem>>, vector<16xf32>,
          tpu.vector_store %arg13[%swap3A_437, %swap3A_438], %mul3A_436 {strides = array<i32>} : memref<80x128xf32, #tpu.memory_space<vmem>>, vector<16xf32>,
          %get3A_440 = arith.index_cast %add3A_406 : i32 to index
          %get3A_441 = arith.constant 64 : index
          %get3A_442 = tpu.vector_load %arg13[%get3A_440, %get3A_441] {strides = array<i32>} : memref<80x128xf32, #tpu.memory_space<vmem>>, vector<16xf32>,
          %mul3A_443 = arith.mulf %get3A_442, %gather3A_411 : vector<16xf32>
          %swap3A_444 = arith.index_cast %add3A_406 : i32 to index
          %swap3A_445 = arith.constant 64 : index
          %swap3A_446 = tpu.vector_load %arg13[%swap3A_444, %swap3A_445] {strides = array<i32>} : memref<80x128xf32, #tpu.memory_space<vmem>>, vector<16xf32>,
          tpu.vector_store %arg13[%swap3A_444, %swap3A_445], %mul3A_443 {strides = array<i32>} : memref<80x128xf32, #tpu.memory_space<vmem>>, vector<16xf32>,
          %get3A_447 = arith.index_cast %add3A_406 : i32 to index
          %get3A_448 = arith.constant 80 : index
          %get3A_449 = tpu.vector_load %arg13[%get3A_447, %get3A_448] {strides = array<i32>} : memref<80x128xf32, #tpu.memory_space<vmem>>, vector<16xf32>,
          %mul3A_450 = arith.mulf %get3A_449, %gather3A_411 : vector<16xf32>
          %swap3A_451 = arith.index_cast %add3A_406 : i32 to index
          %swap3A_452 = arith.constant 80 : index
          %swap3A_453 = tpu.vector_load %arg13[%swap3A_451, %swap3A_452] {strides = array<i32>} : memref<80x128xf32, #tpu.memory_space<vmem>>, vector<16xf32>,
          tpu.vector_store %arg13[%swap3A_451, %swap3A_452], %mul3A_450 {strides = array<i32>} : memref<80x128xf32, #tpu.memory_space<vmem>>, vector<16xf32>,
          %get3A_454 = arith.index_cast %add3A_406 : i32 to index
          %get3A_455 = arith.constant 96 : index
          %get3A_456 = tpu.vector_load %arg13[%get3A_454, %get3A_455] {strides = array<i32>} : memref<80x128xf32, #tpu.memory_space<vmem>>, vector<16xf32>,
          %mul3A_457 = arith.mulf %get3A_456, %gather3A_411 : vector<16xf32>
          %swap3A_458 = arith.index_cast %add3A_406 : i32 to index
          %swap3A_459 = arith.constant 96 : index
          %swap3A_460 = tpu.vector_load %arg13[%swap3A_458, %swap3A_459] {strides = array<i32>} : memref<80x128xf32, #tpu.memory_space<vmem>>, vector<16xf32>,
          tpu.vector_store %arg13[%swap3A_458, %swap3A_459], %mul3A_457 {strides = array<i32>} : memref<80x128xf32, #tpu.memory_space<vmem>>, vector<16xf32>,
          %get3A_461 = arith.index_cast %add3A_406 : i32 to index
          %get3A_462 = arith.constant 112 : index
          %get3A_463 = tpu.vector_load %arg13[%get3A_461, %get3A_462] {strides = array<i32>} : memref<80x128xf32, #tpu.memory_space<vmem>>, vector<16xf32>,
          %mul3A_464 = arith.mulf %get3A_463, %gather3A_411 : vector<16xf32>
          %swap3A_465 = arith.index_cast %add3A_406 : i32 to index
          %swap3A_466 = arith.constant 112 : index
          %swap3A_467 = tpu.vector_load %arg13[%swap3A_465, %swap3A_466] {strides = array<i32>} : memref<80x128xf32, #tpu.memory_space<vmem>>, vector<16xf32>,
          tpu.vector_store %arg13[%swap3A_465, %swap3A_466], %mul3A_464 {strides = array<i32>} : memref<80x128xf32, #tpu.memory_space<vmem>>, vector<16xf32>,
          %add3A_468 = arith.constant 2 : i32
          %add3A_469 = arith.addi %add3A_345, %add3A_468 : i32
          %mul3A_470 = arith.constant 80 : i32
          %mul3A_471 = arith.muli %add3A_290, %mul3A_470 : i32
          %add3A_472 = arith.addi %mul3A_471, %add3A_469 : i32
          %broadcast_in_dim3A_473 = vector.broadcast %add3A_472 : i32 to vector<16xi32>
          %gather3A_474 = tpu.vector_load_idx %arg10[%broadcast_in_dim3A_473] : memref<2000xf32, #tpu.memory_space<vmem>>[vector<16xi32>], vector<16xf32>,
          %get3A_475 = arith.index_cast %add3A_469 : i32 to index
          %get3A_476 = arith.constant 0 : index
          %get3A_477 = tpu.vector_load %arg13[%get3A_475, %get3A_476] {strides = array<i32>} : memref<80x128xf32, #tpu.memory_space<vmem>>, vector<16xf32>,
          %mul3A_478 = arith.mulf %get3A_477, %gather3A_474 : vector<16xf32>
          %swap3A_479 = arith.index_cast %add3A_469 : i32 to index
          %swap3A_480 = arith.constant 0 : index
          %swap3A_481 = tpu.vector_load %arg13[%swap3A_479, %swap3A_480] {strides = array<i32>} : memref<80x128xf32, #tpu.memory_space<vmem>>, vector<16xf32>,
          tpu.vector_store %arg13[%swap3A_479, %swap3A_480], %mul3A_478 {strides = array<i32>} : memref<80x128xf32, #tpu.memory_space<vmem>>, vector<16xf32>,
          %get3A_482 = arith.index_cast %add3A_469 : i32 to index
          %get3A_483 = arith.constant 16 : index
          %get3A_484 = tpu.vector_load %arg13[%get3A_482, %get3A_483] {strides = array<i32>} : memref<80x128xf32, #tpu.memory_space<vmem>>, vector<16xf32>,
          %mul3A_485 = arith.mulf %get3A_484, %gather3A_474 : vector<16xf32>
          %swap3A_486 = arith.index_cast %add3A_469 : i32 to index
          %swap3A_487 = arith.constant 16 : index
          %swap3A_488 = tpu.vector_load %arg13[%swap3A_486, %swap3A_487] {strides = array<i32>} : memref<80x128xf32, #tpu.memory_space<vmem>>, vector<16xf32>,
          tpu.vector_store %arg13[%swap3A_486, %swap3A_487], %mul3A_485 {strides = array<i32>} : memref<80x128xf32, #tpu.memory_space<vmem>>, vector<16xf32>,
          %get3A_489 = arith.index_cast %add3A_469 : i32 to index
          %get3A_490 = arith.constant 32 : index
          %get3A_491 = tpu.vector_load %arg13[%get3A_489, %get3A_490] {strides = array<i32>} : memref<80x128xf32, #tpu.memory_space<vmem>>, vector<16xf32>,
          %mul3A_492 = arith.mulf %get3A_491, %gather3A_474 : vector<16xf32>
          %swap3A_493 = arith.index_cast %add3A_469 : i32 to index
          %swap3A_494 = arith.constant 32 : index
          %swap3A_495 = tpu.vector_load %arg13[%swap3A_493, %swap3A_494] {strides = array<i32>} : memref<80x128xf32, #tpu.memory_space<vmem>>, vector<16xf32>,
          tpu.vector_store %arg13[%swap3A_493, %swap3A_494], %mul3A_492 {strides = array<i32>} : memref<80x128xf32, #tpu.memory_space<vmem>>, vector<16xf32>,
          %get3A_496 = arith.index_cast %add3A_469 : i32 to index
          %get3A_497 = arith.constant 48 : index
          %get3A_498 = tpu.vector_load %arg13[%get3A_496, %get3A_497] {strides = array<i32>} : memref<80x128xf32, #tpu.memory_space<vmem>>, vector<16xf32>,
          %mul3A_499 = arith.mulf %get3A_498, %gather3A_474 : vector<16xf32>
          %swap3A_500 = arith.index_cast %add3A_469 : i32 to index
          %swap3A_501 = arith.constant 48 : index
          %swap3A_502 = tpu.vector_load %arg13[%swap3A_500, %swap3A_501] {strides = array<i32>} : memref<80x128xf32, #tpu.memory_space<vmem>>, vector<16xf32>,
          tpu.vector_store %arg13[%swap3A_500, %swap3A_501], %mul3A_499 {strides = array<i32>} : memref<80x128xf32, #tpu.memory_space<vmem>>, vector<16xf32>,
          %get3A_503 = arith.index_cast %add3A_469 : i32 to index
          %get3A_504 = arith.constant 64 : index
          %get3A_505 = tpu.vector_load %arg13[%get3A_503, %get3A_504] {strides = array<i32>} : memref<80x128xf32, #tpu.memory_space<vmem>>, vector<16xf32>,
          %mul3A_506 = arith.mulf %get3A_505, %gather3A_474 : vector<16xf32>
          %swap3A_507 = arith.index_cast %add3A_469 : i32 to index
          %swap3A_508 = arith.constant 64 : index
          %swap3A_509 = tpu.vector_load %arg13[%swap3A_507, %swap3A_508] {strides = array<i32>} : memref<80x128xf32, #tpu.memory_space<vmem>>, vector<16xf32>,
          tpu.vector_store %arg13[%swap3A_507, %swap3A_508], %mul3A_506 {strides = array<i32>} : memref<80x128xf32, #tpu.memory_space<vmem>>, vector<16xf32>,
          %get3A_510 = arith.index_cast %add3A_469 : i32 to index
          %get3A_511 = arith.constant 80 : index
          %get3A_512 = tpu.vector_load %arg13[%get3A_510, %get3A_511] {strides = array<i32>} : memref<80x128xf32, #tpu.memory_space<vmem>>, vector<16xf32>,
          %mul3A_513 = arith.mulf %get3A_512, %gather3A_474 : vector<16xf32>
          %swap3A_514 = arith.index_cast %add3A_469 : i32 to index
          %swap3A_515 = arith.constant 80 : index
          %swap3A_516 = tpu.vector_load %arg13[%swap3A_514, %swap3A_515] {strides = array<i32>} : memref<80x128xf32, #tpu.memory_space<vmem>>, vector<16xf32>,
          tpu.vector_store %arg13[%swap3A_514, %swap3A_515], %mul3A_513 {strides = array<i32>} : memref<80x128xf32, #tpu.memory_space<vmem>>, vector<16xf32>,
          %get3A_517 = arith.index_cast %add3A_469 : i32 to index
          %get3A_518 = arith.constant 96 : index
          %get3A_519 = tpu.vector_load %arg13[%get3A_517, %get3A_518] {strides = array<i32>} : memref<80x128xf32, #tpu.memory_space<vmem>>, vector<16xf32>,
          %mul3A_520 = arith.mulf %get3A_519, %gather3A_474 : vector<16xf32>
          %swap3A_521 = arith.index_cast %add3A_469 : i32 to index
          %swap3A_522 = arith.constant 96 : index
          %swap3A_523 = tpu.vector_load %arg13[%swap3A_521, %swap3A_522] {strides = array<i32>} : memref<80x128xf32, #tpu.memory_space<vmem>>, vector<16xf32>,
          tpu.vector_store %arg13[%swap3A_521, %swap3A_522], %mul3A_520 {strides = array<i32>} : memref<80x128xf32, #tpu.memory_space<vmem>>, vector<16xf32>,
          %get3A_524 = arith.index_cast %add3A_469 : i32 to index
          %get3A_525 = arith.constant 112 : index
          %get3A_526 = tpu.vector_load %arg13[%get3A_524, %get3A_525] {strides = array<i32>} : memref<80x128xf32, #tpu.memory_space<vmem>>, vector<16xf32>,
          %mul3A_527 = arith.mulf %get3A_526, %gather3A_474 : vector<16xf32>
          %swap3A_528 = arith.index_cast %add3A_469 : i32 to index
          %swap3A_529 = arith.constant 112 : index
          %swap3A_530 = tpu.vector_load %arg13[%swap3A_528, %swap3A_529] {strides = array<i32>} : memref<80x128xf32, #tpu.memory_space<vmem>>, vector<16xf32>,
          tpu.vector_store %arg13[%swap3A_528, %swap3A_529], %mul3A_527 {strides = array<i32>} : memref<80x128xf32, #tpu.memory_space<vmem>>, vector<16xf32>,
          %add3A_531 = arith.constant 3 : i32
          %add3A_532 = arith.addi %add3A_345, %add3A_531 : i32
          %mul3A_533 = arith.constant 80 : i32
          %mul3A_534 = arith.muli %add3A_290, %mul3A_533 : i32
          %add3A_535 = arith.addi %mul3A_534, %add3A_532 : i32
          %broadcast_in_dim3A_536 = vector.broadcast %add3A_535 : i32 to vector<16xi32>
          %gather3A_537 = tpu.vector_load_idx %arg10[%broadcast_in_dim3A_536] : memref<2000xf32, #tpu.memory_space<vmem>>[vector<16xi32>], vector<16xf32>,
          %get3A_538 = arith.index_cast %add3A_532 : i32 to index
          %get3A_539 = arith.constant 0 : index
          %get3A_540 = tpu.vector_load %arg13[%get3A_538, %get3A_539] {strides = array<i32>} : memref<80x128xf32, #tpu.memory_space<vmem>>, vector<16xf32>,
          %mul3A_541 = arith.mulf %get3A_540, %gather3A_537 : vector<16xf32>
          %swap3A_542 = arith.index_cast %add3A_532 : i32 to index
          %swap3A_543 = arith.constant 0 : index
          %swap3A_544 = tpu.vector_load %arg13[%swap3A_542, %swap3A_543] {strides = array<i32>} : memref<80x128xf32, #tpu.memory_space<vmem>>, vector<16xf32>,
          tpu.vector_store %arg13[%swap3A_542, %swap3A_543], %mul3A_541 {strides = array<i32>} : memref<80x128xf32, #tpu.memory_space<vmem>>, vector<16xf32>,
          %get3A_545 = arith.index_cast %add3A_532 : i32 to index
          %get3A_546 = arith.constant 16 : index
          %get3A_547 = tpu.vector_load %arg13[%get3A_545, %get3A_546] {strides = array<i32>} : memref<80x128xf32, #tpu.memory_space<vmem>>, vector<16xf32>,
          %mul3A_548 = arith.mulf %get3A_547, %gather3A_537 : vector<16xf32>
          %swap3A_549 = arith.index_cast %add3A_532 : i32 to index
          %swap3A_550 = arith.constant 16 : index
          %swap3A_551 = tpu.vector_load %arg13[%swap3A_549, %swap3A_550] {strides = array<i32>} : memref<80x128xf32, #tpu.memory_space<vmem>>, vector<16xf32>,
          tpu.vector_store %arg13[%swap3A_549, %swap3A_550], %mul3A_548 {strides = array<i32>} : memref<80x128xf32, #tpu.memory_space<vmem>>, vector<16xf32>,
          %get3A_552 = arith.index_cast %add3A_532 : i32 to index
          %get3A_553 = arith.constant 32 : index
          %get3A_554 = tpu.vector_load %arg13[%get3A_552, %get3A_553] {strides = array<i32>} : memref<80x128xf32, #tpu.memory_space<vmem>>, vector<16xf32>,
          %mul3A_555 = arith.mulf %get3A_554, %gather3A_537 : vector<16xf32>
          %swap3A_556 = arith.index_cast %add3A_532 : i32 to index
          %swap3A_557 = arith.constant 32 : index
          %swap3A_558 = tpu.vector_load %arg13[%swap3A_556, %swap3A_557] {strides = array<i32>} : memref<80x128xf32, #tpu.memory_space<vmem>>, vector<16xf32>,
          tpu.vector_store %arg13[%swap3A_556, %swap3A_557], %mul3A_555 {strides = array<i32>} : memref<80x128xf32, #tpu.memory_space<vmem>>, vector<16xf32>,
          %get3A_559 = arith.index_cast %add3A_532 : i32 to index
          %get3A_560 = arith.constant 48 : index
          %get3A_561 = tpu.vector_load %arg13[%get3A_559, %get3A_560] {strides = array<i32>} : memref<80x128xf32, #tpu.memory_space<vmem>>, vector<16xf32>,
          %mul3A_562 = arith.mulf %get3A_561, %gather3A_537 : vector<16xf32>
          %swap3A_563 = arith.index_cast %add3A_532 : i32 to index
          %swap3A_564 = arith.constant 48 : index
          %swap3A_565 = tpu.vector_load %arg13[%swap3A_563, %swap3A_564] {strides = array<i32>} : memref<80x128xf32, #tpu.memory_space<vmem>>, vector<16xf32>,
          tpu.vector_store %arg13[%swap3A_563, %swap3A_564], %mul3A_562 {strides = array<i32>} : memref<80x128xf32, #tpu.memory_space<vmem>>, vector<16xf32>,
          %get3A_566 = arith.index_cast %add3A_532 : i32 to index
          %get3A_567 = arith.constant 64 : index
          %get3A_568 = tpu.vector_load %arg13[%get3A_566, %get3A_567] {strides = array<i32>} : memref<80x128xf32, #tpu.memory_space<vmem>>, vector<16xf32>,
          %mul3A_569 = arith.mulf %get3A_568, %gather3A_537 : vector<16xf32>
          %swap3A_570 = arith.index_cast %add3A_532 : i32 to index
          %swap3A_571 = arith.constant 64 : index
          %swap3A_572 = tpu.vector_load %arg13[%swap3A_570, %swap3A_571] {strides = array<i32>} : memref<80x128xf32, #tpu.memory_space<vmem>>, vector<16xf32>,
          tpu.vector_store %arg13[%swap3A_570, %swap3A_571], %mul3A_569 {strides = array<i32>} : memref<80x128xf32, #tpu.memory_space<vmem>>, vector<16xf32>,
          %get3A_573 = arith.index_cast %add3A_532 : i32 to index
          %get3A_574 = arith.constant 80 : index
          %get3A_575 = tpu.vector_load %arg13[%get3A_573, %get3A_574] {strides = array<i32>} : memref<80x128xf32, #tpu.memory_space<vmem>>, vector<16xf32>,
          %mul3A_576 = arith.mulf %get3A_575, %gather3A_537 : vector<16xf32>
          %swap3A_577 = arith.index_cast %add3A_532 : i32 to index
          %swap3A_578 = arith.constant 80 : index
          %swap3A_579 = tpu.vector_load %arg13[%swap3A_577, %swap3A_578] {strides = array<i32>} : memref<80x128xf32, #tpu.memory_space<vmem>>, vector<16xf32>,
          tpu.vector_store %arg13[%swap3A_577, %swap3A_578], %mul3A_576 {strides = array<i32>} : memref<80x128xf32, #tpu.memory_space<vmem>>, vector<16xf32>,
          %get3A_580 = arith.index_cast %add3A_532 : i32 to index
          %get3A_581 = arith.constant 96 : index
          %get3A_582 = tpu.vector_load %arg13[%get3A_580, %get3A_581] {strides = array<i32>} : memref<80x128xf32, #tpu.memory_space<vmem>>, vector<16xf32>,
          %mul3A_583 = arith.mulf %get3A_582, %gather3A_537 : vector<16xf32>
          %swap3A_584 = arith.index_cast %add3A_532 : i32 to index
          %swap3A_585 = arith.constant 96 : index
          %swap3A_586 = tpu.vector_load %arg13[%swap3A_584, %swap3A_585] {strides = array<i32>} : memref<80x128xf32, #tpu.memory_space<vmem>>, vector<16xf32>,
          tpu.vector_store %arg13[%swap3A_584, %swap3A_585], %mul3A_583 {strides = array<i32>} : memref<80x128xf32, #tpu.memory_space<vmem>>, vector<16xf32>,
          %get3A_587 = arith.index_cast %add3A_532 : i32 to index
          %get3A_588 = arith.constant 112 : index
          %get3A_589 = tpu.vector_load %arg13[%get3A_587, %get3A_588] {strides = array<i32>} : memref<80x128xf32, #tpu.memory_space<vmem>>, vector<16xf32>,
          %mul3A_590 = arith.mulf %get3A_589, %gather3A_537 : vector<16xf32>
          %swap3A_591 = arith.index_cast %add3A_532 : i32 to index
          %swap3A_592 = arith.constant 112 : index
          %swap3A_593 = tpu.vector_load %arg13[%swap3A_591, %swap3A_592] {strides = array<i32>} : memref<80x128xf32, #tpu.memory_space<vmem>>, vector<16xf32>,
          tpu.vector_store %arg13[%swap3A_591, %swap3A_592], %mul3A_590 {strides = array<i32>} : memref<80x128xf32, #tpu.memory_space<vmem>>, vector<16xf32>,
        }
        %scan3A_300 = arith.constant 20 : i32
        %dma_start3A_301 = arith.constant 0 : i32
        %dma_start3A_302 = tpu.memref_slice %arg9[%add3A_290, %dma_start3A_301] : memref<25x80xi32, #tpu.memory_space<vmem>> -> memref<1x80xi32, #tpu.memory_space<vmem>>
        %dma_start3A_303 = tpu.memref_squeeze %dma_start3A_302 : memref<1x80xi32, #tpu.memory_space<vmem>> -> memref<80xi32, #tpu.memory_space<vmem>>
        %dma_start3A_304 = arith.constant 0 : i32
        %dma_start3A_305 = arith.constant 0 : i32
        %dma_start3A_306 = tpu.memref_slice %arg7[%dma_start3A_304, %dma_start3A_305] : memref<10240x128xf32, #tpu.memory_space<vmem_shared>> -> memref<10240x128xf32, #tpu.memory_space<vmem_shared>>
        tpu.enqueue_indirect_dma source(%arg13 : memref<80x128xf32, #tpu.memory_space<vmem>>) target(%dma_start3A_306 : memref<10240x128xf32, #tpu.memory_space<vmem_shared>>) offsets(%dma_start3A_303 : memref<80xi32, #tpu.memory_space<vmem>>) semaphore(%arg21 : memref<!tpu.dma_semaphore, #tpu.memory_space<semaphore_mem>>) {add = true}
        %add3A_307 = arith.constant 3 : i32
        %add3A_308 = arith.addi %add3A_290, %add3A_307 : i32
        %lt3A_309 = arith.constant 25 : i32
        %lt3A_310 = arith.cmpi slt, %add3A_308, %lt3A_309 : i32
        %convert_element_type3A_311 = arith.extui %lt3A_310 : i1 to i32
        %cond3A_312 = arith.constant 0 : i32
        %cond3A_313 = arith.cmpi ne, %convert_element_type3A_311, %cond3A_312 : i32
        scf.if %cond3A_313 {
          %ge3A = arith.constant 4 : i32
          %ge3A_341 = arith.cmpi sge, %add3A_308, %ge3A : i32
          %convert_element_type3A_342 = arith.extui %ge3A_341 : i1 to i32
          %cond3A_343 = arith.constant 0 : i32
          %cond3A_344 = arith.cmpi ne, %convert_element_type3A_342, %cond3A_343 : i32
          scf.if %cond3A_344 {
            %dma_wait3A_351 = arith.constant 0 : i32
            %dma_wait3A_352 = arith.constant 0 : i32
            %dma_wait3A_353 = tpu.memref_slice %arg9[%dma_wait3A_351, %dma_wait3A_352] : memref<25x80xi32, #tpu.memory_space<vmem>> -> memref<1x80xi32, #tpu.memory_space<vmem>>
            %dma_wait3A_354 = tpu.memref_squeeze %dma_wait3A_353 : memref<1x80xi32, #tpu.memory_space<vmem>> -> memref<80xi32, #tpu.memory_space<vmem>>
            %dma_wait3A_355 = arith.constant 0 : i32
            %dma_wait3A_356 = arith.constant 0 : i32
            %dma_wait3A_357 = tpu.memref_slice %arg7[%dma_wait3A_355, %dma_wait3A_356] : memref<10240x128xf32, #tpu.memory_space<vmem_shared>> -> memref<10240x128xf32, #tpu.memory_space<vmem_shared>>
            tpu.wait_indirect_dma semaphore(%arg20 : memref<!tpu.dma_semaphore, #tpu.memory_space<semaphore_mem>>) src(%arg12 : memref<80x128xf32, #tpu.memory_space<vmem>>) dst(%dma_wait3A_357 : memref<10240x128xf32, #tpu.memory_space<vmem_shared>>)
          } else {
          }
          %mul3A_345 = arith.constant 80 : i32
          %mul3A_346 = arith.muli %add3A_308, %mul3A_345 : i32
          %dma_start3A_347 = tpu.memref_slice %arg8[%mul3A_346] : memref<2000xi32, #tpu.memory_space<vmem>> -> memref<80xi32, #tpu.memory_space<vmem>>
          %dma_start3A_348 = arith.constant 0 : i32
          %dma_start3A_349 = arith.constant 0 : i32
          %dma_start3A_350 = tpu.memref_slice %arg2[%dma_start3A_348, %dma_start3A_349] : memref<10000x128xf32, #tpu.memory_space<hbm>> -> memref<10000x128xf32, #tpu.memory_space<hbm>>
          tpu.enqueue_indirect_dma source(%dma_start3A_350 : memref<10000x128xf32, #tpu.memory_space<hbm>>) target(%arg12 : memref<80x128xf32, #tpu.memory_space<vmem>>) offsets(%dma_start3A_347 : memref<80xi32, #tpu.memory_space<vmem>>) semaphore(%arg16 : memref<!tpu.dma_semaphore, #tpu.memory_space<semaphore_mem>>)
        } else {
        }
        %mul3A_314 = arith.constant 4 : i32
        %mul3A_315 = arith.muli %add3A_235, %mul3A_314 : i32
        %add3A_316 = arith.constant 3 : i32
        %add3A_317 = arith.addi %mul3A_315, %add3A_316 : i32
        %dma_wait3A_318 = arith.constant 0 : i32
        %dma_wait3A_319 = tpu.memref_slice %arg8[%dma_wait3A_318] : memref<2000xi32, #tpu.memory_space<vmem>> -> memref<80xi32, #tpu.memory_space<vmem>>
        %dma_wait3A_320 = arith.constant 0 : i32
        %dma_wait3A_321 = arith.constant 0 : i32
        %dma_wait3A_322 = tpu.memref_slice %arg2[%dma_wait3A_320, %dma_wait3A_321] : memref<10000x128xf32, #tpu.memory_space<hbm>> -> memref<10000x128xf32, #tpu.memory_space<hbm>>
        tpu.wait_indirect_dma semaphore(%arg18 : memref<!tpu.dma_semaphore, #tpu.memory_space<semaphore_mem>>) src(%dma_wait3A_322 : memref<10000x128xf32, #tpu.memory_space<hbm>>) dst(%arg14 : memref<80x128xf32, #tpu.memory_space<vmem>>)
        %scan3A_323 = arith.constant 0 : i32
        %scan3A_324 = arith.constant 20 : i32
        %scan3A_325 = arith.addi %scan3A_323, %scan3A_324 : i32
        %scan3A_326 = arith.constant 1 : i32
        scf.for %scan3A_341 = %scan3A_323 to %scan3A_325 step %scan3A_326  : i32 {
          %mul3A_342 = arith.constant 4 : i32
          %mul3A_343 = arith.muli %scan3A_341, %mul3A_342 : i32
          %add3A_344 = arith.constant 0 : i32
          %add3A_345 = arith.addi %add3A_344, %mul3A_343 : i32
          %add3A_346 = arith.constant 0 : i32
          %add3A_347 = arith.addi %add3A_345, %add3A_346 : i32
          %mul3A_348 = arith.constant 80 : i32
          %mul3A_349 = arith.muli %add3A_317, %mul3A_348 : i32
          %add3A_350 = arith.addi %mul3A_349, %add3A_347 : i32
          %broadcast_in_dim3A = vector.broadcast %add3A_350 : i32 to vector<16xi32>
          %gather3A = tpu.vector_load_idx %arg10[%broadcast_in_dim3A] : memref<2000xf32, #tpu.memory_space<vmem>>[vector<16xi32>], vector<16xf32>,
          %get3A = arith.index_cast %add3A_347 : i32 to index
          %get3A_351 = arith.constant 0 : index
          %get3A_352 = tpu.vector_load %arg14[%get3A, %get3A_351] {strides = array<i32>} : memref<80x128xf32, #tpu.memory_space<vmem>>, vector<16xf32>,
          %mul3A_353 = arith.mulf %get3A_352, %gather3A : vector<16xf32>
          %swap3A = arith.index_cast %add3A_347 : i32 to index
          %swap3A_354 = arith.constant 0 : index
          %swap3A_355 = tpu.vector_load %arg14[%swap3A, %swap3A_354] {strides = array<i32>} : memref<80x128xf32, #tpu.memory_space<vmem>>, vector<16xf32>,
          tpu.vector_store %arg14[%swap3A, %swap3A_354], %mul3A_353 {strides = array<i32>} : memref<80x128xf32, #tpu.memory_space<vmem>>, vector<16xf32>,
          %get3A_356 = arith.index_cast %add3A_347 : i32 to index
          %get3A_357 = arith.constant 16 : index
          %get3A_358 = tpu.vector_load %arg14[%get3A_356, %get3A_357] {strides = array<i32>} : memref<80x128xf32, #tpu.memory_space<vmem>>, vector<16xf32>,
          %mul3A_359 = arith.mulf %get3A_358, %gather3A : vector<16xf32>
          %swap3A_360 = arith.index_cast %add3A_347 : i32 to index
          %swap3A_361 = arith.constant 16 : index
          %swap3A_362 = tpu.vector_load %arg14[%swap3A_360, %swap3A_361] {strides = array<i32>} : memref<80x128xf32, #tpu.memory_space<vmem>>, vector<16xf32>,
          tpu.vector_store %arg14[%swap3A_360, %swap3A_361], %mul3A_359 {strides = array<i32>} : memref<80x128xf32, #tpu.memory_space<vmem>>, vector<16xf32>,
          %get3A_363 = arith.index_cast %add3A_347 : i32 to index
          %get3A_364 = arith.constant 32 : index
          %get3A_365 = tpu.vector_load %arg14[%get3A_363, %get3A_364] {strides = array<i32>} : memref<80x128xf32, #tpu.memory_space<vmem>>, vector<16xf32>,
          %mul3A_366 = arith.mulf %get3A_365, %gather3A : vector<16xf32>
          %swap3A_367 = arith.index_cast %add3A_347 : i32 to index
          %swap3A_368 = arith.constant 32 : index
          %swap3A_369 = tpu.vector_load %arg14[%swap3A_367, %swap3A_368] {strides = array<i32>} : memref<80x128xf32, #tpu.memory_space<vmem>>, vector<16xf32>,
          tpu.vector_store %arg14[%swap3A_367, %swap3A_368], %mul3A_366 {strides = array<i32>} : memref<80x128xf32, #tpu.memory_space<vmem>>, vector<16xf32>,
          %get3A_370 = arith.index_cast %add3A_347 : i32 to index
          %get3A_371 = arith.constant 48 : index
          %get3A_372 = tpu.vector_load %arg14[%get3A_370, %get3A_371] {strides = array<i32>} : memref<80x128xf32, #tpu.memory_space<vmem>>, vector<16xf32>,
          %mul3A_373 = arith.mulf %get3A_372, %gather3A : vector<16xf32>
          %swap3A_374 = arith.index_cast %add3A_347 : i32 to index
          %swap3A_375 = arith.constant 48 : index
          %swap3A_376 = tpu.vector_load %arg14[%swap3A_374, %swap3A_375] {strides = array<i32>} : memref<80x128xf32, #tpu.memory_space<vmem>>, vector<16xf32>,
          tpu.vector_store %arg14[%swap3A_374, %swap3A_375], %mul3A_373 {strides = array<i32>} : memref<80x128xf32, #tpu.memory_space<vmem>>, vector<16xf32>,
          %get3A_377 = arith.index_cast %add3A_347 : i32 to index
          %get3A_378 = arith.constant 64 : index
          %get3A_379 = tpu.vector_load %arg14[%get3A_377, %get3A_378] {strides = array<i32>} : memref<80x128xf32, #tpu.memory_space<vmem>>, vector<16xf32>,
          %mul3A_380 = arith.mulf %get3A_379, %gather3A : vector<16xf32>
          %swap3A_381 = arith.index_cast %add3A_347 : i32 to index
          %swap3A_382 = arith.constant 64 : index
          %swap3A_383 = tpu.vector_load %arg14[%swap3A_381, %swap3A_382] {strides = array<i32>} : memref<80x128xf32, #tpu.memory_space<vmem>>, vector<16xf32>,
          tpu.vector_store %arg14[%swap3A_381, %swap3A_382], %mul3A_380 {strides = array<i32>} : memref<80x128xf32, #tpu.memory_space<vmem>>, vector<16xf32>,
          %get3A_384 = arith.index_cast %add3A_347 : i32 to index
          %get3A_385 = arith.constant 80 : index
          %get3A_386 = tpu.vector_load %arg14[%get3A_384, %get3A_385] {strides = array<i32>} : memref<80x128xf32, #tpu.memory_space<vmem>>, vector<16xf32>,
          %mul3A_387 = arith.mulf %get3A_386, %gather3A : vector<16xf32>
          %swap3A_388 = arith.index_cast %add3A_347 : i32 to index
          %swap3A_389 = arith.constant 80 : index
          %swap3A_390 = tpu.vector_load %arg14[%swap3A_388, %swap3A_389] {strides = array<i32>} : memref<80x128xf32, #tpu.memory_space<vmem>>, vector<16xf32>,
          tpu.vector_store %arg14[%swap3A_388, %swap3A_389], %mul3A_387 {strides = array<i32>} : memref<80x128xf32, #tpu.memory_space<vmem>>, vector<16xf32>,
          %get3A_391 = arith.index_cast %add3A_347 : i32 to index
          %get3A_392 = arith.constant 96 : index
          %get3A_393 = tpu.vector_load %arg14[%get3A_391, %get3A_392] {strides = array<i32>} : memref<80x128xf32, #tpu.memory_space<vmem>>, vector<16xf32>,
          %mul3A_394 = arith.mulf %get3A_393, %gather3A : vector<16xf32>
          %swap3A_395 = arith.index_cast %add3A_347 : i32 to index
          %swap3A_396 = arith.constant 96 : index
          %swap3A_397 = tpu.vector_load %arg14[%swap3A_395, %swap3A_396] {strides = array<i32>} : memref<80x128xf32, #tpu.memory_space<vmem>>, vector<16xf32>,
          tpu.vector_store %arg14[%swap3A_395, %swap3A_396], %mul3A_394 {strides = array<i32>} : memref<80x128xf32, #tpu.memory_space<vmem>>, vector<16xf32>,
          %get3A_398 = arith.index_cast %add3A_347 : i32 to index
          %get3A_399 = arith.constant 112 : index
          %get3A_400 = tpu.vector_load %arg14[%get3A_398, %get3A_399] {strides = array<i32>} : memref<80x128xf32, #tpu.memory_space<vmem>>, vector<16xf32>,
          %mul3A_401 = arith.mulf %get3A_400, %gather3A : vector<16xf32>
          %swap3A_402 = arith.index_cast %add3A_347 : i32 to index
          %swap3A_403 = arith.constant 112 : index
          %swap3A_404 = tpu.vector_load %arg14[%swap3A_402, %swap3A_403] {strides = array<i32>} : memref<80x128xf32, #tpu.memory_space<vmem>>, vector<16xf32>,
          tpu.vector_store %arg14[%swap3A_402, %swap3A_403], %mul3A_401 {strides = array<i32>} : memref<80x128xf32, #tpu.memory_space<vmem>>, vector<16xf32>,
          %add3A_405 = arith.constant 1 : i32
          %add3A_406 = arith.addi %add3A_345, %add3A_405 : i32
          %mul3A_407 = arith.constant 80 : i32
          %mul3A_408 = arith.muli %add3A_317, %mul3A_407 : i32
          %add3A_409 = arith.addi %mul3A_408, %add3A_406 : i32
          %broadcast_in_dim3A_410 = vector.broadcast %add3A_409 : i32 to vector<16xi32>
          %gather3A_411 = tpu.vector_load_idx %arg10[%broadcast_in_dim3A_410] : memref<2000xf32, #tpu.memory_space<vmem>>[vector<16xi32>], vector<16xf32>,
          %get3A_412 = arith.index_cast %add3A_406 : i32 to index
          %get3A_413 = arith.constant 0 : index
          %get3A_414 = tpu.vector_load %arg14[%get3A_412, %get3A_413] {strides = array<i32>} : memref<80x128xf32, #tpu.memory_space<vmem>>, vector<16xf32>,
          %mul3A_415 = arith.mulf %get3A_414, %gather3A_411 : vector<16xf32>
          %swap3A_416 = arith.index_cast %add3A_406 : i32 to index
          %swap3A_417 = arith.constant 0 : index
          %swap3A_418 = tpu.vector_load %arg14[%swap3A_416, %swap3A_417] {strides = array<i32>} : memref<80x128xf32, #tpu.memory_space<vmem>>, vector<16xf32>,
          tpu.vector_store %arg14[%swap3A_416, %swap3A_417], %mul3A_415 {strides = array<i32>} : memref<80x128xf32, #tpu.memory_space<vmem>>, vector<16xf32>,
          %get3A_419 = arith.index_cast %add3A_406 : i32 to index
          %get3A_420 = arith.constant 16 : index
          %get3A_421 = tpu.vector_load %arg14[%get3A_419, %get3A_420] {strides = array<i32>} : memref<80x128xf32, #tpu.memory_space<vmem>>, vector<16xf32>,
          %mul3A_422 = arith.mulf %get3A_421, %gather3A_411 : vector<16xf32>
          %swap3A_423 = arith.index_cast %add3A_406 : i32 to index
          %swap3A_424 = arith.constant 16 : index
          %swap3A_425 = tpu.vector_load %arg14[%swap3A_423, %swap3A_424] {strides = array<i32>} : memref<80x128xf32, #tpu.memory_space<vmem>>, vector<16xf32>,
          tpu.vector_store %arg14[%swap3A_423, %swap3A_424], %mul3A_422 {strides = array<i32>} : memref<80x128xf32, #tpu.memory_space<vmem>>, vector<16xf32>,
          %get3A_426 = arith.index_cast %add3A_406 : i32 to index
          %get3A_427 = arith.constant 32 : index
          %get3A_428 = tpu.vector_load %arg14[%get3A_426, %get3A_427] {strides = array<i32>} : memref<80x128xf32, #tpu.memory_space<vmem>>, vector<16xf32>,
          %mul3A_429 = arith.mulf %get3A_428, %gather3A_411 : vector<16xf32>
          %swap3A_430 = arith.index_cast %add3A_406 : i32 to index
          %swap3A_431 = arith.constant 32 : index
          %swap3A_432 = tpu.vector_load %arg14[%swap3A_430, %swap3A_431] {strides = array<i32>} : memref<80x128xf32, #tpu.memory_space<vmem>>, vector<16xf32>,
          tpu.vector_store %arg14[%swap3A_430, %swap3A_431], %mul3A_429 {strides = array<i32>} : memref<80x128xf32, #tpu.memory_space<vmem>>, vector<16xf32>,
          %get3A_433 = arith.index_cast %add3A_406 : i32 to index
          %get3A_434 = arith.constant 48 : index
          %get3A_435 = tpu.vector_load %arg14[%get3A_433, %get3A_434] {strides = array<i32>} : memref<80x128xf32, #tpu.memory_space<vmem>>, vector<16xf32>,
          %mul3A_436 = arith.mulf %get3A_435, %gather3A_411 : vector<16xf32>
          %swap3A_437 = arith.index_cast %add3A_406 : i32 to index
          %swap3A_438 = arith.constant 48 : index
          %swap3A_439 = tpu.vector_load %arg14[%swap3A_437, %swap3A_438] {strides = array<i32>} : memref<80x128xf32, #tpu.memory_space<vmem>>, vector<16xf32>,
          tpu.vector_store %arg14[%swap3A_437, %swap3A_438], %mul3A_436 {strides = array<i32>} : memref<80x128xf32, #tpu.memory_space<vmem>>, vector<16xf32>,
          %get3A_440 = arith.index_cast %add3A_406 : i32 to index
          %get3A_441 = arith.constant 64 : index
          %get3A_442 = tpu.vector_load %arg14[%get3A_440, %get3A_441] {strides = array<i32>} : memref<80x128xf32, #tpu.memory_space<vmem>>, vector<16xf32>,
          %mul3A_443 = arith.mulf %get3A_442, %gather3A_411 : vector<16xf32>
          %swap3A_444 = arith.index_cast %add3A_406 : i32 to index
          %swap3A_445 = arith.constant 64 : index
          %swap3A_446 = tpu.vector_load %arg14[%swap3A_444, %swap3A_445] {strides = array<i32>} : memref<80x128xf32, #tpu.memory_space<vmem>>, vector<16xf32>,
          tpu.vector_store %arg14[%swap3A_444, %swap3A_445], %mul3A_443 {strides = array<i32>} : memref<80x128xf32, #tpu.memory_space<vmem>>, vector<16xf32>,
          %get3A_447 = arith.index_cast %add3A_406 : i32 to index
          %get3A_448 = arith.constant 80 : index
          %get3A_449 = tpu.vector_load %arg14[%get3A_447, %get3A_448] {strides = array<i32>} : memref<80x128xf32, #tpu.memory_space<vmem>>, vector<16xf32>,
          %mul3A_450 = arith.mulf %get3A_449, %gather3A_411 : vector<16xf32>
          %swap3A_451 = arith.index_cast %add3A_406 : i32 to index
          %swap3A_452 = arith.constant 80 : index
          %swap3A_453 = tpu.vector_load %arg14[%swap3A_451, %swap3A_452] {strides = array<i32>} : memref<80x128xf32, #tpu.memory_space<vmem>>, vector<16xf32>,
          tpu.vector_store %arg14[%swap3A_451, %swap3A_452], %mul3A_450 {strides = array<i32>} : memref<80x128xf32, #tpu.memory_space<vmem>>, vector<16xf32>,
          %get3A_454 = arith.index_cast %add3A_406 : i32 to index
          %get3A_455 = arith.constant 96 : index
          %get3A_456 = tpu.vector_load %arg14[%get3A_454, %get3A_455] {strides = array<i32>} : memref<80x128xf32, #tpu.memory_space<vmem>>, vector<16xf32>,
          %mul3A_457 = arith.mulf %get3A_456, %gather3A_411 : vector<16xf32>
          %swap3A_458 = arith.index_cast %add3A_406 : i32 to index
          %swap3A_459 = arith.constant 96 : index
          %swap3A_460 = tpu.vector_load %arg14[%swap3A_458, %swap3A_459] {strides = array<i32>} : memref<80x128xf32, #tpu.memory_space<vmem>>, vector<16xf32>,
          tpu.vector_store %arg14[%swap3A_458, %swap3A_459], %mul3A_457 {strides = array<i32>} : memref<80x128xf32, #tpu.memory_space<vmem>>, vector<16xf32>,
          %get3A_461 = arith.index_cast %add3A_406 : i32 to index
          %get3A_462 = arith.constant 112 : index
          %get3A_463 = tpu.vector_load %arg14[%get3A_461, %get3A_462] {strides = array<i32>} : memref<80x128xf32, #tpu.memory_space<vmem>>, vector<16xf32>,
          %mul3A_464 = arith.mulf %get3A_463, %gather3A_411 : vector<16xf32>
          %swap3A_465 = arith.index_cast %add3A_406 : i32 to index
          %swap3A_466 = arith.constant 112 : index
          %swap3A_467 = tpu.vector_load %arg14[%swap3A_465, %swap3A_466] {strides = array<i32>} : memref<80x128xf32, #tpu.memory_space<vmem>>, vector<16xf32>,
          tpu.vector_store %arg14[%swap3A_465, %swap3A_466], %mul3A_464 {strides = array<i32>} : memref<80x128xf32, #tpu.memory_space<vmem>>, vector<16xf32>,
          %add3A_468 = arith.constant 2 : i32
          %add3A_469 = arith.addi %add3A_345, %add3A_468 : i32
          %mul3A_470 = arith.constant 80 : i32
          %mul3A_471 = arith.muli %add3A_317, %mul3A_470 : i32
          %add3A_472 = arith.addi %mul3A_471, %add3A_469 : i32
          %broadcast_in_dim3A_473 = vector.broadcast %add3A_472 : i32 to vector<16xi32>
          %gather3A_474 = tpu.vector_load_idx %arg10[%broadcast_in_dim3A_473] : memref<2000xf32, #tpu.memory_space<vmem>>[vector<16xi32>], vector<16xf32>,
          %get3A_475 = arith.index_cast %add3A_469 : i32 to index
          %get3A_476 = arith.constant 0 : index
          %get3A_477 = tpu.vector_load %arg14[%get3A_475, %get3A_476] {strides = array<i32>} : memref<80x128xf32, #tpu.memory_space<vmem>>, vector<16xf32>,
          %mul3A_478 = arith.mulf %get3A_477, %gather3A_474 : vector<16xf32>
          %swap3A_479 = arith.index_cast %add3A_469 : i32 to index
          %swap3A_480 = arith.constant 0 : index
          %swap3A_481 = tpu.vector_load %arg14[%swap3A_479, %swap3A_480] {strides = array<i32>} : memref<80x128xf32, #tpu.memory_space<vmem>>, vector<16xf32>,
          tpu.vector_store %arg14[%swap3A_479, %swap3A_480], %mul3A_478 {strides = array<i32>} : memref<80x128xf32, #tpu.memory_space<vmem>>, vector<16xf32>,
          %get3A_482 = arith.index_cast %add3A_469 : i32 to index
          %get3A_483 = arith.constant 16 : index
          %get3A_484 = tpu.vector_load %arg14[%get3A_482, %get3A_483] {strides = array<i32>} : memref<80x128xf32, #tpu.memory_space<vmem>>, vector<16xf32>,
          %mul3A_485 = arith.mulf %get3A_484, %gather3A_474 : vector<16xf32>
          %swap3A_486 = arith.index_cast %add3A_469 : i32 to index
          %swap3A_487 = arith.constant 16 : index
          %swap3A_488 = tpu.vector_load %arg14[%swap3A_486, %swap3A_487] {strides = array<i32>} : memref<80x128xf32, #tpu.memory_space<vmem>>, vector<16xf32>,
          tpu.vector_store %arg14[%swap3A_486, %swap3A_487], %mul3A_485 {strides = array<i32>} : memref<80x128xf32, #tpu.memory_space<vmem>>, vector<16xf32>,
          %get3A_489 = arith.index_cast %add3A_469 : i32 to index
          %get3A_490 = arith.constant 32 : index
          %get3A_491 = tpu.vector_load %arg14[%get3A_489, %get3A_490] {strides = array<i32>} : memref<80x128xf32, #tpu.memory_space<vmem>>, vector<16xf32>,
          %mul3A_492 = arith.mulf %get3A_491, %gather3A_474 : vector<16xf32>
          %swap3A_493 = arith.index_cast %add3A_469 : i32 to index
          %swap3A_494 = arith.constant 32 : index
          %swap3A_495 = tpu.vector_load %arg14[%swap3A_493, %swap3A_494] {strides = array<i32>} : memref<80x128xf32, #tpu.memory_space<vmem>>, vector<16xf32>,
          tpu.vector_store %arg14[%swap3A_493, %swap3A_494], %mul3A_492 {strides = array<i32>} : memref<80x128xf32, #tpu.memory_space<vmem>>, vector<16xf32>,
          %get3A_496 = arith.index_cast %add3A_469 : i32 to index
          %get3A_497 = arith.constant 48 : index
          %get3A_498 = tpu.vector_load %arg14[%get3A_496, %get3A_497] {strides = array<i32>} : memref<80x128xf32, #tpu.memory_space<vmem>>, vector<16xf32>,
          %mul3A_499 = arith.mulf %get3A_498, %gather3A_474 : vector<16xf32>
          %swap3A_500 = arith.index_cast %add3A_469 : i32 to index
          %swap3A_501 = arith.constant 48 : index
          %swap3A_502 = tpu.vector_load %arg14[%swap3A_500, %swap3A_501] {strides = array<i32>} : memref<80x128xf32, #tpu.memory_space<vmem>>, vector<16xf32>,
          tpu.vector_store %arg14[%swap3A_500, %swap3A_501], %mul3A_499 {strides = array<i32>} : memref<80x128xf32, #tpu.memory_space<vmem>>, vector<16xf32>,
          %get3A_503 = arith.index_cast %add3A_469 : i32 to index
          %get3A_504 = arith.constant 64 : index
          %get3A_505 = tpu.vector_load %arg14[%get3A_503, %get3A_504] {strides = array<i32>} : memref<80x128xf32, #tpu.memory_space<vmem>>, vector<16xf32>,
          %mul3A_506 = arith.mulf %get3A_505, %gather3A_474 : vector<16xf32>
          %swap3A_507 = arith.index_cast %add3A_469 : i32 to index
          %swap3A_508 = arith.constant 64 : index
          %swap3A_509 = tpu.vector_load %arg14[%swap3A_507, %swap3A_508] {strides = array<i32>} : memref<80x128xf32, #tpu.memory_space<vmem>>, vector<16xf32>,
          tpu.vector_store %arg14[%swap3A_507, %swap3A_508], %mul3A_506 {strides = array<i32>} : memref<80x128xf32, #tpu.memory_space<vmem>>, vector<16xf32>,
          %get3A_510 = arith.index_cast %add3A_469 : i32 to index
          %get3A_511 = arith.constant 80 : index
          %get3A_512 = tpu.vector_load %arg14[%get3A_510, %get3A_511] {strides = array<i32>} : memref<80x128xf32, #tpu.memory_space<vmem>>, vector<16xf32>,
          %mul3A_513 = arith.mulf %get3A_512, %gather3A_474 : vector<16xf32>
          %swap3A_514 = arith.index_cast %add3A_469 : i32 to index
          %swap3A_515 = arith.constant 80 : index
          %swap3A_516 = tpu.vector_load %arg14[%swap3A_514, %swap3A_515] {strides = array<i32>} : memref<80x128xf32, #tpu.memory_space<vmem>>, vector<16xf32>,
          tpu.vector_store %arg14[%swap3A_514, %swap3A_515], %mul3A_513 {strides = array<i32>} : memref<80x128xf32, #tpu.memory_space<vmem>>, vector<16xf32>,
          %get3A_517 = arith.index_cast %add3A_469 : i32 to index
          %get3A_518 = arith.constant 96 : index
          %get3A_519 = tpu.vector_load %arg14[%get3A_517, %get3A_518] {strides = array<i32>} : memref<80x128xf32, #tpu.memory_space<vmem>>, vector<16xf32>,
          %mul3A_520 = arith.mulf %get3A_519, %gather3A_474 : vector<16xf32>
          %swap3A_521 = arith.index_cast %add3A_469 : i32 to index
          %swap3A_522 = arith.constant 96 : index
          %swap3A_523 = tpu.vector_load %arg14[%swap3A_521, %swap3A_522] {strides = array<i32>} : memref<80x128xf32, #tpu.memory_space<vmem>>, vector<16xf32>,
          tpu.vector_store %arg14[%swap3A_521, %swap3A_522], %mul3A_520 {strides = array<i32>} : memref<80x128xf32, #tpu.memory_space<vmem>>, vector<16xf32>,
          %get3A_524 = arith.index_cast %add3A_469 : i32 to index
          %get3A_525 = arith.constant 112 : index
          %get3A_526 = tpu.vector_load %arg14[%get3A_524, %get3A_525] {strides = array<i32>} : memref<80x128xf32, #tpu.memory_space<vmem>>, vector<16xf32>,
          %mul3A_527 = arith.mulf %get3A_526, %gather3A_474 : vector<16xf32>
          %swap3A_528 = arith.index_cast %add3A_469 : i32 to index
          %swap3A_529 = arith.constant 112 : index
          %swap3A_530 = tpu.vector_load %arg14[%swap3A_528, %swap3A_529] {strides = array<i32>} : memref<80x128xf32, #tpu.memory_space<vmem>>, vector<16xf32>,
          tpu.vector_store %arg14[%swap3A_528, %swap3A_529], %mul3A_527 {strides = array<i32>} : memref<80x128xf32, #tpu.memory_space<vmem>>, vector<16xf32>,
          %add3A_531 = arith.constant 3 : i32
          %add3A_532 = arith.addi %add3A_345, %add3A_531 : i32
          %mul3A_533 = arith.constant 80 : i32
          %mul3A_534 = arith.muli %add3A_317, %mul3A_533 : i32
          %add3A_535 = arith.addi %mul3A_534, %add3A_532 : i32
          %broadcast_in_dim3A_536 = vector.broadcast %add3A_535 : i32 to vector<16xi32>
          %gather3A_537 = tpu.vector_load_idx %arg10[%broadcast_in_dim3A_536] : memref<2000xf32, #tpu.memory_space<vmem>>[vector<16xi32>], vector<16xf32>,
          %get3A_538 = arith.index_cast %add3A_532 : i32 to index
          %get3A_539 = arith.constant 0 : index
          %get3A_540 = tpu.vector_load %arg14[%get3A_538, %get3A_539] {strides = array<i32>} : memref<80x128xf32, #tpu.memory_space<vmem>>, vector<16xf32>,
          %mul3A_541 = arith.mulf %get3A_540, %gather3A_537 : vector<16xf32>
          %swap3A_542 = arith.index_cast %add3A_532 : i32 to index
          %swap3A_543 = arith.constant 0 : index
          %swap3A_544 = tpu.vector_load %arg14[%swap3A_542, %swap3A_543] {strides = array<i32>} : memref<80x128xf32, #tpu.memory_space<vmem>>, vector<16xf32>,
          tpu.vector_store %arg14[%swap3A_542, %swap3A_543], %mul3A_541 {strides = array<i32>} : memref<80x128xf32, #tpu.memory_space<vmem>>, vector<16xf32>,
          %get3A_545 = arith.index_cast %add3A_532 : i32 to index
          %get3A_546 = arith.constant 16 : index
          %get3A_547 = tpu.vector_load %arg14[%get3A_545, %get3A_546] {strides = array<i32>} : memref<80x128xf32, #tpu.memory_space<vmem>>, vector<16xf32>,
          %mul3A_548 = arith.mulf %get3A_547, %gather3A_537 : vector<16xf32>
          %swap3A_549 = arith.index_cast %add3A_532 : i32 to index
          %swap3A_550 = arith.constant 16 : index
          %swap3A_551 = tpu.vector_load %arg14[%swap3A_549, %swap3A_550] {strides = array<i32>} : memref<80x128xf32, #tpu.memory_space<vmem>>, vector<16xf32>,
          tpu.vector_store %arg14[%swap3A_549, %swap3A_550], %mul3A_548 {strides = array<i32>} : memref<80x128xf32, #tpu.memory_space<vmem>>, vector<16xf32>,
          %get3A_552 = arith.index_cast %add3A_532 : i32 to index
          %get3A_553 = arith.constant 32 : index
          %get3A_554 = tpu.vector_load %arg14[%get3A_552, %get3A_553] {strides = array<i32>} : memref<80x128xf32, #tpu.memory_space<vmem>>, vector<16xf32>,
          %mul3A_555 = arith.mulf %get3A_554, %gather3A_537 : vector<16xf32>
          %swap3A_556 = arith.index_cast %add3A_532 : i32 to index
          %swap3A_557 = arith.constant 32 : index
          %swap3A_558 = tpu.vector_load %arg14[%swap3A_556, %swap3A_557] {strides = array<i32>} : memref<80x128xf32, #tpu.memory_space<vmem>>, vector<16xf32>,
          tpu.vector_store %arg14[%swap3A_556, %swap3A_557], %mul3A_555 {strides = array<i32>} : memref<80x128xf32, #tpu.memory_space<vmem>>, vector<16xf32>,
          %get3A_559 = arith.index_cast %add3A_532 : i32 to index
          %get3A_560 = arith.constant 48 : index
          %get3A_561 = tpu.vector_load %arg14[%get3A_559, %get3A_560] {strides = array<i32>} : memref<80x128xf32, #tpu.memory_space<vmem>>, vector<16xf32>,
          %mul3A_562 = arith.mulf %get3A_561, %gather3A_537 : vector<16xf32>
          %swap3A_563 = arith.index_cast %add3A_532 : i32 to index
          %swap3A_564 = arith.constant 48 : index
          %swap3A_565 = tpu.vector_load %arg14[%swap3A_563, %swap3A_564] {strides = array<i32>} : memref<80x128xf32, #tpu.memory_space<vmem>>, vector<16xf32>,
          tpu.vector_store %arg14[%swap3A_563, %swap3A_564], %mul3A_562 {strides = array<i32>} : memref<80x128xf32, #tpu.memory_space<vmem>>, vector<16xf32>,
          %get3A_566 = arith.index_cast %add3A_532 : i32 to index
          %get3A_567 = arith.constant 64 : index
          %get3A_568 = tpu.vector_load %arg14[%get3A_566, %get3A_567] {strides = array<i32>} : memref<80x128xf32, #tpu.memory_space<vmem>>, vector<16xf32>,
          %mul3A_569 = arith.mulf %get3A_568, %gather3A_537 : vector<16xf32>
          %swap3A_570 = arith.index_cast %add3A_532 : i32 to index
          %swap3A_571 = arith.constant 64 : index
          %swap3A_572 = tpu.vector_load %arg14[%swap3A_570, %swap3A_571] {strides = array<i32>} : memref<80x128xf32, #tpu.memory_space<vmem>>, vector<16xf32>,
          tpu.vector_store %arg14[%swap3A_570, %swap3A_571], %mul3A_569 {strides = array<i32>} : memref<80x128xf32, #tpu.memory_space<vmem>>, vector<16xf32>,
          %get3A_573 = arith.index_cast %add3A_532 : i32 to index
          %get3A_574 = arith.constant 80 : index
          %get3A_575 = tpu.vector_load %arg14[%get3A_573, %get3A_574] {strides = array<i32>} : memref<80x128xf32, #tpu.memory_space<vmem>>, vector<16xf32>,
          %mul3A_576 = arith.mulf %get3A_575, %gather3A_537 : vector<16xf32>
          %swap3A_577 = arith.index_cast %add3A_532 : i32 to index
          %swap3A_578 = arith.constant 80 : index
          %swap3A_579 = tpu.vector_load %arg14[%swap3A_577, %swap3A_578] {strides = array<i32>} : memref<80x128xf32, #tpu.memory_space<vmem>>, vector<16xf32>,
          tpu.vector_store %arg14[%swap3A_577, %swap3A_578], %mul3A_576 {strides = array<i32>} : memref<80x128xf32, #tpu.memory_space<vmem>>, vector<16xf32>,
          %get3A_580 = arith.index_cast %add3A_532 : i32 to index
          %get3A_581 = arith.constant 96 : index
          %get3A_582 = tpu.vector_load %arg14[%get3A_580, %get3A_581] {strides = array<i32>} : memref<80x128xf32, #tpu.memory_space<vmem>>, vector<16xf32>,
          %mul3A_583 = arith.mulf %get3A_582, %gather3A_537 : vector<16xf32>
          %swap3A_584 = arith.index_cast %add3A_532 : i32 to index
          %swap3A_585 = arith.constant 96 : index
          %swap3A_586 = tpu.vector_load %arg14[%swap3A_584, %swap3A_585] {strides = array<i32>} : memref<80x128xf32, #tpu.memory_space<vmem>>, vector<16xf32>,
          tpu.vector_store %arg14[%swap3A_584, %swap3A_585], %mul3A_583 {strides = array<i32>} : memref<80x128xf32, #tpu.memory_space<vmem>>, vector<16xf32>,
          %get3A_587 = arith.index_cast %add3A_532 : i32 to index
          %get3A_588 = arith.constant 112 : index
          %get3A_589 = tpu.vector_load %arg14[%get3A_587, %get3A_588] {strides = array<i32>} : memref<80x128xf32, #tpu.memory_space<vmem>>, vector<16xf32>,
          %mul3A_590 = arith.mulf %get3A_589, %gather3A_537 : vector<16xf32>
          %swap3A_591 = arith.index_cast %add3A_532 : i32 to index
          %swap3A_592 = arith.constant 112 : index
          %swap3A_593 = tpu.vector_load %arg14[%swap3A_591, %swap3A_592] {strides = array<i32>} : memref<80x128xf32, #tpu.memory_space<vmem>>, vector<16xf32>,
          tpu.vector_store %arg14[%swap3A_591, %swap3A_592], %mul3A_590 {strides = array<i32>} : memref<80x128xf32, #tpu.memory_space<vmem>>, vector<16xf32>,
        }
        %scan3A_327 = arith.constant 20 : i32
        %dma_start3A_328 = arith.constant 0 : i32
        %dma_start3A_329 = tpu.memref_slice %arg9[%add3A_317, %dma_start3A_328] : memref<25x80xi32, #tpu.memory_space<vmem>> -> memref<1x80xi32, #tpu.memory_space<vmem>>
        %dma_start3A_330 = tpu.memref_squeeze %dma_start3A_329 : memref<1x80xi32, #tpu.memory_space<vmem>> -> memref<80xi32, #tpu.memory_space<vmem>>
        %dma_start3A_331 = arith.constant 0 : i32
        %dma_start3A_332 = arith.constant 0 : i32
        %dma_start3A_333 = tpu.memref_slice %arg7[%dma_start3A_331, %dma_start3A_332] : memref<10240x128xf32, #tpu.memory_space<vmem_shared>> -> memref<10240x128xf32, #tpu.memory_space<vmem_shared>>
        tpu.enqueue_indirect_dma source(%arg14 : memref<80x128xf32, #tpu.memory_space<vmem>>) target(%dma_start3A_333 : memref<10240x128xf32, #tpu.memory_space<vmem_shared>>) offsets(%dma_start3A_330 : memref<80xi32, #tpu.memory_space<vmem>>) semaphore(%arg22 : memref<!tpu.dma_semaphore, #tpu.memory_space<semaphore_mem>>) {add = true}
        %add3A_334 = arith.constant 3 : i32
        %add3A_335 = arith.addi %add3A_317, %add3A_334 : i32
        %lt3A_336 = arith.constant 25 : i32
        %lt3A_337 = arith.cmpi slt, %add3A_335, %lt3A_336 : i32
        %convert_element_type3A_338 = arith.extui %lt3A_337 : i1 to i32
        %cond3A_339 = arith.constant 0 : i32
        %cond3A_340 = arith.cmpi ne, %convert_element_type3A_338, %cond3A_339 : i32
        scf.if %cond3A_340 {
          %ge3A = arith.constant 4 : i32
          %ge3A_341 = arith.cmpi sge, %add3A_335, %ge3A : i32
          %convert_element_type3A_342 = arith.extui %ge3A_341 : i1 to i32
          %cond3A_343 = arith.constant 0 : i32
          %cond3A_344 = arith.cmpi ne, %convert_element_type3A_342, %cond3A_343 : i32
          scf.if %cond3A_344 {
            %dma_wait3A_351 = arith.constant 0 : i32
            %dma_wait3A_352 = arith.constant 0 : i32
            %dma_wait3A_353 = tpu.memref_slice %arg9[%dma_wait3A_351, %dma_wait3A_352] : memref<25x80xi32, #tpu.memory_space<vmem>> -> memref<1x80xi32, #tpu.memory_space<vmem>>
            %dma_wait3A_354 = tpu.memref_squeeze %dma_wait3A_353 : memref<1x80xi32, #tpu.memory_space<vmem>> -> memref<80xi32, #tpu.memory_space<vmem>>
            %dma_wait3A_355 = arith.constant 0 : i32
            %dma_wait3A_356 = arith.constant 0 : i32
            %dma_wait3A_357 = tpu.memref_slice %arg7[%dma_wait3A_355, %dma_wait3A_356] : memref<10240x128xf32, #tpu.memory_space<vmem_shared>> -> memref<10240x128xf32, #tpu.memory_space<vmem_shared>>
            tpu.wait_indirect_dma semaphore(%arg21 : memref<!tpu.dma_semaphore, #tpu.memory_space<semaphore_mem>>) src(%arg13 : memref<80x128xf32, #tpu.memory_space<vmem>>) dst(%dma_wait3A_357 : memref<10240x128xf32, #tpu.memory_space<vmem_shared>>)
          } else {
          }
          %mul3A_345 = arith.constant 80 : i32
          %mul3A_346 = arith.muli %add3A_335, %mul3A_345 : i32
          %dma_start3A_347 = tpu.memref_slice %arg8[%mul3A_346] : memref<2000xi32, #tpu.memory_space<vmem>> -> memref<80xi32, #tpu.memory_space<vmem>>
          %dma_start3A_348 = arith.constant 0 : i32
          %dma_start3A_349 = arith.constant 0 : i32
          %dma_start3A_350 = tpu.memref_slice %arg2[%dma_start3A_348, %dma_start3A_349] : memref<10000x128xf32, #tpu.memory_space<hbm>> -> memref<10000x128xf32, #tpu.memory_space<hbm>>
          tpu.enqueue_indirect_dma source(%dma_start3A_350 : memref<10000x128xf32, #tpu.memory_space<hbm>>) target(%arg13 : memref<80x128xf32, #tpu.memory_space<vmem>>) offsets(%dma_start3A_347 : memref<80xi32, #tpu.memory_space<vmem>>) semaphore(%arg17 : memref<!tpu.dma_semaphore, #tpu.memory_space<semaphore_mem>>)
        } else {
        }
      }
      %scan3A_185 = arith.constant 6 : i32
      %dma_wait3A_186 = arith.constant 0 : i32
      %dma_wait3A_187 = tpu.memref_slice %arg8[%dma_wait3A_186] : memref<2000xi32, #tpu.memory_space<vmem>> -> memref<80xi32, #tpu.memory_space<vmem>>
      %dma_wait3A_188 = arith.constant 0 : i32
      %dma_wait3A_189 = arith.constant 0 : i32
      %dma_wait3A_190 = tpu.memref_slice %arg2[%dma_wait3A_188, %dma_wait3A_189] : memref<10000x128xf32, #tpu.memory_space<hbm>> -> memref<10000x128xf32, #tpu.memory_space<hbm>>
      tpu.wait_indirect_dma semaphore(%arg15 : memref<!tpu.dma_semaphore, #tpu.memory_space<semaphore_mem>>) src(%dma_wait3A_190 : memref<10000x128xf32, #tpu.memory_space<hbm>>) dst(%arg11 : memref<80x128xf32, #tpu.memory_space<vmem>>)
      %scan3A_191 = arith.constant 0 : i32
      %scan3A_192 = arith.constant 20 : i32
      %scan3A_193 = arith.addi %scan3A_191, %scan3A_192 : i32
      %scan3A_194 = arith.constant 1 : i32
      scf.for %scan3A_231 = %scan3A_191 to %scan3A_193 step %scan3A_194  : i32 {
        %mul3A_232 = arith.constant 4 : i32
        %mul3A_233 = arith.muli %scan3A_231, %mul3A_232 : i32
        %add3A_234 = arith.constant 0 : i32
        %add3A_235 = arith.addi %add3A_234, %mul3A_233 : i32
        %add3A_236 = arith.constant 0 : i32
        %add3A_237 = arith.addi %add3A_235, %add3A_236 : i32
        %add3A_238 = arith.constant 1920 : i32
        %add3A_239 = arith.addi %add3A_238, %add3A_237 : i32
        %broadcast_in_dim3A = vector.broadcast %add3A_239 : i32 to vector<16xi32>
        %gather3A = tpu.vector_load_idx %arg10[%broadcast_in_dim3A] : memref<2000xf32, #tpu.memory_space<vmem>>[vector<16xi32>], vector<16xf32>,
        %get3A = arith.index_cast %add3A_237 : i32 to index
        %get3A_240 = arith.constant 0 : index
        %get3A_241 = tpu.vector_load %arg11[%get3A, %get3A_240] {strides = array<i32>} : memref<80x128xf32, #tpu.memory_space<vmem>>, vector<16xf32>,
        %mul3A_242 = arith.mulf %get3A_241, %gather3A : vector<16xf32>
        %swap3A = arith.index_cast %add3A_237 : i32 to index
        %swap3A_243 = arith.constant 0 : index
        %swap3A_244 = tpu.vector_load %arg11[%swap3A, %swap3A_243] {strides = array<i32>} : memref<80x128xf32, #tpu.memory_space<vmem>>, vector<16xf32>,
        tpu.vector_store %arg11[%swap3A, %swap3A_243], %mul3A_242 {strides = array<i32>} : memref<80x128xf32, #tpu.memory_space<vmem>>, vector<16xf32>,
        %get3A_245 = arith.index_cast %add3A_237 : i32 to index
        %get3A_246 = arith.constant 16 : index
        %get3A_247 = tpu.vector_load %arg11[%get3A_245, %get3A_246] {strides = array<i32>} : memref<80x128xf32, #tpu.memory_space<vmem>>, vector<16xf32>,
        %mul3A_248 = arith.mulf %get3A_247, %gather3A : vector<16xf32>
        %swap3A_249 = arith.index_cast %add3A_237 : i32 to index
        %swap3A_250 = arith.constant 16 : index
        %swap3A_251 = tpu.vector_load %arg11[%swap3A_249, %swap3A_250] {strides = array<i32>} : memref<80x128xf32, #tpu.memory_space<vmem>>, vector<16xf32>,
        tpu.vector_store %arg11[%swap3A_249, %swap3A_250], %mul3A_248 {strides = array<i32>} : memref<80x128xf32, #tpu.memory_space<vmem>>, vector<16xf32>,
        %get3A_252 = arith.index_cast %add3A_237 : i32 to index
        %get3A_253 = arith.constant 32 : index
        %get3A_254 = tpu.vector_load %arg11[%get3A_252, %get3A_253] {strides = array<i32>} : memref<80x128xf32, #tpu.memory_space<vmem>>, vector<16xf32>,
        %mul3A_255 = arith.mulf %get3A_254, %gather3A : vector<16xf32>
        %swap3A_256 = arith.index_cast %add3A_237 : i32 to index
        %swap3A_257 = arith.constant 32 : index
        %swap3A_258 = tpu.vector_load %arg11[%swap3A_256, %swap3A_257] {strides = array<i32>} : memref<80x128xf32, #tpu.memory_space<vmem>>, vector<16xf32>,
        tpu.vector_store %arg11[%swap3A_256, %swap3A_257], %mul3A_255 {strides = array<i32>} : memref<80x128xf32, #tpu.memory_space<vmem>>, vector<16xf32>,
        %get3A_259 = arith.index_cast %add3A_237 : i32 to index
        %get3A_260 = arith.constant 48 : index
        %get3A_261 = tpu.vector_load %arg11[%get3A_259, %get3A_260] {strides = array<i32>} : memref<80x128xf32, #tpu.memory_space<vmem>>, vector<16xf32>,
        %mul3A_262 = arith.mulf %get3A_261, %gather3A : vector<16xf32>
        %swap3A_263 = arith.index_cast %add3A_237 : i32 to index
        %swap3A_264 = arith.constant 48 : index
        %swap3A_265 = tpu.vector_load %arg11[%swap3A_263, %swap3A_264] {strides = array<i32>} : memref<80x128xf32, #tpu.memory_space<vmem>>, vector<16xf32>,
        tpu.vector_store %arg11[%swap3A_263, %swap3A_264], %mul3A_262 {strides = array<i32>} : memref<80x128xf32, #tpu.memory_space<vmem>>, vector<16xf32>,
        %get3A_266 = arith.index_cast %add3A_237 : i32 to index
        %get3A_267 = arith.constant 64 : index
        %get3A_268 = tpu.vector_load %arg11[%get3A_266, %get3A_267] {strides = array<i32>} : memref<80x128xf32, #tpu.memory_space<vmem>>, vector<16xf32>,
        %mul3A_269 = arith.mulf %get3A_268, %gather3A : vector<16xf32>
        %swap3A_270 = arith.index_cast %add3A_237 : i32 to index
        %swap3A_271 = arith.constant 64 : index
        %swap3A_272 = tpu.vector_load %arg11[%swap3A_270, %swap3A_271] {strides = array<i32>} : memref<80x128xf32, #tpu.memory_space<vmem>>, vector<16xf32>,
        tpu.vector_store %arg11[%swap3A_270, %swap3A_271], %mul3A_269 {strides = array<i32>} : memref<80x128xf32, #tpu.memory_space<vmem>>, vector<16xf32>,
        %get3A_273 = arith.index_cast %add3A_237 : i32 to index
        %get3A_274 = arith.constant 80 : index
        %get3A_275 = tpu.vector_load %arg11[%get3A_273, %get3A_274] {strides = array<i32>} : memref<80x128xf32, #tpu.memory_space<vmem>>, vector<16xf32>,
        %mul3A_276 = arith.mulf %get3A_275, %gather3A : vector<16xf32>
        %swap3A_277 = arith.index_cast %add3A_237 : i32 to index
        %swap3A_278 = arith.constant 80 : index
        %swap3A_279 = tpu.vector_load %arg11[%swap3A_277, %swap3A_278] {strides = array<i32>} : memref<80x128xf32, #tpu.memory_space<vmem>>, vector<16xf32>,
        tpu.vector_store %arg11[%swap3A_277, %swap3A_278], %mul3A_276 {strides = array<i32>} : memref<80x128xf32, #tpu.memory_space<vmem>>, vector<16xf32>,
        %get3A_280 = arith.index_cast %add3A_237 : i32 to index
        %get3A_281 = arith.constant 96 : index
        %get3A_282 = tpu.vector_load %arg11[%get3A_280, %get3A_281] {strides = array<i32>} : memref<80x128xf32, #tpu.memory_space<vmem>>, vector<16xf32>,
        %mul3A_283 = arith.mulf %get3A_282, %gather3A : vector<16xf32>
        %swap3A_284 = arith.index_cast %add3A_237 : i32 to index
        %swap3A_285 = arith.constant 96 : index
        %swap3A_286 = tpu.vector_load %arg11[%swap3A_284, %swap3A_285] {strides = array<i32>} : memref<80x128xf32, #tpu.memory_space<vmem>>, vector<16xf32>,
        tpu.vector_store %arg11[%swap3A_284, %swap3A_285], %mul3A_283 {strides = array<i32>} : memref<80x128xf32, #tpu.memory_space<vmem>>, vector<16xf32>,
        %get3A_287 = arith.index_cast %add3A_237 : i32 to index
        %get3A_288 = arith.constant 112 : index
        %get3A_289 = tpu.vector_load %arg11[%get3A_287, %get3A_288] {strides = array<i32>} : memref<80x128xf32, #tpu.memory_space<vmem>>, vector<16xf32>,
        %mul3A_290 = arith.mulf %get3A_289, %gather3A : vector<16xf32>
        %swap3A_291 = arith.index_cast %add3A_237 : i32 to index
        %swap3A_292 = arith.constant 112 : index
        %swap3A_293 = tpu.vector_load %arg11[%swap3A_291, %swap3A_292] {strides = array<i32>} : memref<80x128xf32, #tpu.memory_space<vmem>>, vector<16xf32>,
        tpu.vector_store %arg11[%swap3A_291, %swap3A_292], %mul3A_290 {strides = array<i32>} : memref<80x128xf32, #tpu.memory_space<vmem>>, vector<16xf32>,
        %add3A_294 = arith.constant 1 : i32
        %add3A_295 = arith.addi %add3A_235, %add3A_294 : i32
        %add3A_296 = arith.constant 1920 : i32
        %add3A_297 = arith.addi %add3A_296, %add3A_295 : i32
        %broadcast_in_dim3A_298 = vector.broadcast %add3A_297 : i32 to vector<16xi32>
        %gather3A_299 = tpu.vector_load_idx %arg10[%broadcast_in_dim3A_298] : memref<2000xf32, #tpu.memory_space<vmem>>[vector<16xi32>], vector<16xf32>,
        %get3A_300 = arith.index_cast %add3A_295 : i32 to index
        %get3A_301 = arith.constant 0 : index
        %get3A_302 = tpu.vector_load %arg11[%get3A_300, %get3A_301] {strides = array<i32>} : memref<80x128xf32, #tpu.memory_space<vmem>>, vector<16xf32>,
        %mul3A_303 = arith.mulf %get3A_302, %gather3A_299 : vector<16xf32>
        %swap3A_304 = arith.index_cast %add3A_295 : i32 to index
        %swap3A_305 = arith.constant 0 : index
        %swap3A_306 = tpu.vector_load %arg11[%swap3A_304, %swap3A_305] {strides = array<i32>} : memref<80x128xf32, #tpu.memory_space<vmem>>, vector<16xf32>,
        tpu.vector_store %arg11[%swap3A_304, %swap3A_305], %mul3A_303 {strides = array<i32>} : memref<80x128xf32, #tpu.memory_space<vmem>>, vector<16xf32>,
        %get3A_307 = arith.index_cast %add3A_295 : i32 to index
        %get3A_308 = arith.constant 16 : index
        %get3A_309 = tpu.vector_load %arg11[%get3A_307, %get3A_308] {strides = array<i32>} : memref<80x128xf32, #tpu.memory_space<vmem>>, vector<16xf32>,
        %mul3A_310 = arith.mulf %get3A_309, %gather3A_299 : vector<16xf32>
        %swap3A_311 = arith.index_cast %add3A_295 : i32 to index
        %swap3A_312 = arith.constant 16 : index
        %swap3A_313 = tpu.vector_load %arg11[%swap3A_311, %swap3A_312] {strides = array<i32>} : memref<80x128xf32, #tpu.memory_space<vmem>>, vector<16xf32>,
        tpu.vector_store %arg11[%swap3A_311, %swap3A_312], %mul3A_310 {strides = array<i32>} : memref<80x128xf32, #tpu.memory_space<vmem>>, vector<16xf32>,
        %get3A_314 = arith.index_cast %add3A_295 : i32 to index
        %get3A_315 = arith.constant 32 : index
        %get3A_316 = tpu.vector_load %arg11[%get3A_314, %get3A_315] {strides = array<i32>} : memref<80x128xf32, #tpu.memory_space<vmem>>, vector<16xf32>,
        %mul3A_317 = arith.mulf %get3A_316, %gather3A_299 : vector<16xf32>
        %swap3A_318 = arith.index_cast %add3A_295 : i32 to index
        %swap3A_319 = arith.constant 32 : index
        %swap3A_320 = tpu.vector_load %arg11[%swap3A_318, %swap3A_319] {strides = array<i32>} : memref<80x128xf32, #tpu.memory_space<vmem>>, vector<16xf32>,
        tpu.vector_store %arg11[%swap3A_318, %swap3A_319], %mul3A_317 {strides = array<i32>} : memref<80x128xf32, #tpu.memory_space<vmem>>, vector<16xf32>,
        %get3A_321 = arith.index_cast %add3A_295 : i32 to index
        %get3A_322 = arith.constant 48 : index
        %get3A_323 = tpu.vector_load %arg11[%get3A_321, %get3A_322] {strides = array<i32>} : memref<80x128xf32, #tpu.memory_space<vmem>>, vector<16xf32>,
        %mul3A_324 = arith.mulf %get3A_323, %gather3A_299 : vector<16xf32>
        %swap3A_325 = arith.index_cast %add3A_295 : i32 to index
        %swap3A_326 = arith.constant 48 : index
        %swap3A_327 = tpu.vector_load %arg11[%swap3A_325, %swap3A_326] {strides = array<i32>} : memref<80x128xf32, #tpu.memory_space<vmem>>, vector<16xf32>,
        tpu.vector_store %arg11[%swap3A_325, %swap3A_326], %mul3A_324 {strides = array<i32>} : memref<80x128xf32, #tpu.memory_space<vmem>>, vector<16xf32>,
        %get3A_328 = arith.index_cast %add3A_295 : i32 to index
        %get3A_329 = arith.constant 64 : index
        %get3A_330 = tpu.vector_load %arg11[%get3A_328, %get3A_329] {strides = array<i32>} : memref<80x128xf32, #tpu.memory_space<vmem>>, vector<16xf32>,
        %mul3A_331 = arith.mulf %get3A_330, %gather3A_299 : vector<16xf32>
        %swap3A_332 = arith.index_cast %add3A_295 : i32 to index
        %swap3A_333 = arith.constant 64 : index
        %swap3A_334 = tpu.vector_load %arg11[%swap3A_332, %swap3A_333] {strides = array<i32>} : memref<80x128xf32, #tpu.memory_space<vmem>>, vector<16xf32>,
        tpu.vector_store %arg11[%swap3A_332, %swap3A_333], %mul3A_331 {strides = array<i32>} : memref<80x128xf32, #tpu.memory_space<vmem>>, vector<16xf32>,
        %get3A_335 = arith.index_cast %add3A_295 : i32 to index
        %get3A_336 = arith.constant 80 : index
        %get3A_337 = tpu.vector_load %arg11[%get3A_335, %get3A_336] {strides = array<i32>} : memref<80x128xf32, #tpu.memory_space<vmem>>, vector<16xf32>,
        %mul3A_338 = arith.mulf %get3A_337, %gather3A_299 : vector<16xf32>
        %swap3A_339 = arith.index_cast %add3A_295 : i32 to index
        %swap3A_340 = arith.constant 80 : index
        %swap3A_341 = tpu.vector_load %arg11[%swap3A_339, %swap3A_340] {strides = array<i32>} : memref<80x128xf32, #tpu.memory_space<vmem>>, vector<16xf32>,
        tpu.vector_store %arg11[%swap3A_339, %swap3A_340], %mul3A_338 {strides = array<i32>} : memref<80x128xf32, #tpu.memory_space<vmem>>, vector<16xf32>,
        %get3A_342 = arith.index_cast %add3A_295 : i32 to index
        %get3A_343 = arith.constant 96 : index
        %get3A_344 = tpu.vector_load %arg11[%get3A_342, %get3A_343] {strides = array<i32>} : memref<80x128xf32, #tpu.memory_space<vmem>>, vector<16xf32>,
        %mul3A_345 = arith.mulf %get3A_344, %gather3A_299 : vector<16xf32>
        %swap3A_346 = arith.index_cast %add3A_295 : i32 to index
        %swap3A_347 = arith.constant 96 : index
        %swap3A_348 = tpu.vector_load %arg11[%swap3A_346, %swap3A_347] {strides = array<i32>} : memref<80x128xf32, #tpu.memory_space<vmem>>, vector<16xf32>,
        tpu.vector_store %arg11[%swap3A_346, %swap3A_347], %mul3A_345 {strides = array<i32>} : memref<80x128xf32, #tpu.memory_space<vmem>>, vector<16xf32>,
        %get3A_349 = arith.index_cast %add3A_295 : i32 to index
        %get3A_350 = arith.constant 112 : index
        %get3A_351 = tpu.vector_load %arg11[%get3A_349, %get3A_350] {strides = array<i32>} : memref<80x128xf32, #tpu.memory_space<vmem>>, vector<16xf32>,
        %mul3A_352 = arith.mulf %get3A_351, %gather3A_299 : vector<16xf32>
        %swap3A_353 = arith.index_cast %add3A_295 : i32 to index
        %swap3A_354 = arith.constant 112 : index
        %swap3A_355 = tpu.vector_load %arg11[%swap3A_353, %swap3A_354] {strides = array<i32>} : memref<80x128xf32, #tpu.memory_space<vmem>>, vector<16xf32>,
        tpu.vector_store %arg11[%swap3A_353, %swap3A_354], %mul3A_352 {strides = array<i32>} : memref<80x128xf32, #tpu.memory_space<vmem>>, vector<16xf32>,
        %add3A_356 = arith.constant 2 : i32
        %add3A_357 = arith.addi %add3A_235, %add3A_356 : i32
        %add3A_358 = arith.constant 1920 : i32
        %add3A_359 = arith.addi %add3A_358, %add3A_357 : i32
        %broadcast_in_dim3A_360 = vector.broadcast %add3A_359 : i32 to vector<16xi32>
        %gather3A_361 = tpu.vector_load_idx %arg10[%broadcast_in_dim3A_360] : memref<2000xf32, #tpu.memory_space<vmem>>[vector<16xi32>], vector<16xf32>,
        %get3A_362 = arith.index_cast %add3A_357 : i32 to index
        %get3A_363 = arith.constant 0 : index
        %get3A_364 = tpu.vector_load %arg11[%get3A_362, %get3A_363] {strides = array<i32>} : memref<80x128xf32, #tpu.memory_space<vmem>>, vector<16xf32>,
        %mul3A_365 = arith.mulf %get3A_364, %gather3A_361 : vector<16xf32>
        %swap3A_366 = arith.index_cast %add3A_357 : i32 to index
        %swap3A_367 = arith.constant 0 : index
        %swap3A_368 = tpu.vector_load %arg11[%swap3A_366, %swap3A_367] {strides = array<i32>} : memref<80x128xf32, #tpu.memory_space<vmem>>, vector<16xf32>,
        tpu.vector_store %arg11[%swap3A_366, %swap3A_367], %mul3A_365 {strides = array<i32>} : memref<80x128xf32, #tpu.memory_space<vmem>>, vector<16xf32>,
        %get3A_369 = arith.index_cast %add3A_357 : i32 to index
        %get3A_370 = arith.constant 16 : index
        %get3A_371 = tpu.vector_load %arg11[%get3A_369, %get3A_370] {strides = array<i32>} : memref<80x128xf32, #tpu.memory_space<vmem>>, vector<16xf32>,
        %mul3A_372 = arith.mulf %get3A_371, %gather3A_361 : vector<16xf32>
        %swap3A_373 = arith.index_cast %add3A_357 : i32 to index
        %swap3A_374 = arith.constant 16 : index
        %swap3A_375 = tpu.vector_load %arg11[%swap3A_373, %swap3A_374] {strides = array<i32>} : memref<80x128xf32, #tpu.memory_space<vmem>>, vector<16xf32>,
        tpu.vector_store %arg11[%swap3A_373, %swap3A_374], %mul3A_372 {strides = array<i32>} : memref<80x128xf32, #tpu.memory_space<vmem>>, vector<16xf32>,
        %get3A_376 = arith.index_cast %add3A_357 : i32 to index
        %get3A_377 = arith.constant 32 : index
        %get3A_378 = tpu.vector_load %arg11[%get3A_376, %get3A_377] {strides = array<i32>} : memref<80x128xf32, #tpu.memory_space<vmem>>, vector<16xf32>,
        %mul3A_379 = arith.mulf %get3A_378, %gather3A_361 : vector<16xf32>
        %swap3A_380 = arith.index_cast %add3A_357 : i32 to index
        %swap3A_381 = arith.constant 32 : index
        %swap3A_382 = tpu.vector_load %arg11[%swap3A_380, %swap3A_381] {strides = array<i32>} : memref<80x128xf32, #tpu.memory_space<vmem>>, vector<16xf32>,
        tpu.vector_store %arg11[%swap3A_380, %swap3A_381], %mul3A_379 {strides = array<i32>} : memref<80x128xf32, #tpu.memory_space<vmem>>, vector<16xf32>,
        %get3A_383 = arith.index_cast %add3A_357 : i32 to index
        %get3A_384 = arith.constant 48 : index
        %get3A_385 = tpu.vector_load %arg11[%get3A_383, %get3A_384] {strides = array<i32>} : memref<80x128xf32, #tpu.memory_space<vmem>>, vector<16xf32>,
        %mul3A_386 = arith.mulf %get3A_385, %gather3A_361 : vector<16xf32>
        %swap3A_387 = arith.index_cast %add3A_357 : i32 to index
        %swap3A_388 = arith.constant 48 : index
        %swap3A_389 = tpu.vector_load %arg11[%swap3A_387, %swap3A_388] {strides = array<i32>} : memref<80x128xf32, #tpu.memory_space<vmem>>, vector<16xf32>,
        tpu.vector_store %arg11[%swap3A_387, %swap3A_388], %mul3A_386 {strides = array<i32>} : memref<80x128xf32, #tpu.memory_space<vmem>>, vector<16xf32>,
        %get3A_390 = arith.index_cast %add3A_357 : i32 to index
        %get3A_391 = arith.constant 64 : index
        %get3A_392 = tpu.vector_load %arg11[%get3A_390, %get3A_391] {strides = array<i32>} : memref<80x128xf32, #tpu.memory_space<vmem>>, vector<16xf32>,
        %mul3A_393 = arith.mulf %get3A_392, %gather3A_361 : vector<16xf32>
        %swap3A_394 = arith.index_cast %add3A_357 : i32 to index
        %swap3A_395 = arith.constant 64 : index
        %swap3A_396 = tpu.vector_load %arg11[%swap3A_394, %swap3A_395] {strides = array<i32>} : memref<80x128xf32, #tpu.memory_space<vmem>>, vector<16xf32>,
        tpu.vector_store %arg11[%swap3A_394, %swap3A_395], %mul3A_393 {strides = array<i32>} : memref<80x128xf32, #tpu.memory_space<vmem>>, vector<16xf32>,
        %get3A_397 = arith.index_cast %add3A_357 : i32 to index
        %get3A_398 = arith.constant 80 : index
        %get3A_399 = tpu.vector_load %arg11[%get3A_397, %get3A_398] {strides = array<i32>} : memref<80x128xf32, #tpu.memory_space<vmem>>, vector<16xf32>,
        %mul3A_400 = arith.mulf %get3A_399, %gather3A_361 : vector<16xf32>
        %swap3A_401 = arith.index_cast %add3A_357 : i32 to index
        %swap3A_402 = arith.constant 80 : index
        %swap3A_403 = tpu.vector_load %arg11[%swap3A_401, %swap3A_402] {strides = array<i32>} : memref<80x128xf32, #tpu.memory_space<vmem>>, vector<16xf32>,
        tpu.vector_store %arg11[%swap3A_401, %swap3A_402], %mul3A_400 {strides = array<i32>} : memref<80x128xf32, #tpu.memory_space<vmem>>, vector<16xf32>,
        %get3A_404 = arith.index_cast %add3A_357 : i32 to index
        %get3A_405 = arith.constant 96 : index
        %get3A_406 = tpu.vector_load %arg11[%get3A_404, %get3A_405] {strides = array<i32>} : memref<80x128xf32, #tpu.memory_space<vmem>>, vector<16xf32>,
        %mul3A_407 = arith.mulf %get3A_406, %gather3A_361 : vector<16xf32>
        %swap3A_408 = arith.index_cast %add3A_357 : i32 to index
        %swap3A_409 = arith.constant 96 : index
        %swap3A_410 = tpu.vector_load %arg11[%swap3A_408, %swap3A_409] {strides = array<i32>} : memref<80x128xf32, #tpu.memory_space<vmem>>, vector<16xf32>,
        tpu.vector_store %arg11[%swap3A_408, %swap3A_409], %mul3A_407 {strides = array<i32>} : memref<80x128xf32, #tpu.memory_space<vmem>>, vector<16xf32>,
        %get3A_411 = arith.index_cast %add3A_357 : i32 to index
        %get3A_412 = arith.constant 112 : index
        %get3A_413 = tpu.vector_load %arg11[%get3A_411, %get3A_412] {strides = array<i32>} : memref<80x128xf32, #tpu.memory_space<vmem>>, vector<16xf32>,
        %mul3A_414 = arith.mulf %get3A_413, %gather3A_361 : vector<16xf32>
        %swap3A_415 = arith.index_cast %add3A_357 : i32 to index
        %swap3A_416 = arith.constant 112 : index
        %swap3A_417 = tpu.vector_load %arg11[%swap3A_415, %swap3A_416] {strides = array<i32>} : memref<80x128xf32, #tpu.memory_space<vmem>>, vector<16xf32>,
        tpu.vector_store %arg11[%swap3A_415, %swap3A_416], %mul3A_414 {strides = array<i32>} : memref<80x128xf32, #tpu.memory_space<vmem>>, vector<16xf32>,
        %add3A_418 = arith.constant 3 : i32
        %add3A_419 = arith.addi %add3A_235, %add3A_418 : i32
        %add3A_420 = arith.constant 1920 : i32
        %add3A_421 = arith.addi %add3A_420, %add3A_419 : i32
        %broadcast_in_dim3A_422 = vector.broadcast %add3A_421 : i32 to vector<16xi32>
        %gather3A_423 = tpu.vector_load_idx %arg10[%broadcast_in_dim3A_422] : memref<2000xf32, #tpu.memory_space<vmem>>[vector<16xi32>], vector<16xf32>,
        %get3A_424 = arith.index_cast %add3A_419 : i32 to index
        %get3A_425 = arith.constant 0 : index
        %get3A_426 = tpu.vector_load %arg11[%get3A_424, %get3A_425] {strides = array<i32>} : memref<80x128xf32, #tpu.memory_space<vmem>>, vector<16xf32>,
        %mul3A_427 = arith.mulf %get3A_426, %gather3A_423 : vector<16xf32>
        %swap3A_428 = arith.index_cast %add3A_419 : i32 to index
        %swap3A_429 = arith.constant 0 : index
        %swap3A_430 = tpu.vector_load %arg11[%swap3A_428, %swap3A_429] {strides = array<i32>} : memref<80x128xf32, #tpu.memory_space<vmem>>, vector<16xf32>,
        tpu.vector_store %arg11[%swap3A_428, %swap3A_429], %mul3A_427 {strides = array<i32>} : memref<80x128xf32, #tpu.memory_space<vmem>>, vector<16xf32>,
        %get3A_431 = arith.index_cast %add3A_419 : i32 to index
        %get3A_432 = arith.constant 16 : index
        %get3A_433 = tpu.vector_load %arg11[%get3A_431, %get3A_432] {strides = array<i32>} : memref<80x128xf32, #tpu.memory_space<vmem>>, vector<16xf32>,
        %mul3A_434 = arith.mulf %get3A_433, %gather3A_423 : vector<16xf32>
        %swap3A_435 = arith.index_cast %add3A_419 : i32 to index
        %swap3A_436 = arith.constant 16 : index
        %swap3A_437 = tpu.vector_load %arg11[%swap3A_435, %swap3A_436] {strides = array<i32>} : memref<80x128xf32, #tpu.memory_space<vmem>>, vector<16xf32>,
        tpu.vector_store %arg11[%swap3A_435, %swap3A_436], %mul3A_434 {strides = array<i32>} : memref<80x128xf32, #tpu.memory_space<vmem>>, vector<16xf32>,
        %get3A_438 = arith.index_cast %add3A_419 : i32 to index
        %get3A_439 = arith.constant 32 : index
        %get3A_440 = tpu.vector_load %arg11[%get3A_438, %get3A_439] {strides = array<i32>} : memref<80x128xf32, #tpu.memory_space<vmem>>, vector<16xf32>,
        %mul3A_441 = arith.mulf %get3A_440, %gather3A_423 : vector<16xf32>
        %swap3A_442 = arith.index_cast %add3A_419 : i32 to index
        %swap3A_443 = arith.constant 32 : index
        %swap3A_444 = tpu.vector_load %arg11[%swap3A_442, %swap3A_443] {strides = array<i32>} : memref<80x128xf32, #tpu.memory_space<vmem>>, vector<16xf32>,
        tpu.vector_store %arg11[%swap3A_442, %swap3A_443], %mul3A_441 {strides = array<i32>} : memref<80x128xf32, #tpu.memory_space<vmem>>, vector<16xf32>,
        %get3A_445 = arith.index_cast %add3A_419 : i32 to index
        %get3A_446 = arith.constant 48 : index
        %get3A_447 = tpu.vector_load %arg11[%get3A_445, %get3A_446] {strides = array<i32>} : memref<80x128xf32, #tpu.memory_space<vmem>>, vector<16xf32>,
        %mul3A_448 = arith.mulf %get3A_447, %gather3A_423 : vector<16xf32>
        %swap3A_449 = arith.index_cast %add3A_419 : i32 to index
        %swap3A_450 = arith.constant 48 : index
        %swap3A_451 = tpu.vector_load %arg11[%swap3A_449, %swap3A_450] {strides = array<i32>} : memref<80x128xf32, #tpu.memory_space<vmem>>, vector<16xf32>,
        tpu.vector_store %arg11[%swap3A_449, %swap3A_450], %mul3A_448 {strides = array<i32>} : memref<80x128xf32, #tpu.memory_space<vmem>>, vector<16xf32>,
        %get3A_452 = arith.index_cast %add3A_419 : i32 to index
        %get3A_453 = arith.constant 64 : index
        %get3A_454 = tpu.vector_load %arg11[%get3A_452, %get3A_453] {strides = array<i32>} : memref<80x128xf32, #tpu.memory_space<vmem>>, vector<16xf32>,
        %mul3A_455 = arith.mulf %get3A_454, %gather3A_423 : vector<16xf32>
        %swap3A_456 = arith.index_cast %add3A_419 : i32 to index
        %swap3A_457 = arith.constant 64 : index
        %swap3A_458 = tpu.vector_load %arg11[%swap3A_456, %swap3A_457] {strides = array<i32>} : memref<80x128xf32, #tpu.memory_space<vmem>>, vector<16xf32>,
        tpu.vector_store %arg11[%swap3A_456, %swap3A_457], %mul3A_455 {strides = array<i32>} : memref<80x128xf32, #tpu.memory_space<vmem>>, vector<16xf32>,
        %get3A_459 = arith.index_cast %add3A_419 : i32 to index
        %get3A_460 = arith.constant 80 : index
        %get3A_461 = tpu.vector_load %arg11[%get3A_459, %get3A_460] {strides = array<i32>} : memref<80x128xf32, #tpu.memory_space<vmem>>, vector<16xf32>,
        %mul3A_462 = arith.mulf %get3A_461, %gather3A_423 : vector<16xf32>
        %swap3A_463 = arith.index_cast %add3A_419 : i32 to index
        %swap3A_464 = arith.constant 80 : index
        %swap3A_465 = tpu.vector_load %arg11[%swap3A_463, %swap3A_464] {strides = array<i32>} : memref<80x128xf32, #tpu.memory_space<vmem>>, vector<16xf32>,
        tpu.vector_store %arg11[%swap3A_463, %swap3A_464], %mul3A_462 {strides = array<i32>} : memref<80x128xf32, #tpu.memory_space<vmem>>, vector<16xf32>,
        %get3A_466 = arith.index_cast %add3A_419 : i32 to index
        %get3A_467 = arith.constant 96 : index
        %get3A_468 = tpu.vector_load %arg11[%get3A_466, %get3A_467] {strides = array<i32>} : memref<80x128xf32, #tpu.memory_space<vmem>>, vector<16xf32>,
        %mul3A_469 = arith.mulf %get3A_468, %gather3A_423 : vector<16xf32>
        %swap3A_470 = arith.index_cast %add3A_419 : i32 to index
        %swap3A_471 = arith.constant 96 : index
        %swap3A_472 = tpu.vector_load %arg11[%swap3A_470, %swap3A_471] {strides = array<i32>} : memref<80x128xf32, #tpu.memory_space<vmem>>, vector<16xf32>,
        tpu.vector_store %arg11[%swap3A_470, %swap3A_471], %mul3A_469 {strides = array<i32>} : memref<80x128xf32, #tpu.memory_space<vmem>>, vector<16xf32>,
        %get3A_473 = arith.index_cast %add3A_419 : i32 to index
        %get3A_474 = arith.constant 112 : index
        %get3A_475 = tpu.vector_load %arg11[%get3A_473, %get3A_474] {strides = array<i32>} : memref<80x128xf32, #tpu.memory_space<vmem>>, vector<16xf32>,
        %mul3A_476 = arith.mulf %get3A_475, %gather3A_423 : vector<16xf32>
        %swap3A_477 = arith.index_cast %add3A_419 : i32 to index
        %swap3A_478 = arith.constant 112 : index
        %swap3A_479 = tpu.vector_load %arg11[%swap3A_477, %swap3A_478] {strides = array<i32>} : memref<80x128xf32, #tpu.memory_space<vmem>>, vector<16xf32>,
        tpu.vector_store %arg11[%swap3A_477, %swap3A_478], %mul3A_476 {strides = array<i32>} : memref<80x128xf32, #tpu.memory_space<vmem>>, vector<16xf32>,
      }
      %scan3A_195 = arith.constant 20 : i32
      %dma_start3A_196 = arith.constant 24 : i32
      %dma_start3A_197 = arith.constant 0 : i32
      %dma_start3A_198 = tpu.memref_slice %arg9[%dma_start3A_196, %dma_start3A_197] : memref<25x80xi32, #tpu.memory_space<vmem>> -> memref<1x80xi32, #tpu.memory_space<vmem>>
      %dma_start3A_199 = tpu.memref_squeeze %dma_start3A_198 : memref<1x80xi32, #tpu.memory_space<vmem>> -> memref<80xi32, #tpu.memory_space<vmem>>
      %dma_start3A_200 = arith.constant 0 : i32
      %dma_start3A_201 = arith.constant 0 : i32
      %dma_start3A_202 = tpu.memref_slice %arg7[%dma_start3A_200, %dma_start3A_201] : memref<10240x128xf32, #tpu.memory_space<vmem_shared>> -> memref<10240x128xf32, #tpu.memory_space<vmem_shared>>
      tpu.enqueue_indirect_dma source(%arg11 : memref<80x128xf32, #tpu.memory_space<vmem>>) target(%dma_start3A_202 : memref<10240x128xf32, #tpu.memory_space<vmem_shared>>) offsets(%dma_start3A_199 : memref<80xi32, #tpu.memory_space<vmem>>) semaphore(%arg19 : memref<!tpu.dma_semaphore, #tpu.memory_space<semaphore_mem>>) {add = true}
      %dma_wait3A_203 = arith.constant 0 : i32
      %dma_wait3A_204 = arith.constant 0 : i32
      %dma_wait3A_205 = tpu.memref_slice %arg9[%dma_wait3A_203, %dma_wait3A_204] : memref<25x80xi32, #tpu.memory_space<vmem>> -> memref<1x80xi32, #tpu.memory_space<vmem>>
      %dma_wait3A_206 = tpu.memref_squeeze %dma_wait3A_205 : memref<1x80xi32, #tpu.memory_space<vmem>> -> memref<80xi32, #tpu.memory_space<vmem>>
      %dma_wait3A_207 = arith.constant 0 : i32
      %dma_wait3A_208 = arith.constant 0 : i32
      %dma_wait3A_209 = tpu.memref_slice %arg7[%dma_wait3A_207, %dma_wait3A_208] : memref<10240x128xf32, #tpu.memory_space<vmem_shared>> -> memref<10240x128xf32, #tpu.memory_space<vmem_shared>>
      tpu.wait_indirect_dma semaphore(%arg19 : memref<!tpu.dma_semaphore, #tpu.memory_space<semaphore_mem>>) src(%arg11 : memref<80x128xf32, #tpu.memory_space<vmem>>) dst(%dma_wait3A_209 : memref<10240x128xf32, #tpu.memory_space<vmem_shared>>)
      %dma_wait3A_210 = arith.constant 0 : i32
      %dma_wait3A_211 = arith.constant 0 : i32
      %dma_wait3A_212 = tpu.memref_slice %arg9[%dma_wait3A_210, %dma_wait3A_211] : memref<25x80xi32, #tpu.memory_space<vmem>> -> memref<1x80xi32, #tpu.memory_space<vmem>>
      %dma_wait3A_213 = tpu.memref_squeeze %dma_wait3A_212 : memref<1x80xi32, #tpu.memory_space<vmem>> -> memref<80xi32, #tpu.memory_space<vmem>>
      %dma_wait3A_214 = arith.constant 0 : i32
      %dma_wait3A_215 = arith.constant 0 : i32
      %dma_wait3A_216 = tpu.memref_slice %arg7[%dma_wait3A_214, %dma_wait3A_215] : memref<10240x128xf32, #tpu.memory_space<vmem_shared>> -> memref<10240x128xf32, #tpu.memory_space<vmem_shared>>
      tpu.wait_indirect_dma semaphore(%arg20 : memref<!tpu.dma_semaphore, #tpu.memory_space<semaphore_mem>>) src(%arg12 : memref<80x128xf32, #tpu.memory_space<vmem>>) dst(%dma_wait3A_216 : memref<10240x128xf32, #tpu.memory_space<vmem_shared>>)
      %dma_wait3A_217 = arith.constant 0 : i32
      %dma_wait3A_218 = arith.constant 0 : i32
      %dma_wait3A_219 = tpu.memref_slice %arg9[%dma_wait3A_217, %dma_wait3A_218] : memref<25x80xi32, #tpu.memory_space<vmem>> -> memref<1x80xi32, #tpu.memory_space<vmem>>
      %dma_wait3A_220 = tpu.memref_squeeze %dma_wait3A_219 : memref<1x80xi32, #tpu.memory_space<vmem>> -> memref<80xi32, #tpu.memory_space<vmem>>
      %dma_wait3A_221 = arith.constant 0 : i32
      %dma_wait3A_222 = arith.constant 0 : i32
      %dma_wait3A_223 = tpu.memref_slice %arg7[%dma_wait3A_221, %dma_wait3A_222] : memref<10240x128xf32, #tpu.memory_space<vmem_shared>> -> memref<10240x128xf32, #tpu.memory_space<vmem_shared>>
      tpu.wait_indirect_dma semaphore(%arg21 : memref<!tpu.dma_semaphore, #tpu.memory_space<semaphore_mem>>) src(%arg13 : memref<80x128xf32, #tpu.memory_space<vmem>>) dst(%dma_wait3A_223 : memref<10240x128xf32, #tpu.memory_space<vmem_shared>>)
      %dma_wait3A_224 = arith.constant 0 : i32
      %dma_wait3A_225 = arith.constant 0 : i32
      %dma_wait3A_226 = tpu.memref_slice %arg9[%dma_wait3A_224, %dma_wait3A_225] : memref<25x80xi32, #tpu.memory_space<vmem>> -> memref<1x80xi32, #tpu.memory_space<vmem>>
      %dma_wait3A_227 = tpu.memref_squeeze %dma_wait3A_226 : memref<1x80xi32, #tpu.memory_space<vmem>> -> memref<80xi32, #tpu.memory_space<vmem>>
      %dma_wait3A_228 = arith.constant 0 : i32
      %dma_wait3A_229 = arith.constant 0 : i32
      %dma_wait3A_230 = tpu.memref_slice %arg7[%dma_wait3A_228, %dma_wait3A_229] : memref<10240x128xf32, #tpu.memory_space<vmem_shared>> -> memref<10240x128xf32, #tpu.memory_space<vmem_shared>>
      tpu.wait_indirect_dma semaphore(%arg22 : memref<!tpu.dma_semaphore, #tpu.memory_space<semaphore_mem>>) src(%arg14 : memref<80x128xf32, #tpu.memory_space<vmem>>) dst(%dma_wait3A_230 : memref<10240x128xf32, #tpu.memory_space<vmem_shared>>)
    }
    %scan3A_152 = arith.constant 5 : i32
    %barrier3A_153 = arith.constant 0 : index
    tpu.barrier barrier_id(%barrier3A_153)
    %mul3A_154 = arith.constant 640 : i32
    %mul3A_155 = arith.muli %arg1, %mul3A_154 : i32
    %mul3A_156 = arith.constant 640 : i32
    %mul3A_157 = arith.muli %arg1, %mul3A_156 : i32
    "tpu.region"() ({
      %run_scoped3A = tpu.sem_alloc : memref<!tpu.dma_semaphore, #tpu.memory_space<semaphore_mem>>
      %dma_start3A_158 = arith.constant 0 : i32
      %dma_start3A_159 = arith.constant 0 : i32
      %dma_start3A_160 = tpu.memref_slice %arg6[%arg0, %dma_start3A_158, %dma_start3A_159] : memref<2x10240x128xf32, #tpu.memory_space<hbm>> -> memref<1x10240x128xf32, #tpu.memory_space<hbm>>
      %dma_start3A_161 = tpu.memref_squeeze %dma_start3A_160 : memref<1x10240x128xf32, #tpu.memory_space<hbm>> -> memref<10240x128xf32, #tpu.memory_space<hbm>>
      %dma_start3A_162 = arith.constant 0 : i32
      %dma_start3A_163 = tpu.memref_slice %dma_start3A_161[%mul3A_157, %dma_start3A_162] : memref<10240x128xf32, #tpu.memory_space<hbm>> -> memref<640x128xf32, #tpu.memory_space<hbm>>
      %dma_start3A_164 = arith.constant 0 : i32
      %dma_start3A_165 = tpu.memref_slice %arg7[%mul3A_155, %dma_start3A_164] : memref<10240x128xf32, #tpu.memory_space<vmem_shared>> -> memref<640x128xf32, #tpu.memory_space<vmem_shared>>
      tpu.enqueue_dma source(%dma_start3A_165 : memref<640x128xf32, #tpu.memory_space<vmem_shared>>) target(%dma_start3A_163 : memref<640x128xf32, #tpu.memory_space<hbm>>) target_semaphore(%run_scoped3A : memref<!tpu.dma_semaphore, #tpu.memory_space<semaphore_mem>>)
      %dma_wait3A_166 = arith.constant 0 : i32
      %dma_wait3A_167 = arith.constant 0 : i32
      %dma_wait3A_168 = tpu.memref_slice %arg6[%arg0, %dma_wait3A_166, %dma_wait3A_167] : memref<2x10240x128xf32, #tpu.memory_space<hbm>> -> memref<1x10240x128xf32, #tpu.memory_space<hbm>>
      %dma_wait3A_169 = tpu.memref_squeeze %dma_wait3A_168 : memref<1x10240x128xf32, #tpu.memory_space<hbm>> -> memref<10240x128xf32, #tpu.memory_space<hbm>>
      %dma_wait3A_170 = arith.constant 0 : i32
      %dma_wait3A_171 = tpu.memref_slice %dma_wait3A_169[%mul3A_157, %dma_wait3A_170] : memref<10240x128xf32, #tpu.memory_space<hbm>> -> memref<640x128xf32, #tpu.memory_space<hbm>>
      %dma_wait3A_172 = arith.constant 0 : i32
      %dma_wait3A_173 = tpu.memref_slice %arg7[%mul3A_155, %dma_wait3A_172] : memref<10240x128xf32, #tpu.memory_space<vmem_shared>> -> memref<640x128xf32, #tpu.memory_space<vmem_shared>>
      tpu.wait_dma2 semaphore(%run_scoped3A : memref<!tpu.dma_semaphore, #tpu.memory_space<semaphore_mem>>) src(%dma_wait3A_173 : memref<640x128xf32, #tpu.memory_space<vmem_shared>>) dst(%dma_wait3A_171 : memref<640x128xf32, #tpu.memory_space<hbm>>)
      tpu.yield
    }) : () -> ()
    return
  }
}

#map = affine_map<(d0, d1) -> (0)>
module attributes {stable_mosaic.version = 14 : i64} {
  func.func @logits_kernel(%arg0: i32, %arg1: i32, %arg2: memref<10000xf32, #tpu.memory_space<hbm>>, %arg3: memref<10000xf32, #tpu.memory_space<hbm>>, %arg4: memref<320000xi32, #tpu.memory_space<hbm>>, %arg5: memref<320000xi32, #tpu.memory_space<hbm>>, %arg6: memref<320000xf32, #tpu.memory_space<hbm>>, %arg7: memref<10000xf32, #tpu.memory_space<vmem>>, %arg8: memref<10000xf32, #tpu.memory_space<vmem>>, %arg9: memref<10000xi32, #tpu.memory_space<vmem>>, %arg10: memref<10000xi32, #tpu.memory_space<vmem>>, %arg11: memref<10000xf32, #tpu.memory_space<vmem>>, %arg12: memref<!tpu.dma_semaphore, #tpu.memory_space<semaphore_mem>>) attributes {dimension_semantics = [#tpu.dimension_semantics<core_parallel>, #tpu.dimension_semantics<subcore_parallel>], iteration_bounds = array<i64: 2, 16>, scalar_prefetch = 0 : i64, scratch_operands = 6 : i64, tpu.core_type = #tpu.core_type<sc_vector_subcore>, window_params = [{transform_indices = #map}, {transform_indices = #map}, {transform_indices = #map}, {transform_indices = #map}, {transform_indices = #map}]} {
    %mul3A = arith.constant 2 : i32
    %mul3A_0 = arith.muli %arg1, %mul3A : i32
    %add3A = arith.addi %mul3A_0, %arg0 : i32
    %mul3A_1 = arith.constant 10000 : i32
    %mul3A_2 = arith.muli %add3A, %mul3A_1 : i32
    tpu.enqueue_dma source(%arg2 : memref<10000xf32, #tpu.memory_space<hbm>>) target(%arg7 : memref<10000xf32, #tpu.memory_space<vmem>>) target_semaphore(%arg12 : memref<!tpu.dma_semaphore, #tpu.memory_space<semaphore_mem>>)
    tpu.enqueue_dma source(%arg3 : memref<10000xf32, #tpu.memory_space<hbm>>) target(%arg8 : memref<10000xf32, #tpu.memory_space<vmem>>) target_semaphore(%arg12 : memref<!tpu.dma_semaphore, #tpu.memory_space<semaphore_mem>>)
    %dma_start3A = tpu.memref_slice %arg4[%mul3A_2] : memref<320000xi32, #tpu.memory_space<hbm>> -> memref<10000xi32, #tpu.memory_space<hbm>>
    %dma_start3A_3 = tpu.memref_slice %arg4[%mul3A_2] : memref<320000xi32, #tpu.memory_space<hbm>> -> memref<10000xi32, #tpu.memory_space<hbm>>
    tpu.enqueue_dma source(%dma_start3A_3 : memref<10000xi32, #tpu.memory_space<hbm>>) target(%arg9 : memref<10000xi32, #tpu.memory_space<vmem>>) target_semaphore(%arg12 : memref<!tpu.dma_semaphore, #tpu.memory_space<semaphore_mem>>)
    %dma_start3A_4 = tpu.memref_slice %arg5[%mul3A_2] : memref<320000xi32, #tpu.memory_space<hbm>> -> memref<10000xi32, #tpu.memory_space<hbm>>
    %dma_start3A_5 = tpu.memref_slice %arg5[%mul3A_2] : memref<320000xi32, #tpu.memory_space<hbm>> -> memref<10000xi32, #tpu.memory_space<hbm>>
    tpu.enqueue_dma source(%dma_start3A_5 : memref<10000xi32, #tpu.memory_space<hbm>>) target(%arg10 : memref<10000xi32, #tpu.memory_space<vmem>>) target_semaphore(%arg12 : memref<!tpu.dma_semaphore, #tpu.memory_space<semaphore_mem>>)
    tpu.wait_dma2 semaphore(%arg12 : memref<!tpu.dma_semaphore, #tpu.memory_space<semaphore_mem>>) src(%arg2 : memref<10000xf32, #tpu.memory_space<hbm>>) dst(%arg7 : memref<10000xf32, #tpu.memory_space<vmem>>)
    tpu.wait_dma2 semaphore(%arg12 : memref<!tpu.dma_semaphore, #tpu.memory_space<semaphore_mem>>) src(%arg3 : memref<10000xf32, #tpu.memory_space<hbm>>) dst(%arg8 : memref<10000xf32, #tpu.memory_space<vmem>>)
    %dma_wait3A = tpu.memref_slice %arg4[%mul3A_2] : memref<320000xi32, #tpu.memory_space<hbm>> -> memref<10000xi32, #tpu.memory_space<hbm>>
    %dma_wait3A_6 = tpu.memref_slice %arg4[%mul3A_2] : memref<320000xi32, #tpu.memory_space<hbm>> -> memref<10000xi32, #tpu.memory_space<hbm>>
    tpu.wait_dma2 semaphore(%arg12 : memref<!tpu.dma_semaphore, #tpu.memory_space<semaphore_mem>>) src(%dma_wait3A_6 : memref<10000xi32, #tpu.memory_space<hbm>>) dst(%arg9 : memref<10000xi32, #tpu.memory_space<vmem>>)
    %dma_wait3A_7 = tpu.memref_slice %arg5[%mul3A_2] : memref<320000xi32, #tpu.memory_space<hbm>> -> memref<10000xi32, #tpu.memory_space<hbm>>
    %dma_wait3A_8 = tpu.memref_slice %arg5[%mul3A_2] : memref<320000xi32, #tpu.memory_space<hbm>> -> memref<10000xi32, #tpu.memory_space<hbm>>
    tpu.wait_dma2 semaphore(%arg12 : memref<!tpu.dma_semaphore, #tpu.memory_space<semaphore_mem>>) src(%dma_wait3A_8 : memref<10000xi32, #tpu.memory_space<hbm>>) dst(%arg10 : memref<10000xi32, #tpu.memory_space<vmem>>)
    %scan3A = arith.constant 0 : i32
    %scan3A_9 = arith.constant 625 : i32
    %scan3A_10 = arith.addi %scan3A, %scan3A_9 : i32
    %scan3A_11 = arith.constant 1 : i32
    scf.for %scan3A_13 = %scan3A to %scan3A_10 step %scan3A_11  : i32 {
      %mul3A_14 = arith.constant 16 : i32
      %mul3A_15 = arith.muli %scan3A_13, %mul3A_14 : i32
      %add3A_16 = arith.constant 0 : i32
      %add3A_17 = arith.addi %add3A_16, %mul3A_15 : i32
      %get3A = arith.index_cast %add3A_17 : i32 to index
      %get3A_18 = tpu.vector_load %arg9[%get3A] {strides = array<i32>} : memref<10000xi32, #tpu.memory_space<vmem>>, vector<16xi32>,
      %gather3A = tpu.vector_load_idx %arg7[%get3A_18] : memref<10000xf32, #tpu.memory_space<vmem>>[vector<16xi32>], vector<16xf32>,
      %get3A_19 = arith.index_cast %add3A_17 : i32 to index
      %get3A_20 = tpu.vector_load %arg10[%get3A_19] {strides = array<i32>} : memref<10000xi32, #tpu.memory_space<vmem>>, vector<16xi32>,
      %gather3A_21 = tpu.vector_load_idx %arg8[%get3A_20] : memref<10000xf32, #tpu.memory_space<vmem>>[vector<16xi32>], vector<16xf32>,
      %add3A_22 = arith.addf %gather3A, %gather3A_21 : vector<16xf32>
      %swap3A = arith.index_cast %add3A_17 : i32 to index
      %swap3A_23 = tpu.vector_load %arg11[%swap3A] {strides = array<i32>} : memref<10000xf32, #tpu.memory_space<vmem>>, vector<16xf32>,
      tpu.vector_store %arg11[%swap3A], %add3A_22 {strides = array<i32>} : memref<10000xf32, #tpu.memory_space<vmem>>, vector<16xf32>,
    }
    %scan3A_12 = arith.constant 625 : i32
    "tpu.region"() ({
      %run_scoped3A = tpu.sem_alloc : memref<!tpu.dma_semaphore, #tpu.memory_space<semaphore_mem>>
      %dma_start3A_13 = tpu.memref_slice %arg6[%mul3A_2] : memref<320000xf32, #tpu.memory_space<hbm>> -> memref<10000xf32, #tpu.memory_space<hbm>>
      %dma_start3A_14 = tpu.memref_slice %arg6[%mul3A_2] : memref<320000xf32, #tpu.memory_space<hbm>> -> memref<10000xf32, #tpu.memory_space<hbm>>
      tpu.enqueue_dma source(%arg11 : memref<10000xf32, #tpu.memory_space<vmem>>) target(%dma_start3A_14 : memref<10000xf32, #tpu.memory_space<hbm>>) target_semaphore(%run_scoped3A : memref<!tpu.dma_semaphore, #tpu.memory_space<semaphore_mem>>)
      %dma_wait3A_15 = tpu.memref_slice %arg6[%mul3A_2] : memref<320000xf32, #tpu.memory_space<hbm>> -> memref<10000xf32, #tpu.memory_space<hbm>>
      %dma_wait3A_16 = tpu.memref_slice %arg6[%mul3A_2] : memref<320000xf32, #tpu.memory_space<hbm>> -> memref<10000xf32, #tpu.memory_space<hbm>>
      tpu.wait_dma2 semaphore(%run_scoped3A : memref<!tpu.dma_semaphore, #tpu.memory_space<semaphore_mem>>) src(%arg11 : memref<10000xf32, #tpu.memory_space<vmem>>) dst(%dma_wait3A_16 : memref<10000xf32, #tpu.memory_space<hbm>>)
      tpu.yield
    }) : () -> ()
    return
  }
}

module attributes {stable_mosaic.version = 14 : i64} {
  func.func @_lin_body(%arg0: i32, %arg1: memref<2000x128xf32, #tpu.memory_space<vmem>>, %arg2: memref<128x128xf32, #tpu.memory_space<vmem>>, %arg3: memref<1x128xf32, #tpu.memory_space<vmem>>, %arg4: memref<128x2xf32, #tpu.memory_space<vmem>>, %arg5: memref<2000x128xf32, #tpu.memory_space<vmem>>, %arg6: memref<2000x2xf32, #tpu.memory_space<vmem>>) attributes {dimension_semantics = [#tpu.dimension_semantics<arbitrary>], iteration_bounds = array<i64: 5>, scalar_prefetch = 0 : i64, scratch_operands = 0 : i64, tpu.core_type = #tpu.core_type<tc>, window_params = [{transform_indices = @transform_0, window_bounds = array<i64: 2000, 128>}, {pipeline_mode = #tpu.pipeline_mode<synchronous>, transform_indices = @transform_1, window_bounds = array<i64: 128, 128>}, {pipeline_mode = #tpu.pipeline_mode<synchronous>, transform_indices = @transform_2, window_bounds = array<i64: 1, 128>}, {pipeline_mode = #tpu.pipeline_mode<synchronous>, transform_indices = @transform_3, window_bounds = array<i64: 128, 2>}, {transform_indices = @transform_4, window_bounds = array<i64: 2000, 128>}, {transform_indices = @transform_5, window_bounds = array<i64: 2000, 2>}]} {
    %get3A = arith.constant 0 : index
    %get3A_0 = arith.constant 0 : index
    %get3A_1 = vector.load %arg1[%get3A, %get3A_0] : memref<2000x128xf32, #tpu.memory_space<vmem>>, vector<2000x128xf32>
    %get3A_2 = arith.constant 0 : index
    %get3A_3 = arith.constant 0 : index
    %get3A_4 = vector.load %arg2[%get3A_2, %get3A_3] : memref<128x128xf32, #tpu.memory_space<vmem>>, vector<128x128xf32>
    %dot_general3A = arith.constant dense<0.000000e+00> : vector<2000x128xf32>
    %dot_general3A_5 = tpu.matmul %get3A_1, %get3A_4, %dot_general3A {dimension_numbers = #tpu.dot_dimension_numbers<[1], [1], [0], [0], [0, 0, 1, 0], [], []>, transpose_lhs_hint = false} : vector<2000x128xf32>, vector<128x128xf32>, vector<2000x128xf32> -> vector<2000x128xf32>
    %get3A_6 = arith.constant 0 : index
    %get3A_7 = arith.constant 0 : index
    %get3A_8 = vector.load %arg3[%get3A_6, %get3A_7] : memref<1x128xf32, #tpu.memory_space<vmem>>, vector<1x128xf32>
    %add3A = vector.broadcast %get3A_8 : vector<1x128xf32> to vector<2000x128xf32>
    %add3A_9 = arith.addf %dot_general3A_5, %add3A : vector<2000x128xf32>
    %swap3A = arith.constant 0 : index
    %swap3A_10 = arith.constant 0 : index
    %swap3A_11 = vector.load %arg5[%swap3A, %swap3A_10] : memref<2000x128xf32, #tpu.memory_space<vmem>>, vector<2000x128xf32>
    tpu.vector_store %arg5[%swap3A, %swap3A_10], %add3A_9 {strides = array<i32>} : memref<2000x128xf32, #tpu.memory_space<vmem>>, vector<2000x128xf32>,
    %get3A_12 = arith.constant 0 : index
    %get3A_13 = arith.constant 0 : index
    %get3A_14 = vector.load %arg4[%get3A_12, %get3A_13] : memref<128x2xf32, #tpu.memory_space<vmem>>, vector<128x2xf32>
    %dot_general3A_15 = arith.constant dense<0.000000e+00> : vector<2000x2xf32>
    %dot_general3A_16 = tpu.matmul %add3A_9, %get3A_14, %dot_general3A_15 {dimension_numbers = #tpu.dot_dimension_numbers<[1], [0], [0], [1], [0, 0, 1, 1], [], []>, transpose_lhs_hint = false} : vector<2000x128xf32>, vector<128x2xf32>, vector<2000x2xf32> -> vector<2000x2xf32>
    %swap3A_17 = arith.constant 0 : index
    %swap3A_18 = arith.constant 0 : index
    %swap3A_19 = vector.load %arg6[%swap3A_17, %swap3A_18] : memref<2000x2xf32, #tpu.memory_space<vmem>>, vector<2000x2xf32>
    tpu.vector_store %arg6[%swap3A_17, %swap3A_18], %dot_general3A_16 {strides = array<i32>} : memref<2000x2xf32, #tpu.memory_space<vmem>>, vector<2000x2xf32>,
    return
  }
  func.func @transform_0(%arg0: i32) -> (i32, i32) {
    %c0_i32 = arith.constant 0 : i32
    %c0_i32_0 = arith.constant 0 : i32
    return %arg0, %c0_i32 : i32, i32
  }
  func.func @transform_1(%arg0: i32) -> (i32, i32) {
    %c0_i32 = arith.constant 0 : i32
    %c0_i32_0 = arith.constant 0 : i32
    %c0_i32_1 = arith.constant 0 : i32
    return %c0_i32, %c0_i32_0 : i32, i32
  }
  func.func @transform_2(%arg0: i32) -> (i32, i32) {
    %c0_i32 = arith.constant 0 : i32
    %c0_i32_0 = arith.constant 0 : i32
    %c0_i32_1 = arith.constant 0 : i32
    return %c0_i32, %c0_i32_0 : i32, i32
  }
  func.func @transform_3(%arg0: i32) -> (i32, i32) {
    %c0_i32 = arith.constant 0 : i32
    %c0_i32_0 = arith.constant 0 : i32
    %c0_i32_1 = arith.constant 0 : i32
    return %c0_i32, %c0_i32_0 : i32, i32
  }
  func.func @transform_4(%arg0: i32) -> (i32, i32) {
    %c0_i32 = arith.constant 0 : i32
    %c0_i32_0 = arith.constant 0 : i32
    return %arg0, %c0_i32 : i32, i32
  }
  func.func @transform_5(%arg0: i32) -> (i32, i32) {
    %c0_i32 = arith.constant 0 : i32
    %c0_i32_0 = arith.constant 0 : i32
    return %arg0, %c0_i32 : i32, i32
  }
}

module attributes {stable_mosaic.version = 14 : i64} {
  func.func @_softmax_body(%arg0: memref<2500x128xf32, #tpu.memory_space<vmem>>, %arg1: memref<1x1xf32, #tpu.memory_space<vmem>>, %arg2: memref<2500x128xf32, #tpu.memory_space<vmem>>) attributes {dimension_semantics = [], scalar_prefetch = 0 : i64, scratch_operands = 0 : i64, tpu.core_type = #tpu.core_type<tc>} {
    %get3A = arith.constant 0 : index
    %get3A_0 = arith.constant 0 : index
    %get3A_1 = vector.load %arg0[%get3A, %get3A_0] : memref<2500x128xf32, #tpu.memory_space<vmem>>, vector<2500x128xf32>
    %get3A_2 = arith.constant 0 : index
    %get3A_3 = arith.constant 0 : index
    %get3A_4 = vector.load %arg1[%get3A_2, %get3A_3] : memref<1x1xf32, #tpu.memory_space<vmem>>, vector<1x1xf32>
    %add3A = vector.broadcast %get3A_4 : vector<1x1xf32> to vector<2500x128xf32>
    %add3A_5 = arith.addf %get3A_1, %add3A : vector<2500x128xf32>
    %gt3A = arith.constant 0.000000e+00 : f32
    %gt3A_6 = vector.broadcast %gt3A : f32 to vector<2500x128xf32>
    %gt3A_7 = arith.cmpf ogt, %add3A_5, %gt3A_6 : vector<2500x128xf32>
    %mul3A = arith.constant 2.000000e-01 : f32
    %mul3A_8 = vector.broadcast %mul3A : f32 to vector<2500x128xf32>
    %mul3A_9 = arith.mulf %mul3A_8, %add3A_5 : vector<2500x128xf32>
    %select_n3A = arith.select %gt3A_7, %add3A_5, %mul3A_9 : vector<2500x128xi1>, vector<2500x128xf32>
    %reduce_max3A = vector.shape_cast %select_n3A : vector<2500x128xf32> to vector<1x2500x128xf32>
    %reduce_max3A_10 = arith.constant dense<0xFF800000> : vector<1xf32>
    %reduce_max3A_11 = vector.multi_reduction <maximumf>, %reduce_max3A, %reduce_max3A_10 [1, 2] : vector<1x2500x128xf32> to vector<1xf32>
    %reduce_max3A_12 = vector.shape_cast %reduce_max3A_11 : vector<1xf32> to vector<1x1x1xf32>
    %reduce_max3A_13 = vector.extract %reduce_max3A_12[0, 0, 0] : f32 from vector<1x1x1xf32>
    %sub3A = vector.broadcast %reduce_max3A_13 : f32 to vector<2500x128xf32>
    %sub3A_14 = arith.subf %select_n3A, %sub3A : vector<2500x128xf32>
    %exp3A = math.exp %sub3A_14 : vector<2500x128xf32>
    %reduce_sum3A = vector.shape_cast %exp3A : vector<2500x128xf32> to vector<1x2500x128xf32>
    %reduce_sum3A_15 = arith.constant dense<0.000000e+00> : vector<1xf32>
    %reduce_sum3A_16 = vector.multi_reduction <add>, %reduce_sum3A, %reduce_sum3A_15 [1, 2] : vector<1x2500x128xf32> to vector<1xf32>
    %reduce_sum3A_17 = vector.shape_cast %reduce_sum3A_16 : vector<1xf32> to vector<1x1x1xf32>
    %reduce_sum3A_18 = vector.extract %reduce_sum3A_17[0, 0, 0] : f32 from vector<1x1x1xf32>
    %div3A = vector.broadcast %reduce_sum3A_18 : f32 to vector<2500x128xf32>
    %div3A_19 = arith.divf %exp3A, %div3A : vector<2500x128xf32>
    %swap3A = arith.constant 0 : index
    %swap3A_20 = arith.constant 0 : index
    %swap3A_21 = vector.load %arg2[%swap3A, %swap3A_20] : memref<2500x128xf32, #tpu.memory_space<vmem>>, vector<2500x128xf32>
    tpu.vector_store %arg2[%swap3A, %swap3A_20], %div3A_19 {strides = array<i32>} : memref<2500x128xf32, #tpu.memory_space<vmem>>, vector<2500x128xf32>,
    return
  }
}

module attributes {stable_mosaic.version = 14 : i64} {
  func.func @_final_body(%arg0: i32, %arg1: memref<2x2000x128xf32, #tpu.memory_space<vmem>>, %arg2: memref<2000x128xf32, #tpu.memory_space<vmem>>) attributes {dimension_semantics = [#tpu.dimension_semantics<arbitrary>], iteration_bounds = array<i64: 5>, scalar_prefetch = 0 : i64, scratch_operands = 0 : i64, tpu.core_type = #tpu.core_type<tc>, window_params = [{transform_indices = @transform_0, window_bounds = array<i64: 2, 2000, 128>}, {transform_indices = @transform_1, window_bounds = array<i64: 2000, 128>}]} {
    %get3A = arith.constant 0 : index
    %get3A_0 = arith.constant 0 : index
    %get3A_1 = arith.constant 0 : index
    %get3A_2 = vector.load %arg1[%get3A, %get3A_0, %get3A_1] : memref<2x2000x128xf32, #tpu.memory_space<vmem>>, vector<1x2000x128xf32>
    %get3A_3 = vector.shape_cast %get3A_2 : vector<1x2000x128xf32> to vector<2000x128xf32>
    %get3A_4 = arith.constant 1 : index
    %get3A_5 = arith.constant 0 : index
    %get3A_6 = arith.constant 0 : index
    %get3A_7 = vector.load %arg1[%get3A_4, %get3A_5, %get3A_6] : memref<2x2000x128xf32, #tpu.memory_space<vmem>>, vector<1x2000x128xf32>
    %get3A_8 = vector.shape_cast %get3A_7 : vector<1x2000x128xf32> to vector<2000x128xf32>
    %add3A = arith.addf %get3A_3, %get3A_8 : vector<2000x128xf32>
    %gt3A = arith.constant 0.000000e+00 : f32
    %gt3A_9 = vector.broadcast %gt3A : f32 to vector<2000x128xf32>
    %gt3A_10 = arith.cmpf ogt, %add3A, %gt3A_9 : vector<2000x128xf32>
    %mul3A = arith.constant 2.000000e-01 : f32
    %mul3A_11 = vector.broadcast %mul3A : f32 to vector<2000x128xf32>
    %mul3A_12 = arith.mulf %mul3A_11, %add3A : vector<2000x128xf32>
    %select_n3A = arith.select %gt3A_10, %add3A, %mul3A_12 : vector<2000x128xi1>, vector<2000x128xf32>
    %swap3A = arith.constant 0 : index
    %swap3A_13 = arith.constant 0 : index
    %swap3A_14 = vector.load %arg2[%swap3A, %swap3A_13] : memref<2000x128xf32, #tpu.memory_space<vmem>>, vector<2000x128xf32>
    tpu.vector_store %arg2[%swap3A, %swap3A_13], %select_n3A {strides = array<i32>} : memref<2000x128xf32, #tpu.memory_space<vmem>>, vector<2000x128xf32>,
    return
  }
  func.func @transform_0(%arg0: i32) -> (i32, i32, i32) {
    %c0_i32 = arith.constant 0 : i32
    %c0_i32_0 = arith.constant 0 : i32
    %c0_i32_1 = arith.constant 0 : i32
    return %c0_i32, %arg0, %c0_i32_0 : i32, i32, i32
  }
  func.func @transform_1(%arg0: i32) -> (i32, i32) {
    %c0_i32 = arith.constant 0 : i32
    %c0_i32_0 = arith.constant 0 : i32
    return %arg0, %c0_i32 : i32, i32
  }
}

</mosaic_0001>

<sc_bundles>
// kernel: kernel.10.cloned.1.call-start
scs
__scs_entry_jumppad:
0x0: {  	(pc) =	sbr.rel $0x88, $3  }
0x1: {  	(tag) =	ssettag $0x0;
	lr =	simm.s32 $0x1  }
0x2: {  	[smem:$0x3F9B] =	sst lr;
	_ =	strace $0xD0000000  }
0x3: {  	_ = 	snop  }
0x4: {  	_ = 	snop  }
0x5: {  	_ = 	snop  }
0x6: {  	_ = 	snop  }
0x7: {  	_ = 	snop  }
__scs_overlays_trampoline_lowered:
0x8: {  	[smem:$0x3FAA] =	sst s0  }
0x9: {  	[smem:$0x3FAB] =	sst s1  }
0xa: {  	[smem:$0x3FAC] =	sst s2  }
0xb: {  	[smem:$0x3FAD] =	sst s3  }
0xc: {  	[smem:$0x3FAE] =	sst s4  }
0xd: {  	[smem:$0x3FAF] =	sst s5  }
0xe: {  	[smem:$0x3FB0] =	sst s6  }
0xf: {  	[smem:$0x3FB1] =	sst s7  }
0x10: {  	[smem:$0x3FB2] =	sst s8  }
0x11: {  	[smem:$0x3FB3] =	sst s9;
	s0 =	simm.s32 @!p0 $0x0  }
0x12: {  	s1 =	sld [smem:$0x3F99];
	s0 =	simm.s32 @p0 $0x1  }
0x13: {  	[smem:$0x3FB4] =	sst s0;
	s0 =	simm.s32 @!p1 $0x0  }
0x14: {  	s2 =	sld [smem:$0x3F98];
	s0 =	simm.s32 @p1 $0x1  }
0x15: {  	[smem:$0x3FB5] =	sst s0;
	s0 =	simm.s32 @!p2 $0x0  }
0x16: {  	s3 =	sld [smem:$0x3FDB];
	s0 =	simm.s32 @p2 $0x1  }
0x17: {  	s4 =	simm.s32 $0x1BF5;
	[smem:$0x3FB7] =	sst s0  }
0x18: {  	s0 =	sld [smem:$0x3F9A];
	_ =	swait.ge [sflag:s4], $0x0  }
0x19: {  	s7 =	sld [smem:$0x3F9B]  }
0x1a: {  	s8 =	sadd.s32 $0xFFFFE003, lr  }
0x1b: {  	s9 =	sadd.s32 $0xFFFFFEF7, lr;
	s5 =	simm.s32 $0xFFFFFFFF;
	p2 =	slt.u32 s8, $0xFFFFF086  }
0x1c: {  	p1 =	slt.u32 s9, $0xF7A;
	s5 =	simm.s32 @!p2 $0x0  }
0x1d: {  	s5 =	simm.s32 @p1 $0x1;
	p0 =	seq.s32 s7, s2  }
0x1e: {  	s7 =	smul.u32 @!p0 $0xF7A, s2;
	p2 =	seq.s32 @!p0 s5, $0x0  }
0x1f: {  	s9 =	smul.u32 $0xF7A, s1;
	s8 =	simm.s32 @!p0 $0x1BF5;
	p2 =	por !p2, p0  }
0x20: {  	[sflag:s8] =	ssyncset.s32 @!p0 $0xFFFFF086;
	s6 =	sadd.s32 @!p0 s3, s7;
	s7 =	simm.s32 @!p0 $0x108  }
0x21: {  	s3 =	sadd.s32 s3, s9;
	s6 =	sadd.s32 @!p0 $0x88, s6;
	s7 =	simm.s32 @p2 $0x1082  }
0x22: {  	[simem:s7], [sflag:s8] =	dma.local @!p0 [hbm:s6], $0xF7A  }
0x23: {  	s9 =	sor.u32 $0xD0000000, s2;
	s6 =	simm.s32 $0x108;
	_ =	swait.ge @!p0 [sflag:s8], $0x0  }
0x24: {  	s3 =	sadd.s32 $0x88, s3;
	s6 =	simm.s32 @!p1 $0x1082;
	[sflag:s4] =	ssyncset.s32 $0xFFFFF086  }
0x25: {  	[simem:s6], [sflag:s4] =	dma.local [hbm:s3], $0xF7A  }
0x26: {  	[smem:$0x3F9B] =	sst s1;
	(tag) =	ssettag s2;
	_ =	strace s9  }
0x27: {  	s1 =	sld [smem:$0x3FAB]  }
0x28: {  	s2 =	sld [smem:$0x3FAC]  }
0x29: {  	s4 =	sld [smem:$0x3FAE]  }
0x2a: {  	p0 =	seq.s32 s5, $0x0;
	s5 =	sld [smem:$0x3FAF]  }
0x2b: {  	s6 =	sld [smem:$0x3FB0]  }
0x2c: {  	s7 =	sld [smem:$0x3FB1]  }
0x2d: {  	s3 =	simm.s32 $0x108;
	s8 =	sld [smem:$0x3FB2]  }
0x2e: {  	s3 =	simm.s32 @!p0 $0x1082;
	s9 =	sld [smem:$0x3FB3]  }
0x2f: {  	lr =	sadd.s32 s0, s3;
	s0 =	sld [smem:$0x3FAA]  }
0x30: {  	s3 =	sld [smem:$0x3FAD]  }
0x31: {  	[smem:$0x3FB6] =	sst s10  }
0x32: {  	s10 =	sld [smem:$0x3FB4];
	_ =	sdelay $0x3  }
0x33: {  	p0 =	seq.s32 s10, $0x1;
	s10 =	sld [smem:$0x3FB6];
	_ =	sdelay $0x3  }
0x34: {  	[smem:$0x3FB6] =	sst s10  }
0x35: {  	s10 =	sld [smem:$0x3FB5];
	_ =	sdelay $0x3  }
0x36: {  	p1 =	seq.s32 s10, $0x1;
	s10 =	sld [smem:$0x3FB6];
	_ =	sdelay $0x3  }
0x37: {  	[smem:$0x3FB6] =	sst s10  }
0x38: {  	s10 =	sld [smem:$0x3FB7]  }
0x39: {  	_ = 	snop;
	(pc) =	sbr.ind lr, $3  }
0x3a: {  	_ = 	snop  }
0x3b: {  	_ = 	snop  }
0x3c: {  	p2 =	seq.s32 s10, $0x1;
	s10 =	sld [smem:$0x3FB6]  }
0x3d: {  	_ =	shalt  }
0x3e: {  	_ =	shalt  }
0x3f: {  	_ =	shalt  }
0x40: {  	_ =	shalt  }
0x41: {  	_ =	shalt  }
0x42: {  	_ =	shalt  }
0x43: {  	_ =	shalt  }
0x44: {  	_ =	shalt  }
0x45: {  	_ =	shalt  }
0x46: {  	_ =	shalt  }
0x47: {  	_ =	shalt  }
0x48: {  	_ =	shalt  }
0x49: {  	_ =	shalt  }
0x4a: {  	_ =	shalt  }
0x4b: {  	_ =	shalt  }
0x4c: {  	_ =	shalt  }
0x4d: {  	_ =	shalt  }
0x4e: {  	_ =	shalt  }
0x4f: {  	_ =	shalt  }
0x50: {  	_ =	shalt  }
0x51: {  	_ =	shalt  }
0x52: {  	_ =	shalt  }
0x53: {  	_ =	shalt  }
0x54: {  	_ =	shalt  }
0x55: {  	_ =	shalt  }
0x56: {  	_ =	shalt  }
0x57: {  	_ =	shalt  }
0x58: {  	_ =	shalt  }
0x59: {  	_ =	shalt  }
0x5a: {  	_ =	shalt  }
0x5b: {  	_ =	shalt  }
0x5c: {  	_ =	shalt  }
0x5d: {  	_ =	shalt  }
0x5e: {  	_ =	shalt  }
0x5f: {  	_ =	shalt  }
0x60: {  	_ =	shalt  }
0x61: {  	_ =	shalt  }
0x62: {  	_ =	shalt  }
0x63: {  	_ =	shalt  }
0x64: {  	_ =	shalt  }
0x65: {  	_ =	shalt  }
0x66: {  	_ =	shalt  }
0x67: {  	_ =	shalt  }
0x68: {  	_ =	shalt  }
0x69: {  	_ =	shalt  }
0x6a: {  	_ =	shalt  }
0x6b: {  	_ =	shalt  }
0x6c: {  	_ =	shalt  }
0x6d: {  	_ =	shalt  }
0x6e: {  	_ =	shalt  }
0x6f: {  	_ =	shalt  }
0x70: {  	_ =	shalt  }
0x71: {  	_ =	shalt  }
0x72: {  	_ =	shalt  }
0x73: {  	_ =	shalt  }
0x74: {  	_ =	shalt  }
0x75: {  	_ =	shalt  }
0x76: {  	_ =	shalt  }
0x77: {  	_ =	shalt  }
0x78: {  	_ =	shalt  }
0x79: {  	_ =	shalt  }
0x7a: {  	_ =	shalt  }
0x7b: {  	_ =	shalt  }
0x7c: {  	_ =	shalt  }
0x7d: {  	_ =	shalt  }
0x7e: {  	_ =	shalt  }
0x7f: {  	_ =	shalt  }
0x80: {  	_ =	shalt  }
0x81: {  	_ =	shalt  }
0x82: {  	_ =	shalt  }
0x83: {  	_ =	shalt  }
0x84: {  	_ =	shalt  }
0x85: {  	_ =	shalt  }
0x86: {  	_ =	shalt  }
0x87: {  	_ =	shalt  }
.Lfunc_end0:
.L_simem_size_0:
called_computation.1_lowered:
.L_overlay_start_0:
0x88: {  	s2 =	sld [smem:$0x3FD9]  }
0x89: {  	s3 =	sld [smem:$0x3FFE];
	_ =	sdelay $0x1  }
0x8a: {  	s1 =	srdreg.scid  }
0x8b: {  	s0 =	sand.u32 $0x1, s1  }
0x8c: {  	s17 =	sshll.u32 s0, $0xA;
	s2 =	sadd.s32 s3, s2  }
0x8d: {  	s2 =	sadd.s32 s2, s17  }
0x8e: {  	[smem:$0x3FC2] =	sst s2  }
0x8f: {  	_ = 	snop  }
0x90: {  	s2 =	sld [smem:$0x3FD0];
	(tm) =	ssettm $0x1  }
0x91: {  	s18 =	sld [smem:$0x3FFB];
	_ =	sdelay $0x3  }
0x92: {  	_ =	strace s18  }
0x93: {  	s3 =	sld [smem:$0x3FFC];
	_ =	sdelay $0x3  }
0x94: {  	_ =	strace s3  }
0x95: {  	s3 =	sld [smem:$0x3FFD];
	_ =	sdelay $0x3  }
0x96: {  	_ =	strace s3  }
0x97: {  	_ =	strace $0x8FFFFFFF  }
0x98: {  	s19 =	sld [smem:$0x3FDB];
	_ =	sdelay $0x1  }
0x99: {  	s4 =	simm.s32 $_scs_section_size  }
0x9a: {  	s5 =	simm.s32 $_size__tile_overlayer_lowered;
	s6 =	simm.s32 $_tile_overlayer_lowered  }
0x9b: {  	s22 =	simm.s32 $0x1BFF;
	s21 =	sshll.u32 s6, $0x1;
	s3 =	sadd.s32 s4, s19  }
0x9c: {  	s7 =	simm.s32 $0x0;
	s20 =	sshll.u32 s5, $0x1;
	s5 =	sadd.s32 s21, s3  }
0x9d: {  	[timem:s7], [sflag:s22] =	dma.local [hbm:s5], s20  }
0x9e: {  	_ =	swait.ge [sflag:s22], s20  }
0x9f: {  	s4 =	ssub.s32 $0x0, s20;
	[sflag:s22] =	ssyncset.done $0x0  }
0xa0: {  	[sflag:s22] =	ssyncadd.s32 s4;
	_ =	sdelay $0x1  }
0xa1: {  	s23 =	simm.s32 $0x1B8B  }
0xa2: {  	_ =	swait.ge [sflag:s23], $0x1  }
0xa3: {  	[sflag:s23] =	ssyncset.done $0x0  }
0xa4: {  	s25 =	simm.s32 $0x1B8E;
	s24 =	sld [smem:$0x3FFE];
	[sflag:s23] =	ssyncadd.s32 $0xFFFFFFFF  }
0xa5: {  	s26 =	simm.s32 $execute0_lowered;
	[smem:$0x3FD2] =	sst s25  }
0xa6: {  	s5 =	sshll.u32 s26, $0x1;
	_ =	strace $0x80000049;
	[dreg:$0x1] =	wrdreg $0xFFFFFFFF  }
0xa7: {  	s28 =	simm.s32 $_size_execute0_lowered;
	s3 =	sadd.s32 s3, s5;
	[dreg:$0x0] =	wrdreg $0x0  }
0xa8: {  	s5 =	sshll.u32 s28, $0x1;
	[dreg:$0x2] =	wrdreg s3  }
0xa9: {  	[dreg:$0x3] =	wrdreg s5  }
0xaa: {  	[dreg:$0x4] =	wrdreg $0xC0  }
0xab: {  	_ =	task [dreg:s7], $0x5FFFF  }
0xac: {  	[dreg:$0x1] =	wrdreg $0xFFFFFFFF  }
0xad: {  	[dreg:$0x0] =	wrdreg $0x60  }
0xae: {  	[dreg:$0x2] =	wrdreg s2  }
0xaf: {  	[dreg:$0x3] =	wrdreg s24  }
0xb0: {  	[dreg:$0x4] =	wrdreg $0x0  }
0xb1: {  	[dreg:$0x5] =	wrdreg $0x9  }
0xb2: {  	_ =	task.clear_ibuf [dreg:s7], $0x6FFFF;
	_ =	strace $0x90000049  }
0xb3: {  	s29 =	simm.s32 $0x9;
	_ =	strace $0x8000004B  }
0xb4: {  	_ =	swait.ge [sflag:s29], $0x1  }
0xb5: {  	[sflag:s29] =	ssyncadd.s32 $0xFFFFFFFF  }
0xb6: {  	_ =	strace $0x9000004B  }
0xb7: {  	_ =	sfence  }
0xb8: {  	s30 =	sld [smem:$0x0];
	_ =	sdelay $0x2  }
0xb9: {  	s31 =	sshll.u32 s1, $0xD;
	s1 =	sshrl.u32 s1, $0x2  }
0xba: {  	s3 =	sand.u32 $0x4000, s31;
	s1 =	sadd.s32 s1, s30  }
0xbb: {  	s0 =	sor.u32 s3, s0;
	s1 =	sshll.u32 s1, $0x11  }
0xbc: {  	s0 =	sor.u32 s1, s0  }
0xbd: {  	s0 =	sadd.s32 $0x8F2B, s0  }
0xbe: {  	[sflag:s0] =	ssyncadd.remote.s32 $0x1  }
0xbf: {  	_ =	sfence.sel $0xFFFF  }
0xc0: {  	[dreg:$0x0] =	wrdreg $0xFFFFFFFF;
	(pc) =	sbr.abs _section_cstart, $3  }
0xc1: {  	[dreg:$0x1] =	wrdreg $0xFFFFFFFF  }
0xc2: {  	_ =	task.clear_ibuf [dreg:s7], $0x2FFFF;
	_ =	strace $0x9FFFFFFF  }
0xc3: {  	(tm) =	ssettm $0x7FFFFFFF  }
tec
execute0_lowered:
.L_overlay_start_1:
0x0: {  	(tag) =	ssettag $0x1  }
0x1: {  	s1 =	rddreg [dreg:$0x0]  }
0x2: {  	s0 =	rddreg [dreg:$0x1];
	s2 =	srdreg.scid  }
0x3: {  	s9 =	stileid.u32;
	s3 =	rddreg [dreg:$0x2];
	s14 =	simm.s32 $0x0  }
0x4: {  	s29 =	simm.s32 $0x9;
	s30 =	simm.s32 $0x50;
	s10 =	simm.s32 $0x1  }
0x5: {  	s11 =	simm.s32 $0x2;
	s12 =	simm.s32 $0x3;
	s13 =	simm.s32 $0x4  }
0x6: {  	s15 =	simm.s32 $0x0;
	s2 =	sand.u32 $0x1, s2;
	s4 =	sshll.u32 s9, $0x1  }
0x7: {  	[smem:$0x7FF] =	sst s14;
	s18 =	smul.u32 $0x50000, s9;
	s4 =	sor.u32 s2, s4  }
0x8: {  	s6 =	sadd.s32 $0xA600, s0;
	s8 =	sadd.s32 $0x800, s0;
	s5 =	smul.u32 $0xA00, s4  }
0x9: {  	_ =	strace $0x8000004A;
	[dreg:$0x5] =	wrdreg s6;
	s4 =	smul.u32 $0x2710, s4  }
0xa: {  	s31 =	smul.u32 $0x2800, s9;
	[dreg:$0x6] =	wrdreg s8;
	s6 =	sshrl.u32 s18, $0x2  }
0xb: {  	s7 =	smul.u32 $0x28000, s2;
	s6 =	sadd.s32 s6, s3;
	[dreg:$0x8] =	wrdreg s4  }
0xc: {  	s2 =	ssub.s32 $0x2, s2;
	s20 =	sadd.s32 $0x2800, s6;
	[dreg:$0x7] =	wrdreg s6  }
0xd: {  	s19 =	sshrl.u32 s2, $0x1;
	s21 =	sadd.s32 $0x5000, s6;
	[dreg:$0x9] =	wrdreg s20  }
0xe: {  	s18 =	simm.s32 $0x16000;
	s22 =	sadd.s32 $0x7800, s6;
	[dreg:$0xa] =	wrdreg s21  }
0xf: {  	s2 =	ssub.s32 s2, s19;
	s23 =	sadd.s32 $0xA000, s6;
	[dreg:$0xb] =	wrdreg s22  }
0x10: {  	s19 =	simm.s32 $0x18800;
	s24 =	sadd.s32 $0xC800, s6;
	[dreg:$0xc] =	wrdreg s23  }
0x11: {  	s5 =	sadd.s32 s5, s0;
	s25 =	sadd.s32 $0xF000, s6;
	[dreg:$0xd] =	wrdreg s24  }
0x12: {  	s0 =	sadd.s32 s7, s0;
	s26 =	sadd.s32 $0x11800, s6;
	[dreg:$0xe] =	wrdreg s25  }
0x13: {  	s2 =	smax.u32 s2, $0x1;
	[dreg:$0xf] =	wrdreg s26;
	s28 =	sadd.s32 $0x1EE00, s5  }
0x14: {  	s0 =	sadd.s32 $0x32E00, s0;
	[dreg:$0x11] =	wrdreg s2;
	s20 =	simm.s32 $0x1B000  }
0x15: {  	s21 =	simm.s32 $0x1D800;
	s22 =	simm.s32 $0x5;
	s23 =	simm.s32 $0x6  }
0x16: {  	s25 =	simm.s32 $0x7;
	[dreg:$0x10] =	wrdreg s28;
	s0 =	sadd.s32 s31, s0  }
0x17: {  	v0 =	vimm.f32 $0.0e+00;
	s26 =	simm.s32 $0x8;
	[dreg:$0x12] =	wrdreg s0;
	s0 =	simm.s32 $0x15800  }
.LBB2_1:
0x18: {  	s2 =	simm.s32 $0x0;
	s4 =	simm.s32 $0x200  }
.LBB2_2:
0x19: {  	p0 =	sne.s32 s4, $0x9E00;
	[tilespmem:s2+$0x16070] =	vst v0  }
0x1a: {  	[tilespmem:s2+$0x16000] =	vst v0  }
0x1b: {  	[tilespmem:s2+$0x16010] =	vst v0  }
.Ltmp0:
0x1c: {  	[tilespmem:s2+$0x16020] =	vst v0;
	(pc) =	sbr.rel @p0 .LBB2_2-.Ltmp0, $4  }
0x1d: {  	[tilespmem:s2+$0x16030] =	vst v0  }
0x1e: {  	[tilespmem:s2+$0x16040] =	vst v0  }
0x1f: {  	[tilespmem:s2+$0x16050] =	vst v0  }
0x20: {  	[tilespmem:s2+$0x16060] =	vst v0;
	s2 =	sshra.s32 s4, $0x2;
	s4 =	sadd.s32 $0x200, s4  }
0x21: {  	[tilespmem:s2+$0x16070] =	vst v0  }
0x22: {  	[tilespmem:s2+$0x16000] =	vst v0  }
0x23: {  	[tilespmem:s2+$0x16010] =	vst v0  }
0x24: {  	[tilespmem:s2+$0x16020] =	vst v0  }
0x25: {  	[tilespmem:s2+$0x16030] =	vst v0  }
0x26: {  	[tilespmem:s2+$0x16040] =	vst v0  }
0x27: {  	[tilespmem:s2+$0x16050] =	vst v0  }
0x28: {  	[tilespmem:s2+$0x16060] =	vst v0;
	s2 =	simm.s32 $0x0;
	s4 =	simm.s32 $0x200  }
.LBB2_4:
0x29: {  	p0 =	sne.s32 s4, $0x9E00;
	[tilespmem:s2+$0x18870] =	vst v0  }
0x2a: {  	[tilespmem:s2+$0x18800] =	vst v0  }
0x2b: {  	[tilespmem:s2+$0x18810] =	vst v0  }
.Ltmp1:
0x2c: {  	[tilespmem:s2+$0x18820] =	vst v0;
	(pc) =	sbr.rel @p0 .LBB2_4-.Ltmp1, $4  }
0x2d: {  	[tilespmem:s2+$0x18830] =	vst v0  }
0x2e: {  	[tilespmem:s2+$0x18840] =	vst v0  }
0x2f: {  	[tilespmem:s2+$0x18850] =	vst v0  }
0x30: {  	[tilespmem:s2+$0x18860] =	vst v0;
	s2 =	sshra.s32 s4, $0x2;
	s4 =	sadd.s32 $0x200, s4  }
0x31: {  	[tilespmem:s2+$0x18870] =	vst v0  }
0x32: {  	[tilespmem:s2+$0x18800] =	vst v0  }
0x33: {  	[tilespmem:s2+$0x18810] =	vst v0  }
0x34: {  	[tilespmem:s2+$0x18820] =	vst v0  }
0x35: {  	[tilespmem:s2+$0x18830] =	vst v0  }
0x36: {  	[tilespmem:s2+$0x18840] =	vst v0  }
0x37: {  	[tilespmem:s2+$0x18850] =	vst v0  }
0x38: {  	[tilespmem:s2+$0x18860] =	vst v0;
	s2 =	simm.s32 $0x0;
	s4 =	simm.s32 $0x200  }
.LBB2_6:
0x39: {  	p0 =	sne.s32 s4, $0x9E00;
	[tilespmem:s2+$0x1B070] =	vst v0  }
0x3a: {  	[tilespmem:s2+$0x1B000] =	vst v0  }
0x3b: {  	[tilespmem:s2+$0x1B010] =	vst v0  }
.Ltmp2:
0x3c: {  	[tilespmem:s2+$0x1B020] =	vst v0;
	(pc) =	sbr.rel @p0 .LBB2_6-.Ltmp2, $4  }
0x3d: {  	[tilespmem:s2+$0x1B030] =	vst v0  }
0x3e: {  	[tilespmem:s2+$0x1B040] =	vst v0  }
0x3f: {  	[tilespmem:s2+$0x1B050] =	vst v0  }
0x40: {  	[tilespmem:s2+$0x1B060] =	vst v0;
	s2 =	sshra.s32 s4, $0x2;
	s4 =	sadd.s32 $0x200, s4  }
0x41: {  	[tilespmem:s2+$0x1B070] =	vst v0  }
0x42: {  	[tilespmem:s2+$0x1B000] =	vst v0  }
0x43: {  	[tilespmem:s2+$0x1B010] =	vst v0  }
0x44: {  	[tilespmem:s2+$0x1B020] =	vst v0  }
0x45: {  	[tilespmem:s2+$0x1B030] =	vst v0  }
0x46: {  	[tilespmem:s2+$0x1B040] =	vst v0  }
0x47: {  	[tilespmem:s2+$0x1B050] =	vst v0  }
0x48: {  	[dreg:$0x4] =	wrdreg s14;
	[tilespmem:s2+$0x1B060] =	vst v0;
	s2 =	simm.s32 $0x0;
	s4 =	simm.s32 $0x200  }
.LBB2_8:
0x49: {  	p0 =	sne.s32 s4, $0x9E00;
	[tilespmem:s2+$0x1D870] =	vst v0  }
0x4a: {  	[tilespmem:s2+$0x1D800] =	vst v0  }
0x4b: {  	[tilespmem:s2+$0x1D810] =	vst v0  }
.Ltmp3:
0x4c: {  	[tilespmem:s2+$0x1D820] =	vst v0;
	(pc) =	sbr.rel @p0 .LBB2_8-.Ltmp3, $4  }
0x4d: {  	[tilespmem:s2+$0x1D830] =	vst v0  }
0x4e: {  	[tilespmem:s2+$0x1D840] =	vst v0  }
0x4f: {  	[tilespmem:s2+$0x1D850] =	vst v0  }
0x50: {  	[tilespmem:s2+$0x1D860] =	vst v0;
	s2 =	sshra.s32 s4, $0x2;
	s4 =	sadd.s32 $0x200, s4  }
0x51: {  	[tilespmem:s2+$0x1D870] =	vst v0  }
0x52: {  	[tilespmem:s2+$0x1D800] =	vst v0  }
0x53: {  	[tilespmem:s2+$0x1D810] =	vst v0  }
0x54: {  	[tilespmem:s2+$0x1D820] =	vst v0  }
0x55: {  	[tilespmem:s2+$0x1D830] =	vst v0  }
0x56: {  	[tilespmem:s2+$0x1D840] =	vst v0  }
0x57: {  	[tilespmem:s2+$0x1D850] =	vst v0  }
0x58: {  	[tilespmem:s2+$0x1D860] =	vst v0  }
0x59: {  	[spmem:s6] =	stream.linear.scatter [tilespmem:s18], [sflag:$0x5], $0x2800, $0x38;
	v63 =	vld [tilespmem:$0x0]  }
0x5a: {  	s9 =	rddreg [dreg:$0x9]  }
0x5b: {  	[spmem:s9] =	stream.linear.scatter [tilespmem:s19], [sflag:$0x6], $0x2800, $0x38;
	v63 =	vld [tilespmem:$0x0]  }
0x5c: {  	s14 =	rddreg [dreg:$0xa]  }
0x5d: {  	[spmem:s14] =	stream.linear.scatter [tilespmem:s20], [sflag:$0x7], $0x2800, $0x38;
	v63 =	vld [tilespmem:$0x0]  }
0x5e: {  	s16 =	rddreg [dreg:$0xb]  }
0x5f: {  	[spmem:s16] =	stream.linear.scatter [tilespmem:s21], [sflag:$0x8], $0x2800, $0x38;
	v63 =	vld [tilespmem:$0x0]  }
0x60: {  	s17 =	rddreg [dreg:$0xc]  }
0x61: {  	[spmem:s17] =	stream.linear.scatter [tilespmem:s18], [sflag:$0x5], $0x2800, $0x38;
	v63 =	vld [tilespmem:$0x0]  }
0x62: {  	s24 =	rddreg [dreg:$0xd]  }
0x63: {  	[spmem:s24] =	stream.linear.scatter [tilespmem:s19], [sflag:$0x6], $0x2800, $0x38;
	v63 =	vld [tilespmem:$0x0]  }
0x64: {  	s28 =	rddreg [dreg:$0xe]  }
0x65: {  	[spmem:s28] =	stream.linear.scatter [tilespmem:s20], [sflag:$0x7], $0x2800, $0x38;
	v63 =	vld [tilespmem:$0x0]  }
0x66: {  	s31 =	rddreg [dreg:$0xf]  }
0x67: {  	[spmem:s31] =	stream.linear.scatter [tilespmem:s21], [sflag:$0x8], $0x2800, $0x38;
	v63 =	vld [tilespmem:$0x0]  }
0x68: {  	_ =	swait.ge [sflag:s22], $0x2800  }
0x69: {  	[sflag:s22] =	ssyncset.done $0x0  }
0x6a: {  	[sflag:s22] =	ssyncadd.s32 $0xFFFFD800  }
0x6b: {  	_ =	swait.ge [sflag:s23], $0x2800  }
0x6c: {  	[sflag:s23] =	ssyncset.done $0x0  }
0x6d: {  	[sflag:s23] =	ssyncadd.s32 $0xFFFFD800  }
0x6e: {  	_ =	swait.ge [sflag:s25], $0x2800  }
0x6f: {  	[sflag:s25] =	ssyncset.done $0x0  }
0x70: {  	[sflag:s25] =	ssyncadd.s32 $0xFFFFD800  }
0x71: {  	_ =	swait.ge [sflag:s26], $0x2800  }
0x72: {  	[sflag:s26] =	ssyncset.done $0x0  }
0x73: {  	[sflag:s26] =	ssyncadd.s32 $0xFFFFD800  }
0x74: {  	_ =	swait.ge [sflag:s22], $0x2800  }
0x75: {  	[sflag:s22] =	ssyncset.done $0x0  }
0x76: {  	[sflag:s22] =	ssyncadd.s32 $0xFFFFD800  }
0x77: {  	_ =	swait.ge [sflag:s23], $0x2800  }
0x78: {  	[sflag:s23] =	ssyncset.done $0x0  }
0x79: {  	[sflag:s23] =	ssyncadd.s32 $0xFFFFD800  }
0x7a: {  	_ =	swait.ge [sflag:s25], $0x2800  }
0x7b: {  	[sflag:s25] =	ssyncset.done $0x0  }
0x7c: {  	[sflag:s25] =	ssyncadd.s32 $0xFFFFD800  }
0x7d: {  	_ =	swait.ge [sflag:s26], $0x2800  }
0x7e: {  	[sflag:s26] =	ssyncset.done $0x0  }
0x7f: {  	[sflag:s26] =	ssyncadd.s32 $0xFFFFD800  }
0x80: {  	s17 =	simm.s32 $0x0;
	[bflag:$0x0] =	sbarrier.arrive $0xFFFF  }
.LBB2_10:
0x81: {  	s2 =	smul.u32 $0x7D0, s17  }
0x82: {  	s4 =	rddreg [dreg:$0x8]  }
0x83: {  	s2 =	sadd.s32 s4, s2  }
0x84: {  	s8 =	rddreg [dreg:$0x5];
	s2 =	sshrl.u32 s2, $0x3  }
0x85: {  	s5 =	simm.s32 $0x14000;
	s4 =	sadd.s32 s8, s2  }
0x86: {  	[tilespmem:s5], [sflag:$0x9] =	stream.linear.gather [hbm4b:s4+s15], $0x7D0, $0x38;
	v63 =	vld [tilespmem:$0x0]  }
0x87: {  	_ =	swait.ge [sflag:s29], $0x7D0  }
0x88: {  	[sflag:s29] =	ssyncset.done $0x0  }
0x89: {  	[sflag:s29] =	ssyncadd.s32 $0xFFFFF830  }
0x8a: {  	[tilespmem:s18], [sflag:$0x1] =	stream.indirect.gather [hbm4b:s1+s30], $0x80, s5, s30, $0xb8;
	v63 =	vld [tilespmem:$0x0]  }
0x8b: {  	s9 =	simm.s32 $0x14050  }
0x8c: {  	[tilespmem:s19], [sflag:$0x2] =	stream.indirect.gather [hbm4b:s1+s30], $0x80, s9, s30, $0xb8;
	v63 =	vld [tilespmem:$0x0]  }
0x8d: {  	s14 =	simm.s32 $0x140A0;
	s16 =	rddreg [dreg:$0x6]  }
0x8e: {  	[tilespmem:s20], [sflag:$0x3] =	stream.indirect.gather [hbm4b:s1+s30], $0x80, s14, s30, $0xb8;
	v63 =	vld [tilespmem:$0x0]  }
0x8f: {  	s2 =	sadd.s32 s16, s2  }
0x90: {  	[tilespmem:s0], [sflag:$0x9] =	stream.linear.gather [hbm4b:s2+s15], $0x7D0, $0x38;
	v63 =	vld [tilespmem:$0x0]  }
0x91: {  	_ =	swait.ge [sflag:s29], $0x7D0  }
0x92: {  	s24 =	sshll.u32 s17, $0x9;
	[sflag:s29] =	ssyncset.done $0x0;
	s28 =	rddreg [dreg:$0x10]  }
0x93: {  	s31 =	simm.s32 $0x14800;
	[sflag:s29] =	ssyncadd.s32 $0xFFFFF830;
	s2 =	sadd.s32 s24, s28  }
0x94: {  	[tilespmem:s31], [sflag:$0x9] =	stream.linear.gather [hbm4b:s2+s15], $0xC80, $0x38;
	v63 =	vld [tilespmem:$0x0]  }
0x95: {  	_ =	swait.ge [sflag:s29], $0xC80  }
0x96: {  	[sflag:s29] =	ssyncset.done $0x0  }
0x97: {  	s7 =	simm.s32 $0x0;
	s24 =	simm.s32 $0x0;
	[sflag:s29] =	ssyncadd.s32 $0xFFFFF380  }
.LBB2_11:
0x98: {  	s5 =	sadd.s32 $0x0, s24  }
0x99: {  	v1 =	vmov s5  }
0x9a: {  	v1 =	vand.u32 $0xFFFFFFFC, v1  }
0x9b: {  	v1 =	vbroadcast v1, $0x0;
	_ =	sdelay $0x1  }
0x9c: {  	_ =	swait.ge [sflag:s10], $0x2800  }
0x9d: {  	[sflag:s10] =	ssyncset.done $0x0  }
0x9e: {  	s2 =	simm.s32 $0x16100;
	[sflag:s10] =	ssyncadd.s32 $0xFFFFD800  }
0x9f: {  	v2 =	vld [tilespmem:s2+$0xFFFFFF70]  }
0xa0: {  	v1 =	vld.idx.msk [tilespmem:v1+s0+$0x0], $0xffff  }
0xa1: {  	v3 =	vld [tilespmem:s2+$0xFFFFFF00]  }
0xa2: {  	v4 =	vld [tilespmem:s2+$0xFFFFFF20]  }
0xa3: {  	v5 =	vld [tilespmem:s2+$0xFFFFFF50]  }
0xa4: {  	v6 =	vld [tilespmem:s2+$0xFFFFFF40]  }
0xa5: {  	v7 =	vld [tilespmem:s2+$0xFFFFFF60];
	v2 =	vmul.f32 v2, v1  }
0xa6: {  	s4 =	sadd.s32 $0x1, s5;
	v8 =	vld [tilespmem:s2+$0xFFFFFF30];
	v3 =	vmul.f32 v3, v1  }
0xa7: {  	v9 =	vmov s4;
	v10 =	vld [tilespmem:s2+$0xFFFFFF10];
	v4 =	vmul.f32 v4, v1;
	[tilespmem:s2+$0xFFFFFF70] =	vst v2  }
0xa8: {  	v5 =	vmul.f32 v5, v1;
	v2 =	vand.u32 $0xFFFFFFFD, v9;
	[tilespmem:s2+$0xFFFFFF00] =	vst v3  }
0xa9: {  	v3 =	vmul.f32 v6, v1;
	[tilespmem:s2+$0xFFFFFF20] =	vst v4;
	v2 =	vbroadcast v2, $0x0  }
0xaa: {  	v4 =	vmul.f32 v7, v1;
	[tilespmem:s2+$0xFFFFFF50] =	vst v5  }
0xab: {  	v5 =	vmul.f32 v8, v1;
	[tilespmem:s2+$0xFFFFFF40] =	vst v3  }
0xac: {  	v1 =	vmul.f32 v10, v1;
	[tilespmem:s2+$0xFFFFFF60] =	vst v4  }
0xad: {  	[tilespmem:s2+$0xFFFFFF30] =	vst v5  }
0xae: {  	[tilespmem:s2+$0xFFFFFF10] =	vst v1;
	v1 =	vld [tilespmem:s2+$0xFFFFFF90]  }
0xaf: {  	v3 =	vld.idx.msk [tilespmem:v2+s0+$0x0], $0xffff  }
0xb0: {  	v2 =	vld [tilespmem:s2+$0xFFFFFFA0]  }
0xb1: {  	v4 =	vld [tilespmem:s2+$0xFFFFFF80]  }
0xb2: {  	v5 =	vld [tilespmem:s2+$0xFFFFFFB0]  }
0xb3: {  	v6 =	vld [tilespmem:s2+$0xFFFFFFC0]  }
0xb4: {  	v7 =	vld [tilespmem:s2+$0xFFFFFFD0];
	v1 =	vmul.f32 v1, v3  }
0xb5: {  	s31 =	sadd.s32 $0x2, s5;
	v8 =	vld [tilespmem:s2+$0xFFFFFFF0];
	v2 =	vmul.f32 v2, v3  }
0xb6: {  	v61 =	vmov s31;
	v62 =	vld [tilespmem:s2+$0xFFFFFFE0];
	v4 =	vmul.f32 v4, v3;
	[tilespmem:s2+$0xFFFFFF90] =	vst v1  }
0xb7: {  	v5 =	vmul.f32 v5, v3;
	v1 =	vand.u32 $0xFFFFFFFE, v61;
	[tilespmem:s2+$0xFFFFFFA0] =	vst v2  }
0xb8: {  	v2 =	vmul.f32 v6, v3;
	[tilespmem:s2+$0xFFFFFF80] =	vst v4;
	v6 =	vld [tilespmem:s2+$0x60];
	v9 =	vbroadcast v1, $0x0  }
0xb9: {  	v4 =	vmul.f32 v7, v3;
	[tilespmem:s2+$0xFFFFFFB0] =	vst v5;
	v7 =	vld [tilespmem:s2+$0x0]  }
0xba: {  	v5 =	vmul.f32 v8, v3;
	v1 =	vld [tilespmem:s2+$0x20];
	[tilespmem:s2+$0xFFFFFFC0] =	vst v2  }
0xbb: {  	v3 =	vmul.f32 v62, v3;
	v2 =	vld [tilespmem:s2+$0x30];
	[tilespmem:s2+$0xFFFFFFD0] =	vst v4  }
0xbc: {  	[tilespmem:s2+$0xFFFFFFF0] =	vst v5;
	v4 =	vld [tilespmem:s2+$0x40]  }
0xbd: {  	[tilespmem:s2+$0xFFFFFFE0] =	vst v3;
	v5 =	vld [tilespmem:s2+$0x10]  }
0xbe: {  	s9 =	sadd.s32 $0x3, s5;
	s5 =	simm.s32 $0x16100;
	s4 =	simm.s32 $0x4;
	v3 =	vld.idx.msk [tilespmem:v9+s0+$0x0], $0xffff  }
.LBB2_12:
0xbf: {  	p0 =	sne.s32 s4, $0x4C  }
0xc0: {  	v8 =	vld [tilespmem:s2+$0x50];
	s5 =	sadd.s32 $0x200, s5;
	s6 =	smov.u32 s4;
	s4 =	sadd.s32 $0x4, s4  }
0xc1: {  	v9 =	vld [tilespmem:s2+$0x70];
	_ =	sdelay $0x1  }
0xc2: {  	v6 =	vmul.f32 v6, v3;
	v7 =	vmul.f32 v7, v3  }
0xc3: {  	v4 =	vmul.f32 v4, v3;
	v5 =	vmul.f32 v5, v3  }
0xc4: {  	v1 =	vmul.f32 v1, v3;
	v2 =	vmul.f32 v2, v3;
	[tilespmem:s2+$0x60] =	vst v6  }
0xc5: {  	[tilespmem:s2+$0x40] =	vst v4;
	v4 =	vmul.f32 v8, v3;
	v3 =	vmul.f32 v9, v3  }
0xc6: {  	[tilespmem:s2+$0x20] =	vst v1;
	v6 =	vld [tilespmem:s2+$0x80]  }
0xc7: {  	v1 =	vld [tilespmem:s5+$0x20];
	[tilespmem:s2+$0x0] =	vst v7;
	v7 =	vmov s9  }
0xc8: {  	[tilespmem:s2+$0x50] =	vst v4;
	v4 =	vld [tilespmem:s2+$0xE0]  }
0xc9: {  	[tilespmem:s2+$0x30] =	vst v2;
	v8 =	vld [tilespmem:s2+$0xC0]  }
0xca: {  	v2 =	vld [tilespmem:s5+$0x30];
	[tilespmem:s2+$0x10] =	vst v5  }
0xcb: {  	[tilespmem:s2+$0x70] =	vst v3;
	v3 =	vld [tilespmem:s2+$0xA0]  }
0xcc: {  	v5 =	vld.idx.msk [tilespmem:v7+s0+$0x0], $0xffff  }
0xcd: {  	v7 =	vld [tilespmem:s2+$0x90]  }
0xce: {  	v9 =	vld [tilespmem:s2+$0xB0]  }
0xcf: {  	v10 =	vld [tilespmem:s2+$0xD0]  }
0xd0: {  	v11 =	vld [tilespmem:s2+$0xF0];
	_ =	sdelay $0x1  }
0xd1: {  	v6 =	vmul.f32 v6, v5;
	v7 =	vmul.f32 v7, v5  }
0xd2: {  	s6 =	sadd.s32 s6, s24;
	v3 =	vmul.f32 v3, v5;
	v9 =	vmul.f32 v9, v5  }
0xd3: {  	v12 =	vmov s6;
	s14 =	sadd.s32 $0x1, s6;
	s31 =	sadd.s32 $0x2, s6;
	s9 =	sadd.s32 $0x3, s6;
	[tilespmem:s2+$0x80] =	vst v6;
	v6 =	vmul.f32 v8, v5;
	v8 =	vmul.f32 v10, v5  }
0xd4: {  	v10 =	vand.u32 $0xFFFFFFFC, v12;
	[tilespmem:s2+$0xA0] =	vst v3;
	v3 =	vmul.f32 v4, v5;
	v4 =	vmul.f32 v11, v5  }
0xd5: {  	v5 =	vbroadcast v10, $0x0;
	v10 =	vmov s14;
	v11 =	vmov s31;
	[tilespmem:s2+$0xC0] =	vst v6  }
0xd6: {  	v6 =	vand.u32 $0xFFFFFFFD, v10;
	v10 =	vand.u32 $0xFFFFFFFE, v11;
	[tilespmem:s2+$0xF0] =	vst v4  }
0xd7: {  	v4 =	vld [tilespmem:s5+$0xFFFFFF40];
	[tilespmem:s2+$0xE0] =	vst v3  }
0xd8: {  	v3 =	vld [tilespmem:s5+$0xFFFFFF50];
	[tilespmem:s2+$0x90] =	vst v7  }
0xd9: {  	v7 =	vld [tilespmem:s5+$0xFFFFFF60];
	[tilespmem:s2+$0xB0] =	vst v9  }
0xda: {  	v9 =	vld [tilespmem:s5+$0xFFFFFF70];
	[tilespmem:s2+$0xD0] =	vst v8;
	s2 =	smov.u32 s5  }
0xdb: {  	v5 =	vld.idx.msk [tilespmem:v5+s0+$0x0], $0xffff  }
0xdc: {  	v8 =	vld [tilespmem:s5+$0xFFFFFF00]  }
0xdd: {  	v11 =	vld [tilespmem:s5+$0xFFFFFF20]  }
0xde: {  	v12 =	vld [tilespmem:s5+$0xFFFFFF10]  }
0xdf: {  	v13 =	vld [tilespmem:s5+$0xFFFFFF30];
	_ =	sdelay $0x1  }
0xe0: {  	v9 =	vmul.f32 v9, v5;
	v8 =	vmul.f32 v8, v5  }
0xe1: {  	v7 =	vmul.f32 v7, v5;
	v11 =	vmul.f32 v11, v5  }
0xe2: {  	v3 =	vmul.f32 v3, v5;
	v12 =	vmul.f32 v12, v5;
	[tilespmem:s5+$0xFFFFFF70] =	vst v9  }
0xe3: {  	v4 =	vmul.f32 v4, v5;
	[tilespmem:s5+$0xFFFFFF00] =	vst v8;
	v8 =	vmul.f32 v13, v5  }
0xe4: {  	v5 =	vbroadcast v6, $0x0;
	[tilespmem:s5+$0xFFFFFF20] =	vst v11  }
0xe5: {  	[tilespmem:s5+$0xFFFFFF50] =	vst v3  }
0xe6: {  	[tilespmem:s5+$0xFFFFFF40] =	vst v4;
	v3 =	vld [tilespmem:s5+$0xFFFFFFF0]  }
0xe7: {  	[tilespmem:s5+$0xFFFFFF60] =	vst v7;
	v4 =	vld [tilespmem:s5+$0xFFFFFFC0]  }
0xe8: {  	[tilespmem:s5+$0xFFFFFF30] =	vst v8;
	v6 =	vld [tilespmem:s5+$0xFFFFFFD0]  }
0xe9: {  	[tilespmem:s5+$0xFFFFFF10] =	vst v12;
	v7 =	vld [tilespmem:s5+$0xFFFFFF90]  }
0xea: {  	v5 =	vld.idx.msk [tilespmem:v5+s0+$0x0], $0xffff  }
0xeb: {  	v8 =	vld [tilespmem:s5+$0xFFFFFF80]  }
0xec: {  	v9 =	vld [tilespmem:s5+$0xFFFFFFA0]  }
0xed: {  	v11 =	vld [tilespmem:s5+$0xFFFFFFB0]  }
0xee: {  	v12 =	vld [tilespmem:s5+$0xFFFFFFE0];
	_ =	sdelay $0x1  }
0xef: {  	v7 =	vmul.f32 v7, v5;
	v8 =	vmul.f32 v8, v5  }
0xf0: {  	v6 =	vmul.f32 v6, v5;
	v9 =	vmul.f32 v9, v5  }
0xf1: {  	v4 =	vmul.f32 v4, v5;
	[tilespmem:s5+$0xFFFFFF90] =	vst v7;
	v7 =	vmul.f32 v11, v5  }
0xf2: {  	v3 =	vmul.f32 v3, v5;
	[tilespmem:s5+$0xFFFFFFA0] =	vst v9;
	v9 =	vmul.f32 v12, v5  }
0xf3: {  	v5 =	vbroadcast v10, $0x0;
	[tilespmem:s5+$0xFFFFFF80] =	vst v8  }
0xf4: {  	[tilespmem:s5+$0xFFFFFFB0] =	vst v7  }
0xf5: {  	[tilespmem:s5+$0xFFFFFFC0] =	vst v4  }
0xf6: {  	[tilespmem:s5+$0xFFFFFFD0] =	vst v6  }
.Ltmp4:
0xf7: {  	[tilespmem:s5+$0xFFFFFFF0] =	vst v3;
	v4 =	vld [tilespmem:s5+$0x40];
	(pc) =	sbr.rel @p0 .LBB2_12-.Ltmp4, $4  }
0xf8: {  	[tilespmem:s5+$0xFFFFFFE0] =	vst v9;
	v6 =	vld [tilespmem:s5+$0x60]  }
0xf9: {  	v3 =	vld.idx.msk [tilespmem:v5+s0+$0x0], $0xffff  }
0xfa: {  	v7 =	vld [tilespmem:s5+$0x0]  }
0xfb: {  	v5 =	vld [tilespmem:s5+$0x10]  }
0xfc: {  	_ =	sdelay $0x1  }
0xfd: {  	v6 =	vmul.f32 v6, v3  }
0xfe: {  	v8 =	vld [tilespmem:s2+$0x50];
	v4 =	vmul.f32 v4, v3  }
0xff: {  	v9 =	vld [tilespmem:s2+$0x70];
	v1 =	vmul.f32 v1, v3;
	[tilespmem:s2+$0x60] =	vst v6  }
0x100: {  	v6 =	vmul.f32 v7, v3;
	[tilespmem:s2+$0x40] =	vst v4  }
0x101: {  	[tilespmem:s2+$0x20] =	vst v1;
	v1 =	vmul.f32 v2, v3  }
0x102: {  	v5 =	vmul.f32 v5, v3;
	[tilespmem:s2+$0x0] =	vst v6;
	v6 =	vmov s9  }
0x103: {  	v4 =	vmul.f32 v8, v3;
	[tilespmem:s2+$0x30] =	vst v1  }
0x104: {  	v3 =	vmul.f32 v9, v3;
	[tilespmem:s2+$0x10] =	vst v5  }
0x105: {  	[tilespmem:s2+$0x50] =	vst v4  }
0x106: {  	v2 =	vld [tilespmem:s2+$0x80];
	[tilespmem:s2+$0x70] =	vst v3  }
0x107: {  	v1 =	vld.idx.msk [tilespmem:v6+s0+$0x0], $0xffff  }
0x108: {  	v3 =	vld [tilespmem:s2+$0xA0]  }
0x109: {  	v4 =	vld [tilespmem:s2+$0xC0]  }
0x10a: {  	v5 =	vld [tilespmem:s2+$0xF0]  }
0x10b: {  	v6 =	vld [tilespmem:s2+$0xE0]  }
0x10c: {  	v7 =	vld [tilespmem:s2+$0x90];
	v2 =	vmul.f32 v2, v1  }
0x10d: {  	v8 =	vld [tilespmem:s2+$0xB0];
	v3 =	vmul.f32 v3, v1  }
0x10e: {  	v59 =	vld [tilespmem:s2+$0xD0];
	[tilespmem:s2+$0x80] =	vst v2;
	v2 =	vmul.f32 v4, v1  }
0x10f: {  	[tilespmem:s2+$0xA0] =	vst v3;
	v3 =	vmul.f32 v5, v1  }
0x110: {  	v4 =	vmul.f32 v6, v1;
	[tilespmem:s2+$0xC0] =	vst v2  }
0x111: {  	v2 =	vmul.f32 v7, v1;
	[tilespmem:s2+$0xF0] =	vst v3  }
0x112: {  	v3 =	vmul.f32 v8, v1;
	[tilespmem:s2+$0xE0] =	vst v4  }
0x113: {  	s4 =	sshll.u32 s7, $0x9;
	v1 =	vmul.f32 v59, v1;
	[tilespmem:s2+$0x90] =	vst v2  }
0x114: {  	p0 =	seq.s32 s7, $0x0;
	s4 =	sand.u32 $0x3FFFFE00, s4;
	[tilespmem:s2+$0xB0] =	vst v3  }
0x115: {  	s5 =	sadd.s32 $0xFFFFFFB0, s24;
	s6 =	sadd.s32 $0x14800, s4;
	s4 =	sshllo.u32 s7, $0x2;
	[tilespmem:s2+$0xD0] =	vst v1  }
0x116: {  	[spmem:s3] =	stream.indirect.scatter.add.f32 [tilespmem:s18], [sflag:$0x5], $0x80, s6, s30, $0xb8;
	v63 =	vld [tilespmem:$0x0]  }
0x117: {  	s8 =	sadd.s32 $0xA0, s5;
	s2 =	simm.s32 @!p0 $0x8;
	s6 =	smul.u32 $0x140, s4  }
0x118: {  	v1 =	vmov s8;
	_ =	swait.ge @!p0 [sflag:s2], $0x2800  }
0x119: {  	v1 =	vand.u32 $0xFFFFFFFC, v1;
	[sflag:s2] =	ssyncset.done @!p0 $0x0;
	s6 =	sshra.s32 s6, $0x2  }
0x11a: {  	v1 =	vbroadcast v1, $0x0;
	[sflag:s2] =	ssyncadd.s32 @!p0 $0xFFFFD800;
	s14 =	sadd.s32 $0x14000, s6  }
0x11b: {  	[tilespmem:s21], [sflag:$0x4] =	stream.indirect.gather [hbm4b:s1+s30], $0x80, s14, s30, $0xb8;
	v63 =	vld [tilespmem:$0x0]  }
0x11c: {  	_ =	swait.ge [sflag:s11], $0x2800  }
0x11d: {  	[sflag:s11] =	ssyncset.done $0x0  }
0x11e: {  	s31 =	simm.s32 $0x18900;
	[sflag:s11] =	ssyncadd.s32 $0xFFFFD800  }
0x11f: {  	v2 =	vld [tilespmem:s31+$0xFFFFFF70]  }
0x120: {  	v1 =	vld.idx.msk [tilespmem:v1+s0+$0x0], $0xffff  }
0x121: {  	v3 =	vld [tilespmem:s31+$0xFFFFFF00]  }
0x122: {  	v4 =	vld [tilespmem:s31+$0xFFFFFF20]  }
0x123: {  	v5 =	vld [tilespmem:s31+$0xFFFFFF50]  }
0x124: {  	v6 =	vld [tilespmem:s31+$0xFFFFFF40]  }
0x125: {  	v7 =	vld [tilespmem:s31+$0xFFFFFF60];
	v2 =	vmul.f32 v2, v1  }
0x126: {  	s16 =	sadd.s32 $0xA1, s5;
	v8 =	vld [tilespmem:s31+$0xFFFFFF30];
	v3 =	vmul.f32 v3, v1  }
0x127: {  	v60 =	vmov s16;
	v10 =	vld [tilespmem:s31+$0xFFFFFF10];
	v4 =	vmul.f32 v4, v1;
	[tilespmem:s31+$0xFFFFFF70] =	vst v2  }
0x128: {  	v5 =	vmul.f32 v5, v1;
	v2 =	vand.u32 $0xFFFFFFFD, v60;
	[tilespmem:s31+$0xFFFFFF00] =	vst v3  }
0x129: {  	v3 =	vmul.f32 v6, v1;
	[tilespmem:s31+$0xFFFFFF20] =	vst v4;
	v2 =	vbroadcast v2, $0x0  }
0x12a: {  	v4 =	vmul.f32 v7, v1;
	[tilespmem:s31+$0xFFFFFF50] =	vst v5  }
0x12b: {  	v5 =	vmul.f32 v8, v1;
	[tilespmem:s31+$0xFFFFFF40] =	vst v3  }
0x12c: {  	v1 =	vmul.f32 v10, v1;
	[tilespmem:s31+$0xFFFFFF60] =	vst v4  }
0x12d: {  	[tilespmem:s31+$0xFFFFFF30] =	vst v5  }
0x12e: {  	[tilespmem:s31+$0xFFFFFF10] =	vst v1;
	v1 =	vld [tilespmem:s31+$0xFFFFFF90]  }
0x12f: {  	v3 =	vld.idx.msk [tilespmem:v2+s0+$0x0], $0xffff  }
0x130: {  	v2 =	vld [tilespmem:s31+$0xFFFFFFA0]  }
0x131: {  	v4 =	vld [tilespmem:s31+$0xFFFFFF80]  }
0x132: {  	v5 =	vld [tilespmem:s31+$0xFFFFFFB0]  }
0x133: {  	v6 =	vld [tilespmem:s31+$0xFFFFFFC0]  }
0x134: {  	v7 =	vld [tilespmem:s31+$0xFFFFFFD0];
	v1 =	vmul.f32 v1, v3  }
0x135: {  	s28 =	sadd.s32 $0xA2, s5;
	v8 =	vld [tilespmem:s31+$0xFFFFFFF0];
	v2 =	vmul.f32 v2, v3  }
0x136: {  	v61 =	vmov s28;
	v62 =	vld [tilespmem:s31+$0xFFFFFFE0];
	v4 =	vmul.f32 v4, v3;
	[tilespmem:s31+$0xFFFFFF90] =	vst v1  }
0x137: {  	v5 =	vmul.f32 v5, v3;
	v1 =	vand.u32 $0xFFFFFFFE, v61;
	[tilespmem:s31+$0xFFFFFFA0] =	vst v2  }
0x138: {  	v2 =	vmul.f32 v6, v3;
	[tilespmem:s31+$0xFFFFFF80] =	vst v4;
	v6 =	vld [tilespmem:s31+$0x60];
	v9 =	vbroadcast v1, $0x0  }
0x139: {  	v4 =	vmul.f32 v7, v3;
	[tilespmem:s31+$0xFFFFFFB0] =	vst v5;
	v7 =	vld [tilespmem:s31+$0x0]  }
0x13a: {  	v5 =	vmul.f32 v8, v3;
	v1 =	vld [tilespmem:s31+$0x20];
	[tilespmem:s31+$0xFFFFFFC0] =	vst v2  }
0x13b: {  	v3 =	vmul.f32 v62, v3;
	v2 =	vld [tilespmem:s31+$0x30];
	[tilespmem:s31+$0xFFFFFFD0] =	vst v4  }
0x13c: {  	[tilespmem:s31+$0xFFFFFFF0] =	vst v5;
	v4 =	vld [tilespmem:s31+$0x40]  }
0x13d: {  	s2 =	sshll.u32 s7, $0x2;
	s6 =	sadd.s32 $0xA3, s5;
	[tilespmem:s31+$0xFFFFFFE0] =	vst v3;
	v5 =	vld [tilespmem:s31+$0x10]  }
0x13e: {  	s5 =	simm.s32 $0x18900;
	s9 =	sor.u32 $0x1, s2;
	s14 =	simm.s32 $0xFFFFFFB4;
	v3 =	vld.idx.msk [tilespmem:v9+s0+$0x0], $0xffff  }
.LBB2_14:
0x13f: {  	p0 =	sne.s32 s14, $0xFFFFFFFC  }
0x140: {  	v8 =	vld [tilespmem:s31+$0x50];
	s5 =	sadd.s32 $0x200, s5;
	s8 =	smov.u32 s14;
	s14 =	sadd.s32 $0x4, s14  }
0x141: {  	v9 =	vld [tilespmem:s31+$0x70];
	_ =	sdelay $0x1  }
0x142: {  	v6 =	vmul.f32 v6, v3;
	v7 =	vmul.f32 v7, v3  }
0x143: {  	v4 =	vmul.f32 v4, v3;
	v5 =	vmul.f32 v5, v3  }
0x144: {  	v1 =	vmul.f32 v1, v3;
	v2 =	vmul.f32 v2, v3;
	[tilespmem:s31+$0x60] =	vst v6  }
0x145: {  	[tilespmem:s31+$0x40] =	vst v4;
	v4 =	vmul.f32 v8, v3;
	v3 =	vmul.f32 v9, v3  }
0x146: {  	[tilespmem:s31+$0x20] =	vst v1;
	v6 =	vld [tilespmem:s31+$0x80]  }
0x147: {  	v1 =	vld [tilespmem:s5+$0x20];
	[tilespmem:s31+$0x0] =	vst v7;
	v7 =	vmov s6  }
0x148: {  	[tilespmem:s31+$0x50] =	vst v4;
	v4 =	vld [tilespmem:s31+$0xE0]  }
0x149: {  	[tilespmem:s31+$0x30] =	vst v2;
	v8 =	vld [tilespmem:s31+$0xC0]  }
0x14a: {  	v2 =	vld [tilespmem:s5+$0x30];
	[tilespmem:s31+$0x10] =	vst v5  }
0x14b: {  	[tilespmem:s31+$0x70] =	vst v3;
	v3 =	vld [tilespmem:s31+$0xA0]  }
0x14c: {  	v5 =	vld.idx.msk [tilespmem:v7+s0+$0x0], $0xffff  }
0x14d: {  	v7 =	vld [tilespmem:s31+$0x90]  }
0x14e: {  	v9 =	vld [tilespmem:s31+$0xB0]  }
0x14f: {  	v10 =	vld [tilespmem:s31+$0xD0]  }
0x150: {  	v11 =	vld [tilespmem:s31+$0xF0];
	_ =	sdelay $0x1  }
0x151: {  	s6 =	sadd.s32 s8, s24;
	v6 =	vmul.f32 v6, v5;
	v7 =	vmul.f32 v7, v5  }
0x152: {  	s8 =	sadd.s32 $0xA0, s6;
	s16 =	sadd.s32 $0xA1, s6;
	s28 =	sadd.s32 $0xA2, s6;
	v3 =	vmul.f32 v3, v5;
	v9 =	vmul.f32 v9, v5  }
0x153: {  	s6 =	sadd.s32 $0xA3, s6;
	v12 =	vmov s8;
	[tilespmem:s31+$0x80] =	vst v6;
	v6 =	vmul.f32 v8, v5;
	v8 =	vmul.f32 v10, v5  }
0x154: {  	v10 =	vand.u32 $0xFFFFFFFC, v12;
	[tilespmem:s31+$0xA0] =	vst v3;
	v3 =	vmul.f32 v4, v5;
	v4 =	vmul.f32 v11, v5  }
0x155: {  	v5 =	vbroadcast v10, $0x0;
	v10 =	vmov s16;
	v11 =	vmov s28;
	[tilespmem:s31+$0xC0] =	vst v6  }
0x156: {  	v6 =	vand.u32 $0xFFFFFFFD, v10;
	v10 =	vand.u32 $0xFFFFFFFE, v11;
	[tilespmem:s31+$0xF0] =	vst v4  }
0x157: {  	v4 =	vld [tilespmem:s5+$0xFFFFFF40];
	[tilespmem:s31+$0xE0] =	vst v3  }
0x158: {  	v3 =	vld [tilespmem:s5+$0xFFFFFF50];
	[tilespmem:s31+$0x90] =	vst v7  }
0x159: {  	v7 =	vld [tilespmem:s5+$0xFFFFFF60];
	[tilespmem:s31+$0xB0] =	vst v9  }
0x15a: {  	v9 =	vld [tilespmem:s5+$0xFFFFFF70];
	[tilespmem:s31+$0xD0] =	vst v8;
	s31 =	smov.u32 s5  }
0x15b: {  	v5 =	vld.idx.msk [tilespmem:v5+s0+$0x0], $0xffff  }
0x15c: {  	v8 =	vld [tilespmem:s5+$0xFFFFFF00]  }
0x15d: {  	v11 =	vld [tilespmem:s5+$0xFFFFFF20]  }
0x15e: {  	v12 =	vld [tilespmem:s5+$0xFFFFFF10]  }
0x15f: {  	v13 =	vld [tilespmem:s5+$0xFFFFFF30];
	_ =	sdelay $0x1  }
0x160: {  	v9 =	vmul.f32 v9, v5;
	v8 =	vmul.f32 v8, v5  }
0x161: {  	v7 =	vmul.f32 v7, v5;
	v11 =	vmul.f32 v11, v5  }
0x162: {  	v3 =	vmul.f32 v3, v5;
	v12 =	vmul.f32 v12, v5;
	[tilespmem:s5+$0xFFFFFF70] =	vst v9  }
0x163: {  	v4 =	vmul.f32 v4, v5;
	[tilespmem:s5+$0xFFFFFF00] =	vst v8;
	v8 =	vmul.f32 v13, v5  }
0x164: {  	v5 =	vbroadcast v6, $0x0;
	[tilespmem:s5+$0xFFFFFF20] =	vst v11  }
0x165: {  	[tilespmem:s5+$0xFFFFFF50] =	vst v3  }
0x166: {  	[tilespmem:s5+$0xFFFFFF40] =	vst v4;
	v3 =	vld [tilespmem:s5+$0xFFFFFFF0]  }
0x167: {  	[tilespmem:s5+$0xFFFFFF60] =	vst v7;
	v4 =	vld [tilespmem:s5+$0xFFFFFFC0]  }
0x168: {  	[tilespmem:s5+$0xFFFFFF30] =	vst v8;
	v6 =	vld [tilespmem:s5+$0xFFFFFFD0]  }
0x169: {  	[tilespmem:s5+$0xFFFFFF10] =	vst v12;
	v7 =	vld [tilespmem:s5+$0xFFFFFF90]  }
0x16a: {  	v5 =	vld.idx.msk [tilespmem:v5+s0+$0x0], $0xffff  }
0x16b: {  	v8 =	vld [tilespmem:s5+$0xFFFFFF80]  }
0x16c: {  	v9 =	vld [tilespmem:s5+$0xFFFFFFA0]  }
0x16d: {  	v11 =	vld [tilespmem:s5+$0xFFFFFFB0]  }
0x16e: {  	v12 =	vld [tilespmem:s5+$0xFFFFFFE0];
	_ =	sdelay $0x1  }
0x16f: {  	v7 =	vmul.f32 v7, v5;
	v8 =	vmul.f32 v8, v5  }
0x170: {  	v6 =	vmul.f32 v6, v5;
	v9 =	vmul.f32 v9, v5  }
0x171: {  	v4 =	vmul.f32 v4, v5;
	[tilespmem:s5+$0xFFFFFF90] =	vst v7;
	v7 =	vmul.f32 v11, v5  }
0x172: {  	v3 =	vmul.f32 v3, v5;
	[tilespmem:s5+$0xFFFFFFA0] =	vst v9;
	v9 =	vmul.f32 v12, v5  }
0x173: {  	v5 =	vbroadcast v10, $0x0;
	[tilespmem:s5+$0xFFFFFF80] =	vst v8  }
0x174: {  	[tilespmem:s5+$0xFFFFFFB0] =	vst v7  }
0x175: {  	[tilespmem:s5+$0xFFFFFFC0] =	vst v4  }
0x176: {  	[tilespmem:s5+$0xFFFFFFD0] =	vst v6  }
.Ltmp5:
0x177: {  	[tilespmem:s5+$0xFFFFFFF0] =	vst v3;
	v4 =	vld [tilespmem:s5+$0x40];
	(pc) =	sbr.rel @p0 .LBB2_14-.Ltmp5, $4  }
0x178: {  	[tilespmem:s5+$0xFFFFFFE0] =	vst v9;
	v6 =	vld [tilespmem:s5+$0x60]  }
0x179: {  	v3 =	vld.idx.msk [tilespmem:v5+s0+$0x0], $0xffff  }
0x17a: {  	v7 =	vld [tilespmem:s5+$0x0]  }
0x17b: {  	v5 =	vld [tilespmem:s5+$0x10]  }
0x17c: {  	_ =	sdelay $0x1  }
0x17d: {  	v6 =	vmul.f32 v6, v3  }
0x17e: {  	v8 =	vld [tilespmem:s31+$0x50];
	v4 =	vmul.f32 v4, v3  }
0x17f: {  	v9 =	vld [tilespmem:s31+$0x70];
	v1 =	vmul.f32 v1, v3;
	[tilespmem:s31+$0x60] =	vst v6  }
0x180: {  	v6 =	vmul.f32 v7, v3;
	[tilespmem:s31+$0x40] =	vst v4  }
0x181: {  	[tilespmem:s31+$0x20] =	vst v1;
	v1 =	vmul.f32 v2, v3  }
0x182: {  	v5 =	vmul.f32 v5, v3;
	[tilespmem:s31+$0x0] =	vst v6;
	v6 =	vmov s6  }
0x183: {  	v4 =	vmul.f32 v8, v3;
	[tilespmem:s31+$0x30] =	vst v1  }
0x184: {  	v3 =	vmul.f32 v9, v3;
	[tilespmem:s31+$0x10] =	vst v5  }
0x185: {  	[tilespmem:s31+$0x50] =	vst v4  }
0x186: {  	v2 =	vld [tilespmem:s31+$0x80];
	[tilespmem:s31+$0x70] =	vst v3  }
0x187: {  	v1 =	vld.idx.msk [tilespmem:v6+s0+$0x0], $0xffff  }
0x188: {  	v3 =	vld [tilespmem:s31+$0xA0]  }
0x189: {  	v4 =	vld [tilespmem:s31+$0xC0]  }
0x18a: {  	v5 =	vld [tilespmem:s31+$0xF0]  }
0x18b: {  	v6 =	vld [tilespmem:s31+$0xE0]  }
0x18c: {  	v7 =	vld [tilespmem:s31+$0x90];
	v2 =	vmul.f32 v2, v1  }
0x18d: {  	v8 =	vld [tilespmem:s31+$0xB0];
	v3 =	vmul.f32 v3, v1  }
0x18e: {  	v59 =	vld [tilespmem:s31+$0xD0];
	[tilespmem:s31+$0x80] =	vst v2;
	v2 =	vmul.f32 v4, v1  }
0x18f: {  	[tilespmem:s31+$0xA0] =	vst v3;
	v3 =	vmul.f32 v5, v1  }
0x190: {  	v4 =	vmul.f32 v6, v1;
	[tilespmem:s31+$0xC0] =	vst v2  }
0x191: {  	v2 =	vmul.f32 v7, v1;
	[tilespmem:s31+$0xF0] =	vst v3  }
0x192: {  	v3 =	vmul.f32 v8, v1;
	[tilespmem:s31+$0xE0] =	vst v4  }
0x193: {  	s5 =	sshll.u32 s9, $0x7;
	v1 =	vmul.f32 v59, v1;
	[tilespmem:s31+$0x90] =	vst v2  }
0x194: {  	s5 =	sand.u32 $0x3FFFFF80, s5;
	[tilespmem:s31+$0xB0] =	vst v3  }
0x195: {  	s5 =	sadd.s32 $0x14800, s5;
	[tilespmem:s31+$0xD0] =	vst v1  }
0x196: {  	[spmem:s3] =	stream.indirect.scatter.add.f32 [tilespmem:s19], [sflag:$0x6], $0x80, s5, s30, $0xb8;
	v63 =	vld [tilespmem:$0x0]  }
0x197: {  	s5 =	sadd.s32 $0xFFFFFFB0, s24  }
0x198: {  	s14 =	smul.u32 $0x500, s7;
	s8 =	sadd.s32 $0xF0, s5  }
0x199: {  	_ =	swait.ge [sflag:s22], $0x2800;
	v1 =	vmov s8  }
0x19a: {  	s31 =	sshra.s32 s14, $0x2;
	[sflag:s22] =	ssyncset.done $0x0;
	v1 =	vand.u32 $0xFFFFFFFC, v1  }
0x19b: {  	s6 =	sadd.s32 $0x14140, s31;
	[sflag:s22] =	ssyncadd.s32 $0xFFFFD800;
	v1 =	vbroadcast v1, $0x0  }
0x19c: {  	[tilespmem:s18], [sflag:$0x1] =	stream.indirect.gather [hbm4b:s1+s30], $0x80, s6, s30, $0xb8;
	v63 =	vld [tilespmem:$0x0]  }
0x19d: {  	_ =	swait.ge [sflag:s12], $0x2800  }
0x19e: {  	[sflag:s12] =	ssyncset.done $0x0  }
0x19f: {  	s9 =	simm.s32 $0x1B100;
	[sflag:s12] =	ssyncadd.s32 $0xFFFFD800  }
0x1a0: {  	v2 =	vld [tilespmem:s9+$0xFFFFFF70]  }
0x1a1: {  	v1 =	vld.idx.msk [tilespmem:v1+s0+$0x0], $0xffff  }
0x1a2: {  	v3 =	vld [tilespmem:s9+$0xFFFFFF00]  }
0x1a3: {  	v4 =	vld [tilespmem:s9+$0xFFFFFF20]  }
0x1a4: {  	v5 =	vld [tilespmem:s9+$0xFFFFFF50]  }
0x1a5: {  	v6 =	vld [tilespmem:s9+$0xFFFFFF40]  }
0x1a6: {  	v7 =	vld [tilespmem:s9+$0xFFFFFF60];
	v2 =	vmul.f32 v2, v1  }
0x1a7: {  	s16 =	sadd.s32 $0xF1, s5;
	v8 =	vld [tilespmem:s9+$0xFFFFFF30];
	v3 =	vmul.f32 v3, v1  }
0x1a8: {  	v60 =	vmov s16;
	v10 =	vld [tilespmem:s9+$0xFFFFFF10];
	v4 =	vmul.f32 v4, v1;
	[tilespmem:s9+$0xFFFFFF70] =	vst v2  }
0x1a9: {  	v5 =	vmul.f32 v5, v1;
	v2 =	vand.u32 $0xFFFFFFFD, v60;
	[tilespmem:s9+$0xFFFFFF00] =	vst v3  }
0x1aa: {  	v3 =	vmul.f32 v6, v1;
	[tilespmem:s9+$0xFFFFFF20] =	vst v4;
	v2 =	vbroadcast v2, $0x0  }
0x1ab: {  	v4 =	vmul.f32 v7, v1;
	[tilespmem:s9+$0xFFFFFF50] =	vst v5  }
0x1ac: {  	v5 =	vmul.f32 v8, v1;
	[tilespmem:s9+$0xFFFFFF40] =	vst v3  }
0x1ad: {  	v1 =	vmul.f32 v10, v1;
	[tilespmem:s9+$0xFFFFFF60] =	vst v4  }
0x1ae: {  	[tilespmem:s9+$0xFFFFFF30] =	vst v5  }
0x1af: {  	[tilespmem:s9+$0xFFFFFF10] =	vst v1;
	v1 =	vld [tilespmem:s9+$0xFFFFFF90]  }
0x1b0: {  	v3 =	vld.idx.msk [tilespmem:v2+s0+$0x0], $0xffff  }
0x1b1: {  	v2 =	vld [tilespmem:s9+$0xFFFFFFA0]  }
0x1b2: {  	v4 =	vld [tilespmem:s9+$0xFFFFFF80]  }
0x1b3: {  	v5 =	vld [tilespmem:s9+$0xFFFFFFB0]  }
0x1b4: {  	v6 =	vld [tilespmem:s9+$0xFFFFFFC0]  }
0x1b5: {  	v7 =	vld [tilespmem:s9+$0xFFFFFFD0];
	v1 =	vmul.f32 v1, v3  }
0x1b6: {  	s28 =	sadd.s32 $0xF2, s5;
	v8 =	vld [tilespmem:s9+$0xFFFFFFF0];
	v2 =	vmul.f32 v2, v3  }
0x1b7: {  	v61 =	vmov s28;
	v62 =	vld [tilespmem:s9+$0xFFFFFFE0];
	v4 =	vmul.f32 v4, v3;
	[tilespmem:s9+$0xFFFFFF90] =	vst v1  }
0x1b8: {  	v5 =	vmul.f32 v5, v3;
	v1 =	vand.u32 $0xFFFFFFFE, v61;
	[tilespmem:s9+$0xFFFFFFA0] =	vst v2  }
0x1b9: {  	v2 =	vmul.f32 v6, v3;
	[tilespmem:s9+$0xFFFFFF80] =	vst v4;
	v6 =	vld [tilespmem:s9+$0x60];
	v9 =	vbroadcast v1, $0x0  }
0x1ba: {  	v4 =	vmul.f32 v7, v3;
	[tilespmem:s9+$0xFFFFFFB0] =	vst v5;
	v7 =	vld [tilespmem:s9+$0x0]  }
0x1bb: {  	v5 =	vmul.f32 v8, v3;
	v1 =	vld [tilespmem:s9+$0x20];
	[tilespmem:s9+$0xFFFFFFC0] =	vst v2  }
0x1bc: {  	v3 =	vmul.f32 v62, v3;
	v2 =	vld [tilespmem:s9+$0x30];
	[tilespmem:s9+$0xFFFFFFD0] =	vst v4  }
0x1bd: {  	[tilespmem:s9+$0xFFFFFFF0] =	vst v5;
	v4 =	vld [tilespmem:s9+$0x40]  }
0x1be: {  	s2 =	sor.u32 $0x2, s2;
	[tilespmem:s9+$0xFFFFFFE0] =	vst v3;
	v5 =	vld [tilespmem:s9+$0x10]  }
0x1bf: {  	s14 =	simm.s32 $0xFFFFFFB4;
	s6 =	sadd.s32 $0xF3, s5;
	s5 =	simm.s32 $0x1B100;
	v3 =	vld.idx.msk [tilespmem:v9+s0+$0x0], $0xffff  }
.LBB2_16:
0x1c0: {  	p0 =	sne.s32 s14, $0xFFFFFFFC  }
0x1c1: {  	v8 =	vld [tilespmem:s9+$0x50];
	s5 =	sadd.s32 $0x200, s5;
	s8 =	smov.u32 s14;
	s14 =	sadd.s32 $0x4, s14  }
0x1c2: {  	v9 =	vld [tilespmem:s9+$0x70];
	_ =	sdelay $0x1  }
0x1c3: {  	v6 =	vmul.f32 v6, v3;
	v7 =	vmul.f32 v7, v3  }
0x1c4: {  	v4 =	vmul.f32 v4, v3;
	v5 =	vmul.f32 v5, v3  }
0x1c5: {  	v1 =	vmul.f32 v1, v3;
	v2 =	vmul.f32 v2, v3;
	[tilespmem:s9+$0x60] =	vst v6  }
0x1c6: {  	[tilespmem:s9+$0x40] =	vst v4;
	v4 =	vmul.f32 v8, v3;
	v3 =	vmul.f32 v9, v3  }
0x1c7: {  	[tilespmem:s9+$0x20] =	vst v1;
	v6 =	vld [tilespmem:s9+$0x80]  }
0x1c8: {  	v1 =	vld [tilespmem:s5+$0x20];
	[tilespmem:s9+$0x0] =	vst v7;
	v7 =	vmov s6  }
0x1c9: {  	[tilespmem:s9+$0x50] =	vst v4;
	v4 =	vld [tilespmem:s9+$0xE0]  }
0x1ca: {  	[tilespmem:s9+$0x30] =	vst v2;
	v8 =	vld [tilespmem:s9+$0xC0]  }
0x1cb: {  	v2 =	vld [tilespmem:s5+$0x30];
	[tilespmem:s9+$0x10] =	vst v5  }
0x1cc: {  	[tilespmem:s9+$0x70] =	vst v3;
	v3 =	vld [tilespmem:s9+$0xA0]  }
0x1cd: {  	v5 =	vld.idx.msk [tilespmem:v7+s0+$0x0], $0xffff  }
0x1ce: {  	v7 =	vld [tilespmem:s9+$0x90]  }
0x1cf: {  	v9 =	vld [tilespmem:s9+$0xB0]  }
0x1d0: {  	v10 =	vld [tilespmem:s9+$0xD0]  }
0x1d1: {  	v11 =	vld [tilespmem:s9+$0xF0];
	_ =	sdelay $0x1  }
0x1d2: {  	s6 =	sadd.s32 s8, s24;
	v6 =	vmul.f32 v6, v5;
	v7 =	vmul.f32 v7, v5  }
0x1d3: {  	s8 =	sadd.s32 $0xF0, s6;
	s16 =	sadd.s32 $0xF1, s6;
	s28 =	sadd.s32 $0xF2, s6;
	v3 =	vmul.f32 v3, v5;
	v9 =	vmul.f32 v9, v5  }
0x1d4: {  	s6 =	sadd.s32 $0xF3, s6;
	v12 =	vmov s8;
	[tilespmem:s9+$0x80] =	vst v6;
	v6 =	vmul.f32 v8, v5;
	v8 =	vmul.f32 v10, v5  }
0x1d5: {  	v10 =	vand.u32 $0xFFFFFFFC, v12;
	[tilespmem:s9+$0xA0] =	vst v3;
	v3 =	vmul.f32 v4, v5;
	v4 =	vmul.f32 v11, v5  }
0x1d6: {  	v5 =	vbroadcast v10, $0x0;
	v10 =	vmov s16;
	v11 =	vmov s28;
	[tilespmem:s9+$0xC0] =	vst v6  }
0x1d7: {  	v6 =	vand.u32 $0xFFFFFFFD, v10;
	v10 =	vand.u32 $0xFFFFFFFE, v11;
	[tilespmem:s9+$0xF0] =	vst v4  }
0x1d8: {  	v4 =	vld [tilespmem:s5+$0xFFFFFF40];
	[tilespmem:s9+$0xE0] =	vst v3  }
0x1d9: {  	v3 =	vld [tilespmem:s5+$0xFFFFFF50];
	[tilespmem:s9+$0x90] =	vst v7  }
0x1da: {  	v7 =	vld [tilespmem:s5+$0xFFFFFF60];
	[tilespmem:s9+$0xB0] =	vst v9  }
0x1db: {  	v9 =	vld [tilespmem:s5+$0xFFFFFF70];
	[tilespmem:s9+$0xD0] =	vst v8;
	s9 =	smov.u32 s5  }
0x1dc: {  	v5 =	vld.idx.msk [tilespmem:v5+s0+$0x0], $0xffff  }
0x1dd: {  	v8 =	vld [tilespmem:s5+$0xFFFFFF00]  }
0x1de: {  	v11 =	vld [tilespmem:s5+$0xFFFFFF20]  }
0x1df: {  	v12 =	vld [tilespmem:s5+$0xFFFFFF10]  }
0x1e0: {  	v13 =	vld [tilespmem:s5+$0xFFFFFF30];
	_ =	sdelay $0x1  }
0x1e1: {  	v9 =	vmul.f32 v9, v5;
	v8 =	vmul.f32 v8, v5  }
0x1e2: {  	v7 =	vmul.f32 v7, v5;
	v11 =	vmul.f32 v11, v5  }
0x1e3: {  	v3 =	vmul.f32 v3, v5;
	v12 =	vmul.f32 v12, v5;
	[tilespmem:s5+$0xFFFFFF70] =	vst v9  }
0x1e4: {  	v4 =	vmul.f32 v4, v5;
	[tilespmem:s5+$0xFFFFFF00] =	vst v8;
	v8 =	vmul.f32 v13, v5  }
0x1e5: {  	v5 =	vbroadcast v6, $0x0;
	[tilespmem:s5+$0xFFFFFF20] =	vst v11  }
0x1e6: {  	[tilespmem:s5+$0xFFFFFF50] =	vst v3  }
0x1e7: {  	[tilespmem:s5+$0xFFFFFF40] =	vst v4;
	v3 =	vld [tilespmem:s5+$0xFFFFFFF0]  }
0x1e8: {  	[tilespmem:s5+$0xFFFFFF60] =	vst v7;
	v4 =	vld [tilespmem:s5+$0xFFFFFFC0]  }
0x1e9: {  	[tilespmem:s5+$0xFFFFFF30] =	vst v8;
	v6 =	vld [tilespmem:s5+$0xFFFFFFD0]  }
0x1ea: {  	[tilespmem:s5+$0xFFFFFF10] =	vst v12;
	v7 =	vld [tilespmem:s5+$0xFFFFFF90]  }
0x1eb: {  	v5 =	vld.idx.msk [tilespmem:v5+s0+$0x0], $0xffff  }
0x1ec: {  	v8 =	vld [tilespmem:s5+$0xFFFFFF80]  }
0x1ed: {  	v9 =	vld [tilespmem:s5+$0xFFFFFFA0]  }
0x1ee: {  	v11 =	vld [tilespmem:s5+$0xFFFFFFB0]  }
0x1ef: {  	v12 =	vld [tilespmem:s5+$0xFFFFFFE0];
	_ =	sdelay $0x1  }
0x1f0: {  	v7 =	vmul.f32 v7, v5;
	v8 =	vmul.f32 v8, v5  }
0x1f1: {  	v6 =	vmul.f32 v6, v5;
	v9 =	vmul.f32 v9, v5  }
0x1f2: {  	v4 =	vmul.f32 v4, v5;
	[tilespmem:s5+$0xFFFFFF90] =	vst v7;
	v7 =	vmul.f32 v11, v5  }
0x1f3: {  	v3 =	vmul.f32 v3, v5;
	[tilespmem:s5+$0xFFFFFFA0] =	vst v9;
	v9 =	vmul.f32 v12, v5  }
0x1f4: {  	v5 =	vbroadcast v10, $0x0;
	[tilespmem:s5+$0xFFFFFF80] =	vst v8  }
0x1f5: {  	[tilespmem:s5+$0xFFFFFFB0] =	vst v7  }
0x1f6: {  	[tilespmem:s5+$0xFFFFFFC0] =	vst v4  }
0x1f7: {  	[tilespmem:s5+$0xFFFFFFD0] =	vst v6  }
.Ltmp6:
0x1f8: {  	[tilespmem:s5+$0xFFFFFFF0] =	vst v3;
	v4 =	vld [tilespmem:s5+$0x40];
	(pc) =	sbr.rel @p0 .LBB2_16-.Ltmp6, $4  }
0x1f9: {  	[tilespmem:s5+$0xFFFFFFE0] =	vst v9;
	v6 =	vld [tilespmem:s5+$0x60]  }
0x1fa: {  	v3 =	vld.idx.msk [tilespmem:v5+s0+$0x0], $0xffff  }
0x1fb: {  	v7 =	vld [tilespmem:s5+$0x0]  }
0x1fc: {  	v5 =	vld [tilespmem:s5+$0x10]  }
0x1fd: {  	_ =	sdelay $0x1  }
0x1fe: {  	v6 =	vmul.f32 v6, v3  }
0x1ff: {  	v8 =	vld [tilespmem:s9+$0x50];
	v4 =	vmul.f32 v4, v3  }
0x200: {  	v9 =	vld [tilespmem:s9+$0x70];
	v1 =	vmul.f32 v1, v3;
	[tilespmem:s9+$0x60] =	vst v6  }
0x201: {  	v6 =	vmul.f32 v7, v3;
	[tilespmem:s9+$0x40] =	vst v4  }
0x202: {  	[tilespmem:s9+$0x20] =	vst v1;
	v1 =	vmul.f32 v2, v3  }
0x203: {  	v5 =	vmul.f32 v5, v3;
	[tilespmem:s9+$0x0] =	vst v6;
	v6 =	vmov s6  }
0x204: {  	v4 =	vmul.f32 v8, v3;
	[tilespmem:s9+$0x30] =	vst v1  }
0x205: {  	v3 =	vmul.f32 v9, v3;
	[tilespmem:s9+$0x10] =	vst v5  }
0x206: {  	[tilespmem:s9+$0x50] =	vst v4  }
0x207: {  	v2 =	vld [tilespmem:s9+$0x80];
	[tilespmem:s9+$0x70] =	vst v3  }
0x208: {  	v1 =	vld.idx.msk [tilespmem:v6+s0+$0x0], $0xffff  }
0x209: {  	v3 =	vld [tilespmem:s9+$0xA0]  }
0x20a: {  	v4 =	vld [tilespmem:s9+$0xC0]  }
0x20b: {  	v5 =	vld [tilespmem:s9+$0xF0]  }
0x20c: {  	v6 =	vld [tilespmem:s9+$0xE0]  }
0x20d: {  	v7 =	vld [tilespmem:s9+$0x90];
	v2 =	vmul.f32 v2, v1  }
0x20e: {  	v8 =	vld [tilespmem:s9+$0xB0];
	v3 =	vmul.f32 v3, v1  }
0x20f: {  	v59 =	vld [tilespmem:s9+$0xD0];
	[tilespmem:s9+$0x80] =	vst v2;
	v2 =	vmul.f32 v4, v1  }
0x210: {  	[tilespmem:s9+$0xA0] =	vst v3;
	v3 =	vmul.f32 v5, v1  }
0x211: {  	v4 =	vmul.f32 v6, v1;
	[tilespmem:s9+$0xC0] =	vst v2  }
0x212: {  	v2 =	vmul.f32 v7, v1;
	[tilespmem:s9+$0xF0] =	vst v3  }
0x213: {  	v3 =	vmul.f32 v8, v1;
	[tilespmem:s9+$0xE0] =	vst v4  }
0x214: {  	s2 =	sshll.u32 s2, $0x7;
	v1 =	vmul.f32 v59, v1;
	[tilespmem:s9+$0x90] =	vst v2  }
0x215: {  	s2 =	sand.u32 $0x3FFFFF80, s2;
	[tilespmem:s9+$0xB0] =	vst v3  }
0x216: {  	p0 =	seq.s32 s7, $0x5;
	s5 =	sadd.s32 $0xFFFFFFB0, s24;
	s2 =	sadd.s32 $0x14800, s2;
	[tilespmem:s9+$0xD0] =	vst v1  }
0x217: {  	[spmem:s3] =	stream.indirect.scatter.add.f32 [tilespmem:s20], [sflag:$0x7], $0x80, s2, s30, $0xb8;
	v63 =	vld [tilespmem:$0x0]  }
0x218: {  	s14 =	sadd.s32 $0x140, s5;
	s2 =	simm.s32 @!p0 $0x6  }
0x219: {  	v1 =	vmov s14;
	_ =	swait.ge @!p0 [sflag:s2], $0x2800  }
0x21a: {  	s8 =	simm.s32 @!p0 $0x18800;
	v1 =	vand.u32 $0xFFFFFFFC, v1;
	[sflag:s2] =	ssyncset.done @!p0 $0x0  }
0x21b: {  	s6 =	simm.s32 @!p0 $0x50;
	v1 =	vbroadcast v1, $0x0;
	[sflag:s2] =	ssyncadd.s32 @!p0 $0xFFFFD800;
	s2 =	sadd.s32 @!p0 $0x14190, s31  }
0x21c: {  	[tilespmem:s8], [sflag:$0x2] =	stream.indirect.gather @!p0 [hbm4b:s1+s6], $0x80, s2, s6, $0xb8;
	v63 =	vld [tilespmem:$0x0]  }
0x21d: {  	_ =	swait.ge [sflag:s13], $0x2800  }
0x21e: {  	[sflag:s13] =	ssyncset.done $0x0  }
0x21f: {  	s2 =	simm.s32 $0x1D900;
	[sflag:s13] =	ssyncadd.s32 $0xFFFFD800  }
0x220: {  	v2 =	vld [tilespmem:s2+$0xFFFFFF70]  }
0x221: {  	v1 =	vld.idx.msk [tilespmem:v1+s0+$0x0], $0xffff  }
0x222: {  	v3 =	vld [tilespmem:s2+$0xFFFFFF00]  }
0x223: {  	v4 =	vld [tilespmem:s2+$0xFFFFFF20]  }
0x224: {  	v5 =	vld [tilespmem:s2+$0xFFFFFF50]  }
0x225: {  	v6 =	vld [tilespmem:s2+$0xFFFFFF40]  }
0x226: {  	v7 =	vld [tilespmem:s2+$0xFFFFFF60];
	v2 =	vmul.f32 v2, v1  }
0x227: {  	s16 =	sadd.s32 $0x141, s5;
	v8 =	vld [tilespmem:s2+$0xFFFFFF30];
	v3 =	vmul.f32 v3, v1  }
0x228: {  	v60 =	vmov s16;
	v10 =	vld [tilespmem:s2+$0xFFFFFF10];
	v4 =	vmul.f32 v4, v1;
	[tilespmem:s2+$0xFFFFFF70] =	vst v2  }
0x229: {  	v5 =	vmul.f32 v5, v1;
	v2 =	vand.u32 $0xFFFFFFFD, v60;
	[tilespmem:s2+$0xFFFFFF00] =	vst v3  }
0x22a: {  	v3 =	vmul.f32 v6, v1;
	[tilespmem:s2+$0xFFFFFF20] =	vst v4;
	v2 =	vbroadcast v2, $0x0  }
0x22b: {  	v4 =	vmul.f32 v7, v1;
	[tilespmem:s2+$0xFFFFFF50] =	vst v5  }
0x22c: {  	v5 =	vmul.f32 v8, v1;
	[tilespmem:s2+$0xFFFFFF40] =	vst v3  }
0x22d: {  	v1 =	vmul.f32 v10, v1;
	[tilespmem:s2+$0xFFFFFF60] =	vst v4  }
0x22e: {  	[tilespmem:s2+$0xFFFFFF30] =	vst v5  }
0x22f: {  	[tilespmem:s2+$0xFFFFFF10] =	vst v1;
	v1 =	vld [tilespmem:s2+$0xFFFFFF90]  }
0x230: {  	v3 =	vld.idx.msk [tilespmem:v2+s0+$0x0], $0xffff  }
0x231: {  	v2 =	vld [tilespmem:s2+$0xFFFFFFA0]  }
0x232: {  	v4 =	vld [tilespmem:s2+$0xFFFFFF80]  }
0x233: {  	v5 =	vld [tilespmem:s2+$0xFFFFFFB0]  }
0x234: {  	v6 =	vld [tilespmem:s2+$0xFFFFFFC0]  }
0x235: {  	v7 =	vld [tilespmem:s2+$0xFFFFFFD0];
	v1 =	vmul.f32 v1, v3  }
0x236: {  	s28 =	sadd.s32 $0x142, s5;
	v8 =	vld [tilespmem:s2+$0xFFFFFFF0];
	v2 =	vmul.f32 v2, v3  }
0x237: {  	v61 =	vmov s28;
	v62 =	vld [tilespmem:s2+$0xFFFFFFE0];
	v4 =	vmul.f32 v4, v3;
	[tilespmem:s2+$0xFFFFFF90] =	vst v1  }
0x238: {  	v5 =	vmul.f32 v5, v3;
	v1 =	vand.u32 $0xFFFFFFFE, v61;
	[tilespmem:s2+$0xFFFFFFA0] =	vst v2  }
0x239: {  	v2 =	vmul.f32 v6, v3;
	[tilespmem:s2+$0xFFFFFF80] =	vst v4;
	v6 =	vld [tilespmem:s2+$0x60];
	v9 =	vbroadcast v1, $0x0  }
0x23a: {  	v4 =	vmul.f32 v7, v3;
	[tilespmem:s2+$0xFFFFFFB0] =	vst v5;
	v7 =	vld [tilespmem:s2+$0x0]  }
0x23b: {  	v5 =	vmul.f32 v8, v3;
	v1 =	vld [tilespmem:s2+$0x20];
	[tilespmem:s2+$0xFFFFFFC0] =	vst v2  }
0x23c: {  	v3 =	vmul.f32 v62, v3;
	v2 =	vld [tilespmem:s2+$0x30];
	[tilespmem:s2+$0xFFFFFFD0] =	vst v4  }
0x23d: {  	[tilespmem:s2+$0xFFFFFFF0] =	vst v5;
	v4 =	vld [tilespmem:s2+$0x40]  }
0x23e: {  	[tilespmem:s2+$0xFFFFFFE0] =	vst v3;
	v5 =	vld [tilespmem:s2+$0x10]  }
0x23f: {  	s9 =	simm.s32 $0xFFFFFFB4;
	s6 =	sadd.s32 $0x143, s5;
	s5 =	simm.s32 $0x1D900;
	v3 =	vld.idx.msk [tilespmem:v9+s0+$0x0], $0xffff  }
.LBB2_18:
0x240: {  	p1 =	sne.s32 s9, $0xFFFFFFFC  }
0x241: {  	v8 =	vld [tilespmem:s2+$0x50];
	s5 =	sadd.s32 $0x200, s5;
	s8 =	smov.u32 s9;
	s9 =	sadd.s32 $0x4, s9  }
0x242: {  	v9 =	vld [tilespmem:s2+$0x70];
	_ =	sdelay $0x1  }
0x243: {  	v6 =	vmul.f32 v6, v3;
	v7 =	vmul.f32 v7, v3  }
0x244: {  	v4 =	vmul.f32 v4, v3;
	v5 =	vmul.f32 v5, v3  }
0x245: {  	v1 =	vmul.f32 v1, v3;
	v2 =	vmul.f32 v2, v3;
	[tilespmem:s2+$0x60] =	vst v6  }
0x246: {  	[tilespmem:s2+$0x40] =	vst v4;
	v4 =	vmul.f32 v8, v3;
	v3 =	vmul.f32 v9, v3  }
0x247: {  	[tilespmem:s2+$0x20] =	vst v1;
	v6 =	vld [tilespmem:s2+$0x80]  }
0x248: {  	v1 =	vld [tilespmem:s5+$0x20];
	[tilespmem:s2+$0x0] =	vst v7;
	v7 =	vmov s6  }
0x249: {  	[tilespmem:s2+$0x50] =	vst v4;
	v4 =	vld [tilespmem:s2+$0xE0]  }
0x24a: {  	[tilespmem:s2+$0x30] =	vst v2;
	v8 =	vld [tilespmem:s2+$0xC0]  }
0x24b: {  	v2 =	vld [tilespmem:s5+$0x30];
	[tilespmem:s2+$0x10] =	vst v5  }
0x24c: {  	[tilespmem:s2+$0x70] =	vst v3;
	v3 =	vld [tilespmem:s2+$0xA0]  }
0x24d: {  	v5 =	vld.idx.msk [tilespmem:v7+s0+$0x0], $0xffff  }
0x24e: {  	v7 =	vld [tilespmem:s2+$0x90]  }
0x24f: {  	v9 =	vld [tilespmem:s2+$0xB0]  }
0x250: {  	v10 =	vld [tilespmem:s2+$0xD0]  }
0x251: {  	v11 =	vld [tilespmem:s2+$0xF0];
	_ =	sdelay $0x1  }
0x252: {  	s6 =	sadd.s32 s8, s24;
	v6 =	vmul.f32 v6, v5;
	v7 =	vmul.f32 v7, v5  }
0x253: {  	s8 =	sadd.s32 $0x140, s6;
	s14 =	sadd.s32 $0x141, s6;
	s16 =	sadd.s32 $0x142, s6;
	v3 =	vmul.f32 v3, v5;
	v9 =	vmul.f32 v9, v5  }
0x254: {  	s6 =	sadd.s32 $0x143, s6;
	v12 =	vmov s8;
	[tilespmem:s2+$0x80] =	vst v6;
	v6 =	vmul.f32 v8, v5;
	v8 =	vmul.f32 v10, v5  }
0x255: {  	v10 =	vand.u32 $0xFFFFFFFC, v12;
	[tilespmem:s2+$0xA0] =	vst v3;
	v3 =	vmul.f32 v4, v5;
	v4 =	vmul.f32 v11, v5  }
0x256: {  	v5 =	vbroadcast v10, $0x0;
	v10 =	vmov s14;
	v11 =	vmov s16;
	[tilespmem:s2+$0xC0] =	vst v6  }
0x257: {  	v6 =	vand.u32 $0xFFFFFFFD, v10;
	v10 =	vand.u32 $0xFFFFFFFE, v11;
	[tilespmem:s2+$0xF0] =	vst v4  }
0x258: {  	v4 =	vld [tilespmem:s5+$0xFFFFFF40];
	[tilespmem:s2+$0xE0] =	vst v3  }
0x259: {  	v3 =	vld [tilespmem:s5+$0xFFFFFF50];
	[tilespmem:s2+$0x90] =	vst v7  }
0x25a: {  	v7 =	vld [tilespmem:s5+$0xFFFFFF60];
	[tilespmem:s2+$0xB0] =	vst v9  }
0x25b: {  	v9 =	vld [tilespmem:s5+$0xFFFFFF70];
	[tilespmem:s2+$0xD0] =	vst v8;
	s2 =	smov.u32 s5  }
0x25c: {  	v5 =	vld.idx.msk [tilespmem:v5+s0+$0x0], $0xffff  }
0x25d: {  	v8 =	vld [tilespmem:s5+$0xFFFFFF00]  }
0x25e: {  	v11 =	vld [tilespmem:s5+$0xFFFFFF20]  }
0x25f: {  	v12 =	vld [tilespmem:s5+$0xFFFFFF10]  }
0x260: {  	v13 =	vld [tilespmem:s5+$0xFFFFFF30];
	_ =	sdelay $0x1  }
0x261: {  	v9 =	vmul.f32 v9, v5;
	v8 =	vmul.f32 v8, v5  }
0x262: {  	v7 =	vmul.f32 v7, v5;
	v11 =	vmul.f32 v11, v5  }
0x263: {  	v3 =	vmul.f32 v3, v5;
	v12 =	vmul.f32 v12, v5;
	[tilespmem:s5+$0xFFFFFF70] =	vst v9  }
0x264: {  	v4 =	vmul.f32 v4, v5;
	[tilespmem:s5+$0xFFFFFF00] =	vst v8;
	v8 =	vmul.f32 v13, v5  }
0x265: {  	v5 =	vbroadcast v6, $0x0;
	[tilespmem:s5+$0xFFFFFF20] =	vst v11  }
0x266: {  	[tilespmem:s5+$0xFFFFFF50] =	vst v3  }
0x267: {  	[tilespmem:s5+$0xFFFFFF40] =	vst v4;
	v3 =	vld [tilespmem:s5+$0xFFFFFFF0]  }
0x268: {  	[tilespmem:s5+$0xFFFFFF60] =	vst v7;
	v4 =	vld [tilespmem:s5+$0xFFFFFFC0]  }
0x269: {  	[tilespmem:s5+$0xFFFFFF30] =	vst v8;
	v6 =	vld [tilespmem:s5+$0xFFFFFFD0]  }
0x26a: {  	[tilespmem:s5+$0xFFFFFF10] =	vst v12;
	v7 =	vld [tilespmem:s5+$0xFFFFFF90]  }
0x26b: {  	v5 =	vld.idx.msk [tilespmem:v5+s0+$0x0], $0xffff  }
0x26c: {  	v8 =	vld [tilespmem:s5+$0xFFFFFF80]  }
0x26d: {  	v9 =	vld [tilespmem:s5+$0xFFFFFFA0]  }
0x26e: {  	v11 =	vld [tilespmem:s5+$0xFFFFFFB0]  }
0x26f: {  	v12 =	vld [tilespmem:s5+$0xFFFFFFE0];
	_ =	sdelay $0x1  }
0x270: {  	v7 =	vmul.f32 v7, v5;
	v8 =	vmul.f32 v8, v5  }
0x271: {  	v6 =	vmul.f32 v6, v5;
	v9 =	vmul.f32 v9, v5  }
0x272: {  	v4 =	vmul.f32 v4, v5;
	[tilespmem:s5+$0xFFFFFF90] =	vst v7;
	v7 =	vmul.f32 v11, v5  }
0x273: {  	v3 =	vmul.f32 v3, v5;
	[tilespmem:s5+$0xFFFFFFA0] =	vst v9;
	v9 =	vmul.f32 v12, v5  }
0x274: {  	v5 =	vbroadcast v10, $0x0;
	[tilespmem:s5+$0xFFFFFF80] =	vst v8  }
0x275: {  	[tilespmem:s5+$0xFFFFFFB0] =	vst v7  }
0x276: {  	[tilespmem:s5+$0xFFFFFFC0] =	vst v4  }
0x277: {  	[tilespmem:s5+$0xFFFFFFD0] =	vst v6  }
.Ltmp7:
0x278: {  	[tilespmem:s5+$0xFFFFFFF0] =	vst v3;
	v4 =	vld [tilespmem:s5+$0x40];
	(pc) =	sbr.rel @p1 .LBB2_18-.Ltmp7, $4  }
0x279: {  	[tilespmem:s5+$0xFFFFFFE0] =	vst v9;
	v6 =	vld [tilespmem:s5+$0x60]  }
0x27a: {  	v3 =	vld.idx.msk [tilespmem:v5+s0+$0x0], $0xffff  }
0x27b: {  	v7 =	vld [tilespmem:s5+$0x0]  }
0x27c: {  	v5 =	vld [tilespmem:s5+$0x10]  }
0x27d: {  	_ =	sdelay $0x1  }
0x27e: {  	v6 =	vmul.f32 v6, v3  }
0x27f: {  	v8 =	vld [tilespmem:s2+$0x50];
	v4 =	vmul.f32 v4, v3  }
0x280: {  	v9 =	vld [tilespmem:s2+$0x70];
	v1 =	vmul.f32 v1, v3;
	[tilespmem:s2+$0x60] =	vst v6  }
0x281: {  	v53 =	vmul.f32 v7, v3;
	[tilespmem:s2+$0x40] =	vst v4  }
0x282: {  	[tilespmem:s2+$0x20] =	vst v1;
	v1 =	vmul.f32 v2, v3  }
0x283: {  	v55 =	vmov s6;
	v5 =	vmul.f32 v5, v3;
	[tilespmem:s2+$0x0] =	vst v53  }
0x284: {  	v54 =	vmul.f32 v8, v3;
	[tilespmem:s2+$0x30] =	vst v1  }
0x285: {  	v3 =	vmul.f32 v9, v3;
	[tilespmem:s2+$0x10] =	vst v5  }
0x286: {  	[tilespmem:s2+$0x50] =	vst v54  }
0x287: {  	v2 =	vld [tilespmem:s2+$0x80];
	[tilespmem:s2+$0x70] =	vst v3  }
0x288: {  	v1 =	vld.idx.msk [tilespmem:v55+s0+$0x0], $0xffff  }
0x289: {  	v3 =	vld [tilespmem:s2+$0xA0]  }
0x28a: {  	v58 =	vld [tilespmem:s2+$0xE0]  }
0x28b: {  	v56 =	vld [tilespmem:s2+$0xC0]  }
0x28c: {  	v57 =	vld [tilespmem:s2+$0xF0]  }
0x28d: {  	v59 =	vld [tilespmem:s2+$0x90];
	v2 =	vmul.f32 v2, v1  }
0x28e: {  	v60 =	vld [tilespmem:s2+$0xB0];
	v3 =	vmul.f32 v3, v1  }
0x28f: {  	v61 =	vld [tilespmem:s2+$0xD0];
	v62 =	vmul.f32 v58, v1;
	[tilespmem:s2+$0x80] =	vst v2  }
0x290: {  	v2 =	vmul.f32 v56, v1;
	[tilespmem:s2+$0xA0] =	vst v3  }
0x291: {  	v3 =	vmul.f32 v57, v1;
	[tilespmem:s2+$0xE0] =	vst v62  }
0x292: {  	[tilespmem:s2+$0xC0] =	vst v2;
	v2 =	vmul.f32 v59, v1  }
.Ltmp8:
0x293: {  	[tilespmem:s2+$0xF0] =	vst v3;
	v3 =	vmul.f32 v60, v1;
	(pc) =	sbr.rel @p0 .LBB2_21-.Ltmp8, $4  }
0x294: {  	s4 =	sshll.u32 s4, $0x7;
	v1 =	vmul.f32 v61, v1;
	[tilespmem:s2+$0x90] =	vst v2  }
0x295: {  	s4 =	sand.u32 $0x3FFFFF80, s4;
	[tilespmem:s2+$0xB0] =	vst v3  }
0x296: {  	s28 =	sadd.s32 $0x14800, s4;
	[tilespmem:s2+$0xD0] =	vst v1  }
0x297: {  	[spmem:s3] =	stream.indirect.scatter.add.f32 [tilespmem:s21], [sflag:$0x8], $0x80, s28, s30, $0xb8;
	v63 =	vld [tilespmem:$0x0]  }
.Ltmp9:
0x298: {  	(pc) =	sbr.rel .LBB2_11-.Ltmp9, $4  }
0x299: {  	_ =	swait.ge [sflag:s25], $0x2800  }
0x29a: {  	s2 =	sadd.s32 $0x141E0, s31;
	[sflag:s25] =	ssyncset.done $0x0  }
0x29b: {  	s7 =	sadd.s32 $0x1, s7;
	s24 =	sadd.s32 $0x140, s24;
	[sflag:s25] =	ssyncadd.s32 $0xFFFFD800  }
0x29c: {  	[tilespmem:s20], [sflag:$0x3] =	stream.indirect.gather [hbm4b:s1+s30], $0x80, s2, s30, $0xb8;
	v63 =	vld [tilespmem:$0x0]  }
.LBB2_21:
0x29d: {  	s4 =	simm.s32 $0x780  }
0x29e: {  	v1 =	vmov s4  }
0x29f: {  	v1 =	vand.u32 $0xFFFFFFFC, v1  }
0x2a0: {  	v1 =	vbroadcast v1, $0x0;
	_ =	sdelay $0x1  }
0x2a1: {  	_ =	swait.ge [sflag:s10], $0x2800  }
0x2a2: {  	[sflag:s10] =	ssyncset.done $0x0  }
0x2a3: {  	s2 =	simm.s32 $0x16100;
	[sflag:s10] =	ssyncadd.s32 $0xFFFFD800  }
0x2a4: {  	v2 =	vld [tilespmem:s2+$0xFFFFFF70]  }
0x2a5: {  	v1 =	vld.idx.msk [tilespmem:v1+s0+$0x0], $0xffff  }
0x2a6: {  	v3 =	vld [tilespmem:s2+$0xFFFFFF00]  }
0x2a7: {  	v4 =	vld [tilespmem:s2+$0xFFFFFF20]  }
0x2a8: {  	v5 =	vld [tilespmem:s2+$0xFFFFFF50]  }
0x2a9: {  	v6 =	vld [tilespmem:s2+$0xFFFFFF40]  }
0x2aa: {  	v7 =	vld [tilespmem:s2+$0xFFFFFF60];
	v2 =	vmul.f32 v2, v1  }
0x2ab: {  	s5 =	simm.s32 $0x781;
	v8 =	vld [tilespmem:s2+$0xFFFFFF30];
	v3 =	vmul.f32 v3, v1  }
0x2ac: {  	v9 =	vld [tilespmem:s2+$0xFFFFFF10];
	v4 =	vmul.f32 v4, v1;
	[tilespmem:s2+$0xFFFFFF70] =	vst v2;
	v2 =	vmov s5  }
0x2ad: {  	v5 =	vmul.f32 v5, v1;
	[tilespmem:s2+$0xFFFFFF00] =	vst v3;
	v2 =	vand.u32 $0xFFFFFFFD, v2  }
0x2ae: {  	v3 =	vmul.f32 v6, v1;
	[tilespmem:s2+$0xFFFFFF20] =	vst v4;
	v2 =	vbroadcast v2, $0x0  }
0x2af: {  	v4 =	vmul.f32 v7, v1;
	[tilespmem:s2+$0xFFFFFF50] =	vst v5  }
0x2b0: {  	v5 =	vmul.f32 v8, v1;
	[tilespmem:s2+$0xFFFFFF40] =	vst v3  }
0x2b1: {  	v1 =	vmul.f32 v9, v1;
	[tilespmem:s2+$0xFFFFFF60] =	vst v4  }
0x2b2: {  	[tilespmem:s2+$0xFFFFFF30] =	vst v5  }
0x2b3: {  	[tilespmem:s2+$0xFFFFFF10] =	vst v1;
	v1 =	vld [tilespmem:s2+$0xFFFFFF90]  }
0x2b4: {  	v3 =	vld.idx.msk [tilespmem:v2+s0+$0x0], $0xffff  }
0x2b5: {  	v2 =	vld [tilespmem:s2+$0xFFFFFFA0]  }
0x2b6: {  	v4 =	vld [tilespmem:s2+$0xFFFFFF80]  }
0x2b7: {  	v5 =	vld [tilespmem:s2+$0xFFFFFFB0]  }
0x2b8: {  	v6 =	vld [tilespmem:s2+$0xFFFFFFC0]  }
0x2b9: {  	v7 =	vld [tilespmem:s2+$0xFFFFFFD0];
	v1 =	vmul.f32 v1, v3  }
0x2ba: {  	s31 =	simm.s32 $0x782;
	v8 =	vld [tilespmem:s2+$0xFFFFFFF0];
	v2 =	vmul.f32 v2, v3  }
0x2bb: {  	v62 =	vld [tilespmem:s2+$0xFFFFFFE0];
	v4 =	vmul.f32 v4, v3;
	[tilespmem:s2+$0xFFFFFF90] =	vst v1;
	v1 =	vmov s31  }
0x2bc: {  	v5 =	vmul.f32 v5, v3;
	[tilespmem:s2+$0xFFFFFFA0] =	vst v2;
	v1 =	vand.u32 $0xFFFFFFFE, v1  }
0x2bd: {  	v2 =	vmul.f32 v6, v3;
	[tilespmem:s2+$0xFFFFFF80] =	vst v4;
	v6 =	vld [tilespmem:s2+$0x60];
	v10 =	vbroadcast v1, $0x0  }
0x2be: {  	v4 =	vmul.f32 v7, v3;
	[tilespmem:s2+$0xFFFFFFB0] =	vst v5;
	v7 =	vld [tilespmem:s2+$0x0]  }
0x2bf: {  	v5 =	vmul.f32 v8, v3;
	v1 =	vld [tilespmem:s2+$0x20];
	[tilespmem:s2+$0xFFFFFFC0] =	vst v2  }
0x2c0: {  	v3 =	vmul.f32 v62, v3;
	v2 =	vld [tilespmem:s2+$0x30];
	[tilespmem:s2+$0xFFFFFFD0] =	vst v4  }
0x2c1: {  	[tilespmem:s2+$0xFFFFFFF0] =	vst v5;
	v4 =	vld [tilespmem:s2+$0x40]  }
0x2c2: {  	[tilespmem:s2+$0xFFFFFFE0] =	vst v3;
	v5 =	vld [tilespmem:s2+$0x10]  }
0x2c3: {  	s7 =	simm.s32 $0x784;
	s5 =	simm.s32 $0x16100;
	v3 =	vld.idx.msk [tilespmem:v10+s0+$0x0], $0xffff  }
.LBB2_22:
0x2c4: {  	p0 =	sne.s32 s7, $0x7CC  }
0x2c5: {  	v8 =	vld [tilespmem:s2+$0x50];
	s5 =	sadd.s32 $0x200, s5;
	s6 =	smov.u32 s7;
	s7 =	sadd.s32 $0x4, s7  }
0x2c6: {  	v9 =	vld [tilespmem:s2+$0x70];
	_ =	sdelay $0x1  }
0x2c7: {  	v6 =	vmul.f32 v6, v3;
	v7 =	vmul.f32 v7, v3  }
0x2c8: {  	v4 =	vmul.f32 v4, v3;
	v5 =	vmul.f32 v5, v3  }
0x2c9: {  	v1 =	vmul.f32 v1, v3;
	v2 =	vmul.f32 v2, v3;
	[tilespmem:s2+$0x60] =	vst v6  }
0x2ca: {  	[tilespmem:s2+$0x40] =	vst v4;
	v4 =	vmul.f32 v8, v3;
	v3 =	vmul.f32 v9, v3  }
0x2cb: {  	s8 =	sadd.s32 $0x3, s4;
	s4 =	smov.u32 s6;
	[tilespmem:s2+$0x20] =	vst v1;
	v6 =	vld [tilespmem:s2+$0x80]  }
0x2cc: {  	v1 =	vld [tilespmem:s5+$0x20];
	[tilespmem:s2+$0x0] =	vst v7;
	v7 =	vmov s8  }
0x2cd: {  	[tilespmem:s2+$0x50] =	vst v4;
	v4 =	vld [tilespmem:s2+$0xE0]  }
0x2ce: {  	[tilespmem:s2+$0x30] =	vst v2;
	v8 =	vld [tilespmem:s2+$0xC0]  }
0x2cf: {  	v2 =	vld [tilespmem:s5+$0x30];
	[tilespmem:s2+$0x10] =	vst v5  }
0x2d0: {  	[tilespmem:s2+$0x70] =	vst v3;
	v3 =	vld [tilespmem:s2+$0xA0]  }
0x2d1: {  	v5 =	vld.idx.msk [tilespmem:v7+s0+$0x0], $0xffff  }
0x2d2: {  	v7 =	vld [tilespmem:s2+$0x90]  }
0x2d3: {  	v9 =	vld [tilespmem:s2+$0xB0]  }
0x2d4: {  	v10 =	vld [tilespmem:s2+$0xD0]  }
0x2d5: {  	v11 =	vld [tilespmem:s2+$0xF0];
	_ =	sdelay $0x1  }
0x2d6: {  	v6 =	vmul.f32 v6, v5;
	v7 =	vmul.f32 v7, v5  }
0x2d7: {  	v3 =	vmul.f32 v3, v5;
	v9 =	vmul.f32 v9, v5  }
0x2d8: {  	v12 =	vmov s4;
	[tilespmem:s2+$0x80] =	vst v6;
	v6 =	vmul.f32 v8, v5;
	v8 =	vmul.f32 v10, v5  }
0x2d9: {  	v10 =	vand.u32 $0xFFFFFFFC, v12;
	[tilespmem:s2+$0xA0] =	vst v3;
	v3 =	vmul.f32 v4, v5;
	v4 =	vmul.f32 v11, v5  }
0x2da: {  	v5 =	vbroadcast v10, $0x0;
	[tilespmem:s2+$0xC0] =	vst v6  }
0x2db: {  	[tilespmem:s2+$0xF0] =	vst v4  }
0x2dc: {  	v4 =	vld [tilespmem:s5+$0xFFFFFF40];
	[tilespmem:s2+$0xE0] =	vst v3  }
0x2dd: {  	v3 =	vld [tilespmem:s5+$0xFFFFFF50];
	[tilespmem:s2+$0x90] =	vst v7  }
0x2de: {  	v6 =	vld [tilespmem:s5+$0xFFFFFF60];
	[tilespmem:s2+$0xB0] =	vst v9  }
0x2df: {  	v7 =	vld [tilespmem:s5+$0xFFFFFF70];
	[tilespmem:s2+$0xD0] =	vst v8;
	s2 =	smov.u32 s5  }
0x2e0: {  	v5 =	vld.idx.msk [tilespmem:v5+s0+$0x0], $0xffff  }
0x2e1: {  	v8 =	vld [tilespmem:s5+$0xFFFFFF00]  }
0x2e2: {  	v9 =	vld [tilespmem:s5+$0xFFFFFF20]  }
0x2e3: {  	v10 =	vld [tilespmem:s5+$0xFFFFFF10]  }
0x2e4: {  	v11 =	vld [tilespmem:s5+$0xFFFFFF30];
	_ =	sdelay $0x1  }
0x2e5: {  	v7 =	vmul.f32 v7, v5;
	v8 =	vmul.f32 v8, v5  }
0x2e6: {  	s6 =	sadd.s32 $0x1, s4;
	v6 =	vmul.f32 v6, v5;
	v9 =	vmul.f32 v9, v5  }
0x2e7: {  	v3 =	vmul.f32 v3, v5;
	v10 =	vmul.f32 v10, v5;
	[tilespmem:s5+$0xFFFFFF70] =	vst v7;
	v7 =	vmov s6  }
0x2e8: {  	v4 =	vmul.f32 v4, v5;
	[tilespmem:s5+$0xFFFFFF00] =	vst v8;
	v8 =	vmul.f32 v11, v5;
	v5 =	vand.u32 $0xFFFFFFFD, v7  }
0x2e9: {  	[tilespmem:s5+$0xFFFFFF20] =	vst v9;
	v5 =	vbroadcast v5, $0x0  }
0x2ea: {  	[tilespmem:s5+$0xFFFFFF50] =	vst v3  }
0x2eb: {  	[tilespmem:s5+$0xFFFFFF40] =	vst v4;
	v3 =	vld [tilespmem:s5+$0xFFFFFFF0]  }
0x2ec: {  	[tilespmem:s5+$0xFFFFFF60] =	vst v6;
	v4 =	vld [tilespmem:s5+$0xFFFFFFC0]  }
0x2ed: {  	[tilespmem:s5+$0xFFFFFF30] =	vst v8;
	v6 =	vld [tilespmem:s5+$0xFFFFFFD0]  }
0x2ee: {  	[tilespmem:s5+$0xFFFFFF10] =	vst v10;
	v7 =	vld [tilespmem:s5+$0xFFFFFF90]  }
0x2ef: {  	v5 =	vld.idx.msk [tilespmem:v5+s0+$0x0], $0xffff  }
0x2f0: {  	v8 =	vld [tilespmem:s5+$0xFFFFFF80]  }
0x2f1: {  	v9 =	vld [tilespmem:s5+$0xFFFFFFA0]  }
0x2f2: {  	v10 =	vld [tilespmem:s5+$0xFFFFFFB0]  }
0x2f3: {  	v11 =	vld [tilespmem:s5+$0xFFFFFFE0];
	_ =	sdelay $0x1  }
0x2f4: {  	v7 =	vmul.f32 v7, v5;
	v8 =	vmul.f32 v8, v5  }
0x2f5: {  	s6 =	sadd.s32 $0x2, s4;
	v6 =	vmul.f32 v6, v5;
	v9 =	vmul.f32 v9, v5  }
0x2f6: {  	v4 =	vmul.f32 v4, v5;
	[tilespmem:s5+$0xFFFFFF90] =	vst v7;
	v7 =	vmul.f32 v10, v5;
	v10 =	vmov s6  }
0x2f7: {  	v3 =	vmul.f32 v3, v5;
	[tilespmem:s5+$0xFFFFFFA0] =	vst v9;
	v9 =	vmul.f32 v11, v5;
	v5 =	vand.u32 $0xFFFFFFFE, v10  }
0x2f8: {  	[tilespmem:s5+$0xFFFFFF80] =	vst v8;
	v5 =	vbroadcast v5, $0x0  }
0x2f9: {  	[tilespmem:s5+$0xFFFFFFB0] =	vst v7  }
0x2fa: {  	[tilespmem:s5+$0xFFFFFFC0] =	vst v4  }
0x2fb: {  	[tilespmem:s5+$0xFFFFFFD0] =	vst v6  }
.Ltmp10:
0x2fc: {  	[tilespmem:s5+$0xFFFFFFF0] =	vst v3;
	v4 =	vld [tilespmem:s5+$0x40];
	(pc) =	sbr.rel @p0 .LBB2_22-.Ltmp10, $4  }
0x2fd: {  	[tilespmem:s5+$0xFFFFFFE0] =	vst v9;
	v6 =	vld [tilespmem:s5+$0x60]  }
0x2fe: {  	v3 =	vld.idx.msk [tilespmem:v5+s0+$0x0], $0xffff  }
0x2ff: {  	v7 =	vld [tilespmem:s5+$0x0]  }
0x300: {  	v5 =	vld [tilespmem:s5+$0x10]  }
0x301: {  	_ =	sdelay $0x1  }
0x302: {  	v6 =	vmul.f32 v6, v3  }
0x303: {  	v8 =	vld [tilespmem:s2+$0x50];
	v4 =	vmul.f32 v4, v3  }
0x304: {  	v9 =	vld [tilespmem:s2+$0x70];
	v1 =	vmul.f32 v1, v3;
	[tilespmem:s2+$0x60] =	vst v6  }
0x305: {  	v53 =	vmul.f32 v7, v3;
	[tilespmem:s2+$0x40] =	vst v4  }
0x306: {  	s4 =	sadd.s32 $0x3, s4;
	[tilespmem:s2+$0x20] =	vst v1;
	v1 =	vmul.f32 v2, v3  }
0x307: {  	v55 =	vmov s4;
	v5 =	vmul.f32 v5, v3;
	[tilespmem:s2+$0x0] =	vst v53  }
0x308: {  	v54 =	vmul.f32 v8, v3;
	[tilespmem:s2+$0x30] =	vst v1  }
0x309: {  	v3 =	vmul.f32 v9, v3;
	[tilespmem:s2+$0x10] =	vst v5  }
0x30a: {  	[tilespmem:s2+$0x50] =	vst v54  }
0x30b: {  	v2 =	vld [tilespmem:s2+$0x80];
	[tilespmem:s2+$0x70] =	vst v3  }
0x30c: {  	v1 =	vld.idx.msk [tilespmem:v55+s0+$0x0], $0xffff  }
0x30d: {  	v3 =	vld [tilespmem:s2+$0xA0]  }
0x30e: {  	v58 =	vld [tilespmem:s2+$0xE0]  }
0x30f: {  	v56 =	vld [tilespmem:s2+$0xC0]  }
0x310: {  	v57 =	vld [tilespmem:s2+$0xF0]  }
0x311: {  	v59 =	vld [tilespmem:s2+$0x90];
	v2 =	vmul.f32 v2, v1  }
0x312: {  	v60 =	vld [tilespmem:s2+$0xB0];
	v3 =	vmul.f32 v3, v1  }
0x313: {  	v61 =	vld [tilespmem:s2+$0xD0];
	v62 =	vmul.f32 v58, v1;
	[tilespmem:s2+$0x80] =	vst v2  }
0x314: {  	v2 =	vmul.f32 v56, v1;
	[tilespmem:s2+$0xA0] =	vst v3  }
0x315: {  	v3 =	vmul.f32 v57, v1;
	[tilespmem:s2+$0xE0] =	vst v62  }
0x316: {  	[tilespmem:s2+$0xC0] =	vst v2;
	v2 =	vmul.f32 v59, v1  }
0x317: {  	[tilespmem:s2+$0xF0] =	vst v3;
	v3 =	vmul.f32 v60, v1  }
0x318: {  	v1 =	vmul.f32 v61, v1;
	[tilespmem:s2+$0x90] =	vst v2  }
0x319: {  	[tilespmem:s2+$0xB0] =	vst v3  }
0x31a: {  	s31 =	simm.s32 $0x15400;
	[tilespmem:s2+$0xD0] =	vst v1  }
0x31b: {  	[spmem:s3] =	stream.indirect.scatter.add.f32 [tilespmem:s18], [sflag:$0x5], $0x80, s31, s30, $0xb8;
	v63 =	vld [tilespmem:$0x0]  }
0x31c: {  	_ =	swait.ge [sflag:s22], $0x2800  }
0x31d: {  	[sflag:s22] =	ssyncset.done $0x0  }
0x31e: {  	[sflag:s22] =	ssyncadd.s32 $0xFFFFD800  }
0x31f: {  	_ =	swait.ge [sflag:s23], $0x2800  }
0x320: {  	[sflag:s23] =	ssyncset.done $0x0  }
0x321: {  	s17 =	sadd.s32 $0x1, s17;
	[sflag:s23] =	ssyncadd.s32 $0xFFFFD800  }
0x322: {  	p0 =	sne.s32 s17, $0x5;
	_ =	swait.ge [sflag:s25], $0x2800  }
.Ltmp11:
0x323: {  	[sflag:s25] =	ssyncset.done $0x0;
	(pc) =	sbr.rel @p0 .LBB2_10-.Ltmp11, $4  }
0x324: {  	[sflag:s25] =	ssyncadd.s32 $0xFFFFD800  }
0x325: {  	_ =	swait.ge [sflag:s26], $0x2800  }
0x326: {  	[sflag:s26] =	ssyncset.done $0x0  }
0x327: {  	[sflag:s26] =	ssyncadd.s32 $0xFFFFD800  }
0x328: {  	s2 =	stileid.u32;
	[bflag:$0x0] =	sbarrier.arrive $0xFFFF  }
0x329: {  	s2 =	sshll.u32 s2, $0x6;
	s6 =	rddreg [dreg:$0x7]  }
0x32a: {  	s5 =	rddreg [dreg:$0x12];
	s2 =	sor.u32 $0x1C09, s2;
	s4 =	sshrl.u32 s6, $0x3  }
0x32b: {  	[hbm:s5], [sflag:s2] =	dma.local [spmem:s4], $0x2800  }
0x32c: {  	_ =	swait.ge [sflag:s29], $0x2800  }
0x32d: {  	s14 =	rddreg [dreg:$0x4]  }
0x32e: {  	s31 =	rddreg [dreg:$0x11];
	s14 =	sadd.s32 $0x1, s14  }
0x32f: {  	p0 =	sne.s32 s14, s31  }
.Ltmp12:
0x330: {  	_ = 	snop;
	(pc) =	sbr.rel @p0 .LBB2_1-.Ltmp12, $3  }
0x331: {  	_ =	sdelay $0x1  }
0x332: {  	[sflag:s29] =	ssyncset.done $0x0  }
0x333: {  	[sflag:s29] =	ssyncadd.s32 $0xFFFFD800  }
0x334: {  	_ =	sfence.sel $0x180000  }
0x335: {  	[bflag:$0x0] =	sbarrier.arrive $0xFFFF  }
0x336: {  	_ =	strace $0x9000004A  }
0x337: {  	s0 =	stileid.u32;
	[bflag:$0x2] =	sbarrier.arrive $0xFFFF  }
0x338: {  	p0 =	sne.s32 s0, $0x0;
	s0 =	rddreg [dreg:$0x3]  }
0x339: {  	s0 =	sadd.s32 @!p0 $0x100000, s0  }
0x33a: {  	[sflag:s0] =	ssyncadd.tile.s32 @!p0 $0x1;
	_ =	shalt  }
.Lfunc_end2:
_tile_overlayer_lowered:
.L_overlay_start_2:
0x33b: {  	(tag) =	ssettag $0x2  }
0x33c: {  	s0 =	rddreg [dreg:$0x0];
	s2 =	stileid.u32  }
0x33d: {  	s1 =	rddreg [dreg:$0x1];
	p0 =	sne.s32 s2, $0x0  }
0x33e: {  	s3 =	rddreg [dreg:$0x2];
	[bflag:$0x3] =	sbarrier.arrive $0xFFFF;
	s2 =	simm.s32 @!p0 $0x1C09  }
0x33f: {  	[timem:s3], [sflag:s2] =	dma.local @!p0 [hbm:s0], s1  }
0x340: {  	s0 =	simm.s32 @!p0 $0x9  }
0x341: {  	_ =	swait.ge @!p0 [sflag:s0], s1  }
0x342: {  	s1 =	ssub.s32 @!p0 $0x0, s1;
	[sflag:s0] =	ssyncset.done @!p0 $0x0  }
0x343: {  	[sflag:s0] =	ssyncadd.s32 @!p0 s1  }
0x344: {  	[bflag:$0x3] =	sbarrier.arrive $0xFFFF  }
0x345: {  	_ =	shalt  }

// kernel: kernel.7.cloned.1.call-start
scs
__scs_entry_jumppad:
0x0: {  	(pc) =	sbr.rel $0x88, $3  }
0x1: {  	(tag) =	ssettag $0x0;
	lr =	simm.s32 $0x1  }
0x2: {  	[smem:$0x3F9B] =	sst lr;
	_ =	strace $0xD0000000  }
0x3: {  	_ = 	snop  }
0x4: {  	_ = 	snop  }
0x5: {  	_ = 	snop  }
0x6: {  	_ = 	snop  }
0x7: {  	_ = 	snop  }
__scs_overlays_trampoline_lowered:
0x8: {  	[smem:$0x3FAA] =	sst s0  }
0x9: {  	[smem:$0x3FAB] =	sst s1  }
0xa: {  	[smem:$0x3FAC] =	sst s2  }
0xb: {  	[smem:$0x3FAD] =	sst s3  }
0xc: {  	[smem:$0x3FAE] =	sst s4  }
0xd: {  	[smem:$0x3FAF] =	sst s5  }
0xe: {  	[smem:$0x3FB0] =	sst s6  }
0xf: {  	[smem:$0x3FB1] =	sst s7  }
0x10: {  	[smem:$0x3FB2] =	sst s8  }
0x11: {  	[smem:$0x3FB3] =	sst s9;
	s0 =	simm.s32 @!p0 $0x0  }
0x12: {  	s1 =	sld [smem:$0x3F99];
	s0 =	simm.s32 @p0 $0x1  }
0x13: {  	[smem:$0x3FB4] =	sst s0;
	s0 =	simm.s32 @!p1 $0x0  }
0x14: {  	s2 =	sld [smem:$0x3F98];
	s0 =	simm.s32 @p1 $0x1  }
0x15: {  	[smem:$0x3FB5] =	sst s0;
	s0 =	simm.s32 @!p2 $0x0  }
0x16: {  	s3 =	sld [smem:$0x3FDB];
	s0 =	simm.s32 @p2 $0x1  }
0x17: {  	s4 =	simm.s32 $0x1BF5;
	[smem:$0x3FB7] =	sst s0  }
0x18: {  	s0 =	sld [smem:$0x3F9A];
	_ =	swait.ge [sflag:s4], $0x0  }
0x19: {  	s7 =	sld [smem:$0x3F9B]  }
0x1a: {  	s8 =	sadd.s32 $0xFFFFE003, lr  }
0x1b: {  	s9 =	sadd.s32 $0xFFFFFEF7, lr;
	s5 =	simm.s32 $0xFFFFFFFF;
	p2 =	slt.u32 s8, $0xFFFFF086  }
0x1c: {  	p1 =	slt.u32 s9, $0xF7A;
	s5 =	simm.s32 @!p2 $0x0  }
0x1d: {  	s5 =	simm.s32 @p1 $0x1;
	p0 =	seq.s32 s7, s2  }
0x1e: {  	s7 =	smul.u32 @!p0 $0xF7A, s2;
	p2 =	seq.s32 @!p0 s5, $0x0  }
0x1f: {  	s9 =	smul.u32 $0xF7A, s1;
	s8 =	simm.s32 @!p0 $0x1BF5;
	p2 =	por !p2, p0  }
0x20: {  	[sflag:s8] =	ssyncset.s32 @!p0 $0xFFFFF086;
	s6 =	sadd.s32 @!p0 s3, s7;
	s7 =	simm.s32 @!p0 $0x108  }
0x21: {  	s3 =	sadd.s32 s3, s9;
	s6 =	sadd.s32 @!p0 $0x88, s6;
	s7 =	simm.s32 @p2 $0x1082  }
0x22: {  	[simem:s7], [sflag:s8] =	dma.local @!p0 [hbm:s6], $0xF7A  }
0x23: {  	s9 =	sor.u32 $0xD0000000, s2;
	s6 =	simm.s32 $0x108;
	_ =	swait.ge @!p0 [sflag:s8], $0x0  }
0x24: {  	s3 =	sadd.s32 $0x88, s3;
	s6 =	simm.s32 @!p1 $0x1082;
	[sflag:s4] =	ssyncset.s32 $0xFFFFF086  }
0x25: {  	[simem:s6], [sflag:s4] =	dma.local [hbm:s3], $0xF7A  }
0x26: {  	[smem:$0x3F9B] =	sst s1;
	(tag) =	ssettag s2;
	_ =	strace s9  }
0x27: {  	s1 =	sld [smem:$0x3FAB]  }
0x28: {  	s2 =	sld [smem:$0x3FAC]  }
0x29: {  	s4 =	sld [smem:$0x3FAE]  }
0x2a: {  	p0 =	seq.s32 s5, $0x0;
	s5 =	sld [smem:$0x3FAF]  }
0x2b: {  	s6 =	sld [smem:$0x3FB0]  }
0x2c: {  	s7 =	sld [smem:$0x3FB1]  }
0x2d: {  	s3 =	simm.s32 $0x108;
	s8 =	sld [smem:$0x3FB2]  }
0x2e: {  	s3 =	simm.s32 @!p0 $0x1082;
	s9 =	sld [smem:$0x3FB3]  }
0x2f: {  	lr =	sadd.s32 s0, s3;
	s0 =	sld [smem:$0x3FAA]  }
0x30: {  	s3 =	sld [smem:$0x3FAD]  }
0x31: {  	[smem:$0x3FB6] =	sst s10  }
0x32: {  	s10 =	sld [smem:$0x3FB4];
	_ =	sdelay $0x3  }
0x33: {  	p0 =	seq.s32 s10, $0x1;
	s10 =	sld [smem:$0x3FB6];
	_ =	sdelay $0x3  }
0x34: {  	[smem:$0x3FB6] =	sst s10  }
0x35: {  	s10 =	sld [smem:$0x3FB5];
	_ =	sdelay $0x3  }
0x36: {  	p1 =	seq.s32 s10, $0x1;
	s10 =	sld [smem:$0x3FB6];
	_ =	sdelay $0x3  }
0x37: {  	[smem:$0x3FB6] =	sst s10  }
0x38: {  	s10 =	sld [smem:$0x3FB7]  }
0x39: {  	_ = 	snop;
	(pc) =	sbr.ind lr, $3  }
0x3a: {  	_ = 	snop  }
0x3b: {  	_ = 	snop  }
0x3c: {  	p2 =	seq.s32 s10, $0x1;
	s10 =	sld [smem:$0x3FB6]  }
0x3d: {  	_ =	shalt  }
0x3e: {  	_ =	shalt  }
0x3f: {  	_ =	shalt  }
0x40: {  	_ =	shalt  }
0x41: {  	_ =	shalt  }
0x42: {  	_ =	shalt  }
0x43: {  	_ =	shalt  }
0x44: {  	_ =	shalt  }
0x45: {  	_ =	shalt  }
0x46: {  	_ =	shalt  }
0x47: {  	_ =	shalt  }
0x48: {  	_ =	shalt  }
0x49: {  	_ =	shalt  }
0x4a: {  	_ =	shalt  }
0x4b: {  	_ =	shalt  }
0x4c: {  	_ =	shalt  }
0x4d: {  	_ =	shalt  }
0x4e: {  	_ =	shalt  }
0x4f: {  	_ =	shalt  }
0x50: {  	_ =	shalt  }
0x51: {  	_ =	shalt  }
0x52: {  	_ =	shalt  }
0x53: {  	_ =	shalt  }
0x54: {  	_ =	shalt  }
0x55: {  	_ =	shalt  }
0x56: {  	_ =	shalt  }
0x57: {  	_ =	shalt  }
0x58: {  	_ =	shalt  }
0x59: {  	_ =	shalt  }
0x5a: {  	_ =	shalt  }
0x5b: {  	_ =	shalt  }
0x5c: {  	_ =	shalt  }
0x5d: {  	_ =	shalt  }
0x5e: {  	_ =	shalt  }
0x5f: {  	_ =	shalt  }
0x60: {  	_ =	shalt  }
0x61: {  	_ =	shalt  }
0x62: {  	_ =	shalt  }
0x63: {  	_ =	shalt  }
0x64: {  	_ =	shalt  }
0x65: {  	_ =	shalt  }
0x66: {  	_ =	shalt  }
0x67: {  	_ =	shalt  }
0x68: {  	_ =	shalt  }
0x69: {  	_ =	shalt  }
0x6a: {  	_ =	shalt  }
0x6b: {  	_ =	shalt  }
0x6c: {  	_ =	shalt  }
0x6d: {  	_ =	shalt  }
0x6e: {  	_ =	shalt  }
0x6f: {  	_ =	shalt  }
0x70: {  	_ =	shalt  }
0x71: {  	_ =	shalt  }
0x72: {  	_ =	shalt  }
0x73: {  	_ =	shalt  }
0x74: {  	_ =	shalt  }
0x75: {  	_ =	shalt  }
0x76: {  	_ =	shalt  }
0x77: {  	_ =	shalt  }
0x78: {  	_ =	shalt  }
0x79: {  	_ =	shalt  }
0x7a: {  	_ =	shalt  }
0x7b: {  	_ =	shalt  }
0x7c: {  	_ =	shalt  }
0x7d: {  	_ =	shalt  }
0x7e: {  	_ =	shalt  }
0x7f: {  	_ =	shalt  }
0x80: {  	_ =	shalt  }
0x81: {  	_ =	shalt  }
0x82: {  	_ =	shalt  }
0x83: {  	_ =	shalt  }
0x84: {  	_ =	shalt  }
0x85: {  	_ =	shalt  }
0x86: {  	_ =	shalt  }
0x87: {  	_ =	shalt  }
.Lfunc_end0:
.L_simem_size_0:
called_computation_lowered:
.L_overlay_start_0:
0x88: {  	s2 =	sld [smem:$0x3FD9]  }
0x89: {  	s3 =	sld [smem:$0x3FFE];
	_ =	sdelay $0x1  }
0x8a: {  	s1 =	srdreg.scid  }
0x8b: {  	s0 =	sand.u32 $0x1, s1  }
0x8c: {  	s16 =	sshll.u32 s0, $0xA;
	s2 =	sadd.s32 s3, s2  }
0x8d: {  	s2 =	sadd.s32 s2, s16  }
0x8e: {  	[smem:$0x3FC2] =	sst s2  }
0x8f: {  	_ = 	snop  }
0x90: {  	(tm) =	ssettm $0x1  }
0x91: {  	s17 =	sld [smem:$0x3FFB];
	_ =	sdelay $0x3  }
0x92: {  	_ =	strace s17  }
0x93: {  	s2 =	sld [smem:$0x3FFC];
	_ =	sdelay $0x3  }
0x94: {  	_ =	strace s2  }
0x95: {  	s2 =	sld [smem:$0x3FFD];
	_ =	sdelay $0x3  }
0x96: {  	_ =	strace s2  }
0x97: {  	_ =	strace $0x8FFFFFFF  }
0x98: {  	s18 =	sld [smem:$0x3FDB];
	_ =	sdelay $0x1  }
0x99: {  	s19 =	simm.s32 $_scs_section_size  }
0x9a: {  	s4 =	simm.s32 $_size__tile_overlayer_lowered;
	s5 =	simm.s32 $_tile_overlayer_lowered  }
0x9b: {  	s22 =	simm.s32 $0x1BFF;
	s21 =	sshll.u32 s5, $0x1;
	s2 =	sadd.s32 s19, s18  }
0x9c: {  	s6 =	simm.s32 $0x0;
	s20 =	sshll.u32 s4, $0x1;
	s4 =	sadd.s32 s21, s2  }
0x9d: {  	[timem:s6], [sflag:s22] =	dma.local [hbm:s4], s20  }
0x9e: {  	_ =	swait.ge [sflag:s22], s20  }
0x9f: {  	s3 =	ssub.s32 $0x0, s20;
	[sflag:s22] =	ssyncset.done $0x0  }
0xa0: {  	[sflag:s22] =	ssyncadd.s32 s3;
	_ =	sdelay $0x1  }
0xa1: {  	s23 =	simm.s32 $0x1B8B  }
0xa2: {  	_ =	swait.ge [sflag:s23], $0x1  }
0xa3: {  	[sflag:s23] =	ssyncset.done $0x0  }
0xa4: {  	s25 =	simm.s32 $0x1B8E;
	s24 =	sld [smem:$0x3FFE];
	[sflag:s23] =	ssyncadd.s32 $0xFFFFFFFF  }
0xa5: {  	s26 =	simm.s32 $execute0_lowered;
	[smem:$0x3FD2] =	sst s25  }
0xa6: {  	s4 =	sshll.u32 s26, $0x1;
	_ =	strace $0x80000046;
	[dreg:$0x1] =	wrdreg $0xFFFFFFFF  }
0xa7: {  	s28 =	simm.s32 $_size_execute0_lowered;
	s2 =	sadd.s32 s2, s4;
	[dreg:$0x0] =	wrdreg $0x0  }
0xa8: {  	s4 =	sshll.u32 s28, $0x1;
	[dreg:$0x2] =	wrdreg s2  }
0xa9: {  	[dreg:$0x3] =	wrdreg s4  }
0xaa: {  	[dreg:$0x4] =	wrdreg $0xC0  }
0xab: {  	_ =	task [dreg:s6], $0x5FFFF  }
0xac: {  	[dreg:$0x1] =	wrdreg $0xFFFFFFFF  }
0xad: {  	[dreg:$0x0] =	wrdreg $0x60  }
0xae: {  	[dreg:$0x2] =	wrdreg s24  }
0xaf: {  	[dreg:$0x3] =	wrdreg $0x9  }
0xb0: {  	_ =	task.clear_ibuf [dreg:s6], $0x4FFFF;
	_ =	strace $0x90000046  }
0xb1: {  	s29 =	simm.s32 $0x9;
	_ =	strace $0x80000048  }
0xb2: {  	_ =	swait.ge [sflag:s29], $0x1  }
0xb3: {  	[sflag:s29] =	ssyncadd.s32 $0xFFFFFFFF  }
0xb4: {  	_ =	strace $0x90000048  }
0xb5: {  	_ =	sfence  }
0xb6: {  	s30 =	sld [smem:$0x0];
	_ =	sdelay $0x2  }
0xb7: {  	s31 =	sshll.u32 s1, $0xD;
	s1 =	sshrl.u32 s1, $0x2  }
0xb8: {  	s3 =	sand.u32 $0x4000, s31;
	s1 =	sadd.s32 s1, s30  }
0xb9: {  	s0 =	sor.u32 s3, s0;
	s1 =	sshll.u32 s1, $0x11  }
0xba: {  	s0 =	sor.u32 s1, s0  }
0xbb: {  	s0 =	sadd.s32 $0x8F2B, s0  }
0xbc: {  	[sflag:s0] =	ssyncadd.remote.s32 $0x1  }
0xbd: {  	_ =	sfence.sel $0xFFFF  }
0xbe: {  	[dreg:$0x0] =	wrdreg $0xFFFFFFFF;
	(pc) =	sbr.abs _section_cstart, $3  }
0xbf: {  	[dreg:$0x1] =	wrdreg $0xFFFFFFFF  }
0xc0: {  	_ =	task.clear_ibuf [dreg:s6], $0x2FFFF;
	_ =	strace $0x9FFFFFFF  }
0xc1: {  	(tm) =	ssettm $0x7FFFFFFF  }
tec
execute0_lowered:
.L_overlay_start_1:
0x0: {  	(tag) =	ssettag $0x1  }
0x1: {  	s1 =	srdreg.scid  }
0x2: {  	s0 =	stileid.u32;
	s5 =	rddreg [dreg:$0x0];
	s2 =	simm.s32 $0x0  }
0x3: {  	s10 =	simm.s32 $0x4F00;
	s11 =	simm.s32 $0x7680;
	s12 =	simm.s32 $0x1  }
0x4: {  	s13 =	simm.s32 $0x9E00;
	s4 =	sand.u32 $0x1, s1;
	s3 =	sshll.u32 s0, $0x1  }
0x5: {  	s14 =	simm.s32 $0x2;
	s1 =	rddreg [dreg:$0x1];
	s3 =	sor.u32 s4, s3  }
0x6: {  	s15 =	simm.s32 $0x0;
	[smem:$0x7FF] =	sst s2;
	s6 =	smul.u32 $0x4E2, s3  }
0x7: {  	_ =	strace $0x80000047;
	s7 =	ssub.s32 $0x2, s4;
	s4 =	sadd.s32 $0x14400, s5  }
0x8: {  	s3 =	sadd.s32 $0x14A00, s5;
	s31 =	sshrl.u32 s7, $0x1;
	s8 =	sadd.s32 s6, s5  }
0x9: {  	s9 =	ssub.s32 s7, s31;
	s5 =	sadd.s32 $0xA600, s8;
	s6 =	sadd.s32 $0x800, s8  }
0xa: {  	s7 =	sadd.s32 $0x15000, s8;
	s8 =	smax.u32 s9, $0x1;
	s9 =	simm.s32 $0x2780  }
.LBB2_1:
0xb: {  	[tilespmem:s2], [sflag:$0x1] =	stream.linear.gather [hbm4b:s3+s2], $0x2780, $0x38;
	[tilespmem:$0xC580] =	vst v63  }
0xc: {  	_ = 	snop  }
0xd: {  	[tilespmem:s9], [sflag:$0x1] =	stream.linear.gather [hbm4b:s4+s2], $0x2780, $0x38;
	[tilespmem:$0xC580] =	vst v63  }
0xe: {  	_ = 	snop  }
0xf: {  	[tilespmem:s10], [sflag:$0x1] =	stream.linear.gather [hbm4b:s5+s2], $0x2710, $0x38;
	[tilespmem:$0xC580] =	vst v63  }
0x10: {  	_ = 	snop  }
0x11: {  	[tilespmem:s11], [sflag:$0x1] =	stream.linear.gather [hbm4b:s6+s2], $0x2710, $0x38;
	[tilespmem:$0xC580] =	vst v63  }
0x12: {  	_ =	swait.ge [sflag:s12], $0x2780  }
0x13: {  	[sflag:s12] =	ssyncset.done $0x0  }
0x14: {  	[sflag:s12] =	ssyncadd.s32 $0xFFFFD880  }
0x15: {  	_ =	swait.ge [sflag:s12], $0x2780  }
0x16: {  	[sflag:s12] =	ssyncset.done $0x0  }
0x17: {  	[sflag:s12] =	ssyncadd.s32 $0xFFFFD880  }
0x18: {  	_ =	swait.ge [sflag:s12], $0x2710  }
0x19: {  	[sflag:s12] =	ssyncset.done $0x0  }
0x1a: {  	[sflag:s12] =	ssyncadd.s32 $0xFFFFD8F0  }
0x1b: {  	_ =	swait.ge [sflag:s12], $0x2710  }
0x1c: {  	[sflag:s12] =	ssyncset.done $0x0  }
0x1d: {  	s16 =	simm.s32 $0x0;
	[sflag:s12] =	ssyncadd.s32 $0xFFFFD8F0  }
0x1e: {  	v0 =	vld [tilespmem:s16+$0x7680]  }
0x1f: {  	v1 =	vld [tilespmem:s16+$0x4F00];
	_ =	sdelay $0x6  }
0x20: {  	v0 =	vld.idx.msk [tilespmem:v0+s9+$0x0], $0xffff  }
0x21: {  	s17 =	simm.s32 $0x10;
	v2 =	vld.idx.msk [tilespmem:v1+s2+$0x0], $0xffff  }
0x22: {  	s18 =	simm.s32 $0x80;
	v1 =	vld [tilespmem:s17+$0x7680]  }
.LBB2_2:
0x23: {  	p0 =	sne.s32 s18, $0x9C00;
	v3 =	vld [tilespmem:s17+$0x4F00];
	_ =	sdelay $0x3  }
0x24: {  	v0 =	vadd.f32 v0, v2  }
.Ltmp0:
0x25: {  	(pc) =	sbr.rel @p0 .LBB2_2-.Ltmp0, $4  }
0x26: {  	[tilespmem:s16+$0x9E00] =	vst v0;
	s16 =	smov.u32 s17  }
0x27: {  	v0 =	vld.idx.msk [tilespmem:v1+s9+$0x0], $0xffff  }
0x28: {  	s17 =	sshra.s32 s18, $0x2;
	v2 =	vld.idx.msk [tilespmem:v3+s2+$0x0], $0xffff  }
0x29: {  	s18 =	sadd.s32 $0x40, s18;
	v1 =	vld [tilespmem:s17+$0x7680]  }
0x2a: {  	_ = 	snop  }
0x2b: {  	v3 =	vld [tilespmem:s17+$0x4F00];
	_ =	sdelay $0x3  }
0x2c: {  	v0 =	vadd.f32 v0, v2;
	_ =	sdelay $0x1  }
0x2d: {  	[tilespmem:s16+$0x9E00] =	vst v0  }
0x2e: {  	v0 =	vld.idx.msk [tilespmem:v1+s9+$0x0], $0xffff  }
0x2f: {  	v63 =	vld.idx.msk [tilespmem:v3+s2+$0x0], $0xffff;
	_ =	sdelay $0x4  }
0x30: {  	s15 =	sadd.s32 $0x1, s15;
	v0 =	vadd.f32 v0, v63  }
0x31: {  	p0 =	sne.s32 s15, s8  }
.Ltmp1:
0x32: {  	[tilespmem:s17+$0x9E00] =	vst v0;
	(pc) =	sbr.rel @p0 .LBB2_1-.Ltmp1, $4  }
0x33: {  	[hbm4b:s7+s2] =	stream.linear.scatter [tilespmem:s13], [sflag:$0x2], $0x2710, $0x38;
	[tilespmem:$0xC580] =	vst v63  }
0x34: {  	_ =	swait.ge [sflag:s14], $0x2710  }
0x35: {  	[sflag:s14] =	ssyncset.done $0x0  }
0x36: {  	[sflag:s14] =	ssyncadd.s32 $0xFFFFD8F0  }
0x37: {  	_ =	sfence.sel $0x180000  }
0x38: {  	[bflag:$0x0] =	sbarrier.arrive $0xFFFF  }
0x39: {  	p0 =	sne.s32 s0, $0x0;
	_ =	strace $0x90000047  }
0x3a: {  	s0 =	sadd.s32 @!p0 $0x100000, s1;
	[bflag:$0x2] =	sbarrier.arrive $0xFFFF  }
0x3b: {  	[sflag:s0] =	ssyncadd.tile.s32 @!p0 $0x1;
	_ =	shalt  }
.Lfunc_end2:
_tile_overlayer_lowered:
.L_overlay_start_2:
0x3c: {  	(tag) =	ssettag $0x2  }
0x3d: {  	s0 =	rddreg [dreg:$0x0];
	s2 =	stileid.u32  }
0x3e: {  	s1 =	rddreg [dreg:$0x1];
	p0 =	sne.s32 s2, $0x0  }
0x3f: {  	s3 =	rddreg [dreg:$0x2];
	[bflag:$0x3] =	sbarrier.arrive $0xFFFF;
	s2 =	simm.s32 @!p0 $0x1C02  }
0x40: {  	[timem:s3], [sflag:s2] =	dma.local @!p0 [hbm:s0], s1  }
0x41: {  	s0 =	simm.s32 @!p0 $0x2  }
0x42: {  	_ =	swait.ge @!p0 [sflag:s0], s1  }
0x43: {  	s1 =	ssub.s32 @!p0 $0x0, s1;
	[sflag:s0] =	ssyncset.done @!p0 $0x0  }
0x44: {  	[sflag:s0] =	ssyncadd.s32 @!p0 s1  }
0x45: {  	[bflag:$0x3] =	sbarrier.arrive $0xFFFF  }
0x46: {  	_ =	shalt  }

</sc_bundles>
